<compile_context>
chip_gen: v7x
topology: tpu7x:2x2x1
jax: 0.10.2.dev20260603
libtpu: 0.0.44.dev20260713+nightly
codegen_flags: <defaults>
</compile_context>

<pallas_src>
import functools
from math import sqrt

import jax
import jax.numpy as jnp
from jax import lax
from jax.experimental import pallas as pl
from jax.experimental.pallas import tpu as pltpu
from jax.experimental.pallas import tpu_sc as plsc

_CLUSTERS = 128
_ITERATIONS = 10
_BITS = 32
_BP = 40
_HIGH = lax.Precision.HIGHEST


def _tc_body(q_ref, k_ref, v_ref, planes_ref, bias_ref, sel_ref, vc_ref, assign_ref):
    L = q_ref.shape[1]
    E = q_ref.shape[2] // 2
    C = _CLUSTERS
    q2 = q_ref[0]
    k2 = k_ref[0]
    v2 = v_ref[0]
    sel = sel_ref[...]

    proj2 = jnp.dot(q2, planes_ref[...],
                    preferred_element_type=jnp.float32) + bias_ref[0:1, :]

    lane = lax.broadcasted_iota(jnp.int32, (C, _BP), 1)
    rowc = lax.broadcasted_iota(jnp.int32, (C, _BP), 0).astype(jnp.float32)
    aux = jnp.where(lane == _BITS, -rowc, 0.0)
    is_bit = lane < _BITS
    temp = jnp.float32(1.0 / sqrt(E))

    bits01 = []
    bpm01 = []
    for j in range(2):
        bits = (proj2[:, j * _BP:(j + 1) * _BP] > 0.0).astype(jnp.float32)
        bits01.append(bits)
        bpm01.append(bits * 2.0 - 1.0)

    def _key_onehot(cb, bpm):
        cpm_aug = jnp.where(is_bit, cb * 256.0 - 128.0, aux)
        key = lax.dot_general(cpm_aug, bpm, (((1,), (1,)), ((), ())),
                              preferred_element_type=jnp.float32)
        m = jnp.max(key, axis=0, keepdims=True)
        return m, (key == m)

    def _step(cb, bits, bpm):
        _, hit = _key_onehot(cb, bpm)
        bs = jnp.dot(hit.astype(jnp.float32), bits,
                     preferred_element_type=jnp.float32)
        counts = bs[:, _BITS:_BITS + 1]
        maj = (bs * 2.0 > counts).astype(jnp.float32)
        return jnp.where(counts > 0.0, maj, cb)

    def _iter(_, carry):
        return tuple(_step(carry[j], bits01[j], bpm01[j]) for j in range(2))

    carry = tuple(jnp.dot(sel, bits01[j], preferred_element_type=jnp.float32)
                  for j in range(2))
    carry = lax.fori_loop(0, _ITERATIONS, _iter, carry)

    q2_hi = q2.astype(jnp.bfloat16).astype(jnp.float32)
    q2_lo = q2 - q2_hi
    lane2 = lax.broadcasted_iota(jnp.int32, (C, 2 * E), 1)
    dn = (((1,), (0,)), ((), ()))
    outs = []
    for j in range(2):
        bits = bits01[j]
        m, hit = _key_onehot(carry[j], bpm01[j])
        onehot = hit.astype(jnp.float32)
        bs = jnp.dot(onehot, bits, preferred_element_type=jnp.float32)
        counts = jnp.maximum(bs[:, _BITS:_BITS + 1], 1.0)
        assign = (-m.astype(jnp.int32)) % C

        q_sum2 = (lax.dot_general(onehot, q2_hi, dn,
                                  preferred_element_type=jnp.float32)
                  + lax.dot_general(onehot, q2_lo, dn,
                                    preferred_element_type=jnp.float32))
        in_head = (lane2 // E) == j
        qg_pad = jnp.where(in_head, q_sum2, 0.0) / counts
        logits = lax.dot_general(qg_pad, k2, (((1,), (1,)), ((), ())),
                                 preferred_element_type=jnp.float32) * temp
        lmax = jnp.max(logits, axis=1, keepdims=True)
        p = jnp.exp(logits - lmax)
        a = p / jnp.sum(p, axis=1, keepdims=True)
        vc2 = jnp.dot(a, v2, preferred_element_type=jnp.float32)
        outs.append((vc2[:, j * E:(j + 1) * E], assign))

    vc_ref[0, 0, 0:C, :] = outs[0][0]
    vc_ref[0, 0, C:2 * C, :] = outs[1][0]
    assign_ref[0, 0] = jnp.concatenate([outs[0][1], outs[1][1]], axis=0)


def _tc_cluster_attend(qf, kf, vf, planes2, bias2, sel):
    N, L, HE = qf.shape
    E = 64
    G = HE // 128
    return pl.pallas_call(
        _tc_body,
        grid=(N, G),
        in_specs=[
            pl.BlockSpec((1, L, 128), lambda n, g: (n, 0, g)),
            pl.BlockSpec((1, L, 128), lambda n, g: (n, 0, g)),
            pl.BlockSpec((1, L, 128), lambda n, g: (n, 0, g)),
            pl.BlockSpec((128, 2 * _BP), lambda n, g: (0, 0)),
            pl.BlockSpec((8, 2 * _BP), lambda n, g: (0, 0)),
            pl.BlockSpec((_CLUSTERS, L), lambda n, g: (0, 0)),
        ],
        out_specs=[
            pl.BlockSpec((1, 1, 2 * _CLUSTERS, E), lambda n, g: (n, g, 0, 0)),
            pl.BlockSpec((1, 1, 2, L), lambda n, g: (n, g, 0, 0)),
        ],
        out_shape=[
            jax.ShapeDtypeStruct((N, G, 2 * _CLUSTERS, E), jnp.float32),
            jax.ShapeDtypeStruct((N, G, 2, L), jnp.int32),
        ],
    )(qf, kf, vf, planes2, bias2, sel)


def _make_sc_gather(B, D):
    info = plsc.get_sparse_core_info()
    NC, NS = info.num_cores, info.num_subcores
    NW = NC * NS
    RPW = B // NW
    CH = 128
    NBUF = 4
    nch = RPW // CH
    mesh = plsc.VectorSubcoreMesh(core_axis_name="c", subcore_axis_name="s")

    @functools.partial(
        pl.kernel,
        mesh=mesh,
        compiler_params=pltpu.CompilerParams(use_tc_tiling_on_sc=False),
        out_type=jax.ShapeDtypeStruct((B, D), jnp.float32),
        scratch_types=[
            pltpu.VMEM((RPW,), jnp.int32),
            pltpu.VMEM((NBUF, CH, D), jnp.float32),
        ] + [pltpu.SemaphoreType.DMA] * (2 * NBUF),
    )
    def _sc_gather(table_hbm, idx_hbm, out_hbm, idx_v, rows_v, *sems):
        gsems, wsems = sems[:NBUF], sems[NBUF:]
        wid = lax.axis_index("s") * NC + lax.axis_index("c")
        base = wid * RPW
        pltpu.sync_copy(idx_hbm.at[pl.ds(base, RPW)], idx_v)

        def _start(c):
            return pltpu.async_copy(
                table_hbm.at[idx_v.at[pl.ds(c * CH, CH)]],
                rows_v.at[c % NBUF], gsems[c % NBUF])

        handles = {}
        wh = {}
        for b in range(min(NBUF, nch)):
            handles[b] = _start(b)
        for c in range(nch):
            handles.pop(c).wait()
            wh[c] = pltpu.async_copy(
                rows_v.at[c % NBUF],
                out_hbm.at[pl.ds(base + c * CH, CH)], wsems[c % NBUF])
            nxt = c + NBUF
            if nxt < nch:
                wh.pop(nxt - NBUF).wait()
                handles[nxt] = _start(nxt)
        for c in sorted(wh):
            wh.pop(c).wait()

    return _sc_gather


def kernel(queries, keys, values):
    N, L, H, E = queries.shape
    D = values.shape[-1]
    NH = N * H
    B = N * L * H

    qf = queries.reshape(N, L, H * E)
    kf = keys.reshape(N, L, H * E)
    vf = values.reshape(N, L, H * D)

    planes = jax.random.normal(jax.random.key(42), (_BITS, E + 1), dtype=jnp.float32)
    pad = _BP - _BITS
    planes_aug = jnp.concatenate(
        [planes[:, :-1].T, jnp.zeros((E, pad), jnp.float32)], axis=1)
    planes2 = jnp.zeros((2 * E, 2 * _BP), jnp.float32)
    planes2 = planes2.at[:E, :_BP].set(planes_aug).at[E:, _BP:].set(planes_aug)
    bias_aug = jnp.concatenate([planes[:, -1], jnp.ones((pad,), jnp.float32)])
    bias2 = jnp.tile(jnp.concatenate([bias_aug, bias_aug])[None, :], (8, 1))
    init_idx = jnp.linspace(0, L - 1, _CLUSTERS).astype(jnp.int32)
    sel = (init_idx[:, None] == jnp.arange(L, dtype=jnp.int32)[None, :]
           ).astype(jnp.float32)

    vc, assign = _tc_cluster_attend(qf, kf, vf, planes2, bias2, sel)

    head_off = (jnp.arange(NH, dtype=jnp.int32) * _CLUSTERS).reshape(N, H, 1)
    idx = jnp.transpose(assign.reshape(N, H, L) + head_off, (0, 2, 1)).reshape(B)

    out = _make_sc_gather(B, D)(vc.reshape(NH * _CLUSTERS, D), idx)
    return out.reshape(N, L, H, D)

# --- scband reference (transcript-rebuilt; emitter-appended) ---
"""Pipeline reference for scband-clustered-attention-32719060861245 (READ-ONLY COPY).

The authoritative reference and input builder live on the scoring server;
editing this copy changes nothing except your own understanding.
"""

import jax, jax.numpy as jnp
import numpy as np
from math import sqrt

CLUSTERS = 128
ITERATIONS = 10
BITS = 32


def popcount32(x):
    x = x.astype(jnp.uint32)
    x = x - ((x >> jnp.uint32(1)) & jnp.uint32(0x55555555))
    x = (x & jnp.uint32(0x33333333)) + ((x >> jnp.uint32(2)) & jnp.uint32(0x33333333))
    x = (x + (x >> jnp.uint32(4))) & jnp.uint32(0x0F0F0F0F)
    return ((x * jnp.uint32(0x01010101)) >> jnp.uint32(24)).astype(jnp.int32)


def compute_hashes(X, planes):
    # X: [M, E], planes: [BITS, E+1] (last column is bias -> hamming ~ L2)
    proj = X @ planes[:, :-1].T + planes[:, -1]
    b = (proj > 0).astype(jnp.uint32)
    shifts = jnp.arange(BITS, dtype=jnp.uint32)
    return jnp.sum(b << shifts, axis=-1, dtype=jnp.uint32)


def lloyd_cluster(hashes):
    # hashes: [NH, L] uint32. Lloyd k-means in Hamming space.
    NH, L = hashes.shape
    shifts = jnp.arange(BITS, dtype=jnp.uint32)
    B = ((hashes[..., None] >> shifts) & jnp.uint32(1)).astype(jnp.float32)  # [NH, L, BITS]
    init_idx = jnp.linspace(0, L - 1, CLUSTERS).astype(jnp.int32)
    c_hash = hashes[:, init_idx]  # [NH, C]
    for _ in range(ITERATIONS):
        dist = popcount32(hashes[:, :, None] ^ c_hash[:, None, :])  # [NH, L, C]
        assign = jnp.argmin(dist, axis=-1)
        onehot = jax.nn.one_hot(assign, CLUSTERS, dtype=jnp.float32)  # [NH, L, C]
        counts = jnp.sum(onehot, axis=1)  # [NH, C]
        bit_sums = jnp.einsum('nlc,nlb->ncb', onehot, B)  # [NH, C, BITS]
        maj = (bit_sums * 2.0 > counts[..., None]).astype(jnp.uint32)
        new_hash = jnp.sum(maj << shifts, axis=-1, dtype=jnp.uint32)
        c_hash = jnp.where(counts > 0, new_hash, c_hash)
    dist = popcount32(hashes[:, :, None] ^ c_hash[:, None, :])
    assign = jnp.argmin(dist, axis=-1)
    counts = jnp.maximum(jnp.sum(jax.nn.one_hot(assign, CLUSTERS, dtype=jnp.float32), axis=1), 1.0)
    return assign, counts


def _forward(queries, keys, values):
    # inputs: [N, L, H, E] as in the torch module (permuted internally)
    q = jnp.transpose(queries, (0, 2, 1, 3))
    k = jnp.transpose(keys, (0, 2, 1, 3))
    v = jnp.transpose(values, (0, 2, 1, 3))
    N, H, L, E = q.shape
    D = v.shape[-1]
    softmax_temp = 1.0 / sqrt(E)
    planes = jax.random.normal(jax.random.key(42), (BITS, E + 1), dtype=jnp.float32)
    # cluster assignment is discrete -> no gradient path (matches torch custom autograd fns)
    q_sg = jax.lax.stop_gradient(q)
    hashes = compute_hashes(q_sg.reshape(N * H * L, E), planes).reshape(N * H, L)
    clusters, counts = lloyd_cluster(hashes)  # [NH, L], [NH, C]
    sorted_idx = jnp.argsort(clusters, axis=-1)
    sorted_clusters = jnp.take_along_axis(clusters, sorted_idx, axis=-1)
    qf = q.reshape(N * H, L, E)
    s_q = jnp.take_along_axis(qf, sorted_idx[:, :, None], axis=1)  # gather sorted queries
    Q_sum = jax.vmap(lambda x, c: jax.ops.segment_sum(x, c, num_segments=CLUSTERS))(s_q, sorted_clusters)
    Qg = (Q_sum / counts[:, :, None]).reshape(N, H, CLUSTERS, E)  # grouped (mean) queries
    QK = jnp.einsum('nhce,nhse->nhcs', Qg, k)
    # key_lengths full -> additive mask is zeros; dropout in eval mode -> identity
    A = jax.nn.softmax(softmax_temp * QK, axis=-1)
    Vc = jnp.einsum('nhcs,nhsd->nhcd', A, v)  # [N, H, C, D]
    Vcf = Vc.reshape(N * H, CLUSTERS, D)
    Vb = jnp.take_along_axis(Vcf, sorted_clusters[:, :, None], axis=1)  # broadcast to sorted positions
    rev = jnp.argsort(sorted_idx, axis=-1)
    Vn = jnp.take_along_axis(Vb, rev[:, :, None], axis=1).reshape(N, H, L, D)
    return jnp.transpose(Vn, (0, 2, 1, 3))


def setup_inputs(seed: int = 0) -> dict:
    key = jax.random.key(seed)
    kq, kk, kv = jax.random.split(key, 3)
    N, L, H, E = 2, 4096, 16, 64
    return {
        'queries': jax.random.normal(kq, (N, L, H, E), dtype=jnp.float32),
        'keys': jax.random.normal(kk, (N, L, H, E), dtype=jnp.float32),
        'values': jax.random.normal(kv, (N, L, H, E), dtype=jnp.float32),
    }


def reference(queries, keys, values):
    return _forward(queries, keys, values)

if __name__ == "__main__":
    import jax
    _d = setup_inputs()
    print(jax.jit(kernel)(*tuple(_d.values())))

</pallas_src>

<mosaic_0001>
#map = affine_map<(d0, d1) -> (0, 0)>
#map1 = affine_map<(d0, d1) -> (0)>
module attributes {stable_mosaic.version = 14 : i64} {
  func.func @_sc_gather(%arg0: i32, %arg1: i32, %arg2: memref<4096x64xf32, #tpu.memory_space<hbm>>, %arg3: memref<131072xi32, #tpu.memory_space<hbm>>, %arg4: memref<131072x64xf32, #tpu.memory_space<hbm>>, %arg5: memref<4096xi32, #tpu.memory_space<vmem>>, %arg6: memref<4x128x64xf32, #tpu.memory_space<vmem>>, %arg7: memref<!tpu.dma_semaphore, #tpu.memory_space<semaphore_mem>>, %arg8: memref<!tpu.dma_semaphore, #tpu.memory_space<semaphore_mem>>, %arg9: memref<!tpu.dma_semaphore, #tpu.memory_space<semaphore_mem>>, %arg10: memref<!tpu.dma_semaphore, #tpu.memory_space<semaphore_mem>>, %arg11: memref<!tpu.dma_semaphore, #tpu.memory_space<semaphore_mem>>, %arg12: memref<!tpu.dma_semaphore, #tpu.memory_space<semaphore_mem>>, %arg13: memref<!tpu.dma_semaphore, #tpu.memory_space<semaphore_mem>>, %arg14: memref<!tpu.dma_semaphore, #tpu.memory_space<semaphore_mem>>) attributes {dimension_semantics = [#tpu.dimension_semantics<core_parallel>, #tpu.dimension_semantics<subcore_parallel>], iteration_bounds = array<i64: 2, 16>, scalar_prefetch = 0 : i64, scratch_operands = 10 : i64, tpu.core_type = #tpu.core_type<sc_vector_subcore>, window_params = [{transform_indices = #map}, {transform_indices = #map1}, {transform_indices = #map}]} {
    %mul3A = arith.constant 2 : i32
    %mul3A_0 = arith.muli %arg1, %mul3A : i32
    %add3A = arith.addi %mul3A_0, %arg0 : i32
    %mul3A_1 = arith.constant 4096 : i32
    %mul3A_2 = arith.muli %add3A, %mul3A_1 : i32
    "tpu.region"() ({
      %run_scoped3A = tpu.sem_alloc : memref<!tpu.dma_semaphore, #tpu.memory_space<semaphore_mem>>
      %dma_start3A_1537 = tpu.memref_slice %arg3[%mul3A_2] : memref<131072xi32, #tpu.memory_space<hbm>> -> memref<4096xi32, #tpu.memory_space<hbm>>
      %dma_start3A_1538 = tpu.memref_slice %arg3[%mul3A_2] : memref<131072xi32, #tpu.memory_space<hbm>> -> memref<4096xi32, #tpu.memory_space<hbm>>
      tpu.enqueue_dma source(%dma_start3A_1538 : memref<4096xi32, #tpu.memory_space<hbm>>) target(%arg5 : memref<4096xi32, #tpu.memory_space<vmem>>) target_semaphore(%run_scoped3A : memref<!tpu.dma_semaphore, #tpu.memory_space<semaphore_mem>>)
      %dma_wait3A_1539 = tpu.memref_slice %arg3[%mul3A_2] : memref<131072xi32, #tpu.memory_space<hbm>> -> memref<4096xi32, #tpu.memory_space<hbm>>
      %dma_wait3A_1540 = tpu.memref_slice %arg3[%mul3A_2] : memref<131072xi32, #tpu.memory_space<hbm>> -> memref<4096xi32, #tpu.memory_space<hbm>>
      tpu.wait_dma2 semaphore(%run_scoped3A : memref<!tpu.dma_semaphore, #tpu.memory_space<semaphore_mem>>) src(%dma_wait3A_1540 : memref<4096xi32, #tpu.memory_space<hbm>>) dst(%arg5 : memref<4096xi32, #tpu.memory_space<vmem>>)
      tpu.yield
    }) : () -> ()
    %dma_start3A = arith.constant 0 : i32
    %dma_start3A_3 = arith.constant 0 : i32
    %dma_start3A_4 = arith.constant 0 : i32
    %dma_start3A_5 = tpu.memref_slice %arg6[%dma_start3A, %dma_start3A_3, %dma_start3A_4] : memref<4x128x64xf32, #tpu.memory_space<vmem>> -> memref<1x128x64xf32, #tpu.memory_space<vmem>>
    %dma_start3A_6 = tpu.memref_squeeze %dma_start3A_5 : memref<1x128x64xf32, #tpu.memory_space<vmem>> -> memref<128x64xf32, #tpu.memory_space<vmem>>
    %dma_start3A_7 = arith.constant 0 : i32
    %dma_start3A_8 = tpu.memref_slice %arg5[%dma_start3A_7] : memref<4096xi32, #tpu.memory_space<vmem>> -> memref<128xi32, #tpu.memory_space<vmem>>
    %dma_start3A_9 = arith.constant 0 : i32
    %dma_start3A_10 = arith.constant 0 : i32
    %dma_start3A_11 = tpu.memref_slice %arg2[%dma_start3A_9, %dma_start3A_10] : memref<4096x64xf32, #tpu.memory_space<hbm>> -> memref<4096x64xf32, #tpu.memory_space<hbm>>
    tpu.enqueue_indirect_dma source(%dma_start3A_11 : memref<4096x64xf32, #tpu.memory_space<hbm>>) target(%dma_start3A_6 : memref<128x64xf32, #tpu.memory_space<vmem>>) offsets(%dma_start3A_8 : memref<128xi32, #tpu.memory_space<vmem>>) semaphore(%arg7 : memref<!tpu.dma_semaphore, #tpu.memory_space<semaphore_mem>>)
    %dma_start3A_12 = arith.constant 1 : i32
    %dma_start3A_13 = arith.constant 0 : i32
    %dma_start3A_14 = arith.constant 0 : i32
    %dma_start3A_15 = tpu.memref_slice %arg6[%dma_start3A_12, %dma_start3A_13, %dma_start3A_14] : memref<4x128x64xf32, #tpu.memory_space<vmem>> -> memref<1x128x64xf32, #tpu.memory_space<vmem>>
    %dma_start3A_16 = tpu.memref_squeeze %dma_start3A_15 : memref<1x128x64xf32, #tpu.memory_space<vmem>> -> memref<128x64xf32, #tpu.memory_space<vmem>>
    %dma_start3A_17 = arith.constant 128 : i32
    %dma_start3A_18 = tpu.memref_slice %arg5[%dma_start3A_17] : memref<4096xi32, #tpu.memory_space<vmem>> -> memref<128xi32, #tpu.memory_space<vmem>>
    %dma_start3A_19 = arith.constant 0 : i32
    %dma_start3A_20 = arith.constant 0 : i32
    %dma_start3A_21 = tpu.memref_slice %arg2[%dma_start3A_19, %dma_start3A_20] : memref<4096x64xf32, #tpu.memory_space<hbm>> -> memref<4096x64xf32, #tpu.memory_space<hbm>>
    tpu.enqueue_indirect_dma source(%dma_start3A_21 : memref<4096x64xf32, #tpu.memory_space<hbm>>) target(%dma_start3A_16 : memref<128x64xf32, #tpu.memory_space<vmem>>) offsets(%dma_start3A_18 : memref<128xi32, #tpu.memory_space<vmem>>) semaphore(%arg8 : memref<!tpu.dma_semaphore, #tpu.memory_space<semaphore_mem>>)
    %dma_start3A_22 = arith.constant 2 : i32
    %dma_start3A_23 = arith.constant 0 : i32
    %dma_start3A_24 = arith.constant 0 : i32
    %dma_start3A_25 = tpu.memref_slice %arg6[%dma_start3A_22, %dma_start3A_23, %dma_start3A_24] : memref<4x128x64xf32, #tpu.memory_space<vmem>> -> memref<1x128x64xf32, #tpu.memory_space<vmem>>
    %dma_start3A_26 = tpu.memref_squeeze %dma_start3A_25 : memref<1x128x64xf32, #tpu.memory_space<vmem>> -> memref<128x64xf32, #tpu.memory_space<vmem>>
    %dma_start3A_27 = arith.constant 256 : i32
    %dma_start3A_28 = tpu.memref_slice %arg5[%dma_start3A_27] : memref<4096xi32, #tpu.memory_space<vmem>> -> memref<128xi32, #tpu.memory_space<vmem>>
    %dma_start3A_29 = arith.constant 0 : i32
    %dma_start3A_30 = arith.constant 0 : i32
    %dma_start3A_31 = tpu.memref_slice %arg2[%dma_start3A_29, %dma_start3A_30] : memref<4096x64xf32, #tpu.memory_space<hbm>> -> memref<4096x64xf32, #tpu.memory_space<hbm>>
    tpu.enqueue_indirect_dma source(%dma_start3A_31 : memref<4096x64xf32, #tpu.memory_space<hbm>>) target(%dma_start3A_26 : memref<128x64xf32, #tpu.memory_space<vmem>>) offsets(%dma_start3A_28 : memref<128xi32, #tpu.memory_space<vmem>>) semaphore(%arg9 : memref<!tpu.dma_semaphore, #tpu.memory_space<semaphore_mem>>)
    %dma_start3A_32 = arith.constant 3 : i32
    %dma_start3A_33 = arith.constant 0 : i32
    %dma_start3A_34 = arith.constant 0 : i32
    %dma_start3A_35 = tpu.memref_slice %arg6[%dma_start3A_32, %dma_start3A_33, %dma_start3A_34] : memref<4x128x64xf32, #tpu.memory_space<vmem>> -> memref<1x128x64xf32, #tpu.memory_space<vmem>>
    %dma_start3A_36 = tpu.memref_squeeze %dma_start3A_35 : memref<1x128x64xf32, #tpu.memory_space<vmem>> -> memref<128x64xf32, #tpu.memory_space<vmem>>
    %dma_start3A_37 = arith.constant 384 : i32
    %dma_start3A_38 = tpu.memref_slice %arg5[%dma_start3A_37] : memref<4096xi32, #tpu.memory_space<vmem>> -> memref<128xi32, #tpu.memory_space<vmem>>
    %dma_start3A_39 = arith.constant 0 : i32
    %dma_start3A_40 = arith.constant 0 : i32
    %dma_start3A_41 = tpu.memref_slice %arg2[%dma_start3A_39, %dma_start3A_40] : memref<4096x64xf32, #tpu.memory_space<hbm>> -> memref<4096x64xf32, #tpu.memory_space<hbm>>
    tpu.enqueue_indirect_dma source(%dma_start3A_41 : memref<4096x64xf32, #tpu.memory_space<hbm>>) target(%dma_start3A_36 : memref<128x64xf32, #tpu.memory_space<vmem>>) offsets(%dma_start3A_38 : memref<128xi32, #tpu.memory_space<vmem>>) semaphore(%arg10 : memref<!tpu.dma_semaphore, #tpu.memory_space<semaphore_mem>>)
    %dma_wait3A = arith.constant 0 : i32
    %dma_wait3A_42 = arith.constant 0 : i32
    %dma_wait3A_43 = arith.constant 0 : i32
    %dma_wait3A_44 = tpu.memref_slice %arg6[%dma_wait3A, %dma_wait3A_42, %dma_wait3A_43] : memref<4x128x64xf32, #tpu.memory_space<vmem>> -> memref<1x128x64xf32, #tpu.memory_space<vmem>>
    %dma_wait3A_45 = tpu.memref_squeeze %dma_wait3A_44 : memref<1x128x64xf32, #tpu.memory_space<vmem>> -> memref<128x64xf32, #tpu.memory_space<vmem>>
    %dma_wait3A_46 = arith.constant 0 : i32
    %dma_wait3A_47 = tpu.memref_slice %arg5[%dma_wait3A_46] : memref<4096xi32, #tpu.memory_space<vmem>> -> memref<128xi32, #tpu.memory_space<vmem>>
    %dma_wait3A_48 = arith.constant 0 : i32
    %dma_wait3A_49 = arith.constant 0 : i32
    %dma_wait3A_50 = tpu.memref_slice %arg2[%dma_wait3A_48, %dma_wait3A_49] : memref<4096x64xf32, #tpu.memory_space<hbm>> -> memref<4096x64xf32, #tpu.memory_space<hbm>>
    tpu.wait_indirect_dma semaphore(%arg7 : memref<!tpu.dma_semaphore, #tpu.memory_space<semaphore_mem>>) src(%dma_wait3A_50 : memref<4096x64xf32, #tpu.memory_space<hbm>>) dst(%dma_wait3A_45 : memref<128x64xf32, #tpu.memory_space<vmem>>)
    %add3A_51 = arith.constant 0 : i32
    %add3A_52 = arith.addi %mul3A_2, %add3A_51 : i32
    %dma_start3A_53 = arith.constant 0 : i32
    %dma_start3A_54 = arith.constant 0 : i32
    %dma_start3A_55 = arith.constant 0 : i32
    %dma_start3A_56 = tpu.memref_slice %arg6[%dma_start3A_53, %dma_start3A_54, %dma_start3A_55] : memref<4x128x64xf32, #tpu.memory_space<vmem>> -> memref<1x128x64xf32, #tpu.memory_space<vmem>>
    %dma_start3A_57 = tpu.memref_squeeze %dma_start3A_56 : memref<1x128x64xf32, #tpu.memory_space<vmem>> -> memref<128x64xf32, #tpu.memory_space<vmem>>
    %dma_start3A_58 = arith.constant 0 : i32
    %dma_start3A_59 = tpu.memref_slice %arg4[%add3A_52, %dma_start3A_58] : memref<131072x64xf32, #tpu.memory_space<hbm>> -> memref<128x64xf32, #tpu.memory_space<hbm>>
    %dma_start3A_60 = arith.constant 0 : i32
    %dma_start3A_61 = tpu.memref_slice %arg4[%add3A_52, %dma_start3A_60] : memref<131072x64xf32, #tpu.memory_space<hbm>> -> memref<128x64xf32, #tpu.memory_space<hbm>>
    %dma_start3A_62 = arith.constant 0 : i32
    %dma_start3A_63 = arith.constant 0 : i32
    %dma_start3A_64 = tpu.memref_slice %arg6[%dma_start3A_53, %dma_start3A_62, %dma_start3A_63] : memref<4x128x64xf32, #tpu.memory_space<vmem>> -> memref<1x128x64xf32, #tpu.memory_space<vmem>>
    %dma_start3A_65 = tpu.memref_squeeze %dma_start3A_64 : memref<1x128x64xf32, #tpu.memory_space<vmem>> -> memref<128x64xf32, #tpu.memory_space<vmem>>
    tpu.enqueue_dma source(%dma_start3A_65 : memref<128x64xf32, #tpu.memory_space<vmem>>) target(%dma_start3A_61 : memref<128x64xf32, #tpu.memory_space<hbm>>) target_semaphore(%arg11 : memref<!tpu.dma_semaphore, #tpu.memory_space<semaphore_mem>>)
    %dma_wait3A_66 = arith.constant 0 : i32
    %dma_wait3A_67 = arith.constant 0 : i32
    %dma_wait3A_68 = arith.constant 0 : i32
    %dma_wait3A_69 = tpu.memref_slice %arg6[%dma_wait3A_66, %dma_wait3A_67, %dma_wait3A_68] : memref<4x128x64xf32, #tpu.memory_space<vmem>> -> memref<1x128x64xf32, #tpu.memory_space<vmem>>
    %dma_wait3A_70 = tpu.memref_squeeze %dma_wait3A_69 : memref<1x128x64xf32, #tpu.memory_space<vmem>> -> memref<128x64xf32, #tpu.memory_space<vmem>>
    %dma_wait3A_71 = arith.constant 0 : i32
    %dma_wait3A_72 = tpu.memref_slice %arg4[%add3A_52, %dma_wait3A_71] : memref<131072x64xf32, #tpu.memory_space<hbm>> -> memref<128x64xf32, #tpu.memory_space<hbm>>
    %dma_wait3A_73 = arith.constant 0 : i32
    %dma_wait3A_74 = tpu.memref_slice %arg4[%add3A_52, %dma_wait3A_73] : memref<131072x64xf32, #tpu.memory_space<hbm>> -> memref<128x64xf32, #tpu.memory_space<hbm>>
    %dma_wait3A_75 = arith.constant 0 : i32
    %dma_wait3A_76 = arith.constant 0 : i32
    %dma_wait3A_77 = tpu.memref_slice %arg6[%dma_wait3A_66, %dma_wait3A_75, %dma_wait3A_76] : memref<4x128x64xf32, #tpu.memory_space<vmem>> -> memref<1x128x64xf32, #tpu.memory_space<vmem>>
    %dma_wait3A_78 = tpu.memref_squeeze %dma_wait3A_77 : memref<1x128x64xf32, #tpu.memory_space<vmem>> -> memref<128x64xf32, #tpu.memory_space<vmem>>
    tpu.wait_dma2 semaphore(%arg11 : memref<!tpu.dma_semaphore, #tpu.memory_space<semaphore_mem>>) src(%dma_wait3A_78 : memref<128x64xf32, #tpu.memory_space<vmem>>) dst(%dma_wait3A_74 : memref<128x64xf32, #tpu.memory_space<hbm>>)
    %dma_start3A_79 = arith.constant 0 : i32
    %dma_start3A_80 = arith.constant 0 : i32
    %dma_start3A_81 = arith.constant 0 : i32
    %dma_start3A_82 = tpu.memref_slice %arg6[%dma_start3A_79, %dma_start3A_80, %dma_start3A_81] : memref<4x128x64xf32, #tpu.memory_space<vmem>> -> memref<1x128x64xf32, #tpu.memory_space<vmem>>
    %dma_start3A_83 = tpu.memref_squeeze %dma_start3A_82 : memref<1x128x64xf32, #tpu.memory_space<vmem>> -> memref<128x64xf32, #tpu.memory_space<vmem>>
    %dma_start3A_84 = arith.constant 512 : i32
    %dma_start3A_85 = tpu.memref_slice %arg5[%dma_start3A_84] : memref<4096xi32, #tpu.memory_space<vmem>> -> memref<128xi32, #tpu.memory_space<vmem>>
    %dma_start3A_86 = arith.constant 0 : i32
    %dma_start3A_87 = arith.constant 0 : i32
    %dma_start3A_88 = tpu.memref_slice %arg2[%dma_start3A_86, %dma_start3A_87] : memref<4096x64xf32, #tpu.memory_space<hbm>> -> memref<4096x64xf32, #tpu.memory_space<hbm>>
    tpu.enqueue_indirect_dma source(%dma_start3A_88 : memref<4096x64xf32, #tpu.memory_space<hbm>>) target(%dma_start3A_83 : memref<128x64xf32, #tpu.memory_space<vmem>>) offsets(%dma_start3A_85 : memref<128xi32, #tpu.memory_space<vmem>>) semaphore(%arg7 : memref<!tpu.dma_semaphore, #tpu.memory_space<semaphore_mem>>)
    %dma_wait3A_89 = arith.constant 1 : i32
    %dma_wait3A_90 = arith.constant 0 : i32
    %dma_wait3A_91 = arith.constant 0 : i32
    %dma_wait3A_92 = tpu.memref_slice %arg6[%dma_wait3A_89, %dma_wait3A_90, %dma_wait3A_91] : memref<4x128x64xf32, #tpu.memory_space<vmem>> -> memref<1x128x64xf32, #tpu.memory_space<vmem>>
    %dma_wait3A_93 = tpu.memref_squeeze %dma_wait3A_92 : memref<1x128x64xf32, #tpu.memory_space<vmem>> -> memref<128x64xf32, #tpu.memory_space<vmem>>
    %dma_wait3A_94 = arith.constant 128 : i32
    %dma_wait3A_95 = tpu.memref_slice %arg5[%dma_wait3A_94] : memref<4096xi32, #tpu.memory_space<vmem>> -> memref<128xi32, #tpu.memory_space<vmem>>
    %dma_wait3A_96 = arith.constant 0 : i32
    %dma_wait3A_97 = arith.constant 0 : i32
    %dma_wait3A_98 = tpu.memref_slice %arg2[%dma_wait3A_96, %dma_wait3A_97] : memref<4096x64xf32, #tpu.memory_space<hbm>> -> memref<4096x64xf32, #tpu.memory_space<hbm>>
    tpu.wait_indirect_dma semaphore(%arg8 : memref<!tpu.dma_semaphore, #tpu.memory_space<semaphore_mem>>) src(%dma_wait3A_98 : memref<4096x64xf32, #tpu.memory_space<hbm>>) dst(%dma_wait3A_93 : memref<128x64xf32, #tpu.memory_space<vmem>>)
    %add3A_99 = arith.constant 128 : i32
    %add3A_100 = arith.addi %mul3A_2, %add3A_99 : i32
    %dma_start3A_101 = arith.constant 1 : i32
    %dma_start3A_102 = arith.constant 0 : i32
    %dma_start3A_103 = arith.constant 0 : i32
    %dma_start3A_104 = tpu.memref_slice %arg6[%dma_start3A_101, %dma_start3A_102, %dma_start3A_103] : memref<4x128x64xf32, #tpu.memory_space<vmem>> -> memref<1x128x64xf32, #tpu.memory_space<vmem>>
    %dma_start3A_105 = tpu.memref_squeeze %dma_start3A_104 : memref<1x128x64xf32, #tpu.memory_space<vmem>> -> memref<128x64xf32, #tpu.memory_space<vmem>>
    %dma_start3A_106 = arith.constant 0 : i32
    %dma_start3A_107 = tpu.memref_slice %arg4[%add3A_100, %dma_start3A_106] : memref<131072x64xf32, #tpu.memory_space<hbm>> -> memref<128x64xf32, #tpu.memory_space<hbm>>
    %dma_start3A_108 = arith.constant 0 : i32
    %dma_start3A_109 = tpu.memref_slice %arg4[%add3A_100, %dma_start3A_108] : memref<131072x64xf32, #tpu.memory_space<hbm>> -> memref<128x64xf32, #tpu.memory_space<hbm>>
    %dma_start3A_110 = arith.constant 0 : i32
    %dma_start3A_111 = arith.constant 0 : i32
    %dma_start3A_112 = tpu.memref_slice %arg6[%dma_start3A_101, %dma_start3A_110, %dma_start3A_111] : memref<4x128x64xf32, #tpu.memory_space<vmem>> -> memref<1x128x64xf32, #tpu.memory_space<vmem>>
    %dma_start3A_113 = tpu.memref_squeeze %dma_start3A_112 : memref<1x128x64xf32, #tpu.memory_space<vmem>> -> memref<128x64xf32, #tpu.memory_space<vmem>>
    tpu.enqueue_dma source(%dma_start3A_113 : memref<128x64xf32, #tpu.memory_space<vmem>>) target(%dma_start3A_109 : memref<128x64xf32, #tpu.memory_space<hbm>>) target_semaphore(%arg12 : memref<!tpu.dma_semaphore, #tpu.memory_space<semaphore_mem>>)
    %dma_wait3A_114 = arith.constant 1 : i32
    %dma_wait3A_115 = arith.constant 0 : i32
    %dma_wait3A_116 = arith.constant 0 : i32
    %dma_wait3A_117 = tpu.memref_slice %arg6[%dma_wait3A_114, %dma_wait3A_115, %dma_wait3A_116] : memref<4x128x64xf32, #tpu.memory_space<vmem>> -> memref<1x128x64xf32, #tpu.memory_space<vmem>>
    %dma_wait3A_118 = tpu.memref_squeeze %dma_wait3A_117 : memref<1x128x64xf32, #tpu.memory_space<vmem>> -> memref<128x64xf32, #tpu.memory_space<vmem>>
    %dma_wait3A_119 = arith.constant 0 : i32
    %dma_wait3A_120 = tpu.memref_slice %arg4[%add3A_100, %dma_wait3A_119] : memref<131072x64xf32, #tpu.memory_space<hbm>> -> memref<128x64xf32, #tpu.memory_space<hbm>>
    %dma_wait3A_121 = arith.constant 0 : i32
    %dma_wait3A_122 = tpu.memref_slice %arg4[%add3A_100, %dma_wait3A_121] : memref<131072x64xf32, #tpu.memory_space<hbm>> -> memref<128x64xf32, #tpu.memory_space<hbm>>
    %dma_wait3A_123 = arith.constant 0 : i32
    %dma_wait3A_124 = arith.constant 0 : i32
    %dma_wait3A_125 = tpu.memref_slice %arg6[%dma_wait3A_114, %dma_wait3A_123, %dma_wait3A_124] : memref<4x128x64xf32, #tpu.memory_space<vmem>> -> memref<1x128x64xf32, #tpu.memory_space<vmem>>
    %dma_wait3A_126 = tpu.memref_squeeze %dma_wait3A_125 : memref<1x128x64xf32, #tpu.memory_space<vmem>> -> memref<128x64xf32, #tpu.memory_space<vmem>>
    tpu.wait_dma2 semaphore(%arg12 : memref<!tpu.dma_semaphore, #tpu.memory_space<semaphore_mem>>) src(%dma_wait3A_126 : memref<128x64xf32, #tpu.memory_space<vmem>>) dst(%dma_wait3A_122 : memref<128x64xf32, #tpu.memory_space<hbm>>)
    %dma_start3A_127 = arith.constant 1 : i32
    %dma_start3A_128 = arith.constant 0 : i32
    %dma_start3A_129 = arith.constant 0 : i32
    %dma_start3A_130 = tpu.memref_slice %arg6[%dma_start3A_127, %dma_start3A_128, %dma_start3A_129] : memref<4x128x64xf32, #tpu.memory_space<vmem>> -> memref<1x128x64xf32, #tpu.memory_space<vmem>>
    %dma_start3A_131 = tpu.memref_squeeze %dma_start3A_130 : memref<1x128x64xf32, #tpu.memory_space<vmem>> -> memref<128x64xf32, #tpu.memory_space<vmem>>
    %dma_start3A_132 = arith.constant 640 : i32
    %dma_start3A_133 = tpu.memref_slice %arg5[%dma_start3A_132] : memref<4096xi32, #tpu.memory_space<vmem>> -> memref<128xi32, #tpu.memory_space<vmem>>
    %dma_start3A_134 = arith.constant 0 : i32
    %dma_start3A_135 = arith.constant 0 : i32
    %dma_start3A_136 = tpu.memref_slice %arg2[%dma_start3A_134, %dma_start3A_135] : memref<4096x64xf32, #tpu.memory_space<hbm>> -> memref<4096x64xf32, #tpu.memory_space<hbm>>
    tpu.enqueue_indirect_dma source(%dma_start3A_136 : memref<4096x64xf32, #tpu.memory_space<hbm>>) target(%dma_start3A_131 : memref<128x64xf32, #tpu.memory_space<vmem>>) offsets(%dma_start3A_133 : memref<128xi32, #tpu.memory_space<vmem>>) semaphore(%arg8 : memref<!tpu.dma_semaphore, #tpu.memory_space<semaphore_mem>>)
    %dma_wait3A_137 = arith.constant 2 : i32
    %dma_wait3A_138 = arith.constant 0 : i32
    %dma_wait3A_139 = arith.constant 0 : i32
    %dma_wait3A_140 = tpu.memref_slice %arg6[%dma_wait3A_137, %dma_wait3A_138, %dma_wait3A_139] : memref<4x128x64xf32, #tpu.memory_space<vmem>> -> memref<1x128x64xf32, #tpu.memory_space<vmem>>
    %dma_wait3A_141 = tpu.memref_squeeze %dma_wait3A_140 : memref<1x128x64xf32, #tpu.memory_space<vmem>> -> memref<128x64xf32, #tpu.memory_space<vmem>>
    %dma_wait3A_142 = arith.constant 256 : i32
    %dma_wait3A_143 = tpu.memref_slice %arg5[%dma_wait3A_142] : memref<4096xi32, #tpu.memory_space<vmem>> -> memref<128xi32, #tpu.memory_space<vmem>>
    %dma_wait3A_144 = arith.constant 0 : i32
    %dma_wait3A_145 = arith.constant 0 : i32
    %dma_wait3A_146 = tpu.memref_slice %arg2[%dma_wait3A_144, %dma_wait3A_145] : memref<4096x64xf32, #tpu.memory_space<hbm>> -> memref<4096x64xf32, #tpu.memory_space<hbm>>
    tpu.wait_indirect_dma semaphore(%arg9 : memref<!tpu.dma_semaphore, #tpu.memory_space<semaphore_mem>>) src(%dma_wait3A_146 : memref<4096x64xf32, #tpu.memory_space<hbm>>) dst(%dma_wait3A_141 : memref<128x64xf32, #tpu.memory_space<vmem>>)
    %add3A_147 = arith.constant 256 : i32
    %add3A_148 = arith.addi %mul3A_2, %add3A_147 : i32
    %dma_start3A_149 = arith.constant 2 : i32
    %dma_start3A_150 = arith.constant 0 : i32
    %dma_start3A_151 = arith.constant 0 : i32
    %dma_start3A_152 = tpu.memref_slice %arg6[%dma_start3A_149, %dma_start3A_150, %dma_start3A_151] : memref<4x128x64xf32, #tpu.memory_space<vmem>> -> memref<1x128x64xf32, #tpu.memory_space<vmem>>
    %dma_start3A_153 = tpu.memref_squeeze %dma_start3A_152 : memref<1x128x64xf32, #tpu.memory_space<vmem>> -> memref<128x64xf32, #tpu.memory_space<vmem>>
    %dma_start3A_154 = arith.constant 0 : i32
    %dma_start3A_155 = tpu.memref_slice %arg4[%add3A_148, %dma_start3A_154] : memref<131072x64xf32, #tpu.memory_space<hbm>> -> memref<128x64xf32, #tpu.memory_space<hbm>>
    %dma_start3A_156 = arith.constant 0 : i32
    %dma_start3A_157 = tpu.memref_slice %arg4[%add3A_148, %dma_start3A_156] : memref<131072x64xf32, #tpu.memory_space<hbm>> -> memref<128x64xf32, #tpu.memory_space<hbm>>
    %dma_start3A_158 = arith.constant 0 : i32
    %dma_start3A_159 = arith.constant 0 : i32
    %dma_start3A_160 = tpu.memref_slice %arg6[%dma_start3A_149, %dma_start3A_158, %dma_start3A_159] : memref<4x128x64xf32, #tpu.memory_space<vmem>> -> memref<1x128x64xf32, #tpu.memory_space<vmem>>
    %dma_start3A_161 = tpu.memref_squeeze %dma_start3A_160 : memref<1x128x64xf32, #tpu.memory_space<vmem>> -> memref<128x64xf32, #tpu.memory_space<vmem>>
    tpu.enqueue_dma source(%dma_start3A_161 : memref<128x64xf32, #tpu.memory_space<vmem>>) target(%dma_start3A_157 : memref<128x64xf32, #tpu.memory_space<hbm>>) target_semaphore(%arg13 : memref<!tpu.dma_semaphore, #tpu.memory_space<semaphore_mem>>)
    %dma_wait3A_162 = arith.constant 2 : i32
    %dma_wait3A_163 = arith.constant 0 : i32
    %dma_wait3A_164 = arith.constant 0 : i32
    %dma_wait3A_165 = tpu.memref_slice %arg6[%dma_wait3A_162, %dma_wait3A_163, %dma_wait3A_164] : memref<4x128x64xf32, #tpu.memory_space<vmem>> -> memref<1x128x64xf32, #tpu.memory_space<vmem>>
    %dma_wait3A_166 = tpu.memref_squeeze %dma_wait3A_165 : memref<1x128x64xf32, #tpu.memory_space<vmem>> -> memref<128x64xf32, #tpu.memory_space<vmem>>
    %dma_wait3A_167 = arith.constant 0 : i32
    %dma_wait3A_168 = tpu.memref_slice %arg4[%add3A_148, %dma_wait3A_167] : memref<131072x64xf32, #tpu.memory_space<hbm>> -> memref<128x64xf32, #tpu.memory_space<hbm>>
    %dma_wait3A_169 = arith.constant 0 : i32
    %dma_wait3A_170 = tpu.memref_slice %arg4[%add3A_148, %dma_wait3A_169] : memref<131072x64xf32, #tpu.memory_space<hbm>> -> memref<128x64xf32, #tpu.memory_space<hbm>>
    %dma_wait3A_171 = arith.constant 0 : i32
    %dma_wait3A_172 = arith.constant 0 : i32
    %dma_wait3A_173 = tpu.memref_slice %arg6[%dma_wait3A_162, %dma_wait3A_171, %dma_wait3A_172] : memref<4x128x64xf32, #tpu.memory_space<vmem>> -> memref<1x128x64xf32, #tpu.memory_space<vmem>>
    %dma_wait3A_174 = tpu.memref_squeeze %dma_wait3A_173 : memref<1x128x64xf32, #tpu.memory_space<vmem>> -> memref<128x64xf32, #tpu.memory_space<vmem>>
    tpu.wait_dma2 semaphore(%arg13 : memref<!tpu.dma_semaphore, #tpu.memory_space<semaphore_mem>>) src(%dma_wait3A_174 : memref<128x64xf32, #tpu.memory_space<vmem>>) dst(%dma_wait3A_170 : memref<128x64xf32, #tpu.memory_space<hbm>>)
    %dma_start3A_175 = arith.constant 2 : i32
    %dma_start3A_176 = arith.constant 0 : i32
    %dma_start3A_177 = arith.constant 0 : i32
    %dma_start3A_178 = tpu.memref_slice %arg6[%dma_start3A_175, %dma_start3A_176, %dma_start3A_177] : memref<4x128x64xf32, #tpu.memory_space<vmem>> -> memref<1x128x64xf32, #tpu.memory_space<vmem>>
    %dma_start3A_179 = tpu.memref_squeeze %dma_start3A_178 : memref<1x128x64xf32, #tpu.memory_space<vmem>> -> memref<128x64xf32, #tpu.memory_space<vmem>>
    %dma_start3A_180 = arith.constant 768 : i32
    %dma_start3A_181 = tpu.memref_slice %arg5[%dma_start3A_180] : memref<4096xi32, #tpu.memory_space<vmem>> -> memref<128xi32, #tpu.memory_space<vmem>>
    %dma_start3A_182 = arith.constant 0 : i32
    %dma_start3A_183 = arith.constant 0 : i32
    %dma_start3A_184 = tpu.memref_slice %arg2[%dma_start3A_182, %dma_start3A_183] : memref<4096x64xf32, #tpu.memory_space<hbm>> -> memref<4096x64xf32, #tpu.memory_space<hbm>>
    tpu.enqueue_indirect_dma source(%dma_start3A_184 : memref<4096x64xf32, #tpu.memory_space<hbm>>) target(%dma_start3A_179 : memref<128x64xf32, #tpu.memory_space<vmem>>) offsets(%dma_start3A_181 : memref<128xi32, #tpu.memory_space<vmem>>) semaphore(%arg9 : memref<!tpu.dma_semaphore, #tpu.memory_space<semaphore_mem>>)
    %dma_wait3A_185 = arith.constant 3 : i32
    %dma_wait3A_186 = arith.constant 0 : i32
    %dma_wait3A_187 = arith.constant 0 : i32
    %dma_wait3A_188 = tpu.memref_slice %arg6[%dma_wait3A_185, %dma_wait3A_186, %dma_wait3A_187] : memref<4x128x64xf32, #tpu.memory_space<vmem>> -> memref<1x128x64xf32, #tpu.memory_space<vmem>>
    %dma_wait3A_189 = tpu.memref_squeeze %dma_wait3A_188 : memref<1x128x64xf32, #tpu.memory_space<vmem>> -> memref<128x64xf32, #tpu.memory_space<vmem>>
    %dma_wait3A_190 = arith.constant 384 : i32
    %dma_wait3A_191 = tpu.memref_slice %arg5[%dma_wait3A_190] : memref<4096xi32, #tpu.memory_space<vmem>> -> memref<128xi32, #tpu.memory_space<vmem>>
    %dma_wait3A_192 = arith.constant 0 : i32
    %dma_wait3A_193 = arith.constant 0 : i32
    %dma_wait3A_194 = tpu.memref_slice %arg2[%dma_wait3A_192, %dma_wait3A_193] : memref<4096x64xf32, #tpu.memory_space<hbm>> -> memref<4096x64xf32, #tpu.memory_space<hbm>>
    tpu.wait_indirect_dma semaphore(%arg10 : memref<!tpu.dma_semaphore, #tpu.memory_space<semaphore_mem>>) src(%dma_wait3A_194 : memref<4096x64xf32, #tpu.memory_space<hbm>>) dst(%dma_wait3A_189 : memref<128x64xf32, #tpu.memory_space<vmem>>)
    %add3A_195 = arith.constant 384 : i32
    %add3A_196 = arith.addi %mul3A_2, %add3A_195 : i32
    %dma_start3A_197 = arith.constant 3 : i32
    %dma_start3A_198 = arith.constant 0 : i32
    %dma_start3A_199 = arith.constant 0 : i32
    %dma_start3A_200 = tpu.memref_slice %arg6[%dma_start3A_197, %dma_start3A_198, %dma_start3A_199] : memref<4x128x64xf32, #tpu.memory_space<vmem>> -> memref<1x128x64xf32, #tpu.memory_space<vmem>>
    %dma_start3A_201 = tpu.memref_squeeze %dma_start3A_200 : memref<1x128x64xf32, #tpu.memory_space<vmem>> -> memref<128x64xf32, #tpu.memory_space<vmem>>
    %dma_start3A_202 = arith.constant 0 : i32
    %dma_start3A_203 = tpu.memref_slice %arg4[%add3A_196, %dma_start3A_202] : memref<131072x64xf32, #tpu.memory_space<hbm>> -> memref<128x64xf32, #tpu.memory_space<hbm>>
    %dma_start3A_204 = arith.constant 0 : i32
    %dma_start3A_205 = tpu.memref_slice %arg4[%add3A_196, %dma_start3A_204] : memref<131072x64xf32, #tpu.memory_space<hbm>> -> memref<128x64xf32, #tpu.memory_space<hbm>>
    %dma_start3A_206 = arith.constant 0 : i32
    %dma_start3A_207 = arith.constant 0 : i32
    %dma_start3A_208 = tpu.memref_slice %arg6[%dma_start3A_197, %dma_start3A_206, %dma_start3A_207] : memref<4x128x64xf32, #tpu.memory_space<vmem>> -> memref<1x128x64xf32, #tpu.memory_space<vmem>>
    %dma_start3A_209 = tpu.memref_squeeze %dma_start3A_208 : memref<1x128x64xf32, #tpu.memory_space<vmem>> -> memref<128x64xf32, #tpu.memory_space<vmem>>
    tpu.enqueue_dma source(%dma_start3A_209 : memref<128x64xf32, #tpu.memory_space<vmem>>) target(%dma_start3A_205 : memref<128x64xf32, #tpu.memory_space<hbm>>) target_semaphore(%arg14 : memref<!tpu.dma_semaphore, #tpu.memory_space<semaphore_mem>>)
    %dma_wait3A_210 = arith.constant 3 : i32
    %dma_wait3A_211 = arith.constant 0 : i32
    %dma_wait3A_212 = arith.constant 0 : i32
    %dma_wait3A_213 = tpu.memref_slice %arg6[%dma_wait3A_210, %dma_wait3A_211, %dma_wait3A_212] : memref<4x128x64xf32, #tpu.memory_space<vmem>> -> memref<1x128x64xf32, #tpu.memory_space<vmem>>
    %dma_wait3A_214 = tpu.memref_squeeze %dma_wait3A_213 : memref<1x128x64xf32, #tpu.memory_space<vmem>> -> memref<128x64xf32, #tpu.memory_space<vmem>>
    %dma_wait3A_215 = arith.constant 0 : i32
    %dma_wait3A_216 = tpu.memref_slice %arg4[%add3A_196, %dma_wait3A_215] : memref<131072x64xf32, #tpu.memory_space<hbm>> -> memref<128x64xf32, #tpu.memory_space<hbm>>
    %dma_wait3A_217 = arith.constant 0 : i32
    %dma_wait3A_218 = tpu.memref_slice %arg4[%add3A_196, %dma_wait3A_217] : memref<131072x64xf32, #tpu.memory_space<hbm>> -> memref<128x64xf32, #tpu.memory_space<hbm>>
    %dma_wait3A_219 = arith.constant 0 : i32
    %dma_wait3A_220 = arith.constant 0 : i32
    %dma_wait3A_221 = tpu.memref_slice %arg6[%dma_wait3A_210, %dma_wait3A_219, %dma_wait3A_220] : memref<4x128x64xf32, #tpu.memory_space<vmem>> -> memref<1x128x64xf32, #tpu.memory_space<vmem>>
    %dma_wait3A_222 = tpu.memref_squeeze %dma_wait3A_221 : memref<1x128x64xf32, #tpu.memory_space<vmem>> -> memref<128x64xf32, #tpu.memory_space<vmem>>
    tpu.wait_dma2 semaphore(%arg14 : memref<!tpu.dma_semaphore, #tpu.memory_space<semaphore_mem>>) src(%dma_wait3A_222 : memref<128x64xf32, #tpu.memory_space<vmem>>) dst(%dma_wait3A_218 : memref<128x64xf32, #tpu.memory_space<hbm>>)
    %dma_start3A_223 = arith.constant 3 : i32
    %dma_start3A_224 = arith.constant 0 : i32
    %dma_start3A_225 = arith.constant 0 : i32
    %dma_start3A_226 = tpu.memref_slice %arg6[%dma_start3A_223, %dma_start3A_224, %dma_start3A_225] : memref<4x128x64xf32, #tpu.memory_space<vmem>> -> memref<1x128x64xf32, #tpu.memory_space<vmem>>
    %dma_start3A_227 = tpu.memref_squeeze %dma_start3A_226 : memref<1x128x64xf32, #tpu.memory_space<vmem>> -> memref<128x64xf32, #tpu.memory_space<vmem>>
    %dma_start3A_228 = arith.constant 896 : i32
    %dma_start3A_229 = tpu.memref_slice %arg5[%dma_start3A_228] : memref<4096xi32, #tpu.memory_space<vmem>> -> memref<128xi32, #tpu.memory_space<vmem>>
    %dma_start3A_230 = arith.constant 0 : i32
    %dma_start3A_231 = arith.constant 0 : i32
    %dma_start3A_232 = tpu.memref_slice %arg2[%dma_start3A_230, %dma_start3A_231] : memref<4096x64xf32, #tpu.memory_space<hbm>> -> memref<4096x64xf32, #tpu.memory_space<hbm>>
    tpu.enqueue_indirect_dma source(%dma_start3A_232 : memref<4096x64xf32, #tpu.memory_space<hbm>>) target(%dma_start3A_227 : memref<128x64xf32, #tpu.memory_space<vmem>>) offsets(%dma_start3A_229 : memref<128xi32, #tpu.memory_space<vmem>>) semaphore(%arg10 : memref<!tpu.dma_semaphore, #tpu.memory_space<semaphore_mem>>)
    %dma_wait3A_233 = arith.constant 0 : i32
    %dma_wait3A_234 = arith.constant 0 : i32
    %dma_wait3A_235 = arith.constant 0 : i32
    %dma_wait3A_236 = tpu.memref_slice %arg6[%dma_wait3A_233, %dma_wait3A_234, %dma_wait3A_235] : memref<4x128x64xf32, #tpu.memory_space<vmem>> -> memref<1x128x64xf32, #tpu.memory_space<vmem>>
    %dma_wait3A_237 = tpu.memref_squeeze %dma_wait3A_236 : memref<1x128x64xf32, #tpu.memory_space<vmem>> -> memref<128x64xf32, #tpu.memory_space<vmem>>
    %dma_wait3A_238 = arith.constant 512 : i32
    %dma_wait3A_239 = tpu.memref_slice %arg5[%dma_wait3A_238] : memref<4096xi32, #tpu.memory_space<vmem>> -> memref<128xi32, #tpu.memory_space<vmem>>
    %dma_wait3A_240 = arith.constant 0 : i32
    %dma_wait3A_241 = arith.constant 0 : i32
    %dma_wait3A_242 = tpu.memref_slice %arg2[%dma_wait3A_240, %dma_wait3A_241] : memref<4096x64xf32, #tpu.memory_space<hbm>> -> memref<4096x64xf32, #tpu.memory_space<hbm>>
    tpu.wait_indirect_dma semaphore(%arg7 : memref<!tpu.dma_semaphore, #tpu.memory_space<semaphore_mem>>) src(%dma_wait3A_242 : memref<4096x64xf32, #tpu.memory_space<hbm>>) dst(%dma_wait3A_237 : memref<128x64xf32, #tpu.memory_space<vmem>>)
    %add3A_243 = arith.constant 512 : i32
    %add3A_244 = arith.addi %mul3A_2, %add3A_243 : i32
    %dma_start3A_245 = arith.constant 0 : i32
    %dma_start3A_246 = arith.constant 0 : i32
    %dma_start3A_247 = arith.constant 0 : i32
    %dma_start3A_248 = tpu.memref_slice %arg6[%dma_start3A_245, %dma_start3A_246, %dma_start3A_247] : memref<4x128x64xf32, #tpu.memory_space<vmem>> -> memref<1x128x64xf32, #tpu.memory_space<vmem>>
    %dma_start3A_249 = tpu.memref_squeeze %dma_start3A_248 : memref<1x128x64xf32, #tpu.memory_space<vmem>> -> memref<128x64xf32, #tpu.memory_space<vmem>>
    %dma_start3A_250 = arith.constant 0 : i32
    %dma_start3A_251 = tpu.memref_slice %arg4[%add3A_244, %dma_start3A_250] : memref<131072x64xf32, #tpu.memory_space<hbm>> -> memref<128x64xf32, #tpu.memory_space<hbm>>
    %dma_start3A_252 = arith.constant 0 : i32
    %dma_start3A_253 = tpu.memref_slice %arg4[%add3A_244, %dma_start3A_252] : memref<131072x64xf32, #tpu.memory_space<hbm>> -> memref<128x64xf32, #tpu.memory_space<hbm>>
    %dma_start3A_254 = arith.constant 0 : i32
    %dma_start3A_255 = arith.constant 0 : i32
    %dma_start3A_256 = tpu.memref_slice %arg6[%dma_start3A_245, %dma_start3A_254, %dma_start3A_255] : memref<4x128x64xf32, #tpu.memory_space<vmem>> -> memref<1x128x64xf32, #tpu.memory_space<vmem>>
    %dma_start3A_257 = tpu.memref_squeeze %dma_start3A_256 : memref<1x128x64xf32, #tpu.memory_space<vmem>> -> memref<128x64xf32, #tpu.memory_space<vmem>>
    tpu.enqueue_dma source(%dma_start3A_257 : memref<128x64xf32, #tpu.memory_space<vmem>>) target(%dma_start3A_253 : memref<128x64xf32, #tpu.memory_space<hbm>>) target_semaphore(%arg11 : memref<!tpu.dma_semaphore, #tpu.memory_space<semaphore_mem>>)
    %dma_wait3A_258 = arith.constant 0 : i32
    %dma_wait3A_259 = arith.constant 0 : i32
    %dma_wait3A_260 = arith.constant 0 : i32
    %dma_wait3A_261 = tpu.memref_slice %arg6[%dma_wait3A_258, %dma_wait3A_259, %dma_wait3A_260] : memref<4x128x64xf32, #tpu.memory_space<vmem>> -> memref<1x128x64xf32, #tpu.memory_space<vmem>>
    %dma_wait3A_262 = tpu.memref_squeeze %dma_wait3A_261 : memref<1x128x64xf32, #tpu.memory_space<vmem>> -> memref<128x64xf32, #tpu.memory_space<vmem>>
    %dma_wait3A_263 = arith.constant 0 : i32
    %dma_wait3A_264 = tpu.memref_slice %arg4[%add3A_244, %dma_wait3A_263] : memref<131072x64xf32, #tpu.memory_space<hbm>> -> memref<128x64xf32, #tpu.memory_space<hbm>>
    %dma_wait3A_265 = arith.constant 0 : i32
    %dma_wait3A_266 = tpu.memref_slice %arg4[%add3A_244, %dma_wait3A_265] : memref<131072x64xf32, #tpu.memory_space<hbm>> -> memref<128x64xf32, #tpu.memory_space<hbm>>
    %dma_wait3A_267 = arith.constant 0 : i32
    %dma_wait3A_268 = arith.constant 0 : i32
    %dma_wait3A_269 = tpu.memref_slice %arg6[%dma_wait3A_258, %dma_wait3A_267, %dma_wait3A_268] : memref<4x128x64xf32, #tpu.memory_space<vmem>> -> memref<1x128x64xf32, #tpu.memory_space<vmem>>
    %dma_wait3A_270 = tpu.memref_squeeze %dma_wait3A_269 : memref<1x128x64xf32, #tpu.memory_space<vmem>> -> memref<128x64xf32, #tpu.memory_space<vmem>>
    tpu.wait_dma2 semaphore(%arg11 : memref<!tpu.dma_semaphore, #tpu.memory_space<semaphore_mem>>) src(%dma_wait3A_270 : memref<128x64xf32, #tpu.memory_space<vmem>>) dst(%dma_wait3A_266 : memref<128x64xf32, #tpu.memory_space<hbm>>)
    %dma_start3A_271 = arith.constant 0 : i32
    %dma_start3A_272 = arith.constant 0 : i32
    %dma_start3A_273 = arith.constant 0 : i32
    %dma_start3A_274 = tpu.memref_slice %arg6[%dma_start3A_271, %dma_start3A_272, %dma_start3A_273] : memref<4x128x64xf32, #tpu.memory_space<vmem>> -> memref<1x128x64xf32, #tpu.memory_space<vmem>>
    %dma_start3A_275 = tpu.memref_squeeze %dma_start3A_274 : memref<1x128x64xf32, #tpu.memory_space<vmem>> -> memref<128x64xf32, #tpu.memory_space<vmem>>
    %dma_start3A_276 = arith.constant 1024 : i32
    %dma_start3A_277 = tpu.memref_slice %arg5[%dma_start3A_276] : memref<4096xi32, #tpu.memory_space<vmem>> -> memref<128xi32, #tpu.memory_space<vmem>>
    %dma_start3A_278 = arith.constant 0 : i32
    %dma_start3A_279 = arith.constant 0 : i32
    %dma_start3A_280 = tpu.memref_slice %arg2[%dma_start3A_278, %dma_start3A_279] : memref<4096x64xf32, #tpu.memory_space<hbm>> -> memref<4096x64xf32, #tpu.memory_space<hbm>>
    tpu.enqueue_indirect_dma source(%dma_start3A_280 : memref<4096x64xf32, #tpu.memory_space<hbm>>) target(%dma_start3A_275 : memref<128x64xf32, #tpu.memory_space<vmem>>) offsets(%dma_start3A_277 : memref<128xi32, #tpu.memory_space<vmem>>) semaphore(%arg7 : memref<!tpu.dma_semaphore, #tpu.memory_space<semaphore_mem>>)
    %dma_wait3A_281 = arith.constant 1 : i32
    %dma_wait3A_282 = arith.constant 0 : i32
    %dma_wait3A_283 = arith.constant 0 : i32
    %dma_wait3A_284 = tpu.memref_slice %arg6[%dma_wait3A_281, %dma_wait3A_282, %dma_wait3A_283] : memref<4x128x64xf32, #tpu.memory_space<vmem>> -> memref<1x128x64xf32, #tpu.memory_space<vmem>>
    %dma_wait3A_285 = tpu.memref_squeeze %dma_wait3A_284 : memref<1x128x64xf32, #tpu.memory_space<vmem>> -> memref<128x64xf32, #tpu.memory_space<vmem>>
    %dma_wait3A_286 = arith.constant 640 : i32
    %dma_wait3A_287 = tpu.memref_slice %arg5[%dma_wait3A_286] : memref<4096xi32, #tpu.memory_space<vmem>> -> memref<128xi32, #tpu.memory_space<vmem>>
    %dma_wait3A_288 = arith.constant 0 : i32
    %dma_wait3A_289 = arith.constant 0 : i32
    %dma_wait3A_290 = tpu.memref_slice %arg2[%dma_wait3A_288, %dma_wait3A_289] : memref<4096x64xf32, #tpu.memory_space<hbm>> -> memref<4096x64xf32, #tpu.memory_space<hbm>>
    tpu.wait_indirect_dma semaphore(%arg8 : memref<!tpu.dma_semaphore, #tpu.memory_space<semaphore_mem>>) src(%dma_wait3A_290 : memref<4096x64xf32, #tpu.memory_space<hbm>>) dst(%dma_wait3A_285 : memref<128x64xf32, #tpu.memory_space<vmem>>)
    %add3A_291 = arith.constant 640 : i32
    %add3A_292 = arith.addi %mul3A_2, %add3A_291 : i32
    %dma_start3A_293 = arith.constant 1 : i32
    %dma_start3A_294 = arith.constant 0 : i32
    %dma_start3A_295 = arith.constant 0 : i32
    %dma_start3A_296 = tpu.memref_slice %arg6[%dma_start3A_293, %dma_start3A_294, %dma_start3A_295] : memref<4x128x64xf32, #tpu.memory_space<vmem>> -> memref<1x128x64xf32, #tpu.memory_space<vmem>>
    %dma_start3A_297 = tpu.memref_squeeze %dma_start3A_296 : memref<1x128x64xf32, #tpu.memory_space<vmem>> -> memref<128x64xf32, #tpu.memory_space<vmem>>
    %dma_start3A_298 = arith.constant 0 : i32
    %dma_start3A_299 = tpu.memref_slice %arg4[%add3A_292, %dma_start3A_298] : memref<131072x64xf32, #tpu.memory_space<hbm>> -> memref<128x64xf32, #tpu.memory_space<hbm>>
    %dma_start3A_300 = arith.constant 0 : i32
    %dma_start3A_301 = tpu.memref_slice %arg4[%add3A_292, %dma_start3A_300] : memref<131072x64xf32, #tpu.memory_space<hbm>> -> memref<128x64xf32, #tpu.memory_space<hbm>>
    %dma_start3A_302 = arith.constant 0 : i32
    %dma_start3A_303 = arith.constant 0 : i32
    %dma_start3A_304 = tpu.memref_slice %arg6[%dma_start3A_293, %dma_start3A_302, %dma_start3A_303] : memref<4x128x64xf32, #tpu.memory_space<vmem>> -> memref<1x128x64xf32, #tpu.memory_space<vmem>>
    %dma_start3A_305 = tpu.memref_squeeze %dma_start3A_304 : memref<1x128x64xf32, #tpu.memory_space<vmem>> -> memref<128x64xf32, #tpu.memory_space<vmem>>
    tpu.enqueue_dma source(%dma_start3A_305 : memref<128x64xf32, #tpu.memory_space<vmem>>) target(%dma_start3A_301 : memref<128x64xf32, #tpu.memory_space<hbm>>) target_semaphore(%arg12 : memref<!tpu.dma_semaphore, #tpu.memory_space<semaphore_mem>>)
    %dma_wait3A_306 = arith.constant 1 : i32
    %dma_wait3A_307 = arith.constant 0 : i32
    %dma_wait3A_308 = arith.constant 0 : i32
    %dma_wait3A_309 = tpu.memref_slice %arg6[%dma_wait3A_306, %dma_wait3A_307, %dma_wait3A_308] : memref<4x128x64xf32, #tpu.memory_space<vmem>> -> memref<1x128x64xf32, #tpu.memory_space<vmem>>
    %dma_wait3A_310 = tpu.memref_squeeze %dma_wait3A_309 : memref<1x128x64xf32, #tpu.memory_space<vmem>> -> memref<128x64xf32, #tpu.memory_space<vmem>>
    %dma_wait3A_311 = arith.constant 0 : i32
    %dma_wait3A_312 = tpu.memref_slice %arg4[%add3A_292, %dma_wait3A_311] : memref<131072x64xf32, #tpu.memory_space<hbm>> -> memref<128x64xf32, #tpu.memory_space<hbm>>
    %dma_wait3A_313 = arith.constant 0 : i32
    %dma_wait3A_314 = tpu.memref_slice %arg4[%add3A_292, %dma_wait3A_313] : memref<131072x64xf32, #tpu.memory_space<hbm>> -> memref<128x64xf32, #tpu.memory_space<hbm>>
    %dma_wait3A_315 = arith.constant 0 : i32
    %dma_wait3A_316 = arith.constant 0 : i32
    %dma_wait3A_317 = tpu.memref_slice %arg6[%dma_wait3A_306, %dma_wait3A_315, %dma_wait3A_316] : memref<4x128x64xf32, #tpu.memory_space<vmem>> -> memref<1x128x64xf32, #tpu.memory_space<vmem>>
    %dma_wait3A_318 = tpu.memref_squeeze %dma_wait3A_317 : memref<1x128x64xf32, #tpu.memory_space<vmem>> -> memref<128x64xf32, #tpu.memory_space<vmem>>
    tpu.wait_dma2 semaphore(%arg12 : memref<!tpu.dma_semaphore, #tpu.memory_space<semaphore_mem>>) src(%dma_wait3A_318 : memref<128x64xf32, #tpu.memory_space<vmem>>) dst(%dma_wait3A_314 : memref<128x64xf32, #tpu.memory_space<hbm>>)
    %dma_start3A_319 = arith.constant 1 : i32
    %dma_start3A_320 = arith.constant 0 : i32
    %dma_start3A_321 = arith.constant 0 : i32
    %dma_start3A_322 = tpu.memref_slice %arg6[%dma_start3A_319, %dma_start3A_320, %dma_start3A_321] : memref<4x128x64xf32, #tpu.memory_space<vmem>> -> memref<1x128x64xf32, #tpu.memory_space<vmem>>
    %dma_start3A_323 = tpu.memref_squeeze %dma_start3A_322 : memref<1x128x64xf32, #tpu.memory_space<vmem>> -> memref<128x64xf32, #tpu.memory_space<vmem>>
    %dma_start3A_324 = arith.constant 1152 : i32
    %dma_start3A_325 = tpu.memref_slice %arg5[%dma_start3A_324] : memref<4096xi32, #tpu.memory_space<vmem>> -> memref<128xi32, #tpu.memory_space<vmem>>
    %dma_start3A_326 = arith.constant 0 : i32
    %dma_start3A_327 = arith.constant 0 : i32
    %dma_start3A_328 = tpu.memref_slice %arg2[%dma_start3A_326, %dma_start3A_327] : memref<4096x64xf32, #tpu.memory_space<hbm>> -> memref<4096x64xf32, #tpu.memory_space<hbm>>
    tpu.enqueue_indirect_dma source(%dma_start3A_328 : memref<4096x64xf32, #tpu.memory_space<hbm>>) target(%dma_start3A_323 : memref<128x64xf32, #tpu.memory_space<vmem>>) offsets(%dma_start3A_325 : memref<128xi32, #tpu.memory_space<vmem>>) semaphore(%arg8 : memref<!tpu.dma_semaphore, #tpu.memory_space<semaphore_mem>>)
    %dma_wait3A_329 = arith.constant 2 : i32
    %dma_wait3A_330 = arith.constant 0 : i32
    %dma_wait3A_331 = arith.constant 0 : i32
    %dma_wait3A_332 = tpu.memref_slice %arg6[%dma_wait3A_329, %dma_wait3A_330, %dma_wait3A_331] : memref<4x128x64xf32, #tpu.memory_space<vmem>> -> memref<1x128x64xf32, #tpu.memory_space<vmem>>
    %dma_wait3A_333 = tpu.memref_squeeze %dma_wait3A_332 : memref<1x128x64xf32, #tpu.memory_space<vmem>> -> memref<128x64xf32, #tpu.memory_space<vmem>>
    %dma_wait3A_334 = arith.constant 768 : i32
    %dma_wait3A_335 = tpu.memref_slice %arg5[%dma_wait3A_334] : memref<4096xi32, #tpu.memory_space<vmem>> -> memref<128xi32, #tpu.memory_space<vmem>>
    %dma_wait3A_336 = arith.constant 0 : i32
    %dma_wait3A_337 = arith.constant 0 : i32
    %dma_wait3A_338 = tpu.memref_slice %arg2[%dma_wait3A_336, %dma_wait3A_337] : memref<4096x64xf32, #tpu.memory_space<hbm>> -> memref<4096x64xf32, #tpu.memory_space<hbm>>
    tpu.wait_indirect_dma semaphore(%arg9 : memref<!tpu.dma_semaphore, #tpu.memory_space<semaphore_mem>>) src(%dma_wait3A_338 : memref<4096x64xf32, #tpu.memory_space<hbm>>) dst(%dma_wait3A_333 : memref<128x64xf32, #tpu.memory_space<vmem>>)
    %add3A_339 = arith.constant 768 : i32
    %add3A_340 = arith.addi %mul3A_2, %add3A_339 : i32
    %dma_start3A_341 = arith.constant 2 : i32
    %dma_start3A_342 = arith.constant 0 : i32
    %dma_start3A_343 = arith.constant 0 : i32
    %dma_start3A_344 = tpu.memref_slice %arg6[%dma_start3A_341, %dma_start3A_342, %dma_start3A_343] : memref<4x128x64xf32, #tpu.memory_space<vmem>> -> memref<1x128x64xf32, #tpu.memory_space<vmem>>
    %dma_start3A_345 = tpu.memref_squeeze %dma_start3A_344 : memref<1x128x64xf32, #tpu.memory_space<vmem>> -> memref<128x64xf32, #tpu.memory_space<vmem>>
    %dma_start3A_346 = arith.constant 0 : i32
    %dma_start3A_347 = tpu.memref_slice %arg4[%add3A_340, %dma_start3A_346] : memref<131072x64xf32, #tpu.memory_space<hbm>> -> memref<128x64xf32, #tpu.memory_space<hbm>>
    %dma_start3A_348 = arith.constant 0 : i32
    %dma_start3A_349 = tpu.memref_slice %arg4[%add3A_340, %dma_start3A_348] : memref<131072x64xf32, #tpu.memory_space<hbm>> -> memref<128x64xf32, #tpu.memory_space<hbm>>
    %dma_start3A_350 = arith.constant 0 : i32
    %dma_start3A_351 = arith.constant 0 : i32
    %dma_start3A_352 = tpu.memref_slice %arg6[%dma_start3A_341, %dma_start3A_350, %dma_start3A_351] : memref<4x128x64xf32, #tpu.memory_space<vmem>> -> memref<1x128x64xf32, #tpu.memory_space<vmem>>
    %dma_start3A_353 = tpu.memref_squeeze %dma_start3A_352 : memref<1x128x64xf32, #tpu.memory_space<vmem>> -> memref<128x64xf32, #tpu.memory_space<vmem>>
    tpu.enqueue_dma source(%dma_start3A_353 : memref<128x64xf32, #tpu.memory_space<vmem>>) target(%dma_start3A_349 : memref<128x64xf32, #tpu.memory_space<hbm>>) target_semaphore(%arg13 : memref<!tpu.dma_semaphore, #tpu.memory_space<semaphore_mem>>)
    %dma_wait3A_354 = arith.constant 2 : i32
    %dma_wait3A_355 = arith.constant 0 : i32
    %dma_wait3A_356 = arith.constant 0 : i32
    %dma_wait3A_357 = tpu.memref_slice %arg6[%dma_wait3A_354, %dma_wait3A_355, %dma_wait3A_356] : memref<4x128x64xf32, #tpu.memory_space<vmem>> -> memref<1x128x64xf32, #tpu.memory_space<vmem>>
    %dma_wait3A_358 = tpu.memref_squeeze %dma_wait3A_357 : memref<1x128x64xf32, #tpu.memory_space<vmem>> -> memref<128x64xf32, #tpu.memory_space<vmem>>
    %dma_wait3A_359 = arith.constant 0 : i32
    %dma_wait3A_360 = tpu.memref_slice %arg4[%add3A_340, %dma_wait3A_359] : memref<131072x64xf32, #tpu.memory_space<hbm>> -> memref<128x64xf32, #tpu.memory_space<hbm>>
    %dma_wait3A_361 = arith.constant 0 : i32
    %dma_wait3A_362 = tpu.memref_slice %arg4[%add3A_340, %dma_wait3A_361] : memref<131072x64xf32, #tpu.memory_space<hbm>> -> memref<128x64xf32, #tpu.memory_space<hbm>>
    %dma_wait3A_363 = arith.constant 0 : i32
    %dma_wait3A_364 = arith.constant 0 : i32
    %dma_wait3A_365 = tpu.memref_slice %arg6[%dma_wait3A_354, %dma_wait3A_363, %dma_wait3A_364] : memref<4x128x64xf32, #tpu.memory_space<vmem>> -> memref<1x128x64xf32, #tpu.memory_space<vmem>>
    %dma_wait3A_366 = tpu.memref_squeeze %dma_wait3A_365 : memref<1x128x64xf32, #tpu.memory_space<vmem>> -> memref<128x64xf32, #tpu.memory_space<vmem>>
    tpu.wait_dma2 semaphore(%arg13 : memref<!tpu.dma_semaphore, #tpu.memory_space<semaphore_mem>>) src(%dma_wait3A_366 : memref<128x64xf32, #tpu.memory_space<vmem>>) dst(%dma_wait3A_362 : memref<128x64xf32, #tpu.memory_space<hbm>>)
    %dma_start3A_367 = arith.constant 2 : i32
    %dma_start3A_368 = arith.constant 0 : i32
    %dma_start3A_369 = arith.constant 0 : i32
    %dma_start3A_370 = tpu.memref_slice %arg6[%dma_start3A_367, %dma_start3A_368, %dma_start3A_369] : memref<4x128x64xf32, #tpu.memory_space<vmem>> -> memref<1x128x64xf32, #tpu.memory_space<vmem>>
    %dma_start3A_371 = tpu.memref_squeeze %dma_start3A_370 : memref<1x128x64xf32, #tpu.memory_space<vmem>> -> memref<128x64xf32, #tpu.memory_space<vmem>>
    %dma_start3A_372 = arith.constant 1280 : i32
    %dma_start3A_373 = tpu.memref_slice %arg5[%dma_start3A_372] : memref<4096xi32, #tpu.memory_space<vmem>> -> memref<128xi32, #tpu.memory_space<vmem>>
    %dma_start3A_374 = arith.constant 0 : i32
    %dma_start3A_375 = arith.constant 0 : i32
    %dma_start3A_376 = tpu.memref_slice %arg2[%dma_start3A_374, %dma_start3A_375] : memref<4096x64xf32, #tpu.memory_space<hbm>> -> memref<4096x64xf32, #tpu.memory_space<hbm>>
    tpu.enqueue_indirect_dma source(%dma_start3A_376 : memref<4096x64xf32, #tpu.memory_space<hbm>>) target(%dma_start3A_371 : memref<128x64xf32, #tpu.memory_space<vmem>>) offsets(%dma_start3A_373 : memref<128xi32, #tpu.memory_space<vmem>>) semaphore(%arg9 : memref<!tpu.dma_semaphore, #tpu.memory_space<semaphore_mem>>)
    %dma_wait3A_377 = arith.constant 3 : i32
    %dma_wait3A_378 = arith.constant 0 : i32
    %dma_wait3A_379 = arith.constant 0 : i32
    %dma_wait3A_380 = tpu.memref_slice %arg6[%dma_wait3A_377, %dma_wait3A_378, %dma_wait3A_379] : memref<4x128x64xf32, #tpu.memory_space<vmem>> -> memref<1x128x64xf32, #tpu.memory_space<vmem>>
    %dma_wait3A_381 = tpu.memref_squeeze %dma_wait3A_380 : memref<1x128x64xf32, #tpu.memory_space<vmem>> -> memref<128x64xf32, #tpu.memory_space<vmem>>
    %dma_wait3A_382 = arith.constant 896 : i32
    %dma_wait3A_383 = tpu.memref_slice %arg5[%dma_wait3A_382] : memref<4096xi32, #tpu.memory_space<vmem>> -> memref<128xi32, #tpu.memory_space<vmem>>
    %dma_wait3A_384 = arith.constant 0 : i32
    %dma_wait3A_385 = arith.constant 0 : i32
    %dma_wait3A_386 = tpu.memref_slice %arg2[%dma_wait3A_384, %dma_wait3A_385] : memref<4096x64xf32, #tpu.memory_space<hbm>> -> memref<4096x64xf32, #tpu.memory_space<hbm>>
    tpu.wait_indirect_dma semaphore(%arg10 : memref<!tpu.dma_semaphore, #tpu.memory_space<semaphore_mem>>) src(%dma_wait3A_386 : memref<4096x64xf32, #tpu.memory_space<hbm>>) dst(%dma_wait3A_381 : memref<128x64xf32, #tpu.memory_space<vmem>>)
    %add3A_387 = arith.constant 896 : i32
    %add3A_388 = arith.addi %mul3A_2, %add3A_387 : i32
    %dma_start3A_389 = arith.constant 3 : i32
    %dma_start3A_390 = arith.constant 0 : i32
    %dma_start3A_391 = arith.constant 0 : i32
    %dma_start3A_392 = tpu.memref_slice %arg6[%dma_start3A_389, %dma_start3A_390, %dma_start3A_391] : memref<4x128x64xf32, #tpu.memory_space<vmem>> -> memref<1x128x64xf32, #tpu.memory_space<vmem>>
    %dma_start3A_393 = tpu.memref_squeeze %dma_start3A_392 : memref<1x128x64xf32, #tpu.memory_space<vmem>> -> memref<128x64xf32, #tpu.memory_space<vmem>>
    %dma_start3A_394 = arith.constant 0 : i32
    %dma_start3A_395 = tpu.memref_slice %arg4[%add3A_388, %dma_start3A_394] : memref<131072x64xf32, #tpu.memory_space<hbm>> -> memref<128x64xf32, #tpu.memory_space<hbm>>
    %dma_start3A_396 = arith.constant 0 : i32
    %dma_start3A_397 = tpu.memref_slice %arg4[%add3A_388, %dma_start3A_396] : memref<131072x64xf32, #tpu.memory_space<hbm>> -> memref<128x64xf32, #tpu.memory_space<hbm>>
    %dma_start3A_398 = arith.constant 0 : i32
    %dma_start3A_399 = arith.constant 0 : i32
    %dma_start3A_400 = tpu.memref_slice %arg6[%dma_start3A_389, %dma_start3A_398, %dma_start3A_399] : memref<4x128x64xf32, #tpu.memory_space<vmem>> -> memref<1x128x64xf32, #tpu.memory_space<vmem>>
    %dma_start3A_401 = tpu.memref_squeeze %dma_start3A_400 : memref<1x128x64xf32, #tpu.memory_space<vmem>> -> memref<128x64xf32, #tpu.memory_space<vmem>>
    tpu.enqueue_dma source(%dma_start3A_401 : memref<128x64xf32, #tpu.memory_space<vmem>>) target(%dma_start3A_397 : memref<128x64xf32, #tpu.memory_space<hbm>>) target_semaphore(%arg14 : memref<!tpu.dma_semaphore, #tpu.memory_space<semaphore_mem>>)
    %dma_wait3A_402 = arith.constant 3 : i32
    %dma_wait3A_403 = arith.constant 0 : i32
    %dma_wait3A_404 = arith.constant 0 : i32
    %dma_wait3A_405 = tpu.memref_slice %arg6[%dma_wait3A_402, %dma_wait3A_403, %dma_wait3A_404] : memref<4x128x64xf32, #tpu.memory_space<vmem>> -> memref<1x128x64xf32, #tpu.memory_space<vmem>>
    %dma_wait3A_406 = tpu.memref_squeeze %dma_wait3A_405 : memref<1x128x64xf32, #tpu.memory_space<vmem>> -> memref<128x64xf32, #tpu.memory_space<vmem>>
    %dma_wait3A_407 = arith.constant 0 : i32
    %dma_wait3A_408 = tpu.memref_slice %arg4[%add3A_388, %dma_wait3A_407] : memref<131072x64xf32, #tpu.memory_space<hbm>> -> memref<128x64xf32, #tpu.memory_space<hbm>>
    %dma_wait3A_409 = arith.constant 0 : i32
    %dma_wait3A_410 = tpu.memref_slice %arg4[%add3A_388, %dma_wait3A_409] : memref<131072x64xf32, #tpu.memory_space<hbm>> -> memref<128x64xf32, #tpu.memory_space<hbm>>
    %dma_wait3A_411 = arith.constant 0 : i32
    %dma_wait3A_412 = arith.constant 0 : i32
    %dma_wait3A_413 = tpu.memref_slice %arg6[%dma_wait3A_402, %dma_wait3A_411, %dma_wait3A_412] : memref<4x128x64xf32, #tpu.memory_space<vmem>> -> memref<1x128x64xf32, #tpu.memory_space<vmem>>
    %dma_wait3A_414 = tpu.memref_squeeze %dma_wait3A_413 : memref<1x128x64xf32, #tpu.memory_space<vmem>> -> memref<128x64xf32, #tpu.memory_space<vmem>>
    tpu.wait_dma2 semaphore(%arg14 : memref<!tpu.dma_semaphore, #tpu.memory_space<semaphore_mem>>) src(%dma_wait3A_414 : memref<128x64xf32, #tpu.memory_space<vmem>>) dst(%dma_wait3A_410 : memref<128x64xf32, #tpu.memory_space<hbm>>)
    %dma_start3A_415 = arith.constant 3 : i32
    %dma_start3A_416 = arith.constant 0 : i32
    %dma_start3A_417 = arith.constant 0 : i32
    %dma_start3A_418 = tpu.memref_slice %arg6[%dma_start3A_415, %dma_start3A_416, %dma_start3A_417] : memref<4x128x64xf32, #tpu.memory_space<vmem>> -> memref<1x128x64xf32, #tpu.memory_space<vmem>>
    %dma_start3A_419 = tpu.memref_squeeze %dma_start3A_418 : memref<1x128x64xf32, #tpu.memory_space<vmem>> -> memref<128x64xf32, #tpu.memory_space<vmem>>
    %dma_start3A_420 = arith.constant 1408 : i32
    %dma_start3A_421 = tpu.memref_slice %arg5[%dma_start3A_420] : memref<4096xi32, #tpu.memory_space<vmem>> -> memref<128xi32, #tpu.memory_space<vmem>>
    %dma_start3A_422 = arith.constant 0 : i32
    %dma_start3A_423 = arith.constant 0 : i32
    %dma_start3A_424 = tpu.memref_slice %arg2[%dma_start3A_422, %dma_start3A_423] : memref<4096x64xf32, #tpu.memory_space<hbm>> -> memref<4096x64xf32, #tpu.memory_space<hbm>>
    tpu.enqueue_indirect_dma source(%dma_start3A_424 : memref<4096x64xf32, #tpu.memory_space<hbm>>) target(%dma_start3A_419 : memref<128x64xf32, #tpu.memory_space<vmem>>) offsets(%dma_start3A_421 : memref<128xi32, #tpu.memory_space<vmem>>) semaphore(%arg10 : memref<!tpu.dma_semaphore, #tpu.memory_space<semaphore_mem>>)
    %dma_wait3A_425 = arith.constant 0 : i32
    %dma_wait3A_426 = arith.constant 0 : i32
    %dma_wait3A_427 = arith.constant 0 : i32
    %dma_wait3A_428 = tpu.memref_slice %arg6[%dma_wait3A_425, %dma_wait3A_426, %dma_wait3A_427] : memref<4x128x64xf32, #tpu.memory_space<vmem>> -> memref<1x128x64xf32, #tpu.memory_space<vmem>>
    %dma_wait3A_429 = tpu.memref_squeeze %dma_wait3A_428 : memref<1x128x64xf32, #tpu.memory_space<vmem>> -> memref<128x64xf32, #tpu.memory_space<vmem>>
    %dma_wait3A_430 = arith.constant 1024 : i32
    %dma_wait3A_431 = tpu.memref_slice %arg5[%dma_wait3A_430] : memref<4096xi32, #tpu.memory_space<vmem>> -> memref<128xi32, #tpu.memory_space<vmem>>
    %dma_wait3A_432 = arith.constant 0 : i32
    %dma_wait3A_433 = arith.constant 0 : i32
    %dma_wait3A_434 = tpu.memref_slice %arg2[%dma_wait3A_432, %dma_wait3A_433] : memref<4096x64xf32, #tpu.memory_space<hbm>> -> memref<4096x64xf32, #tpu.memory_space<hbm>>
    tpu.wait_indirect_dma semaphore(%arg7 : memref<!tpu.dma_semaphore, #tpu.memory_space<semaphore_mem>>) src(%dma_wait3A_434 : memref<4096x64xf32, #tpu.memory_space<hbm>>) dst(%dma_wait3A_429 : memref<128x64xf32, #tpu.memory_space<vmem>>)
    %add3A_435 = arith.constant 1024 : i32
    %add3A_436 = arith.addi %mul3A_2, %add3A_435 : i32
    %dma_start3A_437 = arith.constant 0 : i32
    %dma_start3A_438 = arith.constant 0 : i32
    %dma_start3A_439 = arith.constant 0 : i32
    %dma_start3A_440 = tpu.memref_slice %arg6[%dma_start3A_437, %dma_start3A_438, %dma_start3A_439] : memref<4x128x64xf32, #tpu.memory_space<vmem>> -> memref<1x128x64xf32, #tpu.memory_space<vmem>>
    %dma_start3A_441 = tpu.memref_squeeze %dma_start3A_440 : memref<1x128x64xf32, #tpu.memory_space<vmem>> -> memref<128x64xf32, #tpu.memory_space<vmem>>
    %dma_start3A_442 = arith.constant 0 : i32
    %dma_start3A_443 = tpu.memref_slice %arg4[%add3A_436, %dma_start3A_442] : memref<131072x64xf32, #tpu.memory_space<hbm>> -> memref<128x64xf32, #tpu.memory_space<hbm>>
    %dma_start3A_444 = arith.constant 0 : i32
    %dma_start3A_445 = tpu.memref_slice %arg4[%add3A_436, %dma_start3A_444] : memref<131072x64xf32, #tpu.memory_space<hbm>> -> memref<128x64xf32, #tpu.memory_space<hbm>>
    %dma_start3A_446 = arith.constant 0 : i32
    %dma_start3A_447 = arith.constant 0 : i32
    %dma_start3A_448 = tpu.memref_slice %arg6[%dma_start3A_437, %dma_start3A_446, %dma_start3A_447] : memref<4x128x64xf32, #tpu.memory_space<vmem>> -> memref<1x128x64xf32, #tpu.memory_space<vmem>>
    %dma_start3A_449 = tpu.memref_squeeze %dma_start3A_448 : memref<1x128x64xf32, #tpu.memory_space<vmem>> -> memref<128x64xf32, #tpu.memory_space<vmem>>
    tpu.enqueue_dma source(%dma_start3A_449 : memref<128x64xf32, #tpu.memory_space<vmem>>) target(%dma_start3A_445 : memref<128x64xf32, #tpu.memory_space<hbm>>) target_semaphore(%arg11 : memref<!tpu.dma_semaphore, #tpu.memory_space<semaphore_mem>>)
    %dma_wait3A_450 = arith.constant 0 : i32
    %dma_wait3A_451 = arith.constant 0 : i32
    %dma_wait3A_452 = arith.constant 0 : i32
    %dma_wait3A_453 = tpu.memref_slice %arg6[%dma_wait3A_450, %dma_wait3A_451, %dma_wait3A_452] : memref<4x128x64xf32, #tpu.memory_space<vmem>> -> memref<1x128x64xf32, #tpu.memory_space<vmem>>
    %dma_wait3A_454 = tpu.memref_squeeze %dma_wait3A_453 : memref<1x128x64xf32, #tpu.memory_space<vmem>> -> memref<128x64xf32, #tpu.memory_space<vmem>>
    %dma_wait3A_455 = arith.constant 0 : i32
    %dma_wait3A_456 = tpu.memref_slice %arg4[%add3A_436, %dma_wait3A_455] : memref<131072x64xf32, #tpu.memory_space<hbm>> -> memref<128x64xf32, #tpu.memory_space<hbm>>
    %dma_wait3A_457 = arith.constant 0 : i32
    %dma_wait3A_458 = tpu.memref_slice %arg4[%add3A_436, %dma_wait3A_457] : memref<131072x64xf32, #tpu.memory_space<hbm>> -> memref<128x64xf32, #tpu.memory_space<hbm>>
    %dma_wait3A_459 = arith.constant 0 : i32
    %dma_wait3A_460 = arith.constant 0 : i32
    %dma_wait3A_461 = tpu.memref_slice %arg6[%dma_wait3A_450, %dma_wait3A_459, %dma_wait3A_460] : memref<4x128x64xf32, #tpu.memory_space<vmem>> -> memref<1x128x64xf32, #tpu.memory_space<vmem>>
    %dma_wait3A_462 = tpu.memref_squeeze %dma_wait3A_461 : memref<1x128x64xf32, #tpu.memory_space<vmem>> -> memref<128x64xf32, #tpu.memory_space<vmem>>
    tpu.wait_dma2 semaphore(%arg11 : memref<!tpu.dma_semaphore, #tpu.memory_space<semaphore_mem>>) src(%dma_wait3A_462 : memref<128x64xf32, #tpu.memory_space<vmem>>) dst(%dma_wait3A_458 : memref<128x64xf32, #tpu.memory_space<hbm>>)
    %dma_start3A_463 = arith.constant 0 : i32
    %dma_start3A_464 = arith.constant 0 : i32
    %dma_start3A_465 = arith.constant 0 : i32
    %dma_start3A_466 = tpu.memref_slice %arg6[%dma_start3A_463, %dma_start3A_464, %dma_start3A_465] : memref<4x128x64xf32, #tpu.memory_space<vmem>> -> memref<1x128x64xf32, #tpu.memory_space<vmem>>
    %dma_start3A_467 = tpu.memref_squeeze %dma_start3A_466 : memref<1x128x64xf32, #tpu.memory_space<vmem>> -> memref<128x64xf32, #tpu.memory_space<vmem>>
    %dma_start3A_468 = arith.constant 1536 : i32
    %dma_start3A_469 = tpu.memref_slice %arg5[%dma_start3A_468] : memref<4096xi32, #tpu.memory_space<vmem>> -> memref<128xi32, #tpu.memory_space<vmem>>
    %dma_start3A_470 = arith.constant 0 : i32
    %dma_start3A_471 = arith.constant 0 : i32
    %dma_start3A_472 = tpu.memref_slice %arg2[%dma_start3A_470, %dma_start3A_471] : memref<4096x64xf32, #tpu.memory_space<hbm>> -> memref<4096x64xf32, #tpu.memory_space<hbm>>
    tpu.enqueue_indirect_dma source(%dma_start3A_472 : memref<4096x64xf32, #tpu.memory_space<hbm>>) target(%dma_start3A_467 : memref<128x64xf32, #tpu.memory_space<vmem>>) offsets(%dma_start3A_469 : memref<128xi32, #tpu.memory_space<vmem>>) semaphore(%arg7 : memref<!tpu.dma_semaphore, #tpu.memory_space<semaphore_mem>>)
    %dma_wait3A_473 = arith.constant 1 : i32
    %dma_wait3A_474 = arith.constant 0 : i32
    %dma_wait3A_475 = arith.constant 0 : i32
    %dma_wait3A_476 = tpu.memref_slice %arg6[%dma_wait3A_473, %dma_wait3A_474, %dma_wait3A_475] : memref<4x128x64xf32, #tpu.memory_space<vmem>> -> memref<1x128x64xf32, #tpu.memory_space<vmem>>
    %dma_wait3A_477 = tpu.memref_squeeze %dma_wait3A_476 : memref<1x128x64xf32, #tpu.memory_space<vmem>> -> memref<128x64xf32, #tpu.memory_space<vmem>>
    %dma_wait3A_478 = arith.constant 1152 : i32
    %dma_wait3A_479 = tpu.memref_slice %arg5[%dma_wait3A_478] : memref<4096xi32, #tpu.memory_space<vmem>> -> memref<128xi32, #tpu.memory_space<vmem>>
    %dma_wait3A_480 = arith.constant 0 : i32
    %dma_wait3A_481 = arith.constant 0 : i32
    %dma_wait3A_482 = tpu.memref_slice %arg2[%dma_wait3A_480, %dma_wait3A_481] : memref<4096x64xf32, #tpu.memory_space<hbm>> -> memref<4096x64xf32, #tpu.memory_space<hbm>>
    tpu.wait_indirect_dma semaphore(%arg8 : memref<!tpu.dma_semaphore, #tpu.memory_space<semaphore_mem>>) src(%dma_wait3A_482 : memref<4096x64xf32, #tpu.memory_space<hbm>>) dst(%dma_wait3A_477 : memref<128x64xf32, #tpu.memory_space<vmem>>)
    %add3A_483 = arith.constant 1152 : i32
    %add3A_484 = arith.addi %mul3A_2, %add3A_483 : i32
    %dma_start3A_485 = arith.constant 1 : i32
    %dma_start3A_486 = arith.constant 0 : i32
    %dma_start3A_487 = arith.constant 0 : i32
    %dma_start3A_488 = tpu.memref_slice %arg6[%dma_start3A_485, %dma_start3A_486, %dma_start3A_487] : memref<4x128x64xf32, #tpu.memory_space<vmem>> -> memref<1x128x64xf32, #tpu.memory_space<vmem>>
    %dma_start3A_489 = tpu.memref_squeeze %dma_start3A_488 : memref<1x128x64xf32, #tpu.memory_space<vmem>> -> memref<128x64xf32, #tpu.memory_space<vmem>>
    %dma_start3A_490 = arith.constant 0 : i32
    %dma_start3A_491 = tpu.memref_slice %arg4[%add3A_484, %dma_start3A_490] : memref<131072x64xf32, #tpu.memory_space<hbm>> -> memref<128x64xf32, #tpu.memory_space<hbm>>
    %dma_start3A_492 = arith.constant 0 : i32
    %dma_start3A_493 = tpu.memref_slice %arg4[%add3A_484, %dma_start3A_492] : memref<131072x64xf32, #tpu.memory_space<hbm>> -> memref<128x64xf32, #tpu.memory_space<hbm>>
    %dma_start3A_494 = arith.constant 0 : i32
    %dma_start3A_495 = arith.constant 0 : i32
    %dma_start3A_496 = tpu.memref_slice %arg6[%dma_start3A_485, %dma_start3A_494, %dma_start3A_495] : memref<4x128x64xf32, #tpu.memory_space<vmem>> -> memref<1x128x64xf32, #tpu.memory_space<vmem>>
    %dma_start3A_497 = tpu.memref_squeeze %dma_start3A_496 : memref<1x128x64xf32, #tpu.memory_space<vmem>> -> memref<128x64xf32, #tpu.memory_space<vmem>>
    tpu.enqueue_dma source(%dma_start3A_497 : memref<128x64xf32, #tpu.memory_space<vmem>>) target(%dma_start3A_493 : memref<128x64xf32, #tpu.memory_space<hbm>>) target_semaphore(%arg12 : memref<!tpu.dma_semaphore, #tpu.memory_space<semaphore_mem>>)
    %dma_wait3A_498 = arith.constant 1 : i32
    %dma_wait3A_499 = arith.constant 0 : i32
    %dma_wait3A_500 = arith.constant 0 : i32
    %dma_wait3A_501 = tpu.memref_slice %arg6[%dma_wait3A_498, %dma_wait3A_499, %dma_wait3A_500] : memref<4x128x64xf32, #tpu.memory_space<vmem>> -> memref<1x128x64xf32, #tpu.memory_space<vmem>>
    %dma_wait3A_502 = tpu.memref_squeeze %dma_wait3A_501 : memref<1x128x64xf32, #tpu.memory_space<vmem>> -> memref<128x64xf32, #tpu.memory_space<vmem>>
    %dma_wait3A_503 = arith.constant 0 : i32
    %dma_wait3A_504 = tpu.memref_slice %arg4[%add3A_484, %dma_wait3A_503] : memref<131072x64xf32, #tpu.memory_space<hbm>> -> memref<128x64xf32, #tpu.memory_space<hbm>>
    %dma_wait3A_505 = arith.constant 0 : i32
    %dma_wait3A_506 = tpu.memref_slice %arg4[%add3A_484, %dma_wait3A_505] : memref<131072x64xf32, #tpu.memory_space<hbm>> -> memref<128x64xf32, #tpu.memory_space<hbm>>
    %dma_wait3A_507 = arith.constant 0 : i32
    %dma_wait3A_508 = arith.constant 0 : i32
    %dma_wait3A_509 = tpu.memref_slice %arg6[%dma_wait3A_498, %dma_wait3A_507, %dma_wait3A_508] : memref<4x128x64xf32, #tpu.memory_space<vmem>> -> memref<1x128x64xf32, #tpu.memory_space<vmem>>
    %dma_wait3A_510 = tpu.memref_squeeze %dma_wait3A_509 : memref<1x128x64xf32, #tpu.memory_space<vmem>> -> memref<128x64xf32, #tpu.memory_space<vmem>>
    tpu.wait_dma2 semaphore(%arg12 : memref<!tpu.dma_semaphore, #tpu.memory_space<semaphore_mem>>) src(%dma_wait3A_510 : memref<128x64xf32, #tpu.memory_space<vmem>>) dst(%dma_wait3A_506 : memref<128x64xf32, #tpu.memory_space<hbm>>)
    %dma_start3A_511 = arith.constant 1 : i32
    %dma_start3A_512 = arith.constant 0 : i32
    %dma_start3A_513 = arith.constant 0 : i32
    %dma_start3A_514 = tpu.memref_slice %arg6[%dma_start3A_511, %dma_start3A_512, %dma_start3A_513] : memref<4x128x64xf32, #tpu.memory_space<vmem>> -> memref<1x128x64xf32, #tpu.memory_space<vmem>>
    %dma_start3A_515 = tpu.memref_squeeze %dma_start3A_514 : memref<1x128x64xf32, #tpu.memory_space<vmem>> -> memref<128x64xf32, #tpu.memory_space<vmem>>
    %dma_start3A_516 = arith.constant 1664 : i32
    %dma_start3A_517 = tpu.memref_slice %arg5[%dma_start3A_516] : memref<4096xi32, #tpu.memory_space<vmem>> -> memref<128xi32, #tpu.memory_space<vmem>>
    %dma_start3A_518 = arith.constant 0 : i32
    %dma_start3A_519 = arith.constant 0 : i32
    %dma_start3A_520 = tpu.memref_slice %arg2[%dma_start3A_518, %dma_start3A_519] : memref<4096x64xf32, #tpu.memory_space<hbm>> -> memref<4096x64xf32, #tpu.memory_space<hbm>>
    tpu.enqueue_indirect_dma source(%dma_start3A_520 : memref<4096x64xf32, #tpu.memory_space<hbm>>) target(%dma_start3A_515 : memref<128x64xf32, #tpu.memory_space<vmem>>) offsets(%dma_start3A_517 : memref<128xi32, #tpu.memory_space<vmem>>) semaphore(%arg8 : memref<!tpu.dma_semaphore, #tpu.memory_space<semaphore_mem>>)
    %dma_wait3A_521 = arith.constant 2 : i32
    %dma_wait3A_522 = arith.constant 0 : i32
    %dma_wait3A_523 = arith.constant 0 : i32
    %dma_wait3A_524 = tpu.memref_slice %arg6[%dma_wait3A_521, %dma_wait3A_522, %dma_wait3A_523] : memref<4x128x64xf32, #tpu.memory_space<vmem>> -> memref<1x128x64xf32, #tpu.memory_space<vmem>>
    %dma_wait3A_525 = tpu.memref_squeeze %dma_wait3A_524 : memref<1x128x64xf32, #tpu.memory_space<vmem>> -> memref<128x64xf32, #tpu.memory_space<vmem>>
    %dma_wait3A_526 = arith.constant 1280 : i32
    %dma_wait3A_527 = tpu.memref_slice %arg5[%dma_wait3A_526] : memref<4096xi32, #tpu.memory_space<vmem>> -> memref<128xi32, #tpu.memory_space<vmem>>
    %dma_wait3A_528 = arith.constant 0 : i32
    %dma_wait3A_529 = arith.constant 0 : i32
    %dma_wait3A_530 = tpu.memref_slice %arg2[%dma_wait3A_528, %dma_wait3A_529] : memref<4096x64xf32, #tpu.memory_space<hbm>> -> memref<4096x64xf32, #tpu.memory_space<hbm>>
    tpu.wait_indirect_dma semaphore(%arg9 : memref<!tpu.dma_semaphore, #tpu.memory_space<semaphore_mem>>) src(%dma_wait3A_530 : memref<4096x64xf32, #tpu.memory_space<hbm>>) dst(%dma_wait3A_525 : memref<128x64xf32, #tpu.memory_space<vmem>>)
    %add3A_531 = arith.constant 1280 : i32
    %add3A_532 = arith.addi %mul3A_2, %add3A_531 : i32
    %dma_start3A_533 = arith.constant 2 : i32
    %dma_start3A_534 = arith.constant 0 : i32
    %dma_start3A_535 = arith.constant 0 : i32
    %dma_start3A_536 = tpu.memref_slice %arg6[%dma_start3A_533, %dma_start3A_534, %dma_start3A_535] : memref<4x128x64xf32, #tpu.memory_space<vmem>> -> memref<1x128x64xf32, #tpu.memory_space<vmem>>
    %dma_start3A_537 = tpu.memref_squeeze %dma_start3A_536 : memref<1x128x64xf32, #tpu.memory_space<vmem>> -> memref<128x64xf32, #tpu.memory_space<vmem>>
    %dma_start3A_538 = arith.constant 0 : i32
    %dma_start3A_539 = tpu.memref_slice %arg4[%add3A_532, %dma_start3A_538] : memref<131072x64xf32, #tpu.memory_space<hbm>> -> memref<128x64xf32, #tpu.memory_space<hbm>>
    %dma_start3A_540 = arith.constant 0 : i32
    %dma_start3A_541 = tpu.memref_slice %arg4[%add3A_532, %dma_start3A_540] : memref<131072x64xf32, #tpu.memory_space<hbm>> -> memref<128x64xf32, #tpu.memory_space<hbm>>
    %dma_start3A_542 = arith.constant 0 : i32
    %dma_start3A_543 = arith.constant 0 : i32
    %dma_start3A_544 = tpu.memref_slice %arg6[%dma_start3A_533, %dma_start3A_542, %dma_start3A_543] : memref<4x128x64xf32, #tpu.memory_space<vmem>> -> memref<1x128x64xf32, #tpu.memory_space<vmem>>
    %dma_start3A_545 = tpu.memref_squeeze %dma_start3A_544 : memref<1x128x64xf32, #tpu.memory_space<vmem>> -> memref<128x64xf32, #tpu.memory_space<vmem>>
    tpu.enqueue_dma source(%dma_start3A_545 : memref<128x64xf32, #tpu.memory_space<vmem>>) target(%dma_start3A_541 : memref<128x64xf32, #tpu.memory_space<hbm>>) target_semaphore(%arg13 : memref<!tpu.dma_semaphore, #tpu.memory_space<semaphore_mem>>)
    %dma_wait3A_546 = arith.constant 2 : i32
    %dma_wait3A_547 = arith.constant 0 : i32
    %dma_wait3A_548 = arith.constant 0 : i32
    %dma_wait3A_549 = tpu.memref_slice %arg6[%dma_wait3A_546, %dma_wait3A_547, %dma_wait3A_548] : memref<4x128x64xf32, #tpu.memory_space<vmem>> -> memref<1x128x64xf32, #tpu.memory_space<vmem>>
    %dma_wait3A_550 = tpu.memref_squeeze %dma_wait3A_549 : memref<1x128x64xf32, #tpu.memory_space<vmem>> -> memref<128x64xf32, #tpu.memory_space<vmem>>
    %dma_wait3A_551 = arith.constant 0 : i32
    %dma_wait3A_552 = tpu.memref_slice %arg4[%add3A_532, %dma_wait3A_551] : memref<131072x64xf32, #tpu.memory_space<hbm>> -> memref<128x64xf32, #tpu.memory_space<hbm>>
    %dma_wait3A_553 = arith.constant 0 : i32
    %dma_wait3A_554 = tpu.memref_slice %arg4[%add3A_532, %dma_wait3A_553] : memref<131072x64xf32, #tpu.memory_space<hbm>> -> memref<128x64xf32, #tpu.memory_space<hbm>>
    %dma_wait3A_555 = arith.constant 0 : i32
    %dma_wait3A_556 = arith.constant 0 : i32
    %dma_wait3A_557 = tpu.memref_slice %arg6[%dma_wait3A_546, %dma_wait3A_555, %dma_wait3A_556] : memref<4x128x64xf32, #tpu.memory_space<vmem>> -> memref<1x128x64xf32, #tpu.memory_space<vmem>>
    %dma_wait3A_558 = tpu.memref_squeeze %dma_wait3A_557 : memref<1x128x64xf32, #tpu.memory_space<vmem>> -> memref<128x64xf32, #tpu.memory_space<vmem>>
    tpu.wait_dma2 semaphore(%arg13 : memref<!tpu.dma_semaphore, #tpu.memory_space<semaphore_mem>>) src(%dma_wait3A_558 : memref<128x64xf32, #tpu.memory_space<vmem>>) dst(%dma_wait3A_554 : memref<128x64xf32, #tpu.memory_space<hbm>>)
    %dma_start3A_559 = arith.constant 2 : i32
    %dma_start3A_560 = arith.constant 0 : i32
    %dma_start3A_561 = arith.constant 0 : i32
    %dma_start3A_562 = tpu.memref_slice %arg6[%dma_start3A_559, %dma_start3A_560, %dma_start3A_561] : memref<4x128x64xf32, #tpu.memory_space<vmem>> -> memref<1x128x64xf32, #tpu.memory_space<vmem>>
    %dma_start3A_563 = tpu.memref_squeeze %dma_start3A_562 : memref<1x128x64xf32, #tpu.memory_space<vmem>> -> memref<128x64xf32, #tpu.memory_space<vmem>>
    %dma_start3A_564 = arith.constant 1792 : i32
    %dma_start3A_565 = tpu.memref_slice %arg5[%dma_start3A_564] : memref<4096xi32, #tpu.memory_space<vmem>> -> memref<128xi32, #tpu.memory_space<vmem>>
    %dma_start3A_566 = arith.constant 0 : i32
    %dma_start3A_567 = arith.constant 0 : i32
    %dma_start3A_568 = tpu.memref_slice %arg2[%dma_start3A_566, %dma_start3A_567] : memref<4096x64xf32, #tpu.memory_space<hbm>> -> memref<4096x64xf32, #tpu.memory_space<hbm>>
    tpu.enqueue_indirect_dma source(%dma_start3A_568 : memref<4096x64xf32, #tpu.memory_space<hbm>>) target(%dma_start3A_563 : memref<128x64xf32, #tpu.memory_space<vmem>>) offsets(%dma_start3A_565 : memref<128xi32, #tpu.memory_space<vmem>>) semaphore(%arg9 : memref<!tpu.dma_semaphore, #tpu.memory_space<semaphore_mem>>)
    %dma_wait3A_569 = arith.constant 3 : i32
    %dma_wait3A_570 = arith.constant 0 : i32
    %dma_wait3A_571 = arith.constant 0 : i32
    %dma_wait3A_572 = tpu.memref_slice %arg6[%dma_wait3A_569, %dma_wait3A_570, %dma_wait3A_571] : memref<4x128x64xf32, #tpu.memory_space<vmem>> -> memref<1x128x64xf32, #tpu.memory_space<vmem>>
    %dma_wait3A_573 = tpu.memref_squeeze %dma_wait3A_572 : memref<1x128x64xf32, #tpu.memory_space<vmem>> -> memref<128x64xf32, #tpu.memory_space<vmem>>
    %dma_wait3A_574 = arith.constant 1408 : i32
    %dma_wait3A_575 = tpu.memref_slice %arg5[%dma_wait3A_574] : memref<4096xi32, #tpu.memory_space<vmem>> -> memref<128xi32, #tpu.memory_space<vmem>>
    %dma_wait3A_576 = arith.constant 0 : i32
    %dma_wait3A_577 = arith.constant 0 : i32
    %dma_wait3A_578 = tpu.memref_slice %arg2[%dma_wait3A_576, %dma_wait3A_577] : memref<4096x64xf32, #tpu.memory_space<hbm>> -> memref<4096x64xf32, #tpu.memory_space<hbm>>
    tpu.wait_indirect_dma semaphore(%arg10 : memref<!tpu.dma_semaphore, #tpu.memory_space<semaphore_mem>>) src(%dma_wait3A_578 : memref<4096x64xf32, #tpu.memory_space<hbm>>) dst(%dma_wait3A_573 : memref<128x64xf32, #tpu.memory_space<vmem>>)
    %add3A_579 = arith.constant 1408 : i32
    %add3A_580 = arith.addi %mul3A_2, %add3A_579 : i32
    %dma_start3A_581 = arith.constant 3 : i32
    %dma_start3A_582 = arith.constant 0 : i32
    %dma_start3A_583 = arith.constant 0 : i32
    %dma_start3A_584 = tpu.memref_slice %arg6[%dma_start3A_581, %dma_start3A_582, %dma_start3A_583] : memref<4x128x64xf32, #tpu.memory_space<vmem>> -> memref<1x128x64xf32, #tpu.memory_space<vmem>>
    %dma_start3A_585 = tpu.memref_squeeze %dma_start3A_584 : memref<1x128x64xf32, #tpu.memory_space<vmem>> -> memref<128x64xf32, #tpu.memory_space<vmem>>
    %dma_start3A_586 = arith.constant 0 : i32
    %dma_start3A_587 = tpu.memref_slice %arg4[%add3A_580, %dma_start3A_586] : memref<131072x64xf32, #tpu.memory_space<hbm>> -> memref<128x64xf32, #tpu.memory_space<hbm>>
    %dma_start3A_588 = arith.constant 0 : i32
    %dma_start3A_589 = tpu.memref_slice %arg4[%add3A_580, %dma_start3A_588] : memref<131072x64xf32, #tpu.memory_space<hbm>> -> memref<128x64xf32, #tpu.memory_space<hbm>>
    %dma_start3A_590 = arith.constant 0 : i32
    %dma_start3A_591 = arith.constant 0 : i32
    %dma_start3A_592 = tpu.memref_slice %arg6[%dma_start3A_581, %dma_start3A_590, %dma_start3A_591] : memref<4x128x64xf32, #tpu.memory_space<vmem>> -> memref<1x128x64xf32, #tpu.memory_space<vmem>>
    %dma_start3A_593 = tpu.memref_squeeze %dma_start3A_592 : memref<1x128x64xf32, #tpu.memory_space<vmem>> -> memref<128x64xf32, #tpu.memory_space<vmem>>
    tpu.enqueue_dma source(%dma_start3A_593 : memref<128x64xf32, #tpu.memory_space<vmem>>) target(%dma_start3A_589 : memref<128x64xf32, #tpu.memory_space<hbm>>) target_semaphore(%arg14 : memref<!tpu.dma_semaphore, #tpu.memory_space<semaphore_mem>>)
    %dma_wait3A_594 = arith.constant 3 : i32
    %dma_wait3A_595 = arith.constant 0 : i32
    %dma_wait3A_596 = arith.constant 0 : i32
    %dma_wait3A_597 = tpu.memref_slice %arg6[%dma_wait3A_594, %dma_wait3A_595, %dma_wait3A_596] : memref<4x128x64xf32, #tpu.memory_space<vmem>> -> memref<1x128x64xf32, #tpu.memory_space<vmem>>
    %dma_wait3A_598 = tpu.memref_squeeze %dma_wait3A_597 : memref<1x128x64xf32, #tpu.memory_space<vmem>> -> memref<128x64xf32, #tpu.memory_space<vmem>>
    %dma_wait3A_599 = arith.constant 0 : i32
    %dma_wait3A_600 = tpu.memref_slice %arg4[%add3A_580, %dma_wait3A_599] : memref<131072x64xf32, #tpu.memory_space<hbm>> -> memref<128x64xf32, #tpu.memory_space<hbm>>
    %dma_wait3A_601 = arith.constant 0 : i32
    %dma_wait3A_602 = tpu.memref_slice %arg4[%add3A_580, %dma_wait3A_601] : memref<131072x64xf32, #tpu.memory_space<hbm>> -> memref<128x64xf32, #tpu.memory_space<hbm>>
    %dma_wait3A_603 = arith.constant 0 : i32
    %dma_wait3A_604 = arith.constant 0 : i32
    %dma_wait3A_605 = tpu.memref_slice %arg6[%dma_wait3A_594, %dma_wait3A_603, %dma_wait3A_604] : memref<4x128x64xf32, #tpu.memory_space<vmem>> -> memref<1x128x64xf32, #tpu.memory_space<vmem>>
    %dma_wait3A_606 = tpu.memref_squeeze %dma_wait3A_605 : memref<1x128x64xf32, #tpu.memory_space<vmem>> -> memref<128x64xf32, #tpu.memory_space<vmem>>
    tpu.wait_dma2 semaphore(%arg14 : memref<!tpu.dma_semaphore, #tpu.memory_space<semaphore_mem>>) src(%dma_wait3A_606 : memref<128x64xf32, #tpu.memory_space<vmem>>) dst(%dma_wait3A_602 : memref<128x64xf32, #tpu.memory_space<hbm>>)
    %dma_start3A_607 = arith.constant 3 : i32
    %dma_start3A_608 = arith.constant 0 : i32
    %dma_start3A_609 = arith.constant 0 : i32
    %dma_start3A_610 = tpu.memref_slice %arg6[%dma_start3A_607, %dma_start3A_608, %dma_start3A_609] : memref<4x128x64xf32, #tpu.memory_space<vmem>> -> memref<1x128x64xf32, #tpu.memory_space<vmem>>
    %dma_start3A_611 = tpu.memref_squeeze %dma_start3A_610 : memref<1x128x64xf32, #tpu.memory_space<vmem>> -> memref<128x64xf32, #tpu.memory_space<vmem>>
    %dma_start3A_612 = arith.constant 1920 : i32
    %dma_start3A_613 = tpu.memref_slice %arg5[%dma_start3A_612] : memref<4096xi32, #tpu.memory_space<vmem>> -> memref<128xi32, #tpu.memory_space<vmem>>
    %dma_start3A_614 = arith.constant 0 : i32
    %dma_start3A_615 = arith.constant 0 : i32
    %dma_start3A_616 = tpu.memref_slice %arg2[%dma_start3A_614, %dma_start3A_615] : memref<4096x64xf32, #tpu.memory_space<hbm>> -> memref<4096x64xf32, #tpu.memory_space<hbm>>
    tpu.enqueue_indirect_dma source(%dma_start3A_616 : memref<4096x64xf32, #tpu.memory_space<hbm>>) target(%dma_start3A_611 : memref<128x64xf32, #tpu.memory_space<vmem>>) offsets(%dma_start3A_613 : memref<128xi32, #tpu.memory_space<vmem>>) semaphore(%arg10 : memref<!tpu.dma_semaphore, #tpu.memory_space<semaphore_mem>>)
    %dma_wait3A_617 = arith.constant 0 : i32
    %dma_wait3A_618 = arith.constant 0 : i32
    %dma_wait3A_619 = arith.constant 0 : i32
    %dma_wait3A_620 = tpu.memref_slice %arg6[%dma_wait3A_617, %dma_wait3A_618, %dma_wait3A_619] : memref<4x128x64xf32, #tpu.memory_space<vmem>> -> memref<1x128x64xf32, #tpu.memory_space<vmem>>
    %dma_wait3A_621 = tpu.memref_squeeze %dma_wait3A_620 : memref<1x128x64xf32, #tpu.memory_space<vmem>> -> memref<128x64xf32, #tpu.memory_space<vmem>>
    %dma_wait3A_622 = arith.constant 1536 : i32
    %dma_wait3A_623 = tpu.memref_slice %arg5[%dma_wait3A_622] : memref<4096xi32, #tpu.memory_space<vmem>> -> memref<128xi32, #tpu.memory_space<vmem>>
    %dma_wait3A_624 = arith.constant 0 : i32
    %dma_wait3A_625 = arith.constant 0 : i32
    %dma_wait3A_626 = tpu.memref_slice %arg2[%dma_wait3A_624, %dma_wait3A_625] : memref<4096x64xf32, #tpu.memory_space<hbm>> -> memref<4096x64xf32, #tpu.memory_space<hbm>>
    tpu.wait_indirect_dma semaphore(%arg7 : memref<!tpu.dma_semaphore, #tpu.memory_space<semaphore_mem>>) src(%dma_wait3A_626 : memref<4096x64xf32, #tpu.memory_space<hbm>>) dst(%dma_wait3A_621 : memref<128x64xf32, #tpu.memory_space<vmem>>)
    %add3A_627 = arith.constant 1536 : i32
    %add3A_628 = arith.addi %mul3A_2, %add3A_627 : i32
    %dma_start3A_629 = arith.constant 0 : i32
    %dma_start3A_630 = arith.constant 0 : i32
    %dma_start3A_631 = arith.constant 0 : i32
    %dma_start3A_632 = tpu.memref_slice %arg6[%dma_start3A_629, %dma_start3A_630, %dma_start3A_631] : memref<4x128x64xf32, #tpu.memory_space<vmem>> -> memref<1x128x64xf32, #tpu.memory_space<vmem>>
    %dma_start3A_633 = tpu.memref_squeeze %dma_start3A_632 : memref<1x128x64xf32, #tpu.memory_space<vmem>> -> memref<128x64xf32, #tpu.memory_space<vmem>>
    %dma_start3A_634 = arith.constant 0 : i32
    %dma_start3A_635 = tpu.memref_slice %arg4[%add3A_628, %dma_start3A_634] : memref<131072x64xf32, #tpu.memory_space<hbm>> -> memref<128x64xf32, #tpu.memory_space<hbm>>
    %dma_start3A_636 = arith.constant 0 : i32
    %dma_start3A_637 = tpu.memref_slice %arg4[%add3A_628, %dma_start3A_636] : memref<131072x64xf32, #tpu.memory_space<hbm>> -> memref<128x64xf32, #tpu.memory_space<hbm>>
    %dma_start3A_638 = arith.constant 0 : i32
    %dma_start3A_639 = arith.constant 0 : i32
    %dma_start3A_640 = tpu.memref_slice %arg6[%dma_start3A_629, %dma_start3A_638, %dma_start3A_639] : memref<4x128x64xf32, #tpu.memory_space<vmem>> -> memref<1x128x64xf32, #tpu.memory_space<vmem>>
    %dma_start3A_641 = tpu.memref_squeeze %dma_start3A_640 : memref<1x128x64xf32, #tpu.memory_space<vmem>> -> memref<128x64xf32, #tpu.memory_space<vmem>>
    tpu.enqueue_dma source(%dma_start3A_641 : memref<128x64xf32, #tpu.memory_space<vmem>>) target(%dma_start3A_637 : memref<128x64xf32, #tpu.memory_space<hbm>>) target_semaphore(%arg11 : memref<!tpu.dma_semaphore, #tpu.memory_space<semaphore_mem>>)
    %dma_wait3A_642 = arith.constant 0 : i32
    %dma_wait3A_643 = arith.constant 0 : i32
    %dma_wait3A_644 = arith.constant 0 : i32
    %dma_wait3A_645 = tpu.memref_slice %arg6[%dma_wait3A_642, %dma_wait3A_643, %dma_wait3A_644] : memref<4x128x64xf32, #tpu.memory_space<vmem>> -> memref<1x128x64xf32, #tpu.memory_space<vmem>>
    %dma_wait3A_646 = tpu.memref_squeeze %dma_wait3A_645 : memref<1x128x64xf32, #tpu.memory_space<vmem>> -> memref<128x64xf32, #tpu.memory_space<vmem>>
    %dma_wait3A_647 = arith.constant 0 : i32
    %dma_wait3A_648 = tpu.memref_slice %arg4[%add3A_628, %dma_wait3A_647] : memref<131072x64xf32, #tpu.memory_space<hbm>> -> memref<128x64xf32, #tpu.memory_space<hbm>>
    %dma_wait3A_649 = arith.constant 0 : i32
    %dma_wait3A_650 = tpu.memref_slice %arg4[%add3A_628, %dma_wait3A_649] : memref<131072x64xf32, #tpu.memory_space<hbm>> -> memref<128x64xf32, #tpu.memory_space<hbm>>
    %dma_wait3A_651 = arith.constant 0 : i32
    %dma_wait3A_652 = arith.constant 0 : i32
    %dma_wait3A_653 = tpu.memref_slice %arg6[%dma_wait3A_642, %dma_wait3A_651, %dma_wait3A_652] : memref<4x128x64xf32, #tpu.memory_space<vmem>> -> memref<1x128x64xf32, #tpu.memory_space<vmem>>
    %dma_wait3A_654 = tpu.memref_squeeze %dma_wait3A_653 : memref<1x128x64xf32, #tpu.memory_space<vmem>> -> memref<128x64xf32, #tpu.memory_space<vmem>>
    tpu.wait_dma2 semaphore(%arg11 : memref<!tpu.dma_semaphore, #tpu.memory_space<semaphore_mem>>) src(%dma_wait3A_654 : memref<128x64xf32, #tpu.memory_space<vmem>>) dst(%dma_wait3A_650 : memref<128x64xf32, #tpu.memory_space<hbm>>)
    %dma_start3A_655 = arith.constant 0 : i32
    %dma_start3A_656 = arith.constant 0 : i32
    %dma_start3A_657 = arith.constant 0 : i32
    %dma_start3A_658 = tpu.memref_slice %arg6[%dma_start3A_655, %dma_start3A_656, %dma_start3A_657] : memref<4x128x64xf32, #tpu.memory_space<vmem>> -> memref<1x128x64xf32, #tpu.memory_space<vmem>>
    %dma_start3A_659 = tpu.memref_squeeze %dma_start3A_658 : memref<1x128x64xf32, #tpu.memory_space<vmem>> -> memref<128x64xf32, #tpu.memory_space<vmem>>
    %dma_start3A_660 = arith.constant 2048 : i32
    %dma_start3A_661 = tpu.memref_slice %arg5[%dma_start3A_660] : memref<4096xi32, #tpu.memory_space<vmem>> -> memref<128xi32, #tpu.memory_space<vmem>>
    %dma_start3A_662 = arith.constant 0 : i32
    %dma_start3A_663 = arith.constant 0 : i32
    %dma_start3A_664 = tpu.memref_slice %arg2[%dma_start3A_662, %dma_start3A_663] : memref<4096x64xf32, #tpu.memory_space<hbm>> -> memref<4096x64xf32, #tpu.memory_space<hbm>>
    tpu.enqueue_indirect_dma source(%dma_start3A_664 : memref<4096x64xf32, #tpu.memory_space<hbm>>) target(%dma_start3A_659 : memref<128x64xf32, #tpu.memory_space<vmem>>) offsets(%dma_start3A_661 : memref<128xi32, #tpu.memory_space<vmem>>) semaphore(%arg7 : memref<!tpu.dma_semaphore, #tpu.memory_space<semaphore_mem>>)
    %dma_wait3A_665 = arith.constant 1 : i32
    %dma_wait3A_666 = arith.constant 0 : i32
    %dma_wait3A_667 = arith.constant 0 : i32
    %dma_wait3A_668 = tpu.memref_slice %arg6[%dma_wait3A_665, %dma_wait3A_666, %dma_wait3A_667] : memref<4x128x64xf32, #tpu.memory_space<vmem>> -> memref<1x128x64xf32, #tpu.memory_space<vmem>>
    %dma_wait3A_669 = tpu.memref_squeeze %dma_wait3A_668 : memref<1x128x64xf32, #tpu.memory_space<vmem>> -> memref<128x64xf32, #tpu.memory_space<vmem>>
    %dma_wait3A_670 = arith.constant 1664 : i32
    %dma_wait3A_671 = tpu.memref_slice %arg5[%dma_wait3A_670] : memref<4096xi32, #tpu.memory_space<vmem>> -> memref<128xi32, #tpu.memory_space<vmem>>
    %dma_wait3A_672 = arith.constant 0 : i32
    %dma_wait3A_673 = arith.constant 0 : i32
    %dma_wait3A_674 = tpu.memref_slice %arg2[%dma_wait3A_672, %dma_wait3A_673] : memref<4096x64xf32, #tpu.memory_space<hbm>> -> memref<4096x64xf32, #tpu.memory_space<hbm>>
    tpu.wait_indirect_dma semaphore(%arg8 : memref<!tpu.dma_semaphore, #tpu.memory_space<semaphore_mem>>) src(%dma_wait3A_674 : memref<4096x64xf32, #tpu.memory_space<hbm>>) dst(%dma_wait3A_669 : memref<128x64xf32, #tpu.memory_space<vmem>>)
    %add3A_675 = arith.constant 1664 : i32
    %add3A_676 = arith.addi %mul3A_2, %add3A_675 : i32
    %dma_start3A_677 = arith.constant 1 : i32
    %dma_start3A_678 = arith.constant 0 : i32
    %dma_start3A_679 = arith.constant 0 : i32
    %dma_start3A_680 = tpu.memref_slice %arg6[%dma_start3A_677, %dma_start3A_678, %dma_start3A_679] : memref<4x128x64xf32, #tpu.memory_space<vmem>> -> memref<1x128x64xf32, #tpu.memory_space<vmem>>
    %dma_start3A_681 = tpu.memref_squeeze %dma_start3A_680 : memref<1x128x64xf32, #tpu.memory_space<vmem>> -> memref<128x64xf32, #tpu.memory_space<vmem>>
    %dma_start3A_682 = arith.constant 0 : i32
    %dma_start3A_683 = tpu.memref_slice %arg4[%add3A_676, %dma_start3A_682] : memref<131072x64xf32, #tpu.memory_space<hbm>> -> memref<128x64xf32, #tpu.memory_space<hbm>>
    %dma_start3A_684 = arith.constant 0 : i32
    %dma_start3A_685 = tpu.memref_slice %arg4[%add3A_676, %dma_start3A_684] : memref<131072x64xf32, #tpu.memory_space<hbm>> -> memref<128x64xf32, #tpu.memory_space<hbm>>
    %dma_start3A_686 = arith.constant 0 : i32
    %dma_start3A_687 = arith.constant 0 : i32
    %dma_start3A_688 = tpu.memref_slice %arg6[%dma_start3A_677, %dma_start3A_686, %dma_start3A_687] : memref<4x128x64xf32, #tpu.memory_space<vmem>> -> memref<1x128x64xf32, #tpu.memory_space<vmem>>
    %dma_start3A_689 = tpu.memref_squeeze %dma_start3A_688 : memref<1x128x64xf32, #tpu.memory_space<vmem>> -> memref<128x64xf32, #tpu.memory_space<vmem>>
    tpu.enqueue_dma source(%dma_start3A_689 : memref<128x64xf32, #tpu.memory_space<vmem>>) target(%dma_start3A_685 : memref<128x64xf32, #tpu.memory_space<hbm>>) target_semaphore(%arg12 : memref<!tpu.dma_semaphore, #tpu.memory_space<semaphore_mem>>)
    %dma_wait3A_690 = arith.constant 1 : i32
    %dma_wait3A_691 = arith.constant 0 : i32
    %dma_wait3A_692 = arith.constant 0 : i32
    %dma_wait3A_693 = tpu.memref_slice %arg6[%dma_wait3A_690, %dma_wait3A_691, %dma_wait3A_692] : memref<4x128x64xf32, #tpu.memory_space<vmem>> -> memref<1x128x64xf32, #tpu.memory_space<vmem>>
    %dma_wait3A_694 = tpu.memref_squeeze %dma_wait3A_693 : memref<1x128x64xf32, #tpu.memory_space<vmem>> -> memref<128x64xf32, #tpu.memory_space<vmem>>
    %dma_wait3A_695 = arith.constant 0 : i32
    %dma_wait3A_696 = tpu.memref_slice %arg4[%add3A_676, %dma_wait3A_695] : memref<131072x64xf32, #tpu.memory_space<hbm>> -> memref<128x64xf32, #tpu.memory_space<hbm>>
    %dma_wait3A_697 = arith.constant 0 : i32
    %dma_wait3A_698 = tpu.memref_slice %arg4[%add3A_676, %dma_wait3A_697] : memref<131072x64xf32, #tpu.memory_space<hbm>> -> memref<128x64xf32, #tpu.memory_space<hbm>>
    %dma_wait3A_699 = arith.constant 0 : i32
    %dma_wait3A_700 = arith.constant 0 : i32
    %dma_wait3A_701 = tpu.memref_slice %arg6[%dma_wait3A_690, %dma_wait3A_699, %dma_wait3A_700] : memref<4x128x64xf32, #tpu.memory_space<vmem>> -> memref<1x128x64xf32, #tpu.memory_space<vmem>>
    %dma_wait3A_702 = tpu.memref_squeeze %dma_wait3A_701 : memref<1x128x64xf32, #tpu.memory_space<vmem>> -> memref<128x64xf32, #tpu.memory_space<vmem>>
    tpu.wait_dma2 semaphore(%arg12 : memref<!tpu.dma_semaphore, #tpu.memory_space<semaphore_mem>>) src(%dma_wait3A_702 : memref<128x64xf32, #tpu.memory_space<vmem>>) dst(%dma_wait3A_698 : memref<128x64xf32, #tpu.memory_space<hbm>>)
    %dma_start3A_703 = arith.constant 1 : i32
    %dma_start3A_704 = arith.constant 0 : i32
    %dma_start3A_705 = arith.constant 0 : i32
    %dma_start3A_706 = tpu.memref_slice %arg6[%dma_start3A_703, %dma_start3A_704, %dma_start3A_705] : memref<4x128x64xf32, #tpu.memory_space<vmem>> -> memref<1x128x64xf32, #tpu.memory_space<vmem>>
    %dma_start3A_707 = tpu.memref_squeeze %dma_start3A_706 : memref<1x128x64xf32, #tpu.memory_space<vmem>> -> memref<128x64xf32, #tpu.memory_space<vmem>>
    %dma_start3A_708 = arith.constant 2176 : i32
    %dma_start3A_709 = tpu.memref_slice %arg5[%dma_start3A_708] : memref<4096xi32, #tpu.memory_space<vmem>> -> memref<128xi32, #tpu.memory_space<vmem>>
    %dma_start3A_710 = arith.constant 0 : i32
    %dma_start3A_711 = arith.constant 0 : i32
    %dma_start3A_712 = tpu.memref_slice %arg2[%dma_start3A_710, %dma_start3A_711] : memref<4096x64xf32, #tpu.memory_space<hbm>> -> memref<4096x64xf32, #tpu.memory_space<hbm>>
    tpu.enqueue_indirect_dma source(%dma_start3A_712 : memref<4096x64xf32, #tpu.memory_space<hbm>>) target(%dma_start3A_707 : memref<128x64xf32, #tpu.memory_space<vmem>>) offsets(%dma_start3A_709 : memref<128xi32, #tpu.memory_space<vmem>>) semaphore(%arg8 : memref<!tpu.dma_semaphore, #tpu.memory_space<semaphore_mem>>)
    %dma_wait3A_713 = arith.constant 2 : i32
    %dma_wait3A_714 = arith.constant 0 : i32
    %dma_wait3A_715 = arith.constant 0 : i32
    %dma_wait3A_716 = tpu.memref_slice %arg6[%dma_wait3A_713, %dma_wait3A_714, %dma_wait3A_715] : memref<4x128x64xf32, #tpu.memory_space<vmem>> -> memref<1x128x64xf32, #tpu.memory_space<vmem>>
    %dma_wait3A_717 = tpu.memref_squeeze %dma_wait3A_716 : memref<1x128x64xf32, #tpu.memory_space<vmem>> -> memref<128x64xf32, #tpu.memory_space<vmem>>
    %dma_wait3A_718 = arith.constant 1792 : i32
    %dma_wait3A_719 = tpu.memref_slice %arg5[%dma_wait3A_718] : memref<4096xi32, #tpu.memory_space<vmem>> -> memref<128xi32, #tpu.memory_space<vmem>>
    %dma_wait3A_720 = arith.constant 0 : i32
    %dma_wait3A_721 = arith.constant 0 : i32
    %dma_wait3A_722 = tpu.memref_slice %arg2[%dma_wait3A_720, %dma_wait3A_721] : memref<4096x64xf32, #tpu.memory_space<hbm>> -> memref<4096x64xf32, #tpu.memory_space<hbm>>
    tpu.wait_indirect_dma semaphore(%arg9 : memref<!tpu.dma_semaphore, #tpu.memory_space<semaphore_mem>>) src(%dma_wait3A_722 : memref<4096x64xf32, #tpu.memory_space<hbm>>) dst(%dma_wait3A_717 : memref<128x64xf32, #tpu.memory_space<vmem>>)
    %add3A_723 = arith.constant 1792 : i32
    %add3A_724 = arith.addi %mul3A_2, %add3A_723 : i32
    %dma_start3A_725 = arith.constant 2 : i32
    %dma_start3A_726 = arith.constant 0 : i32
    %dma_start3A_727 = arith.constant 0 : i32
    %dma_start3A_728 = tpu.memref_slice %arg6[%dma_start3A_725, %dma_start3A_726, %dma_start3A_727] : memref<4x128x64xf32, #tpu.memory_space<vmem>> -> memref<1x128x64xf32, #tpu.memory_space<vmem>>
    %dma_start3A_729 = tpu.memref_squeeze %dma_start3A_728 : memref<1x128x64xf32, #tpu.memory_space<vmem>> -> memref<128x64xf32, #tpu.memory_space<vmem>>
    %dma_start3A_730 = arith.constant 0 : i32
    %dma_start3A_731 = tpu.memref_slice %arg4[%add3A_724, %dma_start3A_730] : memref<131072x64xf32, #tpu.memory_space<hbm>> -> memref<128x64xf32, #tpu.memory_space<hbm>>
    %dma_start3A_732 = arith.constant 0 : i32
    %dma_start3A_733 = tpu.memref_slice %arg4[%add3A_724, %dma_start3A_732] : memref<131072x64xf32, #tpu.memory_space<hbm>> -> memref<128x64xf32, #tpu.memory_space<hbm>>
    %dma_start3A_734 = arith.constant 0 : i32
    %dma_start3A_735 = arith.constant 0 : i32
    %dma_start3A_736 = tpu.memref_slice %arg6[%dma_start3A_725, %dma_start3A_734, %dma_start3A_735] : memref<4x128x64xf32, #tpu.memory_space<vmem>> -> memref<1x128x64xf32, #tpu.memory_space<vmem>>
    %dma_start3A_737 = tpu.memref_squeeze %dma_start3A_736 : memref<1x128x64xf32, #tpu.memory_space<vmem>> -> memref<128x64xf32, #tpu.memory_space<vmem>>
    tpu.enqueue_dma source(%dma_start3A_737 : memref<128x64xf32, #tpu.memory_space<vmem>>) target(%dma_start3A_733 : memref<128x64xf32, #tpu.memory_space<hbm>>) target_semaphore(%arg13 : memref<!tpu.dma_semaphore, #tpu.memory_space<semaphore_mem>>)
    %dma_wait3A_738 = arith.constant 2 : i32
    %dma_wait3A_739 = arith.constant 0 : i32
    %dma_wait3A_740 = arith.constant 0 : i32
    %dma_wait3A_741 = tpu.memref_slice %arg6[%dma_wait3A_738, %dma_wait3A_739, %dma_wait3A_740] : memref<4x128x64xf32, #tpu.memory_space<vmem>> -> memref<1x128x64xf32, #tpu.memory_space<vmem>>
    %dma_wait3A_742 = tpu.memref_squeeze %dma_wait3A_741 : memref<1x128x64xf32, #tpu.memory_space<vmem>> -> memref<128x64xf32, #tpu.memory_space<vmem>>
    %dma_wait3A_743 = arith.constant 0 : i32
    %dma_wait3A_744 = tpu.memref_slice %arg4[%add3A_724, %dma_wait3A_743] : memref<131072x64xf32, #tpu.memory_space<hbm>> -> memref<128x64xf32, #tpu.memory_space<hbm>>
    %dma_wait3A_745 = arith.constant 0 : i32
    %dma_wait3A_746 = tpu.memref_slice %arg4[%add3A_724, %dma_wait3A_745] : memref<131072x64xf32, #tpu.memory_space<hbm>> -> memref<128x64xf32, #tpu.memory_space<hbm>>
    %dma_wait3A_747 = arith.constant 0 : i32
    %dma_wait3A_748 = arith.constant 0 : i32
    %dma_wait3A_749 = tpu.memref_slice %arg6[%dma_wait3A_738, %dma_wait3A_747, %dma_wait3A_748] : memref<4x128x64xf32, #tpu.memory_space<vmem>> -> memref<1x128x64xf32, #tpu.memory_space<vmem>>
    %dma_wait3A_750 = tpu.memref_squeeze %dma_wait3A_749 : memref<1x128x64xf32, #tpu.memory_space<vmem>> -> memref<128x64xf32, #tpu.memory_space<vmem>>
    tpu.wait_dma2 semaphore(%arg13 : memref<!tpu.dma_semaphore, #tpu.memory_space<semaphore_mem>>) src(%dma_wait3A_750 : memref<128x64xf32, #tpu.memory_space<vmem>>) dst(%dma_wait3A_746 : memref<128x64xf32, #tpu.memory_space<hbm>>)
    %dma_start3A_751 = arith.constant 2 : i32
    %dma_start3A_752 = arith.constant 0 : i32
    %dma_start3A_753 = arith.constant 0 : i32
    %dma_start3A_754 = tpu.memref_slice %arg6[%dma_start3A_751, %dma_start3A_752, %dma_start3A_753] : memref<4x128x64xf32, #tpu.memory_space<vmem>> -> memref<1x128x64xf32, #tpu.memory_space<vmem>>
    %dma_start3A_755 = tpu.memref_squeeze %dma_start3A_754 : memref<1x128x64xf32, #tpu.memory_space<vmem>> -> memref<128x64xf32, #tpu.memory_space<vmem>>
    %dma_start3A_756 = arith.constant 2304 : i32
    %dma_start3A_757 = tpu.memref_slice %arg5[%dma_start3A_756] : memref<4096xi32, #tpu.memory_space<vmem>> -> memref<128xi32, #tpu.memory_space<vmem>>
    %dma_start3A_758 = arith.constant 0 : i32
    %dma_start3A_759 = arith.constant 0 : i32
    %dma_start3A_760 = tpu.memref_slice %arg2[%dma_start3A_758, %dma_start3A_759] : memref<4096x64xf32, #tpu.memory_space<hbm>> -> memref<4096x64xf32, #tpu.memory_space<hbm>>
    tpu.enqueue_indirect_dma source(%dma_start3A_760 : memref<4096x64xf32, #tpu.memory_space<hbm>>) target(%dma_start3A_755 : memref<128x64xf32, #tpu.memory_space<vmem>>) offsets(%dma_start3A_757 : memref<128xi32, #tpu.memory_space<vmem>>) semaphore(%arg9 : memref<!tpu.dma_semaphore, #tpu.memory_space<semaphore_mem>>)
    %dma_wait3A_761 = arith.constant 3 : i32
    %dma_wait3A_762 = arith.constant 0 : i32
    %dma_wait3A_763 = arith.constant 0 : i32
    %dma_wait3A_764 = tpu.memref_slice %arg6[%dma_wait3A_761, %dma_wait3A_762, %dma_wait3A_763] : memref<4x128x64xf32, #tpu.memory_space<vmem>> -> memref<1x128x64xf32, #tpu.memory_space<vmem>>
    %dma_wait3A_765 = tpu.memref_squeeze %dma_wait3A_764 : memref<1x128x64xf32, #tpu.memory_space<vmem>> -> memref<128x64xf32, #tpu.memory_space<vmem>>
    %dma_wait3A_766 = arith.constant 1920 : i32
    %dma_wait3A_767 = tpu.memref_slice %arg5[%dma_wait3A_766] : memref<4096xi32, #tpu.memory_space<vmem>> -> memref<128xi32, #tpu.memory_space<vmem>>
    %dma_wait3A_768 = arith.constant 0 : i32
    %dma_wait3A_769 = arith.constant 0 : i32
    %dma_wait3A_770 = tpu.memref_slice %arg2[%dma_wait3A_768, %dma_wait3A_769] : memref<4096x64xf32, #tpu.memory_space<hbm>> -> memref<4096x64xf32, #tpu.memory_space<hbm>>
    tpu.wait_indirect_dma semaphore(%arg10 : memref<!tpu.dma_semaphore, #tpu.memory_space<semaphore_mem>>) src(%dma_wait3A_770 : memref<4096x64xf32, #tpu.memory_space<hbm>>) dst(%dma_wait3A_765 : memref<128x64xf32, #tpu.memory_space<vmem>>)
    %add3A_771 = arith.constant 1920 : i32
    %add3A_772 = arith.addi %mul3A_2, %add3A_771 : i32
    %dma_start3A_773 = arith.constant 3 : i32
    %dma_start3A_774 = arith.constant 0 : i32
    %dma_start3A_775 = arith.constant 0 : i32
    %dma_start3A_776 = tpu.memref_slice %arg6[%dma_start3A_773, %dma_start3A_774, %dma_start3A_775] : memref<4x128x64xf32, #tpu.memory_space<vmem>> -> memref<1x128x64xf32, #tpu.memory_space<vmem>>
    %dma_start3A_777 = tpu.memref_squeeze %dma_start3A_776 : memref<1x128x64xf32, #tpu.memory_space<vmem>> -> memref<128x64xf32, #tpu.memory_space<vmem>>
    %dma_start3A_778 = arith.constant 0 : i32
    %dma_start3A_779 = tpu.memref_slice %arg4[%add3A_772, %dma_start3A_778] : memref<131072x64xf32, #tpu.memory_space<hbm>> -> memref<128x64xf32, #tpu.memory_space<hbm>>
    %dma_start3A_780 = arith.constant 0 : i32
    %dma_start3A_781 = tpu.memref_slice %arg4[%add3A_772, %dma_start3A_780] : memref<131072x64xf32, #tpu.memory_space<hbm>> -> memref<128x64xf32, #tpu.memory_space<hbm>>
    %dma_start3A_782 = arith.constant 0 : i32
    %dma_start3A_783 = arith.constant 0 : i32
    %dma_start3A_784 = tpu.memref_slice %arg6[%dma_start3A_773, %dma_start3A_782, %dma_start3A_783] : memref<4x128x64xf32, #tpu.memory_space<vmem>> -> memref<1x128x64xf32, #tpu.memory_space<vmem>>
    %dma_start3A_785 = tpu.memref_squeeze %dma_start3A_784 : memref<1x128x64xf32, #tpu.memory_space<vmem>> -> memref<128x64xf32, #tpu.memory_space<vmem>>
    tpu.enqueue_dma source(%dma_start3A_785 : memref<128x64xf32, #tpu.memory_space<vmem>>) target(%dma_start3A_781 : memref<128x64xf32, #tpu.memory_space<hbm>>) target_semaphore(%arg14 : memref<!tpu.dma_semaphore, #tpu.memory_space<semaphore_mem>>)
    %dma_wait3A_786 = arith.constant 3 : i32
    %dma_wait3A_787 = arith.constant 0 : i32
    %dma_wait3A_788 = arith.constant 0 : i32
    %dma_wait3A_789 = tpu.memref_slice %arg6[%dma_wait3A_786, %dma_wait3A_787, %dma_wait3A_788] : memref<4x128x64xf32, #tpu.memory_space<vmem>> -> memref<1x128x64xf32, #tpu.memory_space<vmem>>
    %dma_wait3A_790 = tpu.memref_squeeze %dma_wait3A_789 : memref<1x128x64xf32, #tpu.memory_space<vmem>> -> memref<128x64xf32, #tpu.memory_space<vmem>>
    %dma_wait3A_791 = arith.constant 0 : i32
    %dma_wait3A_792 = tpu.memref_slice %arg4[%add3A_772, %dma_wait3A_791] : memref<131072x64xf32, #tpu.memory_space<hbm>> -> memref<128x64xf32, #tpu.memory_space<hbm>>
    %dma_wait3A_793 = arith.constant 0 : i32
    %dma_wait3A_794 = tpu.memref_slice %arg4[%add3A_772, %dma_wait3A_793] : memref<131072x64xf32, #tpu.memory_space<hbm>> -> memref<128x64xf32, #tpu.memory_space<hbm>>
    %dma_wait3A_795 = arith.constant 0 : i32
    %dma_wait3A_796 = arith.constant 0 : i32
    %dma_wait3A_797 = tpu.memref_slice %arg6[%dma_wait3A_786, %dma_wait3A_795, %dma_wait3A_796] : memref<4x128x64xf32, #tpu.memory_space<vmem>> -> memref<1x128x64xf32, #tpu.memory_space<vmem>>
    %dma_wait3A_798 = tpu.memref_squeeze %dma_wait3A_797 : memref<1x128x64xf32, #tpu.memory_space<vmem>> -> memref<128x64xf32, #tpu.memory_space<vmem>>
    tpu.wait_dma2 semaphore(%arg14 : memref<!tpu.dma_semaphore, #tpu.memory_space<semaphore_mem>>) src(%dma_wait3A_798 : memref<128x64xf32, #tpu.memory_space<vmem>>) dst(%dma_wait3A_794 : memref<128x64xf32, #tpu.memory_space<hbm>>)
    %dma_start3A_799 = arith.constant 3 : i32
    %dma_start3A_800 = arith.constant 0 : i32
    %dma_start3A_801 = arith.constant 0 : i32
    %dma_start3A_802 = tpu.memref_slice %arg6[%dma_start3A_799, %dma_start3A_800, %dma_start3A_801] : memref<4x128x64xf32, #tpu.memory_space<vmem>> -> memref<1x128x64xf32, #tpu.memory_space<vmem>>
    %dma_start3A_803 = tpu.memref_squeeze %dma_start3A_802 : memref<1x128x64xf32, #tpu.memory_space<vmem>> -> memref<128x64xf32, #tpu.memory_space<vmem>>
    %dma_start3A_804 = arith.constant 2432 : i32
    %dma_start3A_805 = tpu.memref_slice %arg5[%dma_start3A_804] : memref<4096xi32, #tpu.memory_space<vmem>> -> memref<128xi32, #tpu.memory_space<vmem>>
    %dma_start3A_806 = arith.constant 0 : i32
    %dma_start3A_807 = arith.constant 0 : i32
    %dma_start3A_808 = tpu.memref_slice %arg2[%dma_start3A_806, %dma_start3A_807] : memref<4096x64xf32, #tpu.memory_space<hbm>> -> memref<4096x64xf32, #tpu.memory_space<hbm>>
    tpu.enqueue_indirect_dma source(%dma_start3A_808 : memref<4096x64xf32, #tpu.memory_space<hbm>>) target(%dma_start3A_803 : memref<128x64xf32, #tpu.memory_space<vmem>>) offsets(%dma_start3A_805 : memref<128xi32, #tpu.memory_space<vmem>>) semaphore(%arg10 : memref<!tpu.dma_semaphore, #tpu.memory_space<semaphore_mem>>)
    %dma_wait3A_809 = arith.constant 0 : i32
    %dma_wait3A_810 = arith.constant 0 : i32
    %dma_wait3A_811 = arith.constant 0 : i32
    %dma_wait3A_812 = tpu.memref_slice %arg6[%dma_wait3A_809, %dma_wait3A_810, %dma_wait3A_811] : memref<4x128x64xf32, #tpu.memory_space<vmem>> -> memref<1x128x64xf32, #tpu.memory_space<vmem>>
    %dma_wait3A_813 = tpu.memref_squeeze %dma_wait3A_812 : memref<1x128x64xf32, #tpu.memory_space<vmem>> -> memref<128x64xf32, #tpu.memory_space<vmem>>
    %dma_wait3A_814 = arith.constant 2048 : i32
    %dma_wait3A_815 = tpu.memref_slice %arg5[%dma_wait3A_814] : memref<4096xi32, #tpu.memory_space<vmem>> -> memref<128xi32, #tpu.memory_space<vmem>>
    %dma_wait3A_816 = arith.constant 0 : i32
    %dma_wait3A_817 = arith.constant 0 : i32
    %dma_wait3A_818 = tpu.memref_slice %arg2[%dma_wait3A_816, %dma_wait3A_817] : memref<4096x64xf32, #tpu.memory_space<hbm>> -> memref<4096x64xf32, #tpu.memory_space<hbm>>
    tpu.wait_indirect_dma semaphore(%arg7 : memref<!tpu.dma_semaphore, #tpu.memory_space<semaphore_mem>>) src(%dma_wait3A_818 : memref<4096x64xf32, #tpu.memory_space<hbm>>) dst(%dma_wait3A_813 : memref<128x64xf32, #tpu.memory_space<vmem>>)
    %add3A_819 = arith.constant 2048 : i32
    %add3A_820 = arith.addi %mul3A_2, %add3A_819 : i32
    %dma_start3A_821 = arith.constant 0 : i32
    %dma_start3A_822 = arith.constant 0 : i32
    %dma_start3A_823 = arith.constant 0 : i32
    %dma_start3A_824 = tpu.memref_slice %arg6[%dma_start3A_821, %dma_start3A_822, %dma_start3A_823] : memref<4x128x64xf32, #tpu.memory_space<vmem>> -> memref<1x128x64xf32, #tpu.memory_space<vmem>>
    %dma_start3A_825 = tpu.memref_squeeze %dma_start3A_824 : memref<1x128x64xf32, #tpu.memory_space<vmem>> -> memref<128x64xf32, #tpu.memory_space<vmem>>
    %dma_start3A_826 = arith.constant 0 : i32
    %dma_start3A_827 = tpu.memref_slice %arg4[%add3A_820, %dma_start3A_826] : memref<131072x64xf32, #tpu.memory_space<hbm>> -> memref<128x64xf32, #tpu.memory_space<hbm>>
    %dma_start3A_828 = arith.constant 0 : i32
    %dma_start3A_829 = tpu.memref_slice %arg4[%add3A_820, %dma_start3A_828] : memref<131072x64xf32, #tpu.memory_space<hbm>> -> memref<128x64xf32, #tpu.memory_space<hbm>>
    %dma_start3A_830 = arith.constant 0 : i32
    %dma_start3A_831 = arith.constant 0 : i32
    %dma_start3A_832 = tpu.memref_slice %arg6[%dma_start3A_821, %dma_start3A_830, %dma_start3A_831] : memref<4x128x64xf32, #tpu.memory_space<vmem>> -> memref<1x128x64xf32, #tpu.memory_space<vmem>>
    %dma_start3A_833 = tpu.memref_squeeze %dma_start3A_832 : memref<1x128x64xf32, #tpu.memory_space<vmem>> -> memref<128x64xf32, #tpu.memory_space<vmem>>
    tpu.enqueue_dma source(%dma_start3A_833 : memref<128x64xf32, #tpu.memory_space<vmem>>) target(%dma_start3A_829 : memref<128x64xf32, #tpu.memory_space<hbm>>) target_semaphore(%arg11 : memref<!tpu.dma_semaphore, #tpu.memory_space<semaphore_mem>>)
    %dma_wait3A_834 = arith.constant 0 : i32
    %dma_wait3A_835 = arith.constant 0 : i32
    %dma_wait3A_836 = arith.constant 0 : i32
    %dma_wait3A_837 = tpu.memref_slice %arg6[%dma_wait3A_834, %dma_wait3A_835, %dma_wait3A_836] : memref<4x128x64xf32, #tpu.memory_space<vmem>> -> memref<1x128x64xf32, #tpu.memory_space<vmem>>
    %dma_wait3A_838 = tpu.memref_squeeze %dma_wait3A_837 : memref<1x128x64xf32, #tpu.memory_space<vmem>> -> memref<128x64xf32, #tpu.memory_space<vmem>>
    %dma_wait3A_839 = arith.constant 0 : i32
    %dma_wait3A_840 = tpu.memref_slice %arg4[%add3A_820, %dma_wait3A_839] : memref<131072x64xf32, #tpu.memory_space<hbm>> -> memref<128x64xf32, #tpu.memory_space<hbm>>
    %dma_wait3A_841 = arith.constant 0 : i32
    %dma_wait3A_842 = tpu.memref_slice %arg4[%add3A_820, %dma_wait3A_841] : memref<131072x64xf32, #tpu.memory_space<hbm>> -> memref<128x64xf32, #tpu.memory_space<hbm>>
    %dma_wait3A_843 = arith.constant 0 : i32
    %dma_wait3A_844 = arith.constant 0 : i32
    %dma_wait3A_845 = tpu.memref_slice %arg6[%dma_wait3A_834, %dma_wait3A_843, %dma_wait3A_844] : memref<4x128x64xf32, #tpu.memory_space<vmem>> -> memref<1x128x64xf32, #tpu.memory_space<vmem>>
    %dma_wait3A_846 = tpu.memref_squeeze %dma_wait3A_845 : memref<1x128x64xf32, #tpu.memory_space<vmem>> -> memref<128x64xf32, #tpu.memory_space<vmem>>
    tpu.wait_dma2 semaphore(%arg11 : memref<!tpu.dma_semaphore, #tpu.memory_space<semaphore_mem>>) src(%dma_wait3A_846 : memref<128x64xf32, #tpu.memory_space<vmem>>) dst(%dma_wait3A_842 : memref<128x64xf32, #tpu.memory_space<hbm>>)
    %dma_start3A_847 = arith.constant 0 : i32
    %dma_start3A_848 = arith.constant 0 : i32
    %dma_start3A_849 = arith.constant 0 : i32
    %dma_start3A_850 = tpu.memref_slice %arg6[%dma_start3A_847, %dma_start3A_848, %dma_start3A_849] : memref<4x128x64xf32, #tpu.memory_space<vmem>> -> memref<1x128x64xf32, #tpu.memory_space<vmem>>
    %dma_start3A_851 = tpu.memref_squeeze %dma_start3A_850 : memref<1x128x64xf32, #tpu.memory_space<vmem>> -> memref<128x64xf32, #tpu.memory_space<vmem>>
    %dma_start3A_852 = arith.constant 2560 : i32
    %dma_start3A_853 = tpu.memref_slice %arg5[%dma_start3A_852] : memref<4096xi32, #tpu.memory_space<vmem>> -> memref<128xi32, #tpu.memory_space<vmem>>
    %dma_start3A_854 = arith.constant 0 : i32
    %dma_start3A_855 = arith.constant 0 : i32
    %dma_start3A_856 = tpu.memref_slice %arg2[%dma_start3A_854, %dma_start3A_855] : memref<4096x64xf32, #tpu.memory_space<hbm>> -> memref<4096x64xf32, #tpu.memory_space<hbm>>
    tpu.enqueue_indirect_dma source(%dma_start3A_856 : memref<4096x64xf32, #tpu.memory_space<hbm>>) target(%dma_start3A_851 : memref<128x64xf32, #tpu.memory_space<vmem>>) offsets(%dma_start3A_853 : memref<128xi32, #tpu.memory_space<vmem>>) semaphore(%arg7 : memref<!tpu.dma_semaphore, #tpu.memory_space<semaphore_mem>>)
    %dma_wait3A_857 = arith.constant 1 : i32
    %dma_wait3A_858 = arith.constant 0 : i32
    %dma_wait3A_859 = arith.constant 0 : i32
    %dma_wait3A_860 = tpu.memref_slice %arg6[%dma_wait3A_857, %dma_wait3A_858, %dma_wait3A_859] : memref<4x128x64xf32, #tpu.memory_space<vmem>> -> memref<1x128x64xf32, #tpu.memory_space<vmem>>
    %dma_wait3A_861 = tpu.memref_squeeze %dma_wait3A_860 : memref<1x128x64xf32, #tpu.memory_space<vmem>> -> memref<128x64xf32, #tpu.memory_space<vmem>>
    %dma_wait3A_862 = arith.constant 2176 : i32
    %dma_wait3A_863 = tpu.memref_slice %arg5[%dma_wait3A_862] : memref<4096xi32, #tpu.memory_space<vmem>> -> memref<128xi32, #tpu.memory_space<vmem>>
    %dma_wait3A_864 = arith.constant 0 : i32
    %dma_wait3A_865 = arith.constant 0 : i32
    %dma_wait3A_866 = tpu.memref_slice %arg2[%dma_wait3A_864, %dma_wait3A_865] : memref<4096x64xf32, #tpu.memory_space<hbm>> -> memref<4096x64xf32, #tpu.memory_space<hbm>>
    tpu.wait_indirect_dma semaphore(%arg8 : memref<!tpu.dma_semaphore, #tpu.memory_space<semaphore_mem>>) src(%dma_wait3A_866 : memref<4096x64xf32, #tpu.memory_space<hbm>>) dst(%dma_wait3A_861 : memref<128x64xf32, #tpu.memory_space<vmem>>)
    %add3A_867 = arith.constant 2176 : i32
    %add3A_868 = arith.addi %mul3A_2, %add3A_867 : i32
    %dma_start3A_869 = arith.constant 1 : i32
    %dma_start3A_870 = arith.constant 0 : i32
    %dma_start3A_871 = arith.constant 0 : i32
    %dma_start3A_872 = tpu.memref_slice %arg6[%dma_start3A_869, %dma_start3A_870, %dma_start3A_871] : memref<4x128x64xf32, #tpu.memory_space<vmem>> -> memref<1x128x64xf32, #tpu.memory_space<vmem>>
    %dma_start3A_873 = tpu.memref_squeeze %dma_start3A_872 : memref<1x128x64xf32, #tpu.memory_space<vmem>> -> memref<128x64xf32, #tpu.memory_space<vmem>>
    %dma_start3A_874 = arith.constant 0 : i32
    %dma_start3A_875 = tpu.memref_slice %arg4[%add3A_868, %dma_start3A_874] : memref<131072x64xf32, #tpu.memory_space<hbm>> -> memref<128x64xf32, #tpu.memory_space<hbm>>
    %dma_start3A_876 = arith.constant 0 : i32
    %dma_start3A_877 = tpu.memref_slice %arg4[%add3A_868, %dma_start3A_876] : memref<131072x64xf32, #tpu.memory_space<hbm>> -> memref<128x64xf32, #tpu.memory_space<hbm>>
    %dma_start3A_878 = arith.constant 0 : i32
    %dma_start3A_879 = arith.constant 0 : i32
    %dma_start3A_880 = tpu.memref_slice %arg6[%dma_start3A_869, %dma_start3A_878, %dma_start3A_879] : memref<4x128x64xf32, #tpu.memory_space<vmem>> -> memref<1x128x64xf32, #tpu.memory_space<vmem>>
    %dma_start3A_881 = tpu.memref_squeeze %dma_start3A_880 : memref<1x128x64xf32, #tpu.memory_space<vmem>> -> memref<128x64xf32, #tpu.memory_space<vmem>>
    tpu.enqueue_dma source(%dma_start3A_881 : memref<128x64xf32, #tpu.memory_space<vmem>>) target(%dma_start3A_877 : memref<128x64xf32, #tpu.memory_space<hbm>>) target_semaphore(%arg12 : memref<!tpu.dma_semaphore, #tpu.memory_space<semaphore_mem>>)
    %dma_wait3A_882 = arith.constant 1 : i32
    %dma_wait3A_883 = arith.constant 0 : i32
    %dma_wait3A_884 = arith.constant 0 : i32
    %dma_wait3A_885 = tpu.memref_slice %arg6[%dma_wait3A_882, %dma_wait3A_883, %dma_wait3A_884] : memref<4x128x64xf32, #tpu.memory_space<vmem>> -> memref<1x128x64xf32, #tpu.memory_space<vmem>>
    %dma_wait3A_886 = tpu.memref_squeeze %dma_wait3A_885 : memref<1x128x64xf32, #tpu.memory_space<vmem>> -> memref<128x64xf32, #tpu.memory_space<vmem>>
    %dma_wait3A_887 = arith.constant 0 : i32
    %dma_wait3A_888 = tpu.memref_slice %arg4[%add3A_868, %dma_wait3A_887] : memref<131072x64xf32, #tpu.memory_space<hbm>> -> memref<128x64xf32, #tpu.memory_space<hbm>>
    %dma_wait3A_889 = arith.constant 0 : i32
    %dma_wait3A_890 = tpu.memref_slice %arg4[%add3A_868, %dma_wait3A_889] : memref<131072x64xf32, #tpu.memory_space<hbm>> -> memref<128x64xf32, #tpu.memory_space<hbm>>
    %dma_wait3A_891 = arith.constant 0 : i32
    %dma_wait3A_892 = arith.constant 0 : i32
    %dma_wait3A_893 = tpu.memref_slice %arg6[%dma_wait3A_882, %dma_wait3A_891, %dma_wait3A_892] : memref<4x128x64xf32, #tpu.memory_space<vmem>> -> memref<1x128x64xf32, #tpu.memory_space<vmem>>
    %dma_wait3A_894 = tpu.memref_squeeze %dma_wait3A_893 : memref<1x128x64xf32, #tpu.memory_space<vmem>> -> memref<128x64xf32, #tpu.memory_space<vmem>>
    tpu.wait_dma2 semaphore(%arg12 : memref<!tpu.dma_semaphore, #tpu.memory_space<semaphore_mem>>) src(%dma_wait3A_894 : memref<128x64xf32, #tpu.memory_space<vmem>>) dst(%dma_wait3A_890 : memref<128x64xf32, #tpu.memory_space<hbm>>)
    %dma_start3A_895 = arith.constant 1 : i32
    %dma_start3A_896 = arith.constant 0 : i32
    %dma_start3A_897 = arith.constant 0 : i32
    %dma_start3A_898 = tpu.memref_slice %arg6[%dma_start3A_895, %dma_start3A_896, %dma_start3A_897] : memref<4x128x64xf32, #tpu.memory_space<vmem>> -> memref<1x128x64xf32, #tpu.memory_space<vmem>>
    %dma_start3A_899 = tpu.memref_squeeze %dma_start3A_898 : memref<1x128x64xf32, #tpu.memory_space<vmem>> -> memref<128x64xf32, #tpu.memory_space<vmem>>
    %dma_start3A_900 = arith.constant 2688 : i32
    %dma_start3A_901 = tpu.memref_slice %arg5[%dma_start3A_900] : memref<4096xi32, #tpu.memory_space<vmem>> -> memref<128xi32, #tpu.memory_space<vmem>>
    %dma_start3A_902 = arith.constant 0 : i32
    %dma_start3A_903 = arith.constant 0 : i32
    %dma_start3A_904 = tpu.memref_slice %arg2[%dma_start3A_902, %dma_start3A_903] : memref<4096x64xf32, #tpu.memory_space<hbm>> -> memref<4096x64xf32, #tpu.memory_space<hbm>>
    tpu.enqueue_indirect_dma source(%dma_start3A_904 : memref<4096x64xf32, #tpu.memory_space<hbm>>) target(%dma_start3A_899 : memref<128x64xf32, #tpu.memory_space<vmem>>) offsets(%dma_start3A_901 : memref<128xi32, #tpu.memory_space<vmem>>) semaphore(%arg8 : memref<!tpu.dma_semaphore, #tpu.memory_space<semaphore_mem>>)
    %dma_wait3A_905 = arith.constant 2 : i32
    %dma_wait3A_906 = arith.constant 0 : i32
    %dma_wait3A_907 = arith.constant 0 : i32
    %dma_wait3A_908 = tpu.memref_slice %arg6[%dma_wait3A_905, %dma_wait3A_906, %dma_wait3A_907] : memref<4x128x64xf32, #tpu.memory_space<vmem>> -> memref<1x128x64xf32, #tpu.memory_space<vmem>>
    %dma_wait3A_909 = tpu.memref_squeeze %dma_wait3A_908 : memref<1x128x64xf32, #tpu.memory_space<vmem>> -> memref<128x64xf32, #tpu.memory_space<vmem>>
    %dma_wait3A_910 = arith.constant 2304 : i32
    %dma_wait3A_911 = tpu.memref_slice %arg5[%dma_wait3A_910] : memref<4096xi32, #tpu.memory_space<vmem>> -> memref<128xi32, #tpu.memory_space<vmem>>
    %dma_wait3A_912 = arith.constant 0 : i32
    %dma_wait3A_913 = arith.constant 0 : i32
    %dma_wait3A_914 = tpu.memref_slice %arg2[%dma_wait3A_912, %dma_wait3A_913] : memref<4096x64xf32, #tpu.memory_space<hbm>> -> memref<4096x64xf32, #tpu.memory_space<hbm>>
    tpu.wait_indirect_dma semaphore(%arg9 : memref<!tpu.dma_semaphore, #tpu.memory_space<semaphore_mem>>) src(%dma_wait3A_914 : memref<4096x64xf32, #tpu.memory_space<hbm>>) dst(%dma_wait3A_909 : memref<128x64xf32, #tpu.memory_space<vmem>>)
    %add3A_915 = arith.constant 2304 : i32
    %add3A_916 = arith.addi %mul3A_2, %add3A_915 : i32
    %dma_start3A_917 = arith.constant 2 : i32
    %dma_start3A_918 = arith.constant 0 : i32
    %dma_start3A_919 = arith.constant 0 : i32
    %dma_start3A_920 = tpu.memref_slice %arg6[%dma_start3A_917, %dma_start3A_918, %dma_start3A_919] : memref<4x128x64xf32, #tpu.memory_space<vmem>> -> memref<1x128x64xf32, #tpu.memory_space<vmem>>
    %dma_start3A_921 = tpu.memref_squeeze %dma_start3A_920 : memref<1x128x64xf32, #tpu.memory_space<vmem>> -> memref<128x64xf32, #tpu.memory_space<vmem>>
    %dma_start3A_922 = arith.constant 0 : i32
    %dma_start3A_923 = tpu.memref_slice %arg4[%add3A_916, %dma_start3A_922] : memref<131072x64xf32, #tpu.memory_space<hbm>> -> memref<128x64xf32, #tpu.memory_space<hbm>>
    %dma_start3A_924 = arith.constant 0 : i32
    %dma_start3A_925 = tpu.memref_slice %arg4[%add3A_916, %dma_start3A_924] : memref<131072x64xf32, #tpu.memory_space<hbm>> -> memref<128x64xf32, #tpu.memory_space<hbm>>
    %dma_start3A_926 = arith.constant 0 : i32
    %dma_start3A_927 = arith.constant 0 : i32
    %dma_start3A_928 = tpu.memref_slice %arg6[%dma_start3A_917, %dma_start3A_926, %dma_start3A_927] : memref<4x128x64xf32, #tpu.memory_space<vmem>> -> memref<1x128x64xf32, #tpu.memory_space<vmem>>
    %dma_start3A_929 = tpu.memref_squeeze %dma_start3A_928 : memref<1x128x64xf32, #tpu.memory_space<vmem>> -> memref<128x64xf32, #tpu.memory_space<vmem>>
    tpu.enqueue_dma source(%dma_start3A_929 : memref<128x64xf32, #tpu.memory_space<vmem>>) target(%dma_start3A_925 : memref<128x64xf32, #tpu.memory_space<hbm>>) target_semaphore(%arg13 : memref<!tpu.dma_semaphore, #tpu.memory_space<semaphore_mem>>)
    %dma_wait3A_930 = arith.constant 2 : i32
    %dma_wait3A_931 = arith.constant 0 : i32
    %dma_wait3A_932 = arith.constant 0 : i32
    %dma_wait3A_933 = tpu.memref_slice %arg6[%dma_wait3A_930, %dma_wait3A_931, %dma_wait3A_932] : memref<4x128x64xf32, #tpu.memory_space<vmem>> -> memref<1x128x64xf32, #tpu.memory_space<vmem>>
    %dma_wait3A_934 = tpu.memref_squeeze %dma_wait3A_933 : memref<1x128x64xf32, #tpu.memory_space<vmem>> -> memref<128x64xf32, #tpu.memory_space<vmem>>
    %dma_wait3A_935 = arith.constant 0 : i32
    %dma_wait3A_936 = tpu.memref_slice %arg4[%add3A_916, %dma_wait3A_935] : memref<131072x64xf32, #tpu.memory_space<hbm>> -> memref<128x64xf32, #tpu.memory_space<hbm>>
    %dma_wait3A_937 = arith.constant 0 : i32
    %dma_wait3A_938 = tpu.memref_slice %arg4[%add3A_916, %dma_wait3A_937] : memref<131072x64xf32, #tpu.memory_space<hbm>> -> memref<128x64xf32, #tpu.memory_space<hbm>>
    %dma_wait3A_939 = arith.constant 0 : i32
    %dma_wait3A_940 = arith.constant 0 : i32
    %dma_wait3A_941 = tpu.memref_slice %arg6[%dma_wait3A_930, %dma_wait3A_939, %dma_wait3A_940] : memref<4x128x64xf32, #tpu.memory_space<vmem>> -> memref<1x128x64xf32, #tpu.memory_space<vmem>>
    %dma_wait3A_942 = tpu.memref_squeeze %dma_wait3A_941 : memref<1x128x64xf32, #tpu.memory_space<vmem>> -> memref<128x64xf32, #tpu.memory_space<vmem>>
    tpu.wait_dma2 semaphore(%arg13 : memref<!tpu.dma_semaphore, #tpu.memory_space<semaphore_mem>>) src(%dma_wait3A_942 : memref<128x64xf32, #tpu.memory_space<vmem>>) dst(%dma_wait3A_938 : memref<128x64xf32, #tpu.memory_space<hbm>>)
    %dma_start3A_943 = arith.constant 2 : i32
    %dma_start3A_944 = arith.constant 0 : i32
    %dma_start3A_945 = arith.constant 0 : i32
    %dma_start3A_946 = tpu.memref_slice %arg6[%dma_start3A_943, %dma_start3A_944, %dma_start3A_945] : memref<4x128x64xf32, #tpu.memory_space<vmem>> -> memref<1x128x64xf32, #tpu.memory_space<vmem>>
    %dma_start3A_947 = tpu.memref_squeeze %dma_start3A_946 : memref<1x128x64xf32, #tpu.memory_space<vmem>> -> memref<128x64xf32, #tpu.memory_space<vmem>>
    %dma_start3A_948 = arith.constant 2816 : i32
    %dma_start3A_949 = tpu.memref_slice %arg5[%dma_start3A_948] : memref<4096xi32, #tpu.memory_space<vmem>> -> memref<128xi32, #tpu.memory_space<vmem>>
    %dma_start3A_950 = arith.constant 0 : i32
    %dma_start3A_951 = arith.constant 0 : i32
    %dma_start3A_952 = tpu.memref_slice %arg2[%dma_start3A_950, %dma_start3A_951] : memref<4096x64xf32, #tpu.memory_space<hbm>> -> memref<4096x64xf32, #tpu.memory_space<hbm>>
    tpu.enqueue_indirect_dma source(%dma_start3A_952 : memref<4096x64xf32, #tpu.memory_space<hbm>>) target(%dma_start3A_947 : memref<128x64xf32, #tpu.memory_space<vmem>>) offsets(%dma_start3A_949 : memref<128xi32, #tpu.memory_space<vmem>>) semaphore(%arg9 : memref<!tpu.dma_semaphore, #tpu.memory_space<semaphore_mem>>)
    %dma_wait3A_953 = arith.constant 3 : i32
    %dma_wait3A_954 = arith.constant 0 : i32
    %dma_wait3A_955 = arith.constant 0 : i32
    %dma_wait3A_956 = tpu.memref_slice %arg6[%dma_wait3A_953, %dma_wait3A_954, %dma_wait3A_955] : memref<4x128x64xf32, #tpu.memory_space<vmem>> -> memref<1x128x64xf32, #tpu.memory_space<vmem>>
    %dma_wait3A_957 = tpu.memref_squeeze %dma_wait3A_956 : memref<1x128x64xf32, #tpu.memory_space<vmem>> -> memref<128x64xf32, #tpu.memory_space<vmem>>
    %dma_wait3A_958 = arith.constant 2432 : i32
    %dma_wait3A_959 = tpu.memref_slice %arg5[%dma_wait3A_958] : memref<4096xi32, #tpu.memory_space<vmem>> -> memref<128xi32, #tpu.memory_space<vmem>>
    %dma_wait3A_960 = arith.constant 0 : i32
    %dma_wait3A_961 = arith.constant 0 : i32
    %dma_wait3A_962 = tpu.memref_slice %arg2[%dma_wait3A_960, %dma_wait3A_961] : memref<4096x64xf32, #tpu.memory_space<hbm>> -> memref<4096x64xf32, #tpu.memory_space<hbm>>
    tpu.wait_indirect_dma semaphore(%arg10 : memref<!tpu.dma_semaphore, #tpu.memory_space<semaphore_mem>>) src(%dma_wait3A_962 : memref<4096x64xf32, #tpu.memory_space<hbm>>) dst(%dma_wait3A_957 : memref<128x64xf32, #tpu.memory_space<vmem>>)
    %add3A_963 = arith.constant 2432 : i32
    %add3A_964 = arith.addi %mul3A_2, %add3A_963 : i32
    %dma_start3A_965 = arith.constant 3 : i32
    %dma_start3A_966 = arith.constant 0 : i32
    %dma_start3A_967 = arith.constant 0 : i32
    %dma_start3A_968 = tpu.memref_slice %arg6[%dma_start3A_965, %dma_start3A_966, %dma_start3A_967] : memref<4x128x64xf32, #tpu.memory_space<vmem>> -> memref<1x128x64xf32, #tpu.memory_space<vmem>>
    %dma_start3A_969 = tpu.memref_squeeze %dma_start3A_968 : memref<1x128x64xf32, #tpu.memory_space<vmem>> -> memref<128x64xf32, #tpu.memory_space<vmem>>
    %dma_start3A_970 = arith.constant 0 : i32
    %dma_start3A_971 = tpu.memref_slice %arg4[%add3A_964, %dma_start3A_970] : memref<131072x64xf32, #tpu.memory_space<hbm>> -> memref<128x64xf32, #tpu.memory_space<hbm>>
    %dma_start3A_972 = arith.constant 0 : i32
    %dma_start3A_973 = tpu.memref_slice %arg4[%add3A_964, %dma_start3A_972] : memref<131072x64xf32, #tpu.memory_space<hbm>> -> memref<128x64xf32, #tpu.memory_space<hbm>>
    %dma_start3A_974 = arith.constant 0 : i32
    %dma_start3A_975 = arith.constant 0 : i32
    %dma_start3A_976 = tpu.memref_slice %arg6[%dma_start3A_965, %dma_start3A_974, %dma_start3A_975] : memref<4x128x64xf32, #tpu.memory_space<vmem>> -> memref<1x128x64xf32, #tpu.memory_space<vmem>>
    %dma_start3A_977 = tpu.memref_squeeze %dma_start3A_976 : memref<1x128x64xf32, #tpu.memory_space<vmem>> -> memref<128x64xf32, #tpu.memory_space<vmem>>
    tpu.enqueue_dma source(%dma_start3A_977 : memref<128x64xf32, #tpu.memory_space<vmem>>) target(%dma_start3A_973 : memref<128x64xf32, #tpu.memory_space<hbm>>) target_semaphore(%arg14 : memref<!tpu.dma_semaphore, #tpu.memory_space<semaphore_mem>>)
    %dma_wait3A_978 = arith.constant 3 : i32
    %dma_wait3A_979 = arith.constant 0 : i32
    %dma_wait3A_980 = arith.constant 0 : i32
    %dma_wait3A_981 = tpu.memref_slice %arg6[%dma_wait3A_978, %dma_wait3A_979, %dma_wait3A_980] : memref<4x128x64xf32, #tpu.memory_space<vmem>> -> memref<1x128x64xf32, #tpu.memory_space<vmem>>
    %dma_wait3A_982 = tpu.memref_squeeze %dma_wait3A_981 : memref<1x128x64xf32, #tpu.memory_space<vmem>> -> memref<128x64xf32, #tpu.memory_space<vmem>>
    %dma_wait3A_983 = arith.constant 0 : i32
    %dma_wait3A_984 = tpu.memref_slice %arg4[%add3A_964, %dma_wait3A_983] : memref<131072x64xf32, #tpu.memory_space<hbm>> -> memref<128x64xf32, #tpu.memory_space<hbm>>
    %dma_wait3A_985 = arith.constant 0 : i32
    %dma_wait3A_986 = tpu.memref_slice %arg4[%add3A_964, %dma_wait3A_985] : memref<131072x64xf32, #tpu.memory_space<hbm>> -> memref<128x64xf32, #tpu.memory_space<hbm>>
    %dma_wait3A_987 = arith.constant 0 : i32
    %dma_wait3A_988 = arith.constant 0 : i32
    %dma_wait3A_989 = tpu.memref_slice %arg6[%dma_wait3A_978, %dma_wait3A_987, %dma_wait3A_988] : memref<4x128x64xf32, #tpu.memory_space<vmem>> -> memref<1x128x64xf32, #tpu.memory_space<vmem>>
    %dma_wait3A_990 = tpu.memref_squeeze %dma_wait3A_989 : memref<1x128x64xf32, #tpu.memory_space<vmem>> -> memref<128x64xf32, #tpu.memory_space<vmem>>
    tpu.wait_dma2 semaphore(%arg14 : memref<!tpu.dma_semaphore, #tpu.memory_space<semaphore_mem>>) src(%dma_wait3A_990 : memref<128x64xf32, #tpu.memory_space<vmem>>) dst(%dma_wait3A_986 : memref<128x64xf32, #tpu.memory_space<hbm>>)
    %dma_start3A_991 = arith.constant 3 : i32
    %dma_start3A_992 = arith.constant 0 : i32
    %dma_start3A_993 = arith.constant 0 : i32
    %dma_start3A_994 = tpu.memref_slice %arg6[%dma_start3A_991, %dma_start3A_992, %dma_start3A_993] : memref<4x128x64xf32, #tpu.memory_space<vmem>> -> memref<1x128x64xf32, #tpu.memory_space<vmem>>
    %dma_start3A_995 = tpu.memref_squeeze %dma_start3A_994 : memref<1x128x64xf32, #tpu.memory_space<vmem>> -> memref<128x64xf32, #tpu.memory_space<vmem>>
    %dma_start3A_996 = arith.constant 2944 : i32
    %dma_start3A_997 = tpu.memref_slice %arg5[%dma_start3A_996] : memref<4096xi32, #tpu.memory_space<vmem>> -> memref<128xi32, #tpu.memory_space<vmem>>
    %dma_start3A_998 = arith.constant 0 : i32
    %dma_start3A_999 = arith.constant 0 : i32
    %dma_start3A_1000 = tpu.memref_slice %arg2[%dma_start3A_998, %dma_start3A_999] : memref<4096x64xf32, #tpu.memory_space<hbm>> -> memref<4096x64xf32, #tpu.memory_space<hbm>>
    tpu.enqueue_indirect_dma source(%dma_start3A_1000 : memref<4096x64xf32, #tpu.memory_space<hbm>>) target(%dma_start3A_995 : memref<128x64xf32, #tpu.memory_space<vmem>>) offsets(%dma_start3A_997 : memref<128xi32, #tpu.memory_space<vmem>>) semaphore(%arg10 : memref<!tpu.dma_semaphore, #tpu.memory_space<semaphore_mem>>)
    %dma_wait3A_1001 = arith.constant 0 : i32
    %dma_wait3A_1002 = arith.constant 0 : i32
    %dma_wait3A_1003 = arith.constant 0 : i32
    %dma_wait3A_1004 = tpu.memref_slice %arg6[%dma_wait3A_1001, %dma_wait3A_1002, %dma_wait3A_1003] : memref<4x128x64xf32, #tpu.memory_space<vmem>> -> memref<1x128x64xf32, #tpu.memory_space<vmem>>
    %dma_wait3A_1005 = tpu.memref_squeeze %dma_wait3A_1004 : memref<1x128x64xf32, #tpu.memory_space<vmem>> -> memref<128x64xf32, #tpu.memory_space<vmem>>
    %dma_wait3A_1006 = arith.constant 2560 : i32
    %dma_wait3A_1007 = tpu.memref_slice %arg5[%dma_wait3A_1006] : memref<4096xi32, #tpu.memory_space<vmem>> -> memref<128xi32, #tpu.memory_space<vmem>>
    %dma_wait3A_1008 = arith.constant 0 : i32
    %dma_wait3A_1009 = arith.constant 0 : i32
    %dma_wait3A_1010 = tpu.memref_slice %arg2[%dma_wait3A_1008, %dma_wait3A_1009] : memref<4096x64xf32, #tpu.memory_space<hbm>> -> memref<4096x64xf32, #tpu.memory_space<hbm>>
    tpu.wait_indirect_dma semaphore(%arg7 : memref<!tpu.dma_semaphore, #tpu.memory_space<semaphore_mem>>) src(%dma_wait3A_1010 : memref<4096x64xf32, #tpu.memory_space<hbm>>) dst(%dma_wait3A_1005 : memref<128x64xf32, #tpu.memory_space<vmem>>)
    %add3A_1011 = arith.constant 2560 : i32
    %add3A_1012 = arith.addi %mul3A_2, %add3A_1011 : i32
    %dma_start3A_1013 = arith.constant 0 : i32
    %dma_start3A_1014 = arith.constant 0 : i32
    %dma_start3A_1015 = arith.constant 0 : i32
    %dma_start3A_1016 = tpu.memref_slice %arg6[%dma_start3A_1013, %dma_start3A_1014, %dma_start3A_1015] : memref<4x128x64xf32, #tpu.memory_space<vmem>> -> memref<1x128x64xf32, #tpu.memory_space<vmem>>
    %dma_start3A_1017 = tpu.memref_squeeze %dma_start3A_1016 : memref<1x128x64xf32, #tpu.memory_space<vmem>> -> memref<128x64xf32, #tpu.memory_space<vmem>>
    %dma_start3A_1018 = arith.constant 0 : i32
    %dma_start3A_1019 = tpu.memref_slice %arg4[%add3A_1012, %dma_start3A_1018] : memref<131072x64xf32, #tpu.memory_space<hbm>> -> memref<128x64xf32, #tpu.memory_space<hbm>>
    %dma_start3A_1020 = arith.constant 0 : i32
    %dma_start3A_1021 = tpu.memref_slice %arg4[%add3A_1012, %dma_start3A_1020] : memref<131072x64xf32, #tpu.memory_space<hbm>> -> memref<128x64xf32, #tpu.memory_space<hbm>>
    %dma_start3A_1022 = arith.constant 0 : i32
    %dma_start3A_1023 = arith.constant 0 : i32
    %dma_start3A_1024 = tpu.memref_slice %arg6[%dma_start3A_1013, %dma_start3A_1022, %dma_start3A_1023] : memref<4x128x64xf32, #tpu.memory_space<vmem>> -> memref<1x128x64xf32, #tpu.memory_space<vmem>>
    %dma_start3A_1025 = tpu.memref_squeeze %dma_start3A_1024 : memref<1x128x64xf32, #tpu.memory_space<vmem>> -> memref<128x64xf32, #tpu.memory_space<vmem>>
    tpu.enqueue_dma source(%dma_start3A_1025 : memref<128x64xf32, #tpu.memory_space<vmem>>) target(%dma_start3A_1021 : memref<128x64xf32, #tpu.memory_space<hbm>>) target_semaphore(%arg11 : memref<!tpu.dma_semaphore, #tpu.memory_space<semaphore_mem>>)
    %dma_wait3A_1026 = arith.constant 0 : i32
    %dma_wait3A_1027 = arith.constant 0 : i32
    %dma_wait3A_1028 = arith.constant 0 : i32
    %dma_wait3A_1029 = tpu.memref_slice %arg6[%dma_wait3A_1026, %dma_wait3A_1027, %dma_wait3A_1028] : memref<4x128x64xf32, #tpu.memory_space<vmem>> -> memref<1x128x64xf32, #tpu.memory_space<vmem>>
    %dma_wait3A_1030 = tpu.memref_squeeze %dma_wait3A_1029 : memref<1x128x64xf32, #tpu.memory_space<vmem>> -> memref<128x64xf32, #tpu.memory_space<vmem>>
    %dma_wait3A_1031 = arith.constant 0 : i32
    %dma_wait3A_1032 = tpu.memref_slice %arg4[%add3A_1012, %dma_wait3A_1031] : memref<131072x64xf32, #tpu.memory_space<hbm>> -> memref<128x64xf32, #tpu.memory_space<hbm>>
    %dma_wait3A_1033 = arith.constant 0 : i32
    %dma_wait3A_1034 = tpu.memref_slice %arg4[%add3A_1012, %dma_wait3A_1033] : memref<131072x64xf32, #tpu.memory_space<hbm>> -> memref<128x64xf32, #tpu.memory_space<hbm>>
    %dma_wait3A_1035 = arith.constant 0 : i32
    %dma_wait3A_1036 = arith.constant 0 : i32
    %dma_wait3A_1037 = tpu.memref_slice %arg6[%dma_wait3A_1026, %dma_wait3A_1035, %dma_wait3A_1036] : memref<4x128x64xf32, #tpu.memory_space<vmem>> -> memref<1x128x64xf32, #tpu.memory_space<vmem>>
    %dma_wait3A_1038 = tpu.memref_squeeze %dma_wait3A_1037 : memref<1x128x64xf32, #tpu.memory_space<vmem>> -> memref<128x64xf32, #tpu.memory_space<vmem>>
    tpu.wait_dma2 semaphore(%arg11 : memref<!tpu.dma_semaphore, #tpu.memory_space<semaphore_mem>>) src(%dma_wait3A_1038 : memref<128x64xf32, #tpu.memory_space<vmem>>) dst(%dma_wait3A_1034 : memref<128x64xf32, #tpu.memory_space<hbm>>)
    %dma_start3A_1039 = arith.constant 0 : i32
    %dma_start3A_1040 = arith.constant 0 : i32
    %dma_start3A_1041 = arith.constant 0 : i32
    %dma_start3A_1042 = tpu.memref_slice %arg6[%dma_start3A_1039, %dma_start3A_1040, %dma_start3A_1041] : memref<4x128x64xf32, #tpu.memory_space<vmem>> -> memref<1x128x64xf32, #tpu.memory_space<vmem>>
    %dma_start3A_1043 = tpu.memref_squeeze %dma_start3A_1042 : memref<1x128x64xf32, #tpu.memory_space<vmem>> -> memref<128x64xf32, #tpu.memory_space<vmem>>
    %dma_start3A_1044 = arith.constant 3072 : i32
    %dma_start3A_1045 = tpu.memref_slice %arg5[%dma_start3A_1044] : memref<4096xi32, #tpu.memory_space<vmem>> -> memref<128xi32, #tpu.memory_space<vmem>>
    %dma_start3A_1046 = arith.constant 0 : i32
    %dma_start3A_1047 = arith.constant 0 : i32
    %dma_start3A_1048 = tpu.memref_slice %arg2[%dma_start3A_1046, %dma_start3A_1047] : memref<4096x64xf32, #tpu.memory_space<hbm>> -> memref<4096x64xf32, #tpu.memory_space<hbm>>
    tpu.enqueue_indirect_dma source(%dma_start3A_1048 : memref<4096x64xf32, #tpu.memory_space<hbm>>) target(%dma_start3A_1043 : memref<128x64xf32, #tpu.memory_space<vmem>>) offsets(%dma_start3A_1045 : memref<128xi32, #tpu.memory_space<vmem>>) semaphore(%arg7 : memref<!tpu.dma_semaphore, #tpu.memory_space<semaphore_mem>>)
    %dma_wait3A_1049 = arith.constant 1 : i32
    %dma_wait3A_1050 = arith.constant 0 : i32
    %dma_wait3A_1051 = arith.constant 0 : i32
    %dma_wait3A_1052 = tpu.memref_slice %arg6[%dma_wait3A_1049, %dma_wait3A_1050, %dma_wait3A_1051] : memref<4x128x64xf32, #tpu.memory_space<vmem>> -> memref<1x128x64xf32, #tpu.memory_space<vmem>>
    %dma_wait3A_1053 = tpu.memref_squeeze %dma_wait3A_1052 : memref<1x128x64xf32, #tpu.memory_space<vmem>> -> memref<128x64xf32, #tpu.memory_space<vmem>>
    %dma_wait3A_1054 = arith.constant 2688 : i32
    %dma_wait3A_1055 = tpu.memref_slice %arg5[%dma_wait3A_1054] : memref<4096xi32, #tpu.memory_space<vmem>> -> memref<128xi32, #tpu.memory_space<vmem>>
    %dma_wait3A_1056 = arith.constant 0 : i32
    %dma_wait3A_1057 = arith.constant 0 : i32
    %dma_wait3A_1058 = tpu.memref_slice %arg2[%dma_wait3A_1056, %dma_wait3A_1057] : memref<4096x64xf32, #tpu.memory_space<hbm>> -> memref<4096x64xf32, #tpu.memory_space<hbm>>
    tpu.wait_indirect_dma semaphore(%arg8 : memref<!tpu.dma_semaphore, #tpu.memory_space<semaphore_mem>>) src(%dma_wait3A_1058 : memref<4096x64xf32, #tpu.memory_space<hbm>>) dst(%dma_wait3A_1053 : memref<128x64xf32, #tpu.memory_space<vmem>>)
    %add3A_1059 = arith.constant 2688 : i32
    %add3A_1060 = arith.addi %mul3A_2, %add3A_1059 : i32
    %dma_start3A_1061 = arith.constant 1 : i32
    %dma_start3A_1062 = arith.constant 0 : i32
    %dma_start3A_1063 = arith.constant 0 : i32
    %dma_start3A_1064 = tpu.memref_slice %arg6[%dma_start3A_1061, %dma_start3A_1062, %dma_start3A_1063] : memref<4x128x64xf32, #tpu.memory_space<vmem>> -> memref<1x128x64xf32, #tpu.memory_space<vmem>>
    %dma_start3A_1065 = tpu.memref_squeeze %dma_start3A_1064 : memref<1x128x64xf32, #tpu.memory_space<vmem>> -> memref<128x64xf32, #tpu.memory_space<vmem>>
    %dma_start3A_1066 = arith.constant 0 : i32
    %dma_start3A_1067 = tpu.memref_slice %arg4[%add3A_1060, %dma_start3A_1066] : memref<131072x64xf32, #tpu.memory_space<hbm>> -> memref<128x64xf32, #tpu.memory_space<hbm>>
    %dma_start3A_1068 = arith.constant 0 : i32
    %dma_start3A_1069 = tpu.memref_slice %arg4[%add3A_1060, %dma_start3A_1068] : memref<131072x64xf32, #tpu.memory_space<hbm>> -> memref<128x64xf32, #tpu.memory_space<hbm>>
    %dma_start3A_1070 = arith.constant 0 : i32
    %dma_start3A_1071 = arith.constant 0 : i32
    %dma_start3A_1072 = tpu.memref_slice %arg6[%dma_start3A_1061, %dma_start3A_1070, %dma_start3A_1071] : memref<4x128x64xf32, #tpu.memory_space<vmem>> -> memref<1x128x64xf32, #tpu.memory_space<vmem>>
    %dma_start3A_1073 = tpu.memref_squeeze %dma_start3A_1072 : memref<1x128x64xf32, #tpu.memory_space<vmem>> -> memref<128x64xf32, #tpu.memory_space<vmem>>
    tpu.enqueue_dma source(%dma_start3A_1073 : memref<128x64xf32, #tpu.memory_space<vmem>>) target(%dma_start3A_1069 : memref<128x64xf32, #tpu.memory_space<hbm>>) target_semaphore(%arg12 : memref<!tpu.dma_semaphore, #tpu.memory_space<semaphore_mem>>)
    %dma_wait3A_1074 = arith.constant 1 : i32
    %dma_wait3A_1075 = arith.constant 0 : i32
    %dma_wait3A_1076 = arith.constant 0 : i32
    %dma_wait3A_1077 = tpu.memref_slice %arg6[%dma_wait3A_1074, %dma_wait3A_1075, %dma_wait3A_1076] : memref<4x128x64xf32, #tpu.memory_space<vmem>> -> memref<1x128x64xf32, #tpu.memory_space<vmem>>
    %dma_wait3A_1078 = tpu.memref_squeeze %dma_wait3A_1077 : memref<1x128x64xf32, #tpu.memory_space<vmem>> -> memref<128x64xf32, #tpu.memory_space<vmem>>
    %dma_wait3A_1079 = arith.constant 0 : i32
    %dma_wait3A_1080 = tpu.memref_slice %arg4[%add3A_1060, %dma_wait3A_1079] : memref<131072x64xf32, #tpu.memory_space<hbm>> -> memref<128x64xf32, #tpu.memory_space<hbm>>
    %dma_wait3A_1081 = arith.constant 0 : i32
    %dma_wait3A_1082 = tpu.memref_slice %arg4[%add3A_1060, %dma_wait3A_1081] : memref<131072x64xf32, #tpu.memory_space<hbm>> -> memref<128x64xf32, #tpu.memory_space<hbm>>
    %dma_wait3A_1083 = arith.constant 0 : i32
    %dma_wait3A_1084 = arith.constant 0 : i32
    %dma_wait3A_1085 = tpu.memref_slice %arg6[%dma_wait3A_1074, %dma_wait3A_1083, %dma_wait3A_1084] : memref<4x128x64xf32, #tpu.memory_space<vmem>> -> memref<1x128x64xf32, #tpu.memory_space<vmem>>
    %dma_wait3A_1086 = tpu.memref_squeeze %dma_wait3A_1085 : memref<1x128x64xf32, #tpu.memory_space<vmem>> -> memref<128x64xf32, #tpu.memory_space<vmem>>
    tpu.wait_dma2 semaphore(%arg12 : memref<!tpu.dma_semaphore, #tpu.memory_space<semaphore_mem>>) src(%dma_wait3A_1086 : memref<128x64xf32, #tpu.memory_space<vmem>>) dst(%dma_wait3A_1082 : memref<128x64xf32, #tpu.memory_space<hbm>>)
    %dma_start3A_1087 = arith.constant 1 : i32
    %dma_start3A_1088 = arith.constant 0 : i32
    %dma_start3A_1089 = arith.constant 0 : i32
    %dma_start3A_1090 = tpu.memref_slice %arg6[%dma_start3A_1087, %dma_start3A_1088, %dma_start3A_1089] : memref<4x128x64xf32, #tpu.memory_space<vmem>> -> memref<1x128x64xf32, #tpu.memory_space<vmem>>
    %dma_start3A_1091 = tpu.memref_squeeze %dma_start3A_1090 : memref<1x128x64xf32, #tpu.memory_space<vmem>> -> memref<128x64xf32, #tpu.memory_space<vmem>>
    %dma_start3A_1092 = arith.constant 3200 : i32
    %dma_start3A_1093 = tpu.memref_slice %arg5[%dma_start3A_1092] : memref<4096xi32, #tpu.memory_space<vmem>> -> memref<128xi32, #tpu.memory_space<vmem>>
    %dma_start3A_1094 = arith.constant 0 : i32
    %dma_start3A_1095 = arith.constant 0 : i32
    %dma_start3A_1096 = tpu.memref_slice %arg2[%dma_start3A_1094, %dma_start3A_1095] : memref<4096x64xf32, #tpu.memory_space<hbm>> -> memref<4096x64xf32, #tpu.memory_space<hbm>>
    tpu.enqueue_indirect_dma source(%dma_start3A_1096 : memref<4096x64xf32, #tpu.memory_space<hbm>>) target(%dma_start3A_1091 : memref<128x64xf32, #tpu.memory_space<vmem>>) offsets(%dma_start3A_1093 : memref<128xi32, #tpu.memory_space<vmem>>) semaphore(%arg8 : memref<!tpu.dma_semaphore, #tpu.memory_space<semaphore_mem>>)
    %dma_wait3A_1097 = arith.constant 2 : i32
    %dma_wait3A_1098 = arith.constant 0 : i32
    %dma_wait3A_1099 = arith.constant 0 : i32
    %dma_wait3A_1100 = tpu.memref_slice %arg6[%dma_wait3A_1097, %dma_wait3A_1098, %dma_wait3A_1099] : memref<4x128x64xf32, #tpu.memory_space<vmem>> -> memref<1x128x64xf32, #tpu.memory_space<vmem>>
    %dma_wait3A_1101 = tpu.memref_squeeze %dma_wait3A_1100 : memref<1x128x64xf32, #tpu.memory_space<vmem>> -> memref<128x64xf32, #tpu.memory_space<vmem>>
    %dma_wait3A_1102 = arith.constant 2816 : i32
    %dma_wait3A_1103 = tpu.memref_slice %arg5[%dma_wait3A_1102] : memref<4096xi32, #tpu.memory_space<vmem>> -> memref<128xi32, #tpu.memory_space<vmem>>
    %dma_wait3A_1104 = arith.constant 0 : i32
    %dma_wait3A_1105 = arith.constant 0 : i32
    %dma_wait3A_1106 = tpu.memref_slice %arg2[%dma_wait3A_1104, %dma_wait3A_1105] : memref<4096x64xf32, #tpu.memory_space<hbm>> -> memref<4096x64xf32, #tpu.memory_space<hbm>>
    tpu.wait_indirect_dma semaphore(%arg9 : memref<!tpu.dma_semaphore, #tpu.memory_space<semaphore_mem>>) src(%dma_wait3A_1106 : memref<4096x64xf32, #tpu.memory_space<hbm>>) dst(%dma_wait3A_1101 : memref<128x64xf32, #tpu.memory_space<vmem>>)
    %add3A_1107 = arith.constant 2816 : i32
    %add3A_1108 = arith.addi %mul3A_2, %add3A_1107 : i32
    %dma_start3A_1109 = arith.constant 2 : i32
    %dma_start3A_1110 = arith.constant 0 : i32
    %dma_start3A_1111 = arith.constant 0 : i32
    %dma_start3A_1112 = tpu.memref_slice %arg6[%dma_start3A_1109, %dma_start3A_1110, %dma_start3A_1111] : memref<4x128x64xf32, #tpu.memory_space<vmem>> -> memref<1x128x64xf32, #tpu.memory_space<vmem>>
    %dma_start3A_1113 = tpu.memref_squeeze %dma_start3A_1112 : memref<1x128x64xf32, #tpu.memory_space<vmem>> -> memref<128x64xf32, #tpu.memory_space<vmem>>
    %dma_start3A_1114 = arith.constant 0 : i32
    %dma_start3A_1115 = tpu.memref_slice %arg4[%add3A_1108, %dma_start3A_1114] : memref<131072x64xf32, #tpu.memory_space<hbm>> -> memref<128x64xf32, #tpu.memory_space<hbm>>
    %dma_start3A_1116 = arith.constant 0 : i32
    %dma_start3A_1117 = tpu.memref_slice %arg4[%add3A_1108, %dma_start3A_1116] : memref<131072x64xf32, #tpu.memory_space<hbm>> -> memref<128x64xf32, #tpu.memory_space<hbm>>
    %dma_start3A_1118 = arith.constant 0 : i32
    %dma_start3A_1119 = arith.constant 0 : i32
    %dma_start3A_1120 = tpu.memref_slice %arg6[%dma_start3A_1109, %dma_start3A_1118, %dma_start3A_1119] : memref<4x128x64xf32, #tpu.memory_space<vmem>> -> memref<1x128x64xf32, #tpu.memory_space<vmem>>
    %dma_start3A_1121 = tpu.memref_squeeze %dma_start3A_1120 : memref<1x128x64xf32, #tpu.memory_space<vmem>> -> memref<128x64xf32, #tpu.memory_space<vmem>>
    tpu.enqueue_dma source(%dma_start3A_1121 : memref<128x64xf32, #tpu.memory_space<vmem>>) target(%dma_start3A_1117 : memref<128x64xf32, #tpu.memory_space<hbm>>) target_semaphore(%arg13 : memref<!tpu.dma_semaphore, #tpu.memory_space<semaphore_mem>>)
    %dma_wait3A_1122 = arith.constant 2 : i32
    %dma_wait3A_1123 = arith.constant 0 : i32
    %dma_wait3A_1124 = arith.constant 0 : i32
    %dma_wait3A_1125 = tpu.memref_slice %arg6[%dma_wait3A_1122, %dma_wait3A_1123, %dma_wait3A_1124] : memref<4x128x64xf32, #tpu.memory_space<vmem>> -> memref<1x128x64xf32, #tpu.memory_space<vmem>>
    %dma_wait3A_1126 = tpu.memref_squeeze %dma_wait3A_1125 : memref<1x128x64xf32, #tpu.memory_space<vmem>> -> memref<128x64xf32, #tpu.memory_space<vmem>>
    %dma_wait3A_1127 = arith.constant 0 : i32
    %dma_wait3A_1128 = tpu.memref_slice %arg4[%add3A_1108, %dma_wait3A_1127] : memref<131072x64xf32, #tpu.memory_space<hbm>> -> memref<128x64xf32, #tpu.memory_space<hbm>>
    %dma_wait3A_1129 = arith.constant 0 : i32
    %dma_wait3A_1130 = tpu.memref_slice %arg4[%add3A_1108, %dma_wait3A_1129] : memref<131072x64xf32, #tpu.memory_space<hbm>> -> memref<128x64xf32, #tpu.memory_space<hbm>>
    %dma_wait3A_1131 = arith.constant 0 : i32
    %dma_wait3A_1132 = arith.constant 0 : i32
    %dma_wait3A_1133 = tpu.memref_slice %arg6[%dma_wait3A_1122, %dma_wait3A_1131, %dma_wait3A_1132] : memref<4x128x64xf32, #tpu.memory_space<vmem>> -> memref<1x128x64xf32, #tpu.memory_space<vmem>>
    %dma_wait3A_1134 = tpu.memref_squeeze %dma_wait3A_1133 : memref<1x128x64xf32, #tpu.memory_space<vmem>> -> memref<128x64xf32, #tpu.memory_space<vmem>>
    tpu.wait_dma2 semaphore(%arg13 : memref<!tpu.dma_semaphore, #tpu.memory_space<semaphore_mem>>) src(%dma_wait3A_1134 : memref<128x64xf32, #tpu.memory_space<vmem>>) dst(%dma_wait3A_1130 : memref<128x64xf32, #tpu.memory_space<hbm>>)
    %dma_start3A_1135 = arith.constant 2 : i32
    %dma_start3A_1136 = arith.constant 0 : i32
    %dma_start3A_1137 = arith.constant 0 : i32
    %dma_start3A_1138 = tpu.memref_slice %arg6[%dma_start3A_1135, %dma_start3A_1136, %dma_start3A_1137] : memref<4x128x64xf32, #tpu.memory_space<vmem>> -> memref<1x128x64xf32, #tpu.memory_space<vmem>>
    %dma_start3A_1139 = tpu.memref_squeeze %dma_start3A_1138 : memref<1x128x64xf32, #tpu.memory_space<vmem>> -> memref<128x64xf32, #tpu.memory_space<vmem>>
    %dma_start3A_1140 = arith.constant 3328 : i32
    %dma_start3A_1141 = tpu.memref_slice %arg5[%dma_start3A_1140] : memref<4096xi32, #tpu.memory_space<vmem>> -> memref<128xi32, #tpu.memory_space<vmem>>
    %dma_start3A_1142 = arith.constant 0 : i32
    %dma_start3A_1143 = arith.constant 0 : i32
    %dma_start3A_1144 = tpu.memref_slice %arg2[%dma_start3A_1142, %dma_start3A_1143] : memref<4096x64xf32, #tpu.memory_space<hbm>> -> memref<4096x64xf32, #tpu.memory_space<hbm>>
    tpu.enqueue_indirect_dma source(%dma_start3A_1144 : memref<4096x64xf32, #tpu.memory_space<hbm>>) target(%dma_start3A_1139 : memref<128x64xf32, #tpu.memory_space<vmem>>) offsets(%dma_start3A_1141 : memref<128xi32, #tpu.memory_space<vmem>>) semaphore(%arg9 : memref<!tpu.dma_semaphore, #tpu.memory_space<semaphore_mem>>)
    %dma_wait3A_1145 = arith.constant 3 : i32
    %dma_wait3A_1146 = arith.constant 0 : i32
    %dma_wait3A_1147 = arith.constant 0 : i32
    %dma_wait3A_1148 = tpu.memref_slice %arg6[%dma_wait3A_1145, %dma_wait3A_1146, %dma_wait3A_1147] : memref<4x128x64xf32, #tpu.memory_space<vmem>> -> memref<1x128x64xf32, #tpu.memory_space<vmem>>
    %dma_wait3A_1149 = tpu.memref_squeeze %dma_wait3A_1148 : memref<1x128x64xf32, #tpu.memory_space<vmem>> -> memref<128x64xf32, #tpu.memory_space<vmem>>
    %dma_wait3A_1150 = arith.constant 2944 : i32
    %dma_wait3A_1151 = tpu.memref_slice %arg5[%dma_wait3A_1150] : memref<4096xi32, #tpu.memory_space<vmem>> -> memref<128xi32, #tpu.memory_space<vmem>>
    %dma_wait3A_1152 = arith.constant 0 : i32
    %dma_wait3A_1153 = arith.constant 0 : i32
    %dma_wait3A_1154 = tpu.memref_slice %arg2[%dma_wait3A_1152, %dma_wait3A_1153] : memref<4096x64xf32, #tpu.memory_space<hbm>> -> memref<4096x64xf32, #tpu.memory_space<hbm>>
    tpu.wait_indirect_dma semaphore(%arg10 : memref<!tpu.dma_semaphore, #tpu.memory_space<semaphore_mem>>) src(%dma_wait3A_1154 : memref<4096x64xf32, #tpu.memory_space<hbm>>) dst(%dma_wait3A_1149 : memref<128x64xf32, #tpu.memory_space<vmem>>)
    %add3A_1155 = arith.constant 2944 : i32
    %add3A_1156 = arith.addi %mul3A_2, %add3A_1155 : i32
    %dma_start3A_1157 = arith.constant 3 : i32
    %dma_start3A_1158 = arith.constant 0 : i32
    %dma_start3A_1159 = arith.constant 0 : i32
    %dma_start3A_1160 = tpu.memref_slice %arg6[%dma_start3A_1157, %dma_start3A_1158, %dma_start3A_1159] : memref<4x128x64xf32, #tpu.memory_space<vmem>> -> memref<1x128x64xf32, #tpu.memory_space<vmem>>
    %dma_start3A_1161 = tpu.memref_squeeze %dma_start3A_1160 : memref<1x128x64xf32, #tpu.memory_space<vmem>> -> memref<128x64xf32, #tpu.memory_space<vmem>>
    %dma_start3A_1162 = arith.constant 0 : i32
    %dma_start3A_1163 = tpu.memref_slice %arg4[%add3A_1156, %dma_start3A_1162] : memref<131072x64xf32, #tpu.memory_space<hbm>> -> memref<128x64xf32, #tpu.memory_space<hbm>>
    %dma_start3A_1164 = arith.constant 0 : i32
    %dma_start3A_1165 = tpu.memref_slice %arg4[%add3A_1156, %dma_start3A_1164] : memref<131072x64xf32, #tpu.memory_space<hbm>> -> memref<128x64xf32, #tpu.memory_space<hbm>>
    %dma_start3A_1166 = arith.constant 0 : i32
    %dma_start3A_1167 = arith.constant 0 : i32
    %dma_start3A_1168 = tpu.memref_slice %arg6[%dma_start3A_1157, %dma_start3A_1166, %dma_start3A_1167] : memref<4x128x64xf32, #tpu.memory_space<vmem>> -> memref<1x128x64xf32, #tpu.memory_space<vmem>>
    %dma_start3A_1169 = tpu.memref_squeeze %dma_start3A_1168 : memref<1x128x64xf32, #tpu.memory_space<vmem>> -> memref<128x64xf32, #tpu.memory_space<vmem>>
    tpu.enqueue_dma source(%dma_start3A_1169 : memref<128x64xf32, #tpu.memory_space<vmem>>) target(%dma_start3A_1165 : memref<128x64xf32, #tpu.memory_space<hbm>>) target_semaphore(%arg14 : memref<!tpu.dma_semaphore, #tpu.memory_space<semaphore_mem>>)
    %dma_wait3A_1170 = arith.constant 3 : i32
    %dma_wait3A_1171 = arith.constant 0 : i32
    %dma_wait3A_1172 = arith.constant 0 : i32
    %dma_wait3A_1173 = tpu.memref_slice %arg6[%dma_wait3A_1170, %dma_wait3A_1171, %dma_wait3A_1172] : memref<4x128x64xf32, #tpu.memory_space<vmem>> -> memref<1x128x64xf32, #tpu.memory_space<vmem>>
    %dma_wait3A_1174 = tpu.memref_squeeze %dma_wait3A_1173 : memref<1x128x64xf32, #tpu.memory_space<vmem>> -> memref<128x64xf32, #tpu.memory_space<vmem>>
    %dma_wait3A_1175 = arith.constant 0 : i32
    %dma_wait3A_1176 = tpu.memref_slice %arg4[%add3A_1156, %dma_wait3A_1175] : memref<131072x64xf32, #tpu.memory_space<hbm>> -> memref<128x64xf32, #tpu.memory_space<hbm>>
    %dma_wait3A_1177 = arith.constant 0 : i32
    %dma_wait3A_1178 = tpu.memref_slice %arg4[%add3A_1156, %dma_wait3A_1177] : memref<131072x64xf32, #tpu.memory_space<hbm>> -> memref<128x64xf32, #tpu.memory_space<hbm>>
    %dma_wait3A_1179 = arith.constant 0 : i32
    %dma_wait3A_1180 = arith.constant 0 : i32
    %dma_wait3A_1181 = tpu.memref_slice %arg6[%dma_wait3A_1170, %dma_wait3A_1179, %dma_wait3A_1180] : memref<4x128x64xf32, #tpu.memory_space<vmem>> -> memref<1x128x64xf32, #tpu.memory_space<vmem>>
    %dma_wait3A_1182 = tpu.memref_squeeze %dma_wait3A_1181 : memref<1x128x64xf32, #tpu.memory_space<vmem>> -> memref<128x64xf32, #tpu.memory_space<vmem>>
    tpu.wait_dma2 semaphore(%arg14 : memref<!tpu.dma_semaphore, #tpu.memory_space<semaphore_mem>>) src(%dma_wait3A_1182 : memref<128x64xf32, #tpu.memory_space<vmem>>) dst(%dma_wait3A_1178 : memref<128x64xf32, #tpu.memory_space<hbm>>)
    %dma_start3A_1183 = arith.constant 3 : i32
    %dma_start3A_1184 = arith.constant 0 : i32
    %dma_start3A_1185 = arith.constant 0 : i32
    %dma_start3A_1186 = tpu.memref_slice %arg6[%dma_start3A_1183, %dma_start3A_1184, %dma_start3A_1185] : memref<4x128x64xf32, #tpu.memory_space<vmem>> -> memref<1x128x64xf32, #tpu.memory_space<vmem>>
    %dma_start3A_1187 = tpu.memref_squeeze %dma_start3A_1186 : memref<1x128x64xf32, #tpu.memory_space<vmem>> -> memref<128x64xf32, #tpu.memory_space<vmem>>
    %dma_start3A_1188 = arith.constant 3456 : i32
    %dma_start3A_1189 = tpu.memref_slice %arg5[%dma_start3A_1188] : memref<4096xi32, #tpu.memory_space<vmem>> -> memref<128xi32, #tpu.memory_space<vmem>>
    %dma_start3A_1190 = arith.constant 0 : i32
    %dma_start3A_1191 = arith.constant 0 : i32
    %dma_start3A_1192 = tpu.memref_slice %arg2[%dma_start3A_1190, %dma_start3A_1191] : memref<4096x64xf32, #tpu.memory_space<hbm>> -> memref<4096x64xf32, #tpu.memory_space<hbm>>
    tpu.enqueue_indirect_dma source(%dma_start3A_1192 : memref<4096x64xf32, #tpu.memory_space<hbm>>) target(%dma_start3A_1187 : memref<128x64xf32, #tpu.memory_space<vmem>>) offsets(%dma_start3A_1189 : memref<128xi32, #tpu.memory_space<vmem>>) semaphore(%arg10 : memref<!tpu.dma_semaphore, #tpu.memory_space<semaphore_mem>>)
    %dma_wait3A_1193 = arith.constant 0 : i32
    %dma_wait3A_1194 = arith.constant 0 : i32
    %dma_wait3A_1195 = arith.constant 0 : i32
    %dma_wait3A_1196 = tpu.memref_slice %arg6[%dma_wait3A_1193, %dma_wait3A_1194, %dma_wait3A_1195] : memref<4x128x64xf32, #tpu.memory_space<vmem>> -> memref<1x128x64xf32, #tpu.memory_space<vmem>>
    %dma_wait3A_1197 = tpu.memref_squeeze %dma_wait3A_1196 : memref<1x128x64xf32, #tpu.memory_space<vmem>> -> memref<128x64xf32, #tpu.memory_space<vmem>>
    %dma_wait3A_1198 = arith.constant 3072 : i32
    %dma_wait3A_1199 = tpu.memref_slice %arg5[%dma_wait3A_1198] : memref<4096xi32, #tpu.memory_space<vmem>> -> memref<128xi32, #tpu.memory_space<vmem>>
    %dma_wait3A_1200 = arith.constant 0 : i32
    %dma_wait3A_1201 = arith.constant 0 : i32
    %dma_wait3A_1202 = tpu.memref_slice %arg2[%dma_wait3A_1200, %dma_wait3A_1201] : memref<4096x64xf32, #tpu.memory_space<hbm>> -> memref<4096x64xf32, #tpu.memory_space<hbm>>
    tpu.wait_indirect_dma semaphore(%arg7 : memref<!tpu.dma_semaphore, #tpu.memory_space<semaphore_mem>>) src(%dma_wait3A_1202 : memref<4096x64xf32, #tpu.memory_space<hbm>>) dst(%dma_wait3A_1197 : memref<128x64xf32, #tpu.memory_space<vmem>>)
    %add3A_1203 = arith.constant 3072 : i32
    %add3A_1204 = arith.addi %mul3A_2, %add3A_1203 : i32
    %dma_start3A_1205 = arith.constant 0 : i32
    %dma_start3A_1206 = arith.constant 0 : i32
    %dma_start3A_1207 = arith.constant 0 : i32
    %dma_start3A_1208 = tpu.memref_slice %arg6[%dma_start3A_1205, %dma_start3A_1206, %dma_start3A_1207] : memref<4x128x64xf32, #tpu.memory_space<vmem>> -> memref<1x128x64xf32, #tpu.memory_space<vmem>>
    %dma_start3A_1209 = tpu.memref_squeeze %dma_start3A_1208 : memref<1x128x64xf32, #tpu.memory_space<vmem>> -> memref<128x64xf32, #tpu.memory_space<vmem>>
    %dma_start3A_1210 = arith.constant 0 : i32
    %dma_start3A_1211 = tpu.memref_slice %arg4[%add3A_1204, %dma_start3A_1210] : memref<131072x64xf32, #tpu.memory_space<hbm>> -> memref<128x64xf32, #tpu.memory_space<hbm>>
    %dma_start3A_1212 = arith.constant 0 : i32
    %dma_start3A_1213 = tpu.memref_slice %arg4[%add3A_1204, %dma_start3A_1212] : memref<131072x64xf32, #tpu.memory_space<hbm>> -> memref<128x64xf32, #tpu.memory_space<hbm>>
    %dma_start3A_1214 = arith.constant 0 : i32
    %dma_start3A_1215 = arith.constant 0 : i32
    %dma_start3A_1216 = tpu.memref_slice %arg6[%dma_start3A_1205, %dma_start3A_1214, %dma_start3A_1215] : memref<4x128x64xf32, #tpu.memory_space<vmem>> -> memref<1x128x64xf32, #tpu.memory_space<vmem>>
    %dma_start3A_1217 = tpu.memref_squeeze %dma_start3A_1216 : memref<1x128x64xf32, #tpu.memory_space<vmem>> -> memref<128x64xf32, #tpu.memory_space<vmem>>
    tpu.enqueue_dma source(%dma_start3A_1217 : memref<128x64xf32, #tpu.memory_space<vmem>>) target(%dma_start3A_1213 : memref<128x64xf32, #tpu.memory_space<hbm>>) target_semaphore(%arg11 : memref<!tpu.dma_semaphore, #tpu.memory_space<semaphore_mem>>)
    %dma_wait3A_1218 = arith.constant 0 : i32
    %dma_wait3A_1219 = arith.constant 0 : i32
    %dma_wait3A_1220 = arith.constant 0 : i32
    %dma_wait3A_1221 = tpu.memref_slice %arg6[%dma_wait3A_1218, %dma_wait3A_1219, %dma_wait3A_1220] : memref<4x128x64xf32, #tpu.memory_space<vmem>> -> memref<1x128x64xf32, #tpu.memory_space<vmem>>
    %dma_wait3A_1222 = tpu.memref_squeeze %dma_wait3A_1221 : memref<1x128x64xf32, #tpu.memory_space<vmem>> -> memref<128x64xf32, #tpu.memory_space<vmem>>
    %dma_wait3A_1223 = arith.constant 0 : i32
    %dma_wait3A_1224 = tpu.memref_slice %arg4[%add3A_1204, %dma_wait3A_1223] : memref<131072x64xf32, #tpu.memory_space<hbm>> -> memref<128x64xf32, #tpu.memory_space<hbm>>
    %dma_wait3A_1225 = arith.constant 0 : i32
    %dma_wait3A_1226 = tpu.memref_slice %arg4[%add3A_1204, %dma_wait3A_1225] : memref<131072x64xf32, #tpu.memory_space<hbm>> -> memref<128x64xf32, #tpu.memory_space<hbm>>
    %dma_wait3A_1227 = arith.constant 0 : i32
    %dma_wait3A_1228 = arith.constant 0 : i32
    %dma_wait3A_1229 = tpu.memref_slice %arg6[%dma_wait3A_1218, %dma_wait3A_1227, %dma_wait3A_1228] : memref<4x128x64xf32, #tpu.memory_space<vmem>> -> memref<1x128x64xf32, #tpu.memory_space<vmem>>
    %dma_wait3A_1230 = tpu.memref_squeeze %dma_wait3A_1229 : memref<1x128x64xf32, #tpu.memory_space<vmem>> -> memref<128x64xf32, #tpu.memory_space<vmem>>
    tpu.wait_dma2 semaphore(%arg11 : memref<!tpu.dma_semaphore, #tpu.memory_space<semaphore_mem>>) src(%dma_wait3A_1230 : memref<128x64xf32, #tpu.memory_space<vmem>>) dst(%dma_wait3A_1226 : memref<128x64xf32, #tpu.memory_space<hbm>>)
    %dma_start3A_1231 = arith.constant 0 : i32
    %dma_start3A_1232 = arith.constant 0 : i32
    %dma_start3A_1233 = arith.constant 0 : i32
    %dma_start3A_1234 = tpu.memref_slice %arg6[%dma_start3A_1231, %dma_start3A_1232, %dma_start3A_1233] : memref<4x128x64xf32, #tpu.memory_space<vmem>> -> memref<1x128x64xf32, #tpu.memory_space<vmem>>
    %dma_start3A_1235 = tpu.memref_squeeze %dma_start3A_1234 : memref<1x128x64xf32, #tpu.memory_space<vmem>> -> memref<128x64xf32, #tpu.memory_space<vmem>>
    %dma_start3A_1236 = arith.constant 3584 : i32
    %dma_start3A_1237 = tpu.memref_slice %arg5[%dma_start3A_1236] : memref<4096xi32, #tpu.memory_space<vmem>> -> memref<128xi32, #tpu.memory_space<vmem>>
    %dma_start3A_1238 = arith.constant 0 : i32
    %dma_start3A_1239 = arith.constant 0 : i32
    %dma_start3A_1240 = tpu.memref_slice %arg2[%dma_start3A_1238, %dma_start3A_1239] : memref<4096x64xf32, #tpu.memory_space<hbm>> -> memref<4096x64xf32, #tpu.memory_space<hbm>>
    tpu.enqueue_indirect_dma source(%dma_start3A_1240 : memref<4096x64xf32, #tpu.memory_space<hbm>>) target(%dma_start3A_1235 : memref<128x64xf32, #tpu.memory_space<vmem>>) offsets(%dma_start3A_1237 : memref<128xi32, #tpu.memory_space<vmem>>) semaphore(%arg7 : memref<!tpu.dma_semaphore, #tpu.memory_space<semaphore_mem>>)
    %dma_wait3A_1241 = arith.constant 1 : i32
    %dma_wait3A_1242 = arith.constant 0 : i32
    %dma_wait3A_1243 = arith.constant 0 : i32
    %dma_wait3A_1244 = tpu.memref_slice %arg6[%dma_wait3A_1241, %dma_wait3A_1242, %dma_wait3A_1243] : memref<4x128x64xf32, #tpu.memory_space<vmem>> -> memref<1x128x64xf32, #tpu.memory_space<vmem>>
    %dma_wait3A_1245 = tpu.memref_squeeze %dma_wait3A_1244 : memref<1x128x64xf32, #tpu.memory_space<vmem>> -> memref<128x64xf32, #tpu.memory_space<vmem>>
    %dma_wait3A_1246 = arith.constant 3200 : i32
    %dma_wait3A_1247 = tpu.memref_slice %arg5[%dma_wait3A_1246] : memref<4096xi32, #tpu.memory_space<vmem>> -> memref<128xi32, #tpu.memory_space<vmem>>
    %dma_wait3A_1248 = arith.constant 0 : i32
    %dma_wait3A_1249 = arith.constant 0 : i32
    %dma_wait3A_1250 = tpu.memref_slice %arg2[%dma_wait3A_1248, %dma_wait3A_1249] : memref<4096x64xf32, #tpu.memory_space<hbm>> -> memref<4096x64xf32, #tpu.memory_space<hbm>>
    tpu.wait_indirect_dma semaphore(%arg8 : memref<!tpu.dma_semaphore, #tpu.memory_space<semaphore_mem>>) src(%dma_wait3A_1250 : memref<4096x64xf32, #tpu.memory_space<hbm>>) dst(%dma_wait3A_1245 : memref<128x64xf32, #tpu.memory_space<vmem>>)
    %add3A_1251 = arith.constant 3200 : i32
    %add3A_1252 = arith.addi %mul3A_2, %add3A_1251 : i32
    %dma_start3A_1253 = arith.constant 1 : i32
    %dma_start3A_1254 = arith.constant 0 : i32
    %dma_start3A_1255 = arith.constant 0 : i32
    %dma_start3A_1256 = tpu.memref_slice %arg6[%dma_start3A_1253, %dma_start3A_1254, %dma_start3A_1255] : memref<4x128x64xf32, #tpu.memory_space<vmem>> -> memref<1x128x64xf32, #tpu.memory_space<vmem>>
    %dma_start3A_1257 = tpu.memref_squeeze %dma_start3A_1256 : memref<1x128x64xf32, #tpu.memory_space<vmem>> -> memref<128x64xf32, #tpu.memory_space<vmem>>
    %dma_start3A_1258 = arith.constant 0 : i32
    %dma_start3A_1259 = tpu.memref_slice %arg4[%add3A_1252, %dma_start3A_1258] : memref<131072x64xf32, #tpu.memory_space<hbm>> -> memref<128x64xf32, #tpu.memory_space<hbm>>
    %dma_start3A_1260 = arith.constant 0 : i32
    %dma_start3A_1261 = tpu.memref_slice %arg4[%add3A_1252, %dma_start3A_1260] : memref<131072x64xf32, #tpu.memory_space<hbm>> -> memref<128x64xf32, #tpu.memory_space<hbm>>
    %dma_start3A_1262 = arith.constant 0 : i32
    %dma_start3A_1263 = arith.constant 0 : i32
    %dma_start3A_1264 = tpu.memref_slice %arg6[%dma_start3A_1253, %dma_start3A_1262, %dma_start3A_1263] : memref<4x128x64xf32, #tpu.memory_space<vmem>> -> memref<1x128x64xf32, #tpu.memory_space<vmem>>
    %dma_start3A_1265 = tpu.memref_squeeze %dma_start3A_1264 : memref<1x128x64xf32, #tpu.memory_space<vmem>> -> memref<128x64xf32, #tpu.memory_space<vmem>>
    tpu.enqueue_dma source(%dma_start3A_1265 : memref<128x64xf32, #tpu.memory_space<vmem>>) target(%dma_start3A_1261 : memref<128x64xf32, #tpu.memory_space<hbm>>) target_semaphore(%arg12 : memref<!tpu.dma_semaphore, #tpu.memory_space<semaphore_mem>>)
    %dma_wait3A_1266 = arith.constant 1 : i32
    %dma_wait3A_1267 = arith.constant 0 : i32
    %dma_wait3A_1268 = arith.constant 0 : i32
    %dma_wait3A_1269 = tpu.memref_slice %arg6[%dma_wait3A_1266, %dma_wait3A_1267, %dma_wait3A_1268] : memref<4x128x64xf32, #tpu.memory_space<vmem>> -> memref<1x128x64xf32, #tpu.memory_space<vmem>>
    %dma_wait3A_1270 = tpu.memref_squeeze %dma_wait3A_1269 : memref<1x128x64xf32, #tpu.memory_space<vmem>> -> memref<128x64xf32, #tpu.memory_space<vmem>>
    %dma_wait3A_1271 = arith.constant 0 : i32
    %dma_wait3A_1272 = tpu.memref_slice %arg4[%add3A_1252, %dma_wait3A_1271] : memref<131072x64xf32, #tpu.memory_space<hbm>> -> memref<128x64xf32, #tpu.memory_space<hbm>>
    %dma_wait3A_1273 = arith.constant 0 : i32
    %dma_wait3A_1274 = tpu.memref_slice %arg4[%add3A_1252, %dma_wait3A_1273] : memref<131072x64xf32, #tpu.memory_space<hbm>> -> memref<128x64xf32, #tpu.memory_space<hbm>>
    %dma_wait3A_1275 = arith.constant 0 : i32
    %dma_wait3A_1276 = arith.constant 0 : i32
    %dma_wait3A_1277 = tpu.memref_slice %arg6[%dma_wait3A_1266, %dma_wait3A_1275, %dma_wait3A_1276] : memref<4x128x64xf32, #tpu.memory_space<vmem>> -> memref<1x128x64xf32, #tpu.memory_space<vmem>>
    %dma_wait3A_1278 = tpu.memref_squeeze %dma_wait3A_1277 : memref<1x128x64xf32, #tpu.memory_space<vmem>> -> memref<128x64xf32, #tpu.memory_space<vmem>>
    tpu.wait_dma2 semaphore(%arg12 : memref<!tpu.dma_semaphore, #tpu.memory_space<semaphore_mem>>) src(%dma_wait3A_1278 : memref<128x64xf32, #tpu.memory_space<vmem>>) dst(%dma_wait3A_1274 : memref<128x64xf32, #tpu.memory_space<hbm>>)
    %dma_start3A_1279 = arith.constant 1 : i32
    %dma_start3A_1280 = arith.constant 0 : i32
    %dma_start3A_1281 = arith.constant 0 : i32
    %dma_start3A_1282 = tpu.memref_slice %arg6[%dma_start3A_1279, %dma_start3A_1280, %dma_start3A_1281] : memref<4x128x64xf32, #tpu.memory_space<vmem>> -> memref<1x128x64xf32, #tpu.memory_space<vmem>>
    %dma_start3A_1283 = tpu.memref_squeeze %dma_start3A_1282 : memref<1x128x64xf32, #tpu.memory_space<vmem>> -> memref<128x64xf32, #tpu.memory_space<vmem>>
    %dma_start3A_1284 = arith.constant 3712 : i32
    %dma_start3A_1285 = tpu.memref_slice %arg5[%dma_start3A_1284] : memref<4096xi32, #tpu.memory_space<vmem>> -> memref<128xi32, #tpu.memory_space<vmem>>
    %dma_start3A_1286 = arith.constant 0 : i32
    %dma_start3A_1287 = arith.constant 0 : i32
    %dma_start3A_1288 = tpu.memref_slice %arg2[%dma_start3A_1286, %dma_start3A_1287] : memref<4096x64xf32, #tpu.memory_space<hbm>> -> memref<4096x64xf32, #tpu.memory_space<hbm>>
    tpu.enqueue_indirect_dma source(%dma_start3A_1288 : memref<4096x64xf32, #tpu.memory_space<hbm>>) target(%dma_start3A_1283 : memref<128x64xf32, #tpu.memory_space<vmem>>) offsets(%dma_start3A_1285 : memref<128xi32, #tpu.memory_space<vmem>>) semaphore(%arg8 : memref<!tpu.dma_semaphore, #tpu.memory_space<semaphore_mem>>)
    %dma_wait3A_1289 = arith.constant 2 : i32
    %dma_wait3A_1290 = arith.constant 0 : i32
    %dma_wait3A_1291 = arith.constant 0 : i32
    %dma_wait3A_1292 = tpu.memref_slice %arg6[%dma_wait3A_1289, %dma_wait3A_1290, %dma_wait3A_1291] : memref<4x128x64xf32, #tpu.memory_space<vmem>> -> memref<1x128x64xf32, #tpu.memory_space<vmem>>
    %dma_wait3A_1293 = tpu.memref_squeeze %dma_wait3A_1292 : memref<1x128x64xf32, #tpu.memory_space<vmem>> -> memref<128x64xf32, #tpu.memory_space<vmem>>
    %dma_wait3A_1294 = arith.constant 3328 : i32
    %dma_wait3A_1295 = tpu.memref_slice %arg5[%dma_wait3A_1294] : memref<4096xi32, #tpu.memory_space<vmem>> -> memref<128xi32, #tpu.memory_space<vmem>>
    %dma_wait3A_1296 = arith.constant 0 : i32
    %dma_wait3A_1297 = arith.constant 0 : i32
    %dma_wait3A_1298 = tpu.memref_slice %arg2[%dma_wait3A_1296, %dma_wait3A_1297] : memref<4096x64xf32, #tpu.memory_space<hbm>> -> memref<4096x64xf32, #tpu.memory_space<hbm>>
    tpu.wait_indirect_dma semaphore(%arg9 : memref<!tpu.dma_semaphore, #tpu.memory_space<semaphore_mem>>) src(%dma_wait3A_1298 : memref<4096x64xf32, #tpu.memory_space<hbm>>) dst(%dma_wait3A_1293 : memref<128x64xf32, #tpu.memory_space<vmem>>)
    %add3A_1299 = arith.constant 3328 : i32
    %add3A_1300 = arith.addi %mul3A_2, %add3A_1299 : i32
    %dma_start3A_1301 = arith.constant 2 : i32
    %dma_start3A_1302 = arith.constant 0 : i32
    %dma_start3A_1303 = arith.constant 0 : i32
    %dma_start3A_1304 = tpu.memref_slice %arg6[%dma_start3A_1301, %dma_start3A_1302, %dma_start3A_1303] : memref<4x128x64xf32, #tpu.memory_space<vmem>> -> memref<1x128x64xf32, #tpu.memory_space<vmem>>
    %dma_start3A_1305 = tpu.memref_squeeze %dma_start3A_1304 : memref<1x128x64xf32, #tpu.memory_space<vmem>> -> memref<128x64xf32, #tpu.memory_space<vmem>>
    %dma_start3A_1306 = arith.constant 0 : i32
    %dma_start3A_1307 = tpu.memref_slice %arg4[%add3A_1300, %dma_start3A_1306] : memref<131072x64xf32, #tpu.memory_space<hbm>> -> memref<128x64xf32, #tpu.memory_space<hbm>>
    %dma_start3A_1308 = arith.constant 0 : i32
    %dma_start3A_1309 = tpu.memref_slice %arg4[%add3A_1300, %dma_start3A_1308] : memref<131072x64xf32, #tpu.memory_space<hbm>> -> memref<128x64xf32, #tpu.memory_space<hbm>>
    %dma_start3A_1310 = arith.constant 0 : i32
    %dma_start3A_1311 = arith.constant 0 : i32
    %dma_start3A_1312 = tpu.memref_slice %arg6[%dma_start3A_1301, %dma_start3A_1310, %dma_start3A_1311] : memref<4x128x64xf32, #tpu.memory_space<vmem>> -> memref<1x128x64xf32, #tpu.memory_space<vmem>>
    %dma_start3A_1313 = tpu.memref_squeeze %dma_start3A_1312 : memref<1x128x64xf32, #tpu.memory_space<vmem>> -> memref<128x64xf32, #tpu.memory_space<vmem>>
    tpu.enqueue_dma source(%dma_start3A_1313 : memref<128x64xf32, #tpu.memory_space<vmem>>) target(%dma_start3A_1309 : memref<128x64xf32, #tpu.memory_space<hbm>>) target_semaphore(%arg13 : memref<!tpu.dma_semaphore, #tpu.memory_space<semaphore_mem>>)
    %dma_wait3A_1314 = arith.constant 2 : i32
    %dma_wait3A_1315 = arith.constant 0 : i32
    %dma_wait3A_1316 = arith.constant 0 : i32
    %dma_wait3A_1317 = tpu.memref_slice %arg6[%dma_wait3A_1314, %dma_wait3A_1315, %dma_wait3A_1316] : memref<4x128x64xf32, #tpu.memory_space<vmem>> -> memref<1x128x64xf32, #tpu.memory_space<vmem>>
    %dma_wait3A_1318 = tpu.memref_squeeze %dma_wait3A_1317 : memref<1x128x64xf32, #tpu.memory_space<vmem>> -> memref<128x64xf32, #tpu.memory_space<vmem>>
    %dma_wait3A_1319 = arith.constant 0 : i32
    %dma_wait3A_1320 = tpu.memref_slice %arg4[%add3A_1300, %dma_wait3A_1319] : memref<131072x64xf32, #tpu.memory_space<hbm>> -> memref<128x64xf32, #tpu.memory_space<hbm>>
    %dma_wait3A_1321 = arith.constant 0 : i32
    %dma_wait3A_1322 = tpu.memref_slice %arg4[%add3A_1300, %dma_wait3A_1321] : memref<131072x64xf32, #tpu.memory_space<hbm>> -> memref<128x64xf32, #tpu.memory_space<hbm>>
    %dma_wait3A_1323 = arith.constant 0 : i32
    %dma_wait3A_1324 = arith.constant 0 : i32
    %dma_wait3A_1325 = tpu.memref_slice %arg6[%dma_wait3A_1314, %dma_wait3A_1323, %dma_wait3A_1324] : memref<4x128x64xf32, #tpu.memory_space<vmem>> -> memref<1x128x64xf32, #tpu.memory_space<vmem>>
    %dma_wait3A_1326 = tpu.memref_squeeze %dma_wait3A_1325 : memref<1x128x64xf32, #tpu.memory_space<vmem>> -> memref<128x64xf32, #tpu.memory_space<vmem>>
    tpu.wait_dma2 semaphore(%arg13 : memref<!tpu.dma_semaphore, #tpu.memory_space<semaphore_mem>>) src(%dma_wait3A_1326 : memref<128x64xf32, #tpu.memory_space<vmem>>) dst(%dma_wait3A_1322 : memref<128x64xf32, #tpu.memory_space<hbm>>)
    %dma_start3A_1327 = arith.constant 2 : i32
    %dma_start3A_1328 = arith.constant 0 : i32
    %dma_start3A_1329 = arith.constant 0 : i32
    %dma_start3A_1330 = tpu.memref_slice %arg6[%dma_start3A_1327, %dma_start3A_1328, %dma_start3A_1329] : memref<4x128x64xf32, #tpu.memory_space<vmem>> -> memref<1x128x64xf32, #tpu.memory_space<vmem>>
    %dma_start3A_1331 = tpu.memref_squeeze %dma_start3A_1330 : memref<1x128x64xf32, #tpu.memory_space<vmem>> -> memref<128x64xf32, #tpu.memory_space<vmem>>
    %dma_start3A_1332 = arith.constant 3840 : i32
    %dma_start3A_1333 = tpu.memref_slice %arg5[%dma_start3A_1332] : memref<4096xi32, #tpu.memory_space<vmem>> -> memref<128xi32, #tpu.memory_space<vmem>>
    %dma_start3A_1334 = arith.constant 0 : i32
    %dma_start3A_1335 = arith.constant 0 : i32
    %dma_start3A_1336 = tpu.memref_slice %arg2[%dma_start3A_1334, %dma_start3A_1335] : memref<4096x64xf32, #tpu.memory_space<hbm>> -> memref<4096x64xf32, #tpu.memory_space<hbm>>
    tpu.enqueue_indirect_dma source(%dma_start3A_1336 : memref<4096x64xf32, #tpu.memory_space<hbm>>) target(%dma_start3A_1331 : memref<128x64xf32, #tpu.memory_space<vmem>>) offsets(%dma_start3A_1333 : memref<128xi32, #tpu.memory_space<vmem>>) semaphore(%arg9 : memref<!tpu.dma_semaphore, #tpu.memory_space<semaphore_mem>>)
    %dma_wait3A_1337 = arith.constant 3 : i32
    %dma_wait3A_1338 = arith.constant 0 : i32
    %dma_wait3A_1339 = arith.constant 0 : i32
    %dma_wait3A_1340 = tpu.memref_slice %arg6[%dma_wait3A_1337, %dma_wait3A_1338, %dma_wait3A_1339] : memref<4x128x64xf32, #tpu.memory_space<vmem>> -> memref<1x128x64xf32, #tpu.memory_space<vmem>>
    %dma_wait3A_1341 = tpu.memref_squeeze %dma_wait3A_1340 : memref<1x128x64xf32, #tpu.memory_space<vmem>> -> memref<128x64xf32, #tpu.memory_space<vmem>>
    %dma_wait3A_1342 = arith.constant 3456 : i32
    %dma_wait3A_1343 = tpu.memref_slice %arg5[%dma_wait3A_1342] : memref<4096xi32, #tpu.memory_space<vmem>> -> memref<128xi32, #tpu.memory_space<vmem>>
    %dma_wait3A_1344 = arith.constant 0 : i32
    %dma_wait3A_1345 = arith.constant 0 : i32
    %dma_wait3A_1346 = tpu.memref_slice %arg2[%dma_wait3A_1344, %dma_wait3A_1345] : memref<4096x64xf32, #tpu.memory_space<hbm>> -> memref<4096x64xf32, #tpu.memory_space<hbm>>
    tpu.wait_indirect_dma semaphore(%arg10 : memref<!tpu.dma_semaphore, #tpu.memory_space<semaphore_mem>>) src(%dma_wait3A_1346 : memref<4096x64xf32, #tpu.memory_space<hbm>>) dst(%dma_wait3A_1341 : memref<128x64xf32, #tpu.memory_space<vmem>>)
    %add3A_1347 = arith.constant 3456 : i32
    %add3A_1348 = arith.addi %mul3A_2, %add3A_1347 : i32
    %dma_start3A_1349 = arith.constant 3 : i32
    %dma_start3A_1350 = arith.constant 0 : i32
    %dma_start3A_1351 = arith.constant 0 : i32
    %dma_start3A_1352 = tpu.memref_slice %arg6[%dma_start3A_1349, %dma_start3A_1350, %dma_start3A_1351] : memref<4x128x64xf32, #tpu.memory_space<vmem>> -> memref<1x128x64xf32, #tpu.memory_space<vmem>>
    %dma_start3A_1353 = tpu.memref_squeeze %dma_start3A_1352 : memref<1x128x64xf32, #tpu.memory_space<vmem>> -> memref<128x64xf32, #tpu.memory_space<vmem>>
    %dma_start3A_1354 = arith.constant 0 : i32
    %dma_start3A_1355 = tpu.memref_slice %arg4[%add3A_1348, %dma_start3A_1354] : memref<131072x64xf32, #tpu.memory_space<hbm>> -> memref<128x64xf32, #tpu.memory_space<hbm>>
    %dma_start3A_1356 = arith.constant 0 : i32
    %dma_start3A_1357 = tpu.memref_slice %arg4[%add3A_1348, %dma_start3A_1356] : memref<131072x64xf32, #tpu.memory_space<hbm>> -> memref<128x64xf32, #tpu.memory_space<hbm>>
    %dma_start3A_1358 = arith.constant 0 : i32
    %dma_start3A_1359 = arith.constant 0 : i32
    %dma_start3A_1360 = tpu.memref_slice %arg6[%dma_start3A_1349, %dma_start3A_1358, %dma_start3A_1359] : memref<4x128x64xf32, #tpu.memory_space<vmem>> -> memref<1x128x64xf32, #tpu.memory_space<vmem>>
    %dma_start3A_1361 = tpu.memref_squeeze %dma_start3A_1360 : memref<1x128x64xf32, #tpu.memory_space<vmem>> -> memref<128x64xf32, #tpu.memory_space<vmem>>
    tpu.enqueue_dma source(%dma_start3A_1361 : memref<128x64xf32, #tpu.memory_space<vmem>>) target(%dma_start3A_1357 : memref<128x64xf32, #tpu.memory_space<hbm>>) target_semaphore(%arg14 : memref<!tpu.dma_semaphore, #tpu.memory_space<semaphore_mem>>)
    %dma_wait3A_1362 = arith.constant 3 : i32
    %dma_wait3A_1363 = arith.constant 0 : i32
    %dma_wait3A_1364 = arith.constant 0 : i32
    %dma_wait3A_1365 = tpu.memref_slice %arg6[%dma_wait3A_1362, %dma_wait3A_1363, %dma_wait3A_1364] : memref<4x128x64xf32, #tpu.memory_space<vmem>> -> memref<1x128x64xf32, #tpu.memory_space<vmem>>
    %dma_wait3A_1366 = tpu.memref_squeeze %dma_wait3A_1365 : memref<1x128x64xf32, #tpu.memory_space<vmem>> -> memref<128x64xf32, #tpu.memory_space<vmem>>
    %dma_wait3A_1367 = arith.constant 0 : i32
    %dma_wait3A_1368 = tpu.memref_slice %arg4[%add3A_1348, %dma_wait3A_1367] : memref<131072x64xf32, #tpu.memory_space<hbm>> -> memref<128x64xf32, #tpu.memory_space<hbm>>
    %dma_wait3A_1369 = arith.constant 0 : i32
    %dma_wait3A_1370 = tpu.memref_slice %arg4[%add3A_1348, %dma_wait3A_1369] : memref<131072x64xf32, #tpu.memory_space<hbm>> -> memref<128x64xf32, #tpu.memory_space<hbm>>
    %dma_wait3A_1371 = arith.constant 0 : i32
    %dma_wait3A_1372 = arith.constant 0 : i32
    %dma_wait3A_1373 = tpu.memref_slice %arg6[%dma_wait3A_1362, %dma_wait3A_1371, %dma_wait3A_1372] : memref<4x128x64xf32, #tpu.memory_space<vmem>> -> memref<1x128x64xf32, #tpu.memory_space<vmem>>
    %dma_wait3A_1374 = tpu.memref_squeeze %dma_wait3A_1373 : memref<1x128x64xf32, #tpu.memory_space<vmem>> -> memref<128x64xf32, #tpu.memory_space<vmem>>
    tpu.wait_dma2 semaphore(%arg14 : memref<!tpu.dma_semaphore, #tpu.memory_space<semaphore_mem>>) src(%dma_wait3A_1374 : memref<128x64xf32, #tpu.memory_space<vmem>>) dst(%dma_wait3A_1370 : memref<128x64xf32, #tpu.memory_space<hbm>>)
    %dma_start3A_1375 = arith.constant 3 : i32
    %dma_start3A_1376 = arith.constant 0 : i32
    %dma_start3A_1377 = arith.constant 0 : i32
    %dma_start3A_1378 = tpu.memref_slice %arg6[%dma_start3A_1375, %dma_start3A_1376, %dma_start3A_1377] : memref<4x128x64xf32, #tpu.memory_space<vmem>> -> memref<1x128x64xf32, #tpu.memory_space<vmem>>
    %dma_start3A_1379 = tpu.memref_squeeze %dma_start3A_1378 : memref<1x128x64xf32, #tpu.memory_space<vmem>> -> memref<128x64xf32, #tpu.memory_space<vmem>>
    %dma_start3A_1380 = arith.constant 3968 : i32
    %dma_start3A_1381 = tpu.memref_slice %arg5[%dma_start3A_1380] : memref<4096xi32, #tpu.memory_space<vmem>> -> memref<128xi32, #tpu.memory_space<vmem>>
    %dma_start3A_1382 = arith.constant 0 : i32
    %dma_start3A_1383 = arith.constant 0 : i32
    %dma_start3A_1384 = tpu.memref_slice %arg2[%dma_start3A_1382, %dma_start3A_1383] : memref<4096x64xf32, #tpu.memory_space<hbm>> -> memref<4096x64xf32, #tpu.memory_space<hbm>>
    tpu.enqueue_indirect_dma source(%dma_start3A_1384 : memref<4096x64xf32, #tpu.memory_space<hbm>>) target(%dma_start3A_1379 : memref<128x64xf32, #tpu.memory_space<vmem>>) offsets(%dma_start3A_1381 : memref<128xi32, #tpu.memory_space<vmem>>) semaphore(%arg10 : memref<!tpu.dma_semaphore, #tpu.memory_space<semaphore_mem>>)
    %dma_wait3A_1385 = arith.constant 0 : i32
    %dma_wait3A_1386 = arith.constant 0 : i32
    %dma_wait3A_1387 = arith.constant 0 : i32
    %dma_wait3A_1388 = tpu.memref_slice %arg6[%dma_wait3A_1385, %dma_wait3A_1386, %dma_wait3A_1387] : memref<4x128x64xf32, #tpu.memory_space<vmem>> -> memref<1x128x64xf32, #tpu.memory_space<vmem>>
    %dma_wait3A_1389 = tpu.memref_squeeze %dma_wait3A_1388 : memref<1x128x64xf32, #tpu.memory_space<vmem>> -> memref<128x64xf32, #tpu.memory_space<vmem>>
    %dma_wait3A_1390 = arith.constant 3584 : i32
    %dma_wait3A_1391 = tpu.memref_slice %arg5[%dma_wait3A_1390] : memref<4096xi32, #tpu.memory_space<vmem>> -> memref<128xi32, #tpu.memory_space<vmem>>
    %dma_wait3A_1392 = arith.constant 0 : i32
    %dma_wait3A_1393 = arith.constant 0 : i32
    %dma_wait3A_1394 = tpu.memref_slice %arg2[%dma_wait3A_1392, %dma_wait3A_1393] : memref<4096x64xf32, #tpu.memory_space<hbm>> -> memref<4096x64xf32, #tpu.memory_space<hbm>>
    tpu.wait_indirect_dma semaphore(%arg7 : memref<!tpu.dma_semaphore, #tpu.memory_space<semaphore_mem>>) src(%dma_wait3A_1394 : memref<4096x64xf32, #tpu.memory_space<hbm>>) dst(%dma_wait3A_1389 : memref<128x64xf32, #tpu.memory_space<vmem>>)
    %add3A_1395 = arith.constant 3584 : i32
    %add3A_1396 = arith.addi %mul3A_2, %add3A_1395 : i32
    %dma_start3A_1397 = arith.constant 0 : i32
    %dma_start3A_1398 = arith.constant 0 : i32
    %dma_start3A_1399 = arith.constant 0 : i32
    %dma_start3A_1400 = tpu.memref_slice %arg6[%dma_start3A_1397, %dma_start3A_1398, %dma_start3A_1399] : memref<4x128x64xf32, #tpu.memory_space<vmem>> -> memref<1x128x64xf32, #tpu.memory_space<vmem>>
    %dma_start3A_1401 = tpu.memref_squeeze %dma_start3A_1400 : memref<1x128x64xf32, #tpu.memory_space<vmem>> -> memref<128x64xf32, #tpu.memory_space<vmem>>
    %dma_start3A_1402 = arith.constant 0 : i32
    %dma_start3A_1403 = tpu.memref_slice %arg4[%add3A_1396, %dma_start3A_1402] : memref<131072x64xf32, #tpu.memory_space<hbm>> -> memref<128x64xf32, #tpu.memory_space<hbm>>
    %dma_start3A_1404 = arith.constant 0 : i32
    %dma_start3A_1405 = tpu.memref_slice %arg4[%add3A_1396, %dma_start3A_1404] : memref<131072x64xf32, #tpu.memory_space<hbm>> -> memref<128x64xf32, #tpu.memory_space<hbm>>
    %dma_start3A_1406 = arith.constant 0 : i32
    %dma_start3A_1407 = arith.constant 0 : i32
    %dma_start3A_1408 = tpu.memref_slice %arg6[%dma_start3A_1397, %dma_start3A_1406, %dma_start3A_1407] : memref<4x128x64xf32, #tpu.memory_space<vmem>> -> memref<1x128x64xf32, #tpu.memory_space<vmem>>
    %dma_start3A_1409 = tpu.memref_squeeze %dma_start3A_1408 : memref<1x128x64xf32, #tpu.memory_space<vmem>> -> memref<128x64xf32, #tpu.memory_space<vmem>>
    tpu.enqueue_dma source(%dma_start3A_1409 : memref<128x64xf32, #tpu.memory_space<vmem>>) target(%dma_start3A_1405 : memref<128x64xf32, #tpu.memory_space<hbm>>) target_semaphore(%arg11 : memref<!tpu.dma_semaphore, #tpu.memory_space<semaphore_mem>>)
    %dma_wait3A_1410 = arith.constant 1 : i32
    %dma_wait3A_1411 = arith.constant 0 : i32
    %dma_wait3A_1412 = arith.constant 0 : i32
    %dma_wait3A_1413 = tpu.memref_slice %arg6[%dma_wait3A_1410, %dma_wait3A_1411, %dma_wait3A_1412] : memref<4x128x64xf32, #tpu.memory_space<vmem>> -> memref<1x128x64xf32, #tpu.memory_space<vmem>>
    %dma_wait3A_1414 = tpu.memref_squeeze %dma_wait3A_1413 : memref<1x128x64xf32, #tpu.memory_space<vmem>> -> memref<128x64xf32, #tpu.memory_space<vmem>>
    %dma_wait3A_1415 = arith.constant 3712 : i32
    %dma_wait3A_1416 = tpu.memref_slice %arg5[%dma_wait3A_1415] : memref<4096xi32, #tpu.memory_space<vmem>> -> memref<128xi32, #tpu.memory_space<vmem>>
    %dma_wait3A_1417 = arith.constant 0 : i32
    %dma_wait3A_1418 = arith.constant 0 : i32
    %dma_wait3A_1419 = tpu.memref_slice %arg2[%dma_wait3A_1417, %dma_wait3A_1418] : memref<4096x64xf32, #tpu.memory_space<hbm>> -> memref<4096x64xf32, #tpu.memory_space<hbm>>
    tpu.wait_indirect_dma semaphore(%arg8 : memref<!tpu.dma_semaphore, #tpu.memory_space<semaphore_mem>>) src(%dma_wait3A_1419 : memref<4096x64xf32, #tpu.memory_space<hbm>>) dst(%dma_wait3A_1414 : memref<128x64xf32, #tpu.memory_space<vmem>>)
    %add3A_1420 = arith.constant 3712 : i32
    %add3A_1421 = arith.addi %mul3A_2, %add3A_1420 : i32
    %dma_start3A_1422 = arith.constant 1 : i32
    %dma_start3A_1423 = arith.constant 0 : i32
    %dma_start3A_1424 = arith.constant 0 : i32
    %dma_start3A_1425 = tpu.memref_slice %arg6[%dma_start3A_1422, %dma_start3A_1423, %dma_start3A_1424] : memref<4x128x64xf32, #tpu.memory_space<vmem>> -> memref<1x128x64xf32, #tpu.memory_space<vmem>>
    %dma_start3A_1426 = tpu.memref_squeeze %dma_start3A_1425 : memref<1x128x64xf32, #tpu.memory_space<vmem>> -> memref<128x64xf32, #tpu.memory_space<vmem>>
    %dma_start3A_1427 = arith.constant 0 : i32
    %dma_start3A_1428 = tpu.memref_slice %arg4[%add3A_1421, %dma_start3A_1427] : memref<131072x64xf32, #tpu.memory_space<hbm>> -> memref<128x64xf32, #tpu.memory_space<hbm>>
    %dma_start3A_1429 = arith.constant 0 : i32
    %dma_start3A_1430 = tpu.memref_slice %arg4[%add3A_1421, %dma_start3A_1429] : memref<131072x64xf32, #tpu.memory_space<hbm>> -> memref<128x64xf32, #tpu.memory_space<hbm>>
    %dma_start3A_1431 = arith.constant 0 : i32
    %dma_start3A_1432 = arith.constant 0 : i32
    %dma_start3A_1433 = tpu.memref_slice %arg6[%dma_start3A_1422, %dma_start3A_1431, %dma_start3A_1432] : memref<4x128x64xf32, #tpu.memory_space<vmem>> -> memref<1x128x64xf32, #tpu.memory_space<vmem>>
    %dma_start3A_1434 = tpu.memref_squeeze %dma_start3A_1433 : memref<1x128x64xf32, #tpu.memory_space<vmem>> -> memref<128x64xf32, #tpu.memory_space<vmem>>
    tpu.enqueue_dma source(%dma_start3A_1434 : memref<128x64xf32, #tpu.memory_space<vmem>>) target(%dma_start3A_1430 : memref<128x64xf32, #tpu.memory_space<hbm>>) target_semaphore(%arg12 : memref<!tpu.dma_semaphore, #tpu.memory_space<semaphore_mem>>)
    %dma_wait3A_1435 = arith.constant 2 : i32
    %dma_wait3A_1436 = arith.constant 0 : i32
    %dma_wait3A_1437 = arith.constant 0 : i32
    %dma_wait3A_1438 = tpu.memref_slice %arg6[%dma_wait3A_1435, %dma_wait3A_1436, %dma_wait3A_1437] : memref<4x128x64xf32, #tpu.memory_space<vmem>> -> memref<1x128x64xf32, #tpu.memory_space<vmem>>
    %dma_wait3A_1439 = tpu.memref_squeeze %dma_wait3A_1438 : memref<1x128x64xf32, #tpu.memory_space<vmem>> -> memref<128x64xf32, #tpu.memory_space<vmem>>
    %dma_wait3A_1440 = arith.constant 3840 : i32
    %dma_wait3A_1441 = tpu.memref_slice %arg5[%dma_wait3A_1440] : memref<4096xi32, #tpu.memory_space<vmem>> -> memref<128xi32, #tpu.memory_space<vmem>>
    %dma_wait3A_1442 = arith.constant 0 : i32
    %dma_wait3A_1443 = arith.constant 0 : i32
    %dma_wait3A_1444 = tpu.memref_slice %arg2[%dma_wait3A_1442, %dma_wait3A_1443] : memref<4096x64xf32, #tpu.memory_space<hbm>> -> memref<4096x64xf32, #tpu.memory_space<hbm>>
    tpu.wait_indirect_dma semaphore(%arg9 : memref<!tpu.dma_semaphore, #tpu.memory_space<semaphore_mem>>) src(%dma_wait3A_1444 : memref<4096x64xf32, #tpu.memory_space<hbm>>) dst(%dma_wait3A_1439 : memref<128x64xf32, #tpu.memory_space<vmem>>)
    %add3A_1445 = arith.constant 3840 : i32
    %add3A_1446 = arith.addi %mul3A_2, %add3A_1445 : i32
    %dma_start3A_1447 = arith.constant 2 : i32
    %dma_start3A_1448 = arith.constant 0 : i32
    %dma_start3A_1449 = arith.constant 0 : i32
    %dma_start3A_1450 = tpu.memref_slice %arg6[%dma_start3A_1447, %dma_start3A_1448, %dma_start3A_1449] : memref<4x128x64xf32, #tpu.memory_space<vmem>> -> memref<1x128x64xf32, #tpu.memory_space<vmem>>
    %dma_start3A_1451 = tpu.memref_squeeze %dma_start3A_1450 : memref<1x128x64xf32, #tpu.memory_space<vmem>> -> memref<128x64xf32, #tpu.memory_space<vmem>>
    %dma_start3A_1452 = arith.constant 0 : i32
    %dma_start3A_1453 = tpu.memref_slice %arg4[%add3A_1446, %dma_start3A_1452] : memref<131072x64xf32, #tpu.memory_space<hbm>> -> memref<128x64xf32, #tpu.memory_space<hbm>>
    %dma_start3A_1454 = arith.constant 0 : i32
    %dma_start3A_1455 = tpu.memref_slice %arg4[%add3A_1446, %dma_start3A_1454] : memref<131072x64xf32, #tpu.memory_space<hbm>> -> memref<128x64xf32, #tpu.memory_space<hbm>>
    %dma_start3A_1456 = arith.constant 0 : i32
    %dma_start3A_1457 = arith.constant 0 : i32
    %dma_start3A_1458 = tpu.memref_slice %arg6[%dma_start3A_1447, %dma_start3A_1456, %dma_start3A_1457] : memref<4x128x64xf32, #tpu.memory_space<vmem>> -> memref<1x128x64xf32, #tpu.memory_space<vmem>>
    %dma_start3A_1459 = tpu.memref_squeeze %dma_start3A_1458 : memref<1x128x64xf32, #tpu.memory_space<vmem>> -> memref<128x64xf32, #tpu.memory_space<vmem>>
    tpu.enqueue_dma source(%dma_start3A_1459 : memref<128x64xf32, #tpu.memory_space<vmem>>) target(%dma_start3A_1455 : memref<128x64xf32, #tpu.memory_space<hbm>>) target_semaphore(%arg13 : memref<!tpu.dma_semaphore, #tpu.memory_space<semaphore_mem>>)
    %dma_wait3A_1460 = arith.constant 3 : i32
    %dma_wait3A_1461 = arith.constant 0 : i32
    %dma_wait3A_1462 = arith.constant 0 : i32
    %dma_wait3A_1463 = tpu.memref_slice %arg6[%dma_wait3A_1460, %dma_wait3A_1461, %dma_wait3A_1462] : memref<4x128x64xf32, #tpu.memory_space<vmem>> -> memref<1x128x64xf32, #tpu.memory_space<vmem>>
    %dma_wait3A_1464 = tpu.memref_squeeze %dma_wait3A_1463 : memref<1x128x64xf32, #tpu.memory_space<vmem>> -> memref<128x64xf32, #tpu.memory_space<vmem>>
    %dma_wait3A_1465 = arith.constant 3968 : i32
    %dma_wait3A_1466 = tpu.memref_slice %arg5[%dma_wait3A_1465] : memref<4096xi32, #tpu.memory_space<vmem>> -> memref<128xi32, #tpu.memory_space<vmem>>
    %dma_wait3A_1467 = arith.constant 0 : i32
    %dma_wait3A_1468 = arith.constant 0 : i32
    %dma_wait3A_1469 = tpu.memref_slice %arg2[%dma_wait3A_1467, %dma_wait3A_1468] : memref<4096x64xf32, #tpu.memory_space<hbm>> -> memref<4096x64xf32, #tpu.memory_space<hbm>>
    tpu.wait_indirect_dma semaphore(%arg10 : memref<!tpu.dma_semaphore, #tpu.memory_space<semaphore_mem>>) src(%dma_wait3A_1469 : memref<4096x64xf32, #tpu.memory_space<hbm>>) dst(%dma_wait3A_1464 : memref<128x64xf32, #tpu.memory_space<vmem>>)
    %add3A_1470 = arith.constant 3968 : i32
    %add3A_1471 = arith.addi %mul3A_2, %add3A_1470 : i32
    %dma_start3A_1472 = arith.constant 3 : i32
    %dma_start3A_1473 = arith.constant 0 : i32
    %dma_start3A_1474 = arith.constant 0 : i32
    %dma_start3A_1475 = tpu.memref_slice %arg6[%dma_start3A_1472, %dma_start3A_1473, %dma_start3A_1474] : memref<4x128x64xf32, #tpu.memory_space<vmem>> -> memref<1x128x64xf32, #tpu.memory_space<vmem>>
    %dma_start3A_1476 = tpu.memref_squeeze %dma_start3A_1475 : memref<1x128x64xf32, #tpu.memory_space<vmem>> -> memref<128x64xf32, #tpu.memory_space<vmem>>
    %dma_start3A_1477 = arith.constant 0 : i32
    %dma_start3A_1478 = tpu.memref_slice %arg4[%add3A_1471, %dma_start3A_1477] : memref<131072x64xf32, #tpu.memory_space<hbm>> -> memref<128x64xf32, #tpu.memory_space<hbm>>
    %dma_start3A_1479 = arith.constant 0 : i32
    %dma_start3A_1480 = tpu.memref_slice %arg4[%add3A_1471, %dma_start3A_1479] : memref<131072x64xf32, #tpu.memory_space<hbm>> -> memref<128x64xf32, #tpu.memory_space<hbm>>
    %dma_start3A_1481 = arith.constant 0 : i32
    %dma_start3A_1482 = arith.constant 0 : i32
    %dma_start3A_1483 = tpu.memref_slice %arg6[%dma_start3A_1472, %dma_start3A_1481, %dma_start3A_1482] : memref<4x128x64xf32, #tpu.memory_space<vmem>> -> memref<1x128x64xf32, #tpu.memory_space<vmem>>
    %dma_start3A_1484 = tpu.memref_squeeze %dma_start3A_1483 : memref<1x128x64xf32, #tpu.memory_space<vmem>> -> memref<128x64xf32, #tpu.memory_space<vmem>>
    tpu.enqueue_dma source(%dma_start3A_1484 : memref<128x64xf32, #tpu.memory_space<vmem>>) target(%dma_start3A_1480 : memref<128x64xf32, #tpu.memory_space<hbm>>) target_semaphore(%arg14 : memref<!tpu.dma_semaphore, #tpu.memory_space<semaphore_mem>>)
    %dma_wait3A_1485 = arith.constant 0 : i32
    %dma_wait3A_1486 = arith.constant 0 : i32
    %dma_wait3A_1487 = arith.constant 0 : i32
    %dma_wait3A_1488 = tpu.memref_slice %arg6[%dma_wait3A_1485, %dma_wait3A_1486, %dma_wait3A_1487] : memref<4x128x64xf32, #tpu.memory_space<vmem>> -> memref<1x128x64xf32, #tpu.memory_space<vmem>>
    %dma_wait3A_1489 = tpu.memref_squeeze %dma_wait3A_1488 : memref<1x128x64xf32, #tpu.memory_space<vmem>> -> memref<128x64xf32, #tpu.memory_space<vmem>>
    %dma_wait3A_1490 = arith.constant 0 : i32
    %dma_wait3A_1491 = tpu.memref_slice %arg4[%add3A_1396, %dma_wait3A_1490] : memref<131072x64xf32, #tpu.memory_space<hbm>> -> memref<128x64xf32, #tpu.memory_space<hbm>>
    %dma_wait3A_1492 = arith.constant 0 : i32
    %dma_wait3A_1493 = tpu.memref_slice %arg4[%add3A_1396, %dma_wait3A_1492] : memref<131072x64xf32, #tpu.memory_space<hbm>> -> memref<128x64xf32, #tpu.memory_space<hbm>>
    %dma_wait3A_1494 = arith.constant 0 : i32
    %dma_wait3A_1495 = arith.constant 0 : i32
    %dma_wait3A_1496 = tpu.memref_slice %arg6[%dma_wait3A_1485, %dma_wait3A_1494, %dma_wait3A_1495] : memref<4x128x64xf32, #tpu.memory_space<vmem>> -> memref<1x128x64xf32, #tpu.memory_space<vmem>>
    %dma_wait3A_1497 = tpu.memref_squeeze %dma_wait3A_1496 : memref<1x128x64xf32, #tpu.memory_space<vmem>> -> memref<128x64xf32, #tpu.memory_space<vmem>>
    tpu.wait_dma2 semaphore(%arg11 : memref<!tpu.dma_semaphore, #tpu.memory_space<semaphore_mem>>) src(%dma_wait3A_1497 : memref<128x64xf32, #tpu.memory_space<vmem>>) dst(%dma_wait3A_1493 : memref<128x64xf32, #tpu.memory_space<hbm>>)
    %dma_wait3A_1498 = arith.constant 1 : i32
    %dma_wait3A_1499 = arith.constant 0 : i32
    %dma_wait3A_1500 = arith.constant 0 : i32
    %dma_wait3A_1501 = tpu.memref_slice %arg6[%dma_wait3A_1498, %dma_wait3A_1499, %dma_wait3A_1500] : memref<4x128x64xf32, #tpu.memory_space<vmem>> -> memref<1x128x64xf32, #tpu.memory_space<vmem>>
    %dma_wait3A_1502 = tpu.memref_squeeze %dma_wait3A_1501 : memref<1x128x64xf32, #tpu.memory_space<vmem>> -> memref<128x64xf32, #tpu.memory_space<vmem>>
    %dma_wait3A_1503 = arith.constant 0 : i32
    %dma_wait3A_1504 = tpu.memref_slice %arg4[%add3A_1421, %dma_wait3A_1503] : memref<131072x64xf32, #tpu.memory_space<hbm>> -> memref<128x64xf32, #tpu.memory_space<hbm>>
    %dma_wait3A_1505 = arith.constant 0 : i32
    %dma_wait3A_1506 = tpu.memref_slice %arg4[%add3A_1421, %dma_wait3A_1505] : memref<131072x64xf32, #tpu.memory_space<hbm>> -> memref<128x64xf32, #tpu.memory_space<hbm>>
    %dma_wait3A_1507 = arith.constant 0 : i32
    %dma_wait3A_1508 = arith.constant 0 : i32
    %dma_wait3A_1509 = tpu.memref_slice %arg6[%dma_wait3A_1498, %dma_wait3A_1507, %dma_wait3A_1508] : memref<4x128x64xf32, #tpu.memory_space<vmem>> -> memref<1x128x64xf32, #tpu.memory_space<vmem>>
    %dma_wait3A_1510 = tpu.memref_squeeze %dma_wait3A_1509 : memref<1x128x64xf32, #tpu.memory_space<vmem>> -> memref<128x64xf32, #tpu.memory_space<vmem>>
    tpu.wait_dma2 semaphore(%arg12 : memref<!tpu.dma_semaphore, #tpu.memory_space<semaphore_mem>>) src(%dma_wait3A_1510 : memref<128x64xf32, #tpu.memory_space<vmem>>) dst(%dma_wait3A_1506 : memref<128x64xf32, #tpu.memory_space<hbm>>)
    %dma_wait3A_1511 = arith.constant 2 : i32
    %dma_wait3A_1512 = arith.constant 0 : i32
    %dma_wait3A_1513 = arith.constant 0 : i32
    %dma_wait3A_1514 = tpu.memref_slice %arg6[%dma_wait3A_1511, %dma_wait3A_1512, %dma_wait3A_1513] : memref<4x128x64xf32, #tpu.memory_space<vmem>> -> memref<1x128x64xf32, #tpu.memory_space<vmem>>
    %dma_wait3A_1515 = tpu.memref_squeeze %dma_wait3A_1514 : memref<1x128x64xf32, #tpu.memory_space<vmem>> -> memref<128x64xf32, #tpu.memory_space<vmem>>
    %dma_wait3A_1516 = arith.constant 0 : i32
    %dma_wait3A_1517 = tpu.memref_slice %arg4[%add3A_1446, %dma_wait3A_1516] : memref<131072x64xf32, #tpu.memory_space<hbm>> -> memref<128x64xf32, #tpu.memory_space<hbm>>
    %dma_wait3A_1518 = arith.constant 0 : i32
    %dma_wait3A_1519 = tpu.memref_slice %arg4[%add3A_1446, %dma_wait3A_1518] : memref<131072x64xf32, #tpu.memory_space<hbm>> -> memref<128x64xf32, #tpu.memory_space<hbm>>
    %dma_wait3A_1520 = arith.constant 0 : i32
    %dma_wait3A_1521 = arith.constant 0 : i32
    %dma_wait3A_1522 = tpu.memref_slice %arg6[%dma_wait3A_1511, %dma_wait3A_1520, %dma_wait3A_1521] : memref<4x128x64xf32, #tpu.memory_space<vmem>> -> memref<1x128x64xf32, #tpu.memory_space<vmem>>
    %dma_wait3A_1523 = tpu.memref_squeeze %dma_wait3A_1522 : memref<1x128x64xf32, #tpu.memory_space<vmem>> -> memref<128x64xf32, #tpu.memory_space<vmem>>
    tpu.wait_dma2 semaphore(%arg13 : memref<!tpu.dma_semaphore, #tpu.memory_space<semaphore_mem>>) src(%dma_wait3A_1523 : memref<128x64xf32, #tpu.memory_space<vmem>>) dst(%dma_wait3A_1519 : memref<128x64xf32, #tpu.memory_space<hbm>>)
    %dma_wait3A_1524 = arith.constant 3 : i32
    %dma_wait3A_1525 = arith.constant 0 : i32
    %dma_wait3A_1526 = arith.constant 0 : i32
    %dma_wait3A_1527 = tpu.memref_slice %arg6[%dma_wait3A_1524, %dma_wait3A_1525, %dma_wait3A_1526] : memref<4x128x64xf32, #tpu.memory_space<vmem>> -> memref<1x128x64xf32, #tpu.memory_space<vmem>>
    %dma_wait3A_1528 = tpu.memref_squeeze %dma_wait3A_1527 : memref<1x128x64xf32, #tpu.memory_space<vmem>> -> memref<128x64xf32, #tpu.memory_space<vmem>>
    %dma_wait3A_1529 = arith.constant 0 : i32
    %dma_wait3A_1530 = tpu.memref_slice %arg4[%add3A_1471, %dma_wait3A_1529] : memref<131072x64xf32, #tpu.memory_space<hbm>> -> memref<128x64xf32, #tpu.memory_space<hbm>>
    %dma_wait3A_1531 = arith.constant 0 : i32
    %dma_wait3A_1532 = tpu.memref_slice %arg4[%add3A_1471, %dma_wait3A_1531] : memref<131072x64xf32, #tpu.memory_space<hbm>> -> memref<128x64xf32, #tpu.memory_space<hbm>>
    %dma_wait3A_1533 = arith.constant 0 : i32
    %dma_wait3A_1534 = arith.constant 0 : i32
    %dma_wait3A_1535 = tpu.memref_slice %arg6[%dma_wait3A_1524, %dma_wait3A_1533, %dma_wait3A_1534] : memref<4x128x64xf32, #tpu.memory_space<vmem>> -> memref<1x128x64xf32, #tpu.memory_space<vmem>>
    %dma_wait3A_1536 = tpu.memref_squeeze %dma_wait3A_1535 : memref<1x128x64xf32, #tpu.memory_space<vmem>> -> memref<128x64xf32, #tpu.memory_space<vmem>>
    tpu.wait_dma2 semaphore(%arg14 : memref<!tpu.dma_semaphore, #tpu.memory_space<semaphore_mem>>) src(%dma_wait3A_1536 : memref<128x64xf32, #tpu.memory_space<vmem>>) dst(%dma_wait3A_1532 : memref<128x64xf32, #tpu.memory_space<hbm>>)
    return
  }
}

module attributes {stable_mosaic.version = 14 : i64} {
  func.func @_tc_body(%arg0: i32, %arg1: i32, %arg2: memref<1x4096x128xf32, #tpu.memory_space<vmem>>, %arg3: memref<1x4096x128xf32, #tpu.memory_space<vmem>>, %arg4: memref<1x4096x128xf32, #tpu.memory_space<vmem>>, %arg5: memref<128x80xf32, #tpu.memory_space<vmem>>, %arg6: memref<8x80xf32, #tpu.memory_space<vmem>>, %arg7: memref<128x4096xf32, #tpu.memory_space<vmem>>, %arg8: memref<1x1x256x64xf32, #tpu.memory_space<vmem>>, %arg9: memref<1x1x2x4096xi32, #tpu.memory_space<vmem>>) attributes {dimension_semantics = [#tpu.dimension_semantics<arbitrary>, #tpu.dimension_semantics<arbitrary>], iteration_bounds = array<i64: 2, 8>, scalar_prefetch = 0 : i64, scratch_operands = 0 : i64, tpu.core_type = #tpu.core_type<tc>, window_params = [{transform_indices = @transform_0, window_bounds = array<i64: 1, 4096, 128>}, {transform_indices = @transform_1, window_bounds = array<i64: 1, 4096, 128>}, {transform_indices = @transform_2, window_bounds = array<i64: 1, 4096, 128>}, {pipeline_mode = #tpu.pipeline_mode<synchronous>, transform_indices = @transform_3, window_bounds = array<i64: 128, 80>}, {pipeline_mode = #tpu.pipeline_mode<synchronous>, transform_indices = @transform_4, window_bounds = array<i64: 8, 80>}, {pipeline_mode = #tpu.pipeline_mode<synchronous>, transform_indices = @transform_5, window_bounds = array<i64: 128, 4096>}, {transform_indices = @transform_6, window_bounds = array<i64: 1, 1, 256, 64>}, {transform_indices = @transform_7, window_bounds = array<i64: 1, 1, 2, 4096>}]} {
    %get3A = arith.constant 0 : index
    %get3A_0 = arith.constant 0 : index
    %get3A_1 = arith.constant 0 : index
    %get3A_2 = vector.load %arg2[%get3A, %get3A_0, %get3A_1] : memref<1x4096x128xf32, #tpu.memory_space<vmem>>, vector<1x4096x128xf32>
    %get3A_3 = vector.shape_cast %get3A_2 : vector<1x4096x128xf32> to vector<4096x128xf32>
    %get3A_4 = arith.constant 0 : index
    %get3A_5 = arith.constant 0 : index
    %get3A_6 = arith.constant 0 : index
    %get3A_7 = vector.load %arg3[%get3A_4, %get3A_5, %get3A_6] : memref<1x4096x128xf32, #tpu.memory_space<vmem>>, vector<1x4096x128xf32>
    %get3A_8 = vector.shape_cast %get3A_7 : vector<1x4096x128xf32> to vector<4096x128xf32>
    %get3A_9 = arith.constant 0 : index
    %get3A_10 = arith.constant 0 : index
    %get3A_11 = arith.constant 0 : index
    %get3A_12 = vector.load %arg4[%get3A_9, %get3A_10, %get3A_11] : memref<1x4096x128xf32, #tpu.memory_space<vmem>>, vector<1x4096x128xf32>
    %get3A_13 = vector.shape_cast %get3A_12 : vector<1x4096x128xf32> to vector<4096x128xf32>
    %get3A_14 = arith.constant 0 : index
    %get3A_15 = arith.constant 0 : index
    %get3A_16 = vector.load %arg7[%get3A_14, %get3A_15] : memref<128x4096xf32, #tpu.memory_space<vmem>>, vector<128x4096xf32>
    %get3A_17 = arith.constant 0 : index
    %get3A_18 = arith.constant 0 : index
    %get3A_19 = vector.load %arg5[%get3A_17, %get3A_18] : memref<128x80xf32, #tpu.memory_space<vmem>>, vector<128x80xf32>
    %dot_general3A = arith.constant dense<0.000000e+00> : vector<4096x80xf32>
    %dot_general3A_20 = tpu.matmul %get3A_3, %get3A_19, %dot_general3A {dimension_numbers = #tpu.dot_dimension_numbers<[1], [0], [0], [1], [0, 0, 1, 1], [], []>, transpose_lhs_hint = false} : vector<4096x128xf32>, vector<128x80xf32>, vector<4096x80xf32> -> vector<4096x80xf32>
    %get3A_21 = arith.constant 0 : index
    %get3A_22 = arith.constant 0 : index
    %get3A_23 = vector.load %arg6[%get3A_21, %get3A_22] : memref<8x80xf32, #tpu.memory_space<vmem>>, vector<1x80xf32>
    %add3A = vector.broadcast %get3A_23 : vector<1x80xf32> to vector<4096x80xf32>
    %add3A_24 = arith.addf %dot_general3A_20, %add3A : vector<4096x80xf32>
    %iota3A = tpu.iota {dimensions = array<i32: 1>} : vector<128x40xi32>
    %iota3A_25 = tpu.iota {dimensions = array<i32: 0>} : vector<128x40xi32>
    %convert_element_type3A = arith.sitofp %iota3A_25 : vector<128x40xi32> to vector<128x40xf32>
    %eq3A = arith.constant 32 : i32
    %eq3A_26 = vector.broadcast %eq3A : i32 to vector<128x40xi32>
    %eq3A_27 = arith.cmpi eq, %iota3A, %eq3A_26 : vector<128x40xi32>
    %neg3A = arith.constant 0.000000e+00 : f32
    %neg3A_28 = vector.broadcast %neg3A : f32 to vector<128x40xf32>
    %neg3A_29 = arith.subf %neg3A_28, %convert_element_type3A : vector<128x40xf32>
    %jit3A = arith.constant 0.000000e+00 : f32
    %broadcast_in_dim3A = vector.broadcast %jit3A : f32 to vector<128x40xf32>
    %select_n3A = arith.select %eq3A_27, %neg3A_29, %broadcast_in_dim3A : vector<128x40xi1>, vector<128x40xf32>
    %lt3A = arith.constant 32 : i32
    %lt3A_30 = vector.broadcast %lt3A : i32 to vector<128x40xi32>
    %lt3A_31 = arith.cmpi slt, %iota3A, %lt3A_30 : vector<128x40xi32>
    %slice3A = vector.extract_strided_slice %add3A_24 {offsets = [0, 0], sizes = [4096, 40], strides = [1, 1]} : vector<4096x80xf32> to vector<4096x40xf32>
    %gt3A = arith.constant 0.000000e+00 : f32
    %gt3A_32 = vector.broadcast %gt3A : f32 to vector<4096x40xf32>
    %gt3A_33 = arith.cmpf ogt, %slice3A, %gt3A_32 : vector<4096x40xf32>
    %convert_element_type3A_34 = arith.extui %gt3A_33 : vector<4096x40xi1> to vector<4096x40xi32>
    %convert_element_type3A_35 = arith.sitofp %convert_element_type3A_34 : vector<4096x40xi32> to vector<4096x40xf32>
    %mul3A = arith.constant 2.000000e+00 : f32
    %mul3A_36 = vector.broadcast %mul3A : f32 to vector<4096x40xf32>
    %mul3A_37 = arith.mulf %convert_element_type3A_35, %mul3A_36 : vector<4096x40xf32>
    %sub3A = arith.constant 1.000000e+00 : f32
    %sub3A_38 = vector.broadcast %sub3A : f32 to vector<4096x40xf32>
    %sub3A_39 = arith.subf %mul3A_37, %sub3A_38 : vector<4096x40xf32>
    %slice3A_40 = vector.extract_strided_slice %add3A_24 {offsets = [0, 40], sizes = [4096, 40], strides = [1, 1]} : vector<4096x80xf32> to vector<4096x40xf32>
    %gt3A_41 = arith.constant 0.000000e+00 : f32
    %gt3A_42 = vector.broadcast %gt3A_41 : f32 to vector<4096x40xf32>
    %gt3A_43 = arith.cmpf ogt, %slice3A_40, %gt3A_42 : vector<4096x40xf32>
    %convert_element_type3A_44 = arith.extui %gt3A_43 : vector<4096x40xi1> to vector<4096x40xi32>
    %convert_element_type3A_45 = arith.sitofp %convert_element_type3A_44 : vector<4096x40xi32> to vector<4096x40xf32>
    %mul3A_46 = arith.constant 2.000000e+00 : f32
    %mul3A_47 = vector.broadcast %mul3A_46 : f32 to vector<4096x40xf32>
    %mul3A_48 = arith.mulf %convert_element_type3A_45, %mul3A_47 : vector<4096x40xf32>
    %sub3A_49 = arith.constant 1.000000e+00 : f32
    %sub3A_50 = vector.broadcast %sub3A_49 : f32 to vector<4096x40xf32>
    %sub3A_51 = arith.subf %mul3A_48, %sub3A_50 : vector<4096x40xf32>
    %dot_general3A_52 = arith.constant dense<0.000000e+00> : vector<128x40xf32>
    %dot_general3A_53 = tpu.matmul %get3A_16, %convert_element_type3A_35, %dot_general3A_52 {dimension_numbers = #tpu.dot_dimension_numbers<[1], [0], [0], [1], [0, 0, 1, 1], [], []>, transpose_lhs_hint = false} : vector<128x4096xf32>, vector<4096x40xf32>, vector<128x40xf32> -> vector<128x40xf32>
    %dot_general3A_54 = arith.constant dense<0.000000e+00> : vector<128x40xf32>
    %dot_general3A_55 = tpu.matmul %get3A_16, %convert_element_type3A_45, %dot_general3A_54 {dimension_numbers = #tpu.dot_dimension_numbers<[1], [0], [0], [1], [0, 0, 1, 1], [], []>, transpose_lhs_hint = false} : vector<128x4096xf32>, vector<4096x40xf32>, vector<128x40xf32> -> vector<128x40xf32>
    %scan3A = arith.constant 0 : i32
    %scan3A_56 = arith.constant 10 : i32
    %scan3A_57 = arith.addi %scan3A, %scan3A_56 : i32
    %scan3A_58 = arith.constant 1 : i32
    %scan3A_59:2 = scf.for %scan3A_297 = %scan3A to %scan3A_57 step %scan3A_58 iter_args(%scan3A_298 = %dot_general3A_53, %scan3A_299 = %dot_general3A_55) -> (vector<128x40xf32>, vector<128x40xf32>)  : i32 {
      %mul3A_300 = arith.constant 2.560000e+02 : f32
      %mul3A_301 = vector.broadcast %mul3A_300 : f32 to vector<128x40xf32>
      %mul3A_302 = arith.mulf %scan3A_298, %mul3A_301 : vector<128x40xf32>
      %sub3A_303 = arith.constant 1.280000e+02 : f32
      %sub3A_304 = vector.broadcast %sub3A_303 : f32 to vector<128x40xf32>
      %sub3A_305 = arith.subf %mul3A_302, %sub3A_304 : vector<128x40xf32>
      %select_n3A_306 = arith.select %lt3A_31, %sub3A_305, %select_n3A : vector<128x40xi1>, vector<128x40xf32>
      %dot_general3A_307 = arith.constant dense<0.000000e+00> : vector<128x4096xf32>
      %dot_general3A_308 = tpu.matmul %select_n3A_306, %sub3A_39, %dot_general3A_307 {dimension_numbers = #tpu.dot_dimension_numbers<[1], [1], [0], [0], [0, 0, 1, 0], [], []>, transpose_lhs_hint = false} : vector<128x40xf32>, vector<4096x40xf32>, vector<128x4096xf32> -> vector<128x4096xf32>
      %reduce_max3A_309 = arith.constant dense<0xFF800000> : vector<4096xf32>
      %reduce_max3A_310 = vector.multi_reduction <maximumf>, %dot_general3A_308, %reduce_max3A_309 [0] : vector<128x4096xf32> to vector<4096xf32>
      %broadcast_in_dim3A_311 = vector.shape_cast %reduce_max3A_310 : vector<4096xf32> to vector<1x4096xf32>
      %eq3A_312 = vector.broadcast %broadcast_in_dim3A_311 : vector<1x4096xf32> to vector<128x4096xf32>
      %eq3A_313 = arith.cmpf oeq, %dot_general3A_308, %eq3A_312 : vector<128x4096xf32>
      %convert_element_type3A_314 = arith.extui %eq3A_313 : vector<128x4096xi1> to vector<128x4096xi32>
      %convert_element_type3A_315 = arith.sitofp %convert_element_type3A_314 : vector<128x4096xi32> to vector<128x4096xf32>
      %dot_general3A_316 = arith.constant dense<0.000000e+00> : vector<128x40xf32>
      %dot_general3A_317 = tpu.matmul %convert_element_type3A_315, %convert_element_type3A_35, %dot_general3A_316 {dimension_numbers = #tpu.dot_dimension_numbers<[1], [0], [0], [1], [0, 0, 1, 1], [], []>, transpose_lhs_hint = false} : vector<128x4096xf32>, vector<4096x40xf32>, vector<128x40xf32> -> vector<128x40xf32>
      %slice3A_318 = vector.extract_strided_slice %dot_general3A_317 {offsets = [0, 32], sizes = [128, 1], strides = [1, 1]} : vector<128x40xf32> to vector<128x1xf32>
      %mul3A_319 = arith.constant 2.000000e+00 : f32
      %mul3A_320 = vector.broadcast %mul3A_319 : f32 to vector<128x40xf32>
      %mul3A_321 = arith.mulf %dot_general3A_317, %mul3A_320 : vector<128x40xf32>
      %gt3A_322 = vector.broadcast %slice3A_318 : vector<128x1xf32> to vector<128x40xf32>
      %gt3A_323 = arith.cmpf ogt, %mul3A_321, %gt3A_322 : vector<128x40xf32>
      %convert_element_type3A_324 = arith.extui %gt3A_323 : vector<128x40xi1> to vector<128x40xi32>
      %convert_element_type3A_325 = arith.sitofp %convert_element_type3A_324 : vector<128x40xi32> to vector<128x40xf32>
      %gt3A_326 = arith.constant 0.000000e+00 : f32
      %gt3A_327 = vector.broadcast %gt3A_326 : f32 to vector<128x1xf32>
      %gt3A_328 = arith.cmpf ogt, %slice3A_318, %gt3A_327 : vector<128x1xf32>
      %broadcast_in_dim3A_329 = vector.shape_cast %gt3A_328 : vector<128x1xi1> to vector<128x1xi1>
      %broadcast_in_dim3A_330 = vector.broadcast %broadcast_in_dim3A_329 : vector<128x1xi1> to vector<128x40xi1>
      %select_n3A_331 = arith.select %broadcast_in_dim3A_330, %convert_element_type3A_325, %scan3A_298 : vector<128x40xi1>, vector<128x40xf32>
      %mul3A_332 = arith.constant 2.560000e+02 : f32
      %mul3A_333 = vector.broadcast %mul3A_332 : f32 to vector<128x40xf32>
      %mul3A_334 = arith.mulf %scan3A_299, %mul3A_333 : vector<128x40xf32>
      %sub3A_335 = arith.constant 1.280000e+02 : f32
      %sub3A_336 = vector.broadcast %sub3A_335 : f32 to vector<128x40xf32>
      %sub3A_337 = arith.subf %mul3A_334, %sub3A_336 : vector<128x40xf32>
      %select_n3A_338 = arith.select %lt3A_31, %sub3A_337, %select_n3A : vector<128x40xi1>, vector<128x40xf32>
      %dot_general3A_339 = arith.constant dense<0.000000e+00> : vector<128x4096xf32>
      %dot_general3A_340 = tpu.matmul %select_n3A_338, %sub3A_51, %dot_general3A_339 {dimension_numbers = #tpu.dot_dimension_numbers<[1], [1], [0], [0], [0, 0, 1, 0], [], []>, transpose_lhs_hint = false} : vector<128x40xf32>, vector<4096x40xf32>, vector<128x4096xf32> -> vector<128x4096xf32>
      %reduce_max3A_341 = arith.constant dense<0xFF800000> : vector<4096xf32>
      %reduce_max3A_342 = vector.multi_reduction <maximumf>, %dot_general3A_340, %reduce_max3A_341 [0] : vector<128x4096xf32> to vector<4096xf32>
      %broadcast_in_dim3A_343 = vector.shape_cast %reduce_max3A_342 : vector<4096xf32> to vector<1x4096xf32>
      %eq3A_344 = vector.broadcast %broadcast_in_dim3A_343 : vector<1x4096xf32> to vector<128x4096xf32>
      %eq3A_345 = arith.cmpf oeq, %dot_general3A_340, %eq3A_344 : vector<128x4096xf32>
      %convert_element_type3A_346 = arith.extui %eq3A_345 : vector<128x4096xi1> to vector<128x4096xi32>
      %convert_element_type3A_347 = arith.sitofp %convert_element_type3A_346 : vector<128x4096xi32> to vector<128x4096xf32>
      %dot_general3A_348 = arith.constant dense<0.000000e+00> : vector<128x40xf32>
      %dot_general3A_349 = tpu.matmul %convert_element_type3A_347, %convert_element_type3A_45, %dot_general3A_348 {dimension_numbers = #tpu.dot_dimension_numbers<[1], [0], [0], [1], [0, 0, 1, 1], [], []>, transpose_lhs_hint = false} : vector<128x4096xf32>, vector<4096x40xf32>, vector<128x40xf32> -> vector<128x40xf32>
      %slice3A_350 = vector.extract_strided_slice %dot_general3A_349 {offsets = [0, 32], sizes = [128, 1], strides = [1, 1]} : vector<128x40xf32> to vector<128x1xf32>
      %mul3A_351 = arith.constant 2.000000e+00 : f32
      %mul3A_352 = vector.broadcast %mul3A_351 : f32 to vector<128x40xf32>
      %mul3A_353 = arith.mulf %dot_general3A_349, %mul3A_352 : vector<128x40xf32>
      %gt3A_354 = vector.broadcast %slice3A_350 : vector<128x1xf32> to vector<128x40xf32>
      %gt3A_355 = arith.cmpf ogt, %mul3A_353, %gt3A_354 : vector<128x40xf32>
      %convert_element_type3A_356 = arith.extui %gt3A_355 : vector<128x40xi1> to vector<128x40xi32>
      %convert_element_type3A_357 = arith.sitofp %convert_element_type3A_356 : vector<128x40xi32> to vector<128x40xf32>
      %gt3A_358 = arith.constant 0.000000e+00 : f32
      %gt3A_359 = vector.broadcast %gt3A_358 : f32 to vector<128x1xf32>
      %gt3A_360 = arith.cmpf ogt, %slice3A_350, %gt3A_359 : vector<128x1xf32>
      %broadcast_in_dim3A_361 = vector.shape_cast %gt3A_360 : vector<128x1xi1> to vector<128x1xi1>
      %broadcast_in_dim3A_362 = vector.broadcast %broadcast_in_dim3A_361 : vector<128x1xi1> to vector<128x40xi1>
      %select_n3A_363 = arith.select %broadcast_in_dim3A_362, %convert_element_type3A_357, %scan3A_299 : vector<128x40xi1>, vector<128x40xf32>
      scf.yield %select_n3A_331, %select_n3A_363 : vector<128x40xf32>, vector<128x40xf32>
    }
    %convert_element_type3A_60 = arith.truncf %get3A_3 : vector<4096x128xf32> to vector<4096x128xbf16>
    %convert_element_type3A_61 = arith.extf %convert_element_type3A_60 : vector<4096x128xbf16> to vector<4096x128xf32>
    %sub3A_62 = arith.subf %get3A_3, %convert_element_type3A_61 : vector<4096x128xf32>
    %iota3A_63 = tpu.iota {dimensions = array<i32: 1>} : vector<128x128xi32>
    %mul3A_64 = arith.constant 2.560000e+02 : f32
    %mul3A_65 = vector.broadcast %mul3A_64 : f32 to vector<128x40xf32>
    %mul3A_66 = arith.mulf %scan3A_59#0, %mul3A_65 : vector<128x40xf32>
    %sub3A_67 = arith.constant 1.280000e+02 : f32
    %sub3A_68 = vector.broadcast %sub3A_67 : f32 to vector<128x40xf32>
    %sub3A_69 = arith.subf %mul3A_66, %sub3A_68 : vector<128x40xf32>
    %select_n3A_70 = arith.select %lt3A_31, %sub3A_69, %select_n3A : vector<128x40xi1>, vector<128x40xf32>
    %dot_general3A_71 = arith.constant dense<0.000000e+00> : vector<128x4096xf32>
    %dot_general3A_72 = tpu.matmul %select_n3A_70, %sub3A_39, %dot_general3A_71 {dimension_numbers = #tpu.dot_dimension_numbers<[1], [1], [0], [0], [0, 0, 1, 0], [], []>, transpose_lhs_hint = false} : vector<128x40xf32>, vector<4096x40xf32>, vector<128x4096xf32> -> vector<128x4096xf32>
    %reduce_max3A = arith.constant dense<0xFF800000> : vector<4096xf32>
    %reduce_max3A_73 = vector.multi_reduction <maximumf>, %dot_general3A_72, %reduce_max3A [0] : vector<128x4096xf32> to vector<4096xf32>
    %broadcast_in_dim3A_74 = vector.shape_cast %reduce_max3A_73 : vector<4096xf32> to vector<1x4096xf32>
    %eq3A_75 = vector.broadcast %broadcast_in_dim3A_74 : vector<1x4096xf32> to vector<128x4096xf32>
    %eq3A_76 = arith.cmpf oeq, %dot_general3A_72, %eq3A_75 : vector<128x4096xf32>
    %convert_element_type3A_77 = arith.extui %eq3A_76 : vector<128x4096xi1> to vector<128x4096xi32>
    %convert_element_type3A_78 = arith.sitofp %convert_element_type3A_77 : vector<128x4096xi32> to vector<128x4096xf32>
    %dot_general3A_79 = arith.constant dense<0.000000e+00> : vector<128x40xf32>
    %dot_general3A_80 = tpu.matmul %convert_element_type3A_78, %convert_element_type3A_35, %dot_general3A_79 {dimension_numbers = #tpu.dot_dimension_numbers<[1], [0], [0], [1], [0, 0, 1, 1], [], []>, transpose_lhs_hint = false} : vector<128x4096xf32>, vector<4096x40xf32>, vector<128x40xf32> -> vector<128x40xf32>
    %slice3A_81 = vector.extract_strided_slice %dot_general3A_80 {offsets = [0, 32], sizes = [128, 1], strides = [1, 1]} : vector<128x40xf32> to vector<128x1xf32>
    %max3A = arith.constant 1.000000e+00 : f32
    %max3A_82 = vector.broadcast %max3A : f32 to vector<128x1xf32>
    %max3A_83 = arith.maximumf %slice3A_81, %max3A_82 : vector<128x1xf32>
    %convert_element_type3A_84 = arith.fptosi %broadcast_in_dim3A_74 : vector<1x4096xf32> to vector<1x4096xi32>
    %neg3A_85 = arith.constant 0 : i32
    %neg3A_86 = vector.broadcast %neg3A_85 : i32 to vector<1x4096xi32>
    %neg3A_87 = arith.subi %neg3A_86, %convert_element_type3A_84 : vector<1x4096xi32>
    %jit3A_88 = arith.constant 128 : i32
    %eq3A_89 = arith.constant 0 : i32
    %eq3A_90 = arith.cmpi eq, %jit3A_88, %eq3A_89 : i32
    %jit3A_91 = arith.constant 1 : i32
    %select_n3A_92 = arith.select %eq3A_90, %jit3A_91, %jit3A_88 : i32
    %rem3A = vector.broadcast %select_n3A_92 : i32 to vector<1x4096xi32>
    %rem3A_93 = arith.remsi %neg3A_87, %rem3A : vector<1x4096xi32>
    %ne3A = arith.constant 0 : i32
    %ne3A_94 = vector.broadcast %ne3A : i32 to vector<1x4096xi32>
    %ne3A_95 = arith.cmpi ne, %rem3A_93, %ne3A_94 : vector<1x4096xi32>
    %lt3A_96 = arith.constant 0 : i32
    %lt3A_97 = vector.broadcast %lt3A_96 : i32 to vector<1x4096xi32>
    %lt3A_98 = arith.cmpi slt, %rem3A_93, %lt3A_97 : vector<1x4096xi32>
    %lt3A_99 = arith.constant 0 : i32
    %lt3A_100 = arith.cmpi slt, %select_n3A_92, %lt3A_99 : i32
    %ne3A_101 = vector.broadcast %lt3A_100 : i1 to vector<1x4096xi1>
    %ne3A_102 = vector.broadcast %ne3A_101 : vector<1x4096xi1> to vector<1x4096xi1>
    %ne3A_103 = arith.xori %lt3A_98, %ne3A_102 : vector<1x4096xi1>
    %and3A = arith.andi %ne3A_103, %ne3A_95 : vector<1x4096xi1>
    %add3A_104 = vector.broadcast %select_n3A_92 : i32 to vector<1x4096xi32>
    %add3A_105 = arith.addi %rem3A_93, %add3A_104 : vector<1x4096xi32>
    %select_n3A_106 = arith.select %and3A, %add3A_105, %rem3A_93 : vector<1x4096xi1>, vector<1x4096xi32>
    %dot_general3A_107 = arith.constant dense<0.000000e+00> : vector<128x128xf32>
    %dot_general3A_108 = tpu.matmul %convert_element_type3A_78, %convert_element_type3A_61, %dot_general3A_107 {dimension_numbers = #tpu.dot_dimension_numbers<[1], [0], [0], [1], [0, 0, 1, 1], [], []>, transpose_lhs_hint = false} : vector<128x4096xf32>, vector<4096x128xf32>, vector<128x128xf32> -> vector<128x128xf32>
    %dot_general3A_109 = arith.constant dense<0.000000e+00> : vector<128x128xf32>
    %dot_general3A_110 = tpu.matmul %convert_element_type3A_78, %sub3A_62, %dot_general3A_109 {dimension_numbers = #tpu.dot_dimension_numbers<[1], [0], [0], [1], [0, 0, 1, 1], [], []>, transpose_lhs_hint = false} : vector<128x4096xf32>, vector<4096x128xf32>, vector<128x128xf32> -> vector<128x128xf32>
    %add3A_111 = arith.addf %dot_general3A_108, %dot_general3A_110 : vector<128x128xf32>
    %jit3A_112 = arith.constant 64 : i32
    %div3A = vector.broadcast %jit3A_112 : i32 to vector<128x128xi32>
    %div3A_113 = arith.divsi %iota3A_63, %div3A : vector<128x128xi32>
    %sign3A = arith.constant 0 : i32
    %sign3A_114 = vector.broadcast %sign3A : i32 to vector<128x128xi32>
    %sign3A_115 = arith.cmpi sgt, %iota3A_63, %sign3A_114 : vector<128x128xi32>
    %sign3A_116 = arith.extui %sign3A_115 : vector<128x128xi1> to vector<128x128xi32>
    %sign3A_117 = arith.constant 0 : i32
    %sign3A_118 = vector.broadcast %sign3A_117 : i32 to vector<128x128xi32>
    %sign3A_119 = arith.cmpi slt, %iota3A_63, %sign3A_118 : vector<128x128xi32>
    %sign3A_120 = arith.extui %sign3A_119 : vector<128x128xi1> to vector<128x128xi32>
    %sign3A_121 = arith.subi %sign3A_116, %sign3A_120 : vector<128x128xi32>
    %sign3A_122 = arith.constant 0 : i32
    %sign3A_123 = arith.cmpi sgt, %jit3A_112, %sign3A_122 : i32
    %sign3A_124 = arith.extui %sign3A_123 : i1 to i32
    %sign3A_125 = arith.constant 0 : i32
    %sign3A_126 = arith.cmpi slt, %jit3A_112, %sign3A_125 : i32
    %sign3A_127 = arith.extui %sign3A_126 : i1 to i32
    %sign3A_128 = arith.subi %sign3A_124, %sign3A_127 : i32
    %ne3A_129 = vector.broadcast %sign3A_128 : i32 to vector<128x128xi32>
    %ne3A_130 = arith.cmpi ne, %sign3A_121, %ne3A_129 : vector<128x128xi32>
    %rem3A_131 = vector.broadcast %jit3A_112 : i32 to vector<128x128xi32>
    %rem3A_132 = arith.remsi %iota3A_63, %rem3A_131 : vector<128x128xi32>
    %ne3A_133 = arith.constant 0 : i32
    %ne3A_134 = vector.broadcast %ne3A_133 : i32 to vector<128x128xi32>
    %ne3A_135 = arith.cmpi ne, %rem3A_132, %ne3A_134 : vector<128x128xi32>
    %and3A_136 = arith.andi %ne3A_130, %ne3A_135 : vector<128x128xi1>
    %sub3A_137 = arith.constant 1 : i32
    %sub3A_138 = vector.broadcast %sub3A_137 : i32 to vector<128x128xi32>
    %sub3A_139 = arith.subi %div3A_113, %sub3A_138 : vector<128x128xi32>
    %select_n3A_140 = arith.select %and3A_136, %sub3A_139, %div3A_113 : vector<128x128xi1>, vector<128x128xi32>
    %eq3A_141 = arith.constant 0 : i32
    %eq3A_142 = vector.broadcast %eq3A_141 : i32 to vector<128x128xi32>
    %eq3A_143 = arith.cmpi eq, %select_n3A_140, %eq3A_142 : vector<128x128xi32>
    %jit3A_144 = arith.constant 0.000000e+00 : f32
    %broadcast_in_dim3A_145 = vector.broadcast %jit3A_144 : f32 to vector<128x128xf32>
    %select_n3A_146 = arith.select %eq3A_143, %add3A_111, %broadcast_in_dim3A_145 : vector<128x128xi1>, vector<128x128xf32>
    %div3A_147 = vector.broadcast %max3A_83 : vector<128x1xf32> to vector<128x128xf32>
    %div3A_148 = arith.divf %select_n3A_146, %div3A_147 : vector<128x128xf32>
    %dot_general3A_149 = arith.constant dense<0.000000e+00> : vector<128x4096xf32>
    %dot_general3A_150 = tpu.matmul %div3A_148, %get3A_8, %dot_general3A_149 {dimension_numbers = #tpu.dot_dimension_numbers<[1], [1], [0], [0], [0, 0, 1, 0], [], []>, transpose_lhs_hint = false} : vector<128x128xf32>, vector<4096x128xf32>, vector<128x4096xf32> -> vector<128x4096xf32>
    %mul3A_151 = arith.constant 1.250000e-01 : f32
    %mul3A_152 = vector.broadcast %mul3A_151 : f32 to vector<128x4096xf32>
    %mul3A_153 = arith.mulf %dot_general3A_150, %mul3A_152 : vector<128x4096xf32>
    %reduce_max3A_154 = arith.constant dense<0xFF800000> : vector<128xf32>
    %reduce_max3A_155 = vector.multi_reduction <maximumf>, %mul3A_153, %reduce_max3A_154 [1] : vector<128x4096xf32> to vector<128xf32>
    %broadcast_in_dim3A_156 = vector.shape_cast %reduce_max3A_155 : vector<128xf32> to vector<128x1xf32>
    %sub3A_157 = vector.broadcast %broadcast_in_dim3A_156 : vector<128x1xf32> to vector<128x4096xf32>
    %sub3A_158 = arith.subf %mul3A_153, %sub3A_157 : vector<128x4096xf32>
    %exp3A = math.exp %sub3A_158 : vector<128x4096xf32>
    %reduce_sum3A = arith.constant dense<0.000000e+00> : vector<128xf32>
    %reduce_sum3A_159 = vector.multi_reduction <add>, %exp3A, %reduce_sum3A [1] : vector<128x4096xf32> to vector<128xf32>
    %broadcast_in_dim3A_160 = vector.shape_cast %reduce_sum3A_159 : vector<128xf32> to vector<128x1xf32>
    %div3A_161 = vector.broadcast %broadcast_in_dim3A_160 : vector<128x1xf32> to vector<128x4096xf32>
    %div3A_162 = arith.divf %exp3A, %div3A_161 : vector<128x4096xf32>
    %dot_general3A_163 = arith.constant dense<0.000000e+00> : vector<128x128xf32>
    %dot_general3A_164 = tpu.matmul %div3A_162, %get3A_13, %dot_general3A_163 {dimension_numbers = #tpu.dot_dimension_numbers<[1], [0], [0], [1], [0, 0, 1, 1], [], []>, transpose_lhs_hint = false} : vector<128x4096xf32>, vector<4096x128xf32>, vector<128x128xf32> -> vector<128x128xf32>
    %slice3A_165 = vector.extract_strided_slice %dot_general3A_164 {offsets = [0, 0], sizes = [128, 64], strides = [1, 1]} : vector<128x128xf32> to vector<128x64xf32>
    %mul3A_166 = arith.constant 2.560000e+02 : f32
    %mul3A_167 = vector.broadcast %mul3A_166 : f32 to vector<128x40xf32>
    %mul3A_168 = arith.mulf %scan3A_59#1, %mul3A_167 : vector<128x40xf32>
    %sub3A_169 = arith.constant 1.280000e+02 : f32
    %sub3A_170 = vector.broadcast %sub3A_169 : f32 to vector<128x40xf32>
    %sub3A_171 = arith.subf %mul3A_168, %sub3A_170 : vector<128x40xf32>
    %select_n3A_172 = arith.select %lt3A_31, %sub3A_171, %select_n3A : vector<128x40xi1>, vector<128x40xf32>
    %dot_general3A_173 = arith.constant dense<0.000000e+00> : vector<128x4096xf32>
    %dot_general3A_174 = tpu.matmul %select_n3A_172, %sub3A_51, %dot_general3A_173 {dimension_numbers = #tpu.dot_dimension_numbers<[1], [1], [0], [0], [0, 0, 1, 0], [], []>, transpose_lhs_hint = false} : vector<128x40xf32>, vector<4096x40xf32>, vector<128x4096xf32> -> vector<128x4096xf32>
    %reduce_max3A_175 = arith.constant dense<0xFF800000> : vector<4096xf32>
    %reduce_max3A_176 = vector.multi_reduction <maximumf>, %dot_general3A_174, %reduce_max3A_175 [0] : vector<128x4096xf32> to vector<4096xf32>
    %broadcast_in_dim3A_177 = vector.shape_cast %reduce_max3A_176 : vector<4096xf32> to vector<1x4096xf32>
    %eq3A_178 = vector.broadcast %broadcast_in_dim3A_177 : vector<1x4096xf32> to vector<128x4096xf32>
    %eq3A_179 = arith.cmpf oeq, %dot_general3A_174, %eq3A_178 : vector<128x4096xf32>
    %convert_element_type3A_180 = arith.extui %eq3A_179 : vector<128x4096xi1> to vector<128x4096xi32>
    %convert_element_type3A_181 = arith.sitofp %convert_element_type3A_180 : vector<128x4096xi32> to vector<128x4096xf32>
    %dot_general3A_182 = arith.constant dense<0.000000e+00> : vector<128x40xf32>
    %dot_general3A_183 = tpu.matmul %convert_element_type3A_181, %convert_element_type3A_45, %dot_general3A_182 {dimension_numbers = #tpu.dot_dimension_numbers<[1], [0], [0], [1], [0, 0, 1, 1], [], []>, transpose_lhs_hint = false} : vector<128x4096xf32>, vector<4096x40xf32>, vector<128x40xf32> -> vector<128x40xf32>
    %slice3A_184 = vector.extract_strided_slice %dot_general3A_183 {offsets = [0, 32], sizes = [128, 1], strides = [1, 1]} : vector<128x40xf32> to vector<128x1xf32>
    %max3A_185 = arith.constant 1.000000e+00 : f32
    %max3A_186 = vector.broadcast %max3A_185 : f32 to vector<128x1xf32>
    %max3A_187 = arith.maximumf %slice3A_184, %max3A_186 : vector<128x1xf32>
    %convert_element_type3A_188 = arith.fptosi %broadcast_in_dim3A_177 : vector<1x4096xf32> to vector<1x4096xi32>
    %neg3A_189 = arith.constant 0 : i32
    %neg3A_190 = vector.broadcast %neg3A_189 : i32 to vector<1x4096xi32>
    %neg3A_191 = arith.subi %neg3A_190, %convert_element_type3A_188 : vector<1x4096xi32>
    %jit3A_192 = arith.constant 128 : i32
    %eq3A_193 = arith.constant 0 : i32
    %eq3A_194 = arith.cmpi eq, %jit3A_192, %eq3A_193 : i32
    %jit3A_195 = arith.constant 1 : i32
    %select_n3A_196 = arith.select %eq3A_194, %jit3A_195, %jit3A_192 : i32
    %rem3A_197 = vector.broadcast %select_n3A_196 : i32 to vector<1x4096xi32>
    %rem3A_198 = arith.remsi %neg3A_191, %rem3A_197 : vector<1x4096xi32>
    %ne3A_199 = arith.constant 0 : i32
    %ne3A_200 = vector.broadcast %ne3A_199 : i32 to vector<1x4096xi32>
    %ne3A_201 = arith.cmpi ne, %rem3A_198, %ne3A_200 : vector<1x4096xi32>
    %lt3A_202 = arith.constant 0 : i32
    %lt3A_203 = vector.broadcast %lt3A_202 : i32 to vector<1x4096xi32>
    %lt3A_204 = arith.cmpi slt, %rem3A_198, %lt3A_203 : vector<1x4096xi32>
    %lt3A_205 = arith.constant 0 : i32
    %lt3A_206 = arith.cmpi slt, %select_n3A_196, %lt3A_205 : i32
    %ne3A_207 = vector.broadcast %lt3A_206 : i1 to vector<1x4096xi1>
    %ne3A_208 = vector.broadcast %ne3A_207 : vector<1x4096xi1> to vector<1x4096xi1>
    %ne3A_209 = arith.xori %lt3A_204, %ne3A_208 : vector<1x4096xi1>
    %and3A_210 = arith.andi %ne3A_209, %ne3A_201 : vector<1x4096xi1>
    %add3A_211 = vector.broadcast %select_n3A_196 : i32 to vector<1x4096xi32>
    %add3A_212 = arith.addi %rem3A_198, %add3A_211 : vector<1x4096xi32>
    %select_n3A_213 = arith.select %and3A_210, %add3A_212, %rem3A_198 : vector<1x4096xi1>, vector<1x4096xi32>
    %dot_general3A_214 = arith.constant dense<0.000000e+00> : vector<128x128xf32>
    %dot_general3A_215 = tpu.matmul %convert_element_type3A_181, %convert_element_type3A_61, %dot_general3A_214 {dimension_numbers = #tpu.dot_dimension_numbers<[1], [0], [0], [1], [0, 0, 1, 1], [], []>, transpose_lhs_hint = false} : vector<128x4096xf32>, vector<4096x128xf32>, vector<128x128xf32> -> vector<128x128xf32>
    %dot_general3A_216 = arith.constant dense<0.000000e+00> : vector<128x128xf32>
    %dot_general3A_217 = tpu.matmul %convert_element_type3A_181, %sub3A_62, %dot_general3A_216 {dimension_numbers = #tpu.dot_dimension_numbers<[1], [0], [0], [1], [0, 0, 1, 1], [], []>, transpose_lhs_hint = false} : vector<128x4096xf32>, vector<4096x128xf32>, vector<128x128xf32> -> vector<128x128xf32>
    %add3A_218 = arith.addf %dot_general3A_215, %dot_general3A_217 : vector<128x128xf32>
    %jit3A_219 = arith.constant 64 : i32
    %div3A_220 = vector.broadcast %jit3A_219 : i32 to vector<128x128xi32>
    %div3A_221 = arith.divsi %iota3A_63, %div3A_220 : vector<128x128xi32>
    %sign3A_222 = arith.constant 0 : i32
    %sign3A_223 = vector.broadcast %sign3A_222 : i32 to vector<128x128xi32>
    %sign3A_224 = arith.cmpi sgt, %iota3A_63, %sign3A_223 : vector<128x128xi32>
    %sign3A_225 = arith.extui %sign3A_224 : vector<128x128xi1> to vector<128x128xi32>
    %sign3A_226 = arith.constant 0 : i32
    %sign3A_227 = vector.broadcast %sign3A_226 : i32 to vector<128x128xi32>
    %sign3A_228 = arith.cmpi slt, %iota3A_63, %sign3A_227 : vector<128x128xi32>
    %sign3A_229 = arith.extui %sign3A_228 : vector<128x128xi1> to vector<128x128xi32>
    %sign3A_230 = arith.subi %sign3A_225, %sign3A_229 : vector<128x128xi32>
    %sign3A_231 = arith.constant 0 : i32
    %sign3A_232 = arith.cmpi sgt, %jit3A_219, %sign3A_231 : i32
    %sign3A_233 = arith.extui %sign3A_232 : i1 to i32
    %sign3A_234 = arith.constant 0 : i32
    %sign3A_235 = arith.cmpi slt, %jit3A_219, %sign3A_234 : i32
    %sign3A_236 = arith.extui %sign3A_235 : i1 to i32
    %sign3A_237 = arith.subi %sign3A_233, %sign3A_236 : i32
    %ne3A_238 = vector.broadcast %sign3A_237 : i32 to vector<128x128xi32>
    %ne3A_239 = arith.cmpi ne, %sign3A_230, %ne3A_238 : vector<128x128xi32>
    %rem3A_240 = vector.broadcast %jit3A_219 : i32 to vector<128x128xi32>
    %rem3A_241 = arith.remsi %iota3A_63, %rem3A_240 : vector<128x128xi32>
    %ne3A_242 = arith.constant 0 : i32
    %ne3A_243 = vector.broadcast %ne3A_242 : i32 to vector<128x128xi32>
    %ne3A_244 = arith.cmpi ne, %rem3A_241, %ne3A_243 : vector<128x128xi32>
    %and3A_245 = arith.andi %ne3A_239, %ne3A_244 : vector<128x128xi1>
    %sub3A_246 = arith.constant 1 : i32
    %sub3A_247 = vector.broadcast %sub3A_246 : i32 to vector<128x128xi32>
    %sub3A_248 = arith.subi %div3A_221, %sub3A_247 : vector<128x128xi32>
    %select_n3A_249 = arith.select %and3A_245, %sub3A_248, %div3A_221 : vector<128x128xi1>, vector<128x128xi32>
    %eq3A_250 = arith.constant 1 : i32
    %eq3A_251 = vector.broadcast %eq3A_250 : i32 to vector<128x128xi32>
    %eq3A_252 = arith.cmpi eq, %select_n3A_249, %eq3A_251 : vector<128x128xi32>
    %jit3A_253 = arith.constant 0.000000e+00 : f32
    %broadcast_in_dim3A_254 = vector.broadcast %jit3A_253 : f32 to vector<128x128xf32>
    %select_n3A_255 = arith.select %eq3A_252, %add3A_218, %broadcast_in_dim3A_254 : vector<128x128xi1>, vector<128x128xf32>
    %div3A_256 = vector.broadcast %max3A_187 : vector<128x1xf32> to vector<128x128xf32>
    %div3A_257 = arith.divf %select_n3A_255, %div3A_256 : vector<128x128xf32>
    %dot_general3A_258 = arith.constant dense<0.000000e+00> : vector<128x4096xf32>
    %dot_general3A_259 = tpu.matmul %div3A_257, %get3A_8, %dot_general3A_258 {dimension_numbers = #tpu.dot_dimension_numbers<[1], [1], [0], [0], [0, 0, 1, 0], [], []>, transpose_lhs_hint = false} : vector<128x128xf32>, vector<4096x128xf32>, vector<128x4096xf32> -> vector<128x4096xf32>
    %mul3A_260 = arith.constant 1.250000e-01 : f32
    %mul3A_261 = vector.broadcast %mul3A_260 : f32 to vector<128x4096xf32>
    %mul3A_262 = arith.mulf %dot_general3A_259, %mul3A_261 : vector<128x4096xf32>
    %reduce_max3A_263 = arith.constant dense<0xFF800000> : vector<128xf32>
    %reduce_max3A_264 = vector.multi_reduction <maximumf>, %mul3A_262, %reduce_max3A_263 [1] : vector<128x4096xf32> to vector<128xf32>
    %broadcast_in_dim3A_265 = vector.shape_cast %reduce_max3A_264 : vector<128xf32> to vector<128x1xf32>
    %sub3A_266 = vector.broadcast %broadcast_in_dim3A_265 : vector<128x1xf32> to vector<128x4096xf32>
    %sub3A_267 = arith.subf %mul3A_262, %sub3A_266 : vector<128x4096xf32>
    %exp3A_268 = math.exp %sub3A_267 : vector<128x4096xf32>
    %reduce_sum3A_269 = arith.constant dense<0.000000e+00> : vector<128xf32>
    %reduce_sum3A_270 = vector.multi_reduction <add>, %exp3A_268, %reduce_sum3A_269 [1] : vector<128x4096xf32> to vector<128xf32>
    %broadcast_in_dim3A_271 = vector.shape_cast %reduce_sum3A_270 : vector<128xf32> to vector<128x1xf32>
    %div3A_272 = vector.broadcast %broadcast_in_dim3A_271 : vector<128x1xf32> to vector<128x4096xf32>
    %div3A_273 = arith.divf %exp3A_268, %div3A_272 : vector<128x4096xf32>
    %dot_general3A_274 = arith.constant dense<0.000000e+00> : vector<128x128xf32>
    %dot_general3A_275 = tpu.matmul %div3A_273, %get3A_13, %dot_general3A_274 {dimension_numbers = #tpu.dot_dimension_numbers<[1], [0], [0], [1], [0, 0, 1, 1], [], []>, transpose_lhs_hint = false} : vector<128x4096xf32>, vector<4096x128xf32>, vector<128x128xf32> -> vector<128x128xf32>
    %slice3A_276 = vector.extract_strided_slice %dot_general3A_275 {offsets = [0, 64], sizes = [128, 64], strides = [1, 1]} : vector<128x128xf32> to vector<128x64xf32>
    %swap3A = arith.constant 0 : index
    %swap3A_277 = arith.constant 0 : index
    %swap3A_278 = arith.constant 0 : index
    %swap3A_279 = arith.constant 0 : index
    %swap3A_280 = vector.load %arg8[%swap3A, %swap3A_277, %swap3A_278, %swap3A_279] : memref<1x1x256x64xf32, #tpu.memory_space<vmem>>, vector<1x1x128x64xf32>
    %swap3A_281 = vector.shape_cast %swap3A_280 : vector<1x1x128x64xf32> to vector<128x64xf32>
    %swap3A_282 = vector.shape_cast %slice3A_165 : vector<128x64xf32> to vector<1x1x128x64xf32>
    tpu.vector_store %arg8[%swap3A, %swap3A_277, %swap3A_278, %swap3A_279], %swap3A_282 {strides = array<i32>} : memref<1x1x256x64xf32, #tpu.memory_space<vmem>>, vector<1x1x128x64xf32>,
    %swap3A_283 = arith.constant 0 : index
    %swap3A_284 = arith.constant 0 : index
    %swap3A_285 = arith.constant 128 : index
    %swap3A_286 = arith.constant 0 : index
    %swap3A_287 = vector.load %arg8[%swap3A_283, %swap3A_284, %swap3A_285, %swap3A_286] : memref<1x1x256x64xf32, #tpu.memory_space<vmem>>, vector<1x1x128x64xf32>
    %swap3A_288 = vector.shape_cast %swap3A_287 : vector<1x1x128x64xf32> to vector<128x64xf32>
    %swap3A_289 = vector.shape_cast %slice3A_276 : vector<128x64xf32> to vector<1x1x128x64xf32>
    tpu.vector_store %arg8[%swap3A_283, %swap3A_284, %swap3A_285, %swap3A_286], %swap3A_289 {strides = array<i32>} : memref<1x1x256x64xf32, #tpu.memory_space<vmem>>, vector<1x1x128x64xf32>,
    %concatenate3A = tpu.concatenate %select_n3A_106, %select_n3A_213 in 0 : vector<1x4096xi32>, vector<1x4096xi32> -> vector<2x4096xi32>
    %swap3A_290 = arith.constant 0 : index
    %swap3A_291 = arith.constant 0 : index
    %swap3A_292 = arith.constant 0 : index
    %swap3A_293 = arith.constant 0 : index
    %swap3A_294 = vector.load %arg9[%swap3A_290, %swap3A_291, %swap3A_292, %swap3A_293] : memref<1x1x2x4096xi32, #tpu.memory_space<vmem>>, vector<1x1x2x4096xi32>
    %swap3A_295 = vector.shape_cast %swap3A_294 : vector<1x1x2x4096xi32> to vector<2x4096xi32>
    %swap3A_296 = vector.shape_cast %concatenate3A : vector<2x4096xi32> to vector<1x1x2x4096xi32>
    tpu.vector_store %arg9[%swap3A_290, %swap3A_291, %swap3A_292, %swap3A_293], %swap3A_296 {strides = array<i32>} : memref<1x1x2x4096xi32, #tpu.memory_space<vmem>>, vector<1x1x2x4096xi32>,
    return
  }
  func.func @transform_0(%arg0: i32, %arg1: i32) -> (i32, i32, i32) {
    %c0_i32 = arith.constant 0 : i32
    %c0_i32_0 = arith.constant 0 : i32
    return %arg0, %c0_i32, %arg1 : i32, i32, i32
  }
  func.func @transform_1(%arg0: i32, %arg1: i32) -> (i32, i32, i32) {
    %c0_i32 = arith.constant 0 : i32
    %c0_i32_0 = arith.constant 0 : i32
    return %arg0, %c0_i32, %arg1 : i32, i32, i32
  }
  func.func @transform_2(%arg0: i32, %arg1: i32) -> (i32, i32, i32) {
    %c0_i32 = arith.constant 0 : i32
    %c0_i32_0 = arith.constant 0 : i32
    return %arg0, %c0_i32, %arg1 : i32, i32, i32
  }
  func.func @transform_3(%arg0: i32, %arg1: i32) -> (i32, i32) {
    %c0_i32 = arith.constant 0 : i32
    %c0_i32_0 = arith.constant 0 : i32
    %c0_i32_1 = arith.constant 0 : i32
    return %c0_i32, %c0_i32_0 : i32, i32
  }
  func.func @transform_4(%arg0: i32, %arg1: i32) -> (i32, i32) {
    %c0_i32 = arith.constant 0 : i32
    %c0_i32_0 = arith.constant 0 : i32
    %c0_i32_1 = arith.constant 0 : i32
    return %c0_i32, %c0_i32_0 : i32, i32
  }
  func.func @transform_5(%arg0: i32, %arg1: i32) -> (i32, i32) {
    %c0_i32 = arith.constant 0 : i32
    %c0_i32_0 = arith.constant 0 : i32
    %c0_i32_1 = arith.constant 0 : i32
    return %c0_i32, %c0_i32_0 : i32, i32
  }
  func.func @transform_6(%arg0: i32, %arg1: i32) -> (i32, i32, i32, i32) {
    %c0_i32 = arith.constant 0 : i32
    %c0_i32_0 = arith.constant 0 : i32
    %c0_i32_1 = arith.constant 0 : i32
    return %arg0, %arg1, %c0_i32, %c0_i32_0 : i32, i32, i32, i32
  }
  func.func @transform_7(%arg0: i32, %arg1: i32) -> (i32, i32, i32, i32) {
    %c0_i32 = arith.constant 0 : i32
    %c0_i32_0 = arith.constant 0 : i32
    %c0_i32_1 = arith.constant 0 : i32
    return %arg0, %arg1, %c0_i32, %c0_i32_0 : i32, i32, i32, i32
  }
}

</mosaic_0001>

<sc_bundles>
// kernel: kernel.4.cloned.1.call-start
scs
__scs_entry_jumppad:
0x0: {  	(pc) =	sbr.rel $0x88, $3  }
0x1: {  	(tag) =	ssettag $0x0;
	lr =	simm.s32 $0x1  }
0x2: {  	[smem:$0x3F9E] =	sst lr;
	_ =	strace $0xD0000000  }
0x3: {  	_ = 	snop  }
0x4: {  	_ = 	snop  }
0x5: {  	_ = 	snop  }
0x6: {  	_ = 	snop  }
0x7: {  	_ = 	snop  }
__scs_overlays_trampoline_lowered:
0x8: {  	[smem:$0x3FAD] =	sst s0  }
0x9: {  	[smem:$0x3FAE] =	sst s1  }
0xa: {  	[smem:$0x3FAF] =	sst s2  }
0xb: {  	[smem:$0x3FB0] =	sst s3  }
0xc: {  	[smem:$0x3FB1] =	sst s4  }
0xd: {  	[smem:$0x3FB2] =	sst s5  }
0xe: {  	[smem:$0x3FB3] =	sst s6  }
0xf: {  	[smem:$0x3FB4] =	sst s7  }
0x10: {  	[smem:$0x3FB5] =	sst s8  }
0x11: {  	[smem:$0x3FB6] =	sst s9;
	s0 =	simm.s32 @!p0 $0x0  }
0x12: {  	s1 =	sld [smem:$0x3F9C];
	s0 =	simm.s32 @p0 $0x1  }
0x13: {  	[smem:$0x3FB7] =	sst s0;
	s0 =	simm.s32 @!p1 $0x0  }
0x14: {  	s2 =	sld [smem:$0x3F9B];
	s0 =	simm.s32 @p1 $0x1  }
0x15: {  	[smem:$0x3FB8] =	sst s0;
	s0 =	simm.s32 @!p2 $0x0  }
0x16: {  	s3 =	sld [smem:$0x3FDB];
	s0 =	simm.s32 @p2 $0x1  }
0x17: {  	s4 =	simm.s32 $0x1BF5;
	[smem:$0x3FBA] =	sst s0  }
0x18: {  	s0 =	sld [smem:$0x3F9D];
	_ =	swait.ge [sflag:s4], $0x0  }
0x19: {  	s7 =	sld [smem:$0x3F9E]  }
0x1a: {  	s8 =	sadd.s32 $0xFFFFE003, lr  }
0x1b: {  	s9 =	sadd.s32 $0xFFFFFEF7, lr;
	s5 =	simm.s32 $0xFFFFFFFF;
	p2 =	slt.u32 s8, $0xFFFFF086  }
0x1c: {  	p1 =	slt.u32 s9, $0xF7A;
	s5 =	simm.s32 @!p2 $0x0  }
0x1d: {  	s5 =	simm.s32 @p1 $0x1;
	p0 =	seq.s32 s7, s2  }
0x1e: {  	s7 =	smul.u32 @!p0 $0xF7A, s2;
	p2 =	seq.s32 @!p0 s5, $0x0  }
0x1f: {  	s9 =	smul.u32 $0xF7A, s1;
	s8 =	simm.s32 @!p0 $0x1BF5;
	p2 =	por !p2, p0  }
0x20: {  	[sflag:s8] =	ssyncset.s32 @!p0 $0xFFFFF086;
	s6 =	sadd.s32 @!p0 s3, s7;
	s7 =	simm.s32 @!p0 $0x108  }
0x21: {  	s3 =	sadd.s32 s3, s9;
	s6 =	sadd.s32 @!p0 $0x88, s6;
	s7 =	simm.s32 @p2 $0x1082  }
0x22: {  	[simem:s7], [sflag:s8] =	dma.local @!p0 [hbm:s6], $0xF7A  }
0x23: {  	s9 =	sor.u32 $0xD0000000, s2;
	s6 =	simm.s32 $0x108;
	_ =	swait.ge @!p0 [sflag:s8], $0x0  }
0x24: {  	s3 =	sadd.s32 $0x88, s3;
	s6 =	simm.s32 @!p1 $0x1082;
	[sflag:s4] =	ssyncset.s32 $0xFFFFF086  }
0x25: {  	[simem:s6], [sflag:s4] =	dma.local [hbm:s3], $0xF7A  }
0x26: {  	[smem:$0x3F9E] =	sst s1;
	(tag) =	ssettag s2;
	_ =	strace s9  }
0x27: {  	s1 =	sld [smem:$0x3FAE]  }
0x28: {  	s2 =	sld [smem:$0x3FAF]  }
0x29: {  	s4 =	sld [smem:$0x3FB1]  }
0x2a: {  	p0 =	seq.s32 s5, $0x0;
	s5 =	sld [smem:$0x3FB2]  }
0x2b: {  	s6 =	sld [smem:$0x3FB3]  }
0x2c: {  	s7 =	sld [smem:$0x3FB4]  }
0x2d: {  	s3 =	simm.s32 $0x108;
	s8 =	sld [smem:$0x3FB5]  }
0x2e: {  	s3 =	simm.s32 @!p0 $0x1082;
	s9 =	sld [smem:$0x3FB6]  }
0x2f: {  	lr =	sadd.s32 s0, s3;
	s0 =	sld [smem:$0x3FAD]  }
0x30: {  	s3 =	sld [smem:$0x3FB0]  }
0x31: {  	[smem:$0x3FB9] =	sst s10  }
0x32: {  	s10 =	sld [smem:$0x3FB7];
	_ =	sdelay $0x3  }
0x33: {  	p0 =	seq.s32 s10, $0x1;
	s10 =	sld [smem:$0x3FB9];
	_ =	sdelay $0x3  }
0x34: {  	[smem:$0x3FB9] =	sst s10  }
0x35: {  	s10 =	sld [smem:$0x3FB8];
	_ =	sdelay $0x3  }
0x36: {  	p1 =	seq.s32 s10, $0x1;
	s10 =	sld [smem:$0x3FB9];
	_ =	sdelay $0x3  }
0x37: {  	[smem:$0x3FB9] =	sst s10  }
0x38: {  	s10 =	sld [smem:$0x3FBA]  }
0x39: {  	_ = 	snop;
	(pc) =	sbr.ind lr, $3  }
0x3a: {  	_ = 	snop  }
0x3b: {  	_ = 	snop  }
0x3c: {  	p2 =	seq.s32 s10, $0x1;
	s10 =	sld [smem:$0x3FB9]  }
0x3d: {  	_ =	shalt  }
0x3e: {  	_ =	shalt  }
0x3f: {  	_ =	shalt  }
0x40: {  	_ =	shalt  }
0x41: {  	_ =	shalt  }
0x42: {  	_ =	shalt  }
0x43: {  	_ =	shalt  }
0x44: {  	_ =	shalt  }
0x45: {  	_ =	shalt  }
0x46: {  	_ =	shalt  }
0x47: {  	_ =	shalt  }
0x48: {  	_ =	shalt  }
0x49: {  	_ =	shalt  }
0x4a: {  	_ =	shalt  }
0x4b: {  	_ =	shalt  }
0x4c: {  	_ =	shalt  }
0x4d: {  	_ =	shalt  }
0x4e: {  	_ =	shalt  }
0x4f: {  	_ =	shalt  }
0x50: {  	_ =	shalt  }
0x51: {  	_ =	shalt  }
0x52: {  	_ =	shalt  }
0x53: {  	_ =	shalt  }
0x54: {  	_ =	shalt  }
0x55: {  	_ =	shalt  }
0x56: {  	_ =	shalt  }
0x57: {  	_ =	shalt  }
0x58: {  	_ =	shalt  }
0x59: {  	_ =	shalt  }
0x5a: {  	_ =	shalt  }
0x5b: {  	_ =	shalt  }
0x5c: {  	_ =	shalt  }
0x5d: {  	_ =	shalt  }
0x5e: {  	_ =	shalt  }
0x5f: {  	_ =	shalt  }
0x60: {  	_ =	shalt  }
0x61: {  	_ =	shalt  }
0x62: {  	_ =	shalt  }
0x63: {  	_ =	shalt  }
0x64: {  	_ =	shalt  }
0x65: {  	_ =	shalt  }
0x66: {  	_ =	shalt  }
0x67: {  	_ =	shalt  }
0x68: {  	_ =	shalt  }
0x69: {  	_ =	shalt  }
0x6a: {  	_ =	shalt  }
0x6b: {  	_ =	shalt  }
0x6c: {  	_ =	shalt  }
0x6d: {  	_ =	shalt  }
0x6e: {  	_ =	shalt  }
0x6f: {  	_ =	shalt  }
0x70: {  	_ =	shalt  }
0x71: {  	_ =	shalt  }
0x72: {  	_ =	shalt  }
0x73: {  	_ =	shalt  }
0x74: {  	_ =	shalt  }
0x75: {  	_ =	shalt  }
0x76: {  	_ =	shalt  }
0x77: {  	_ =	shalt  }
0x78: {  	_ =	shalt  }
0x79: {  	_ =	shalt  }
0x7a: {  	_ =	shalt  }
0x7b: {  	_ =	shalt  }
0x7c: {  	_ =	shalt  }
0x7d: {  	_ =	shalt  }
0x7e: {  	_ =	shalt  }
0x7f: {  	_ =	shalt  }
0x80: {  	_ =	shalt  }
0x81: {  	_ =	shalt  }
0x82: {  	_ =	shalt  }
0x83: {  	_ =	shalt  }
0x84: {  	_ =	shalt  }
0x85: {  	_ =	shalt  }
0x86: {  	_ =	shalt  }
0x87: {  	_ =	shalt  }
.Lfunc_end0:
.L_simem_size_0:
called_computation.1_lowered:
.L_overlay_start_0:
0x88: {  	s2 =	sld [smem:$0x3FD9]  }
0x89: {  	s3 =	sld [smem:$0x3FFE];
	_ =	sdelay $0x1  }
0x8a: {  	s1 =	srdreg.scid  }
0x8b: {  	s0 =	sand.u32 $0x1, s1  }
0x8c: {  	s17 =	sshll.u32 s0, $0xA;
	s2 =	sadd.s32 s3, s2  }
0x8d: {  	s2 =	sadd.s32 s2, s17  }
0x8e: {  	[smem:$0x3FC5] =	sst s2  }
0x8f: {  	_ = 	snop  }
0x90: {  	s2 =	sld [smem:$0x3FD0];
	(tm) =	ssettm $0x1  }
0x91: {  	s18 =	sld [smem:$0x3FFB];
	_ =	sdelay $0x3  }
0x92: {  	_ =	strace s18  }
0x93: {  	s3 =	sld [smem:$0x3FFC];
	_ =	sdelay $0x3  }
0x94: {  	_ =	strace s3  }
0x95: {  	s3 =	sld [smem:$0x3FFD];
	_ =	sdelay $0x3  }
0x96: {  	_ =	strace s3  }
0x97: {  	_ =	strace $0x8FFFFFFF  }
0x98: {  	s19 =	sld [smem:$0x3FDB];
	_ =	sdelay $0x1  }
0x99: {  	s4 =	simm.s32 $_scs_section_size  }
0x9a: {  	s5 =	simm.s32 $_size__tile_overlayer_lowered;
	s6 =	simm.s32 $_tile_overlayer_lowered  }
0x9b: {  	s22 =	simm.s32 $0x1BFF;
	s21 =	sshll.u32 s6, $0x1;
	s3 =	sadd.s32 s4, s19  }
0x9c: {  	s7 =	simm.s32 $0x0;
	s20 =	sshll.u32 s5, $0x1;
	s5 =	sadd.s32 s21, s3  }
0x9d: {  	[timem:s7], [sflag:s22] =	dma.local [hbm:s5], s20  }
0x9e: {  	_ =	swait.ge [sflag:s22], s20  }
0x9f: {  	s4 =	ssub.s32 $0x0, s20;
	[sflag:s22] =	ssyncset.done $0x0  }
0xa0: {  	[sflag:s22] =	ssyncadd.s32 s4;
	_ =	sdelay $0x1  }
0xa1: {  	s23 =	simm.s32 $0x1B8B  }
0xa2: {  	_ =	swait.ge [sflag:s23], $0x1  }
0xa3: {  	[sflag:s23] =	ssyncset.done $0x0  }
0xa4: {  	s25 =	simm.s32 $0x1B8E;
	s24 =	sld [smem:$0x3FFE];
	[sflag:s23] =	ssyncadd.s32 $0xFFFFFFFF  }
0xa5: {  	s26 =	simm.s32 $execute0_lowered;
	[smem:$0x3FD2] =	sst s25  }
0xa6: {  	s5 =	sshll.u32 s26, $0x1;
	_ =	strace $0x80000046;
	[dreg:$0x1] =	wrdreg $0xFFFFFFFF  }
0xa7: {  	s28 =	simm.s32 $_size_execute0_lowered;
	s3 =	sadd.s32 s3, s5;
	[dreg:$0x0] =	wrdreg $0x0  }
0xa8: {  	s5 =	sshll.u32 s28, $0x1;
	[dreg:$0x2] =	wrdreg s3  }
0xa9: {  	[dreg:$0x3] =	wrdreg s5  }
0xaa: {  	[dreg:$0x4] =	wrdreg $0xC0  }
0xab: {  	_ =	task [dreg:s7], $0x5FFFF  }
0xac: {  	[dreg:$0x1] =	wrdreg $0xFFFFFFFF  }
0xad: {  	[dreg:$0x0] =	wrdreg $0x60  }
0xae: {  	[dreg:$0x2] =	wrdreg s24  }
0xaf: {  	[dreg:$0x3] =	wrdreg s2  }
0xb0: {  	[dreg:$0x4] =	wrdreg $0x9  }
0xb1: {  	_ =	task.clear_ibuf [dreg:s7], $0x5FFFF;
	_ =	strace $0x90000046  }
0xb2: {  	s29 =	simm.s32 $0x9;
	_ =	strace $0x80000048  }
0xb3: {  	_ =	swait.ge [sflag:s29], $0x1  }
0xb4: {  	[sflag:s29] =	ssyncadd.s32 $0xFFFFFFFF  }
0xb5: {  	_ =	strace $0x90000048  }
0xb6: {  	_ =	sfence  }
0xb7: {  	s30 =	sld [smem:$0x0];
	_ =	sdelay $0x2  }
0xb8: {  	s31 =	sshll.u32 s1, $0xD;
	s1 =	sshrl.u32 s1, $0x2  }
0xb9: {  	s3 =	sand.u32 $0x4000, s31;
	s1 =	sadd.s32 s1, s30  }
0xba: {  	s0 =	sor.u32 s3, s0;
	s1 =	sshll.u32 s1, $0x11  }
0xbb: {  	s0 =	sor.u32 s1, s0  }
0xbc: {  	s0 =	sadd.s32 $0x8F2B, s0  }
0xbd: {  	[sflag:s0] =	ssyncadd.remote.s32 $0x1  }
0xbe: {  	_ =	sfence.sel $0xFFFF  }
0xbf: {  	[dreg:$0x0] =	wrdreg $0xFFFFFFFF;
	(pc) =	sbr.abs _section_cstart, $3  }
0xc0: {  	[dreg:$0x1] =	wrdreg $0xFFFFFFFF  }
0xc1: {  	_ =	task.clear_ibuf [dreg:s7], $0x2FFFF;
	_ =	strace $0x9FFFFFFF  }
0xc2: {  	(tm) =	ssettm $0x7FFFFFFF  }
0xc3: {  	_ =	shalt  }
tec
execute0_lowered:
.L_overlay_start_1:
0x0: {  	(tag) =	ssettag $0x1  }
0x1: {  	s0 =	srdreg.scid  }
0x2: {  	s17 =	stileid.u32;
	s1 =	sand.u32 $0x1, s0  }
0x3: {  	s21 =	sshll.u32 s17, $0xD;
	s2 =	sshll.u32 s1, $0xC  }
0x4: {  	s3 =	rddreg [dreg:$0x0];
	s0 =	sor.u32 s2, s21  }
0x5: {  	s4 =	rddreg [dreg:$0x1];
	s5 =	sshrl.u32 s0, $0x3  }
0x6: {  	s2 =	simm.s32 $0x0;
	s0 =	sshll.u32 s0, $0x3;
	s5 =	sadd.s32 s5, s3  }
0x7: {  	[smem:$0x7FF] =	sst s2;
	s30 =	sadd.s32 s4, s0;
	s5 =	sadd.s32 $0xC00, s5  }
0x8: {  	_ =	strace $0x80000047;
	s0 =	sadd.s32 $0x400, s30;
	[dreg:$0x3] =	wrdreg s5  }
0x9: {  	s22 =	sadd.s32 $0x800, s30;
	[dreg:$0x4] =	wrdreg s0  }
0xa: {  	s23 =	sadd.s32 $0xC00, s30;
	[dreg:$0x5] =	wrdreg s22  }
0xb: {  	s24 =	sadd.s32 $0x1000, s30;
	[dreg:$0x6] =	wrdreg s23  }
0xc: {  	s25 =	sadd.s32 $0x1400, s30;
	[dreg:$0x7] =	wrdreg s24  }
0xd: {  	s26 =	sadd.s32 $0x1800, s30;
	[dreg:$0x8] =	wrdreg s25  }
0xe: {  	s4 =	sadd.s32 $0x1C00, s30;
	[dreg:$0x9] =	wrdreg s26  }
0xf: {  	s6 =	sadd.s32 $0x2400, s30;
	[dreg:$0xa] =	wrdreg s4  }
0x10: {  	s7 =	sadd.s32 $0x2800, s30;
	[dreg:$0xc] =	wrdreg s6  }
0x11: {  	s8 =	sadd.s32 $0x2C00, s30;
	[dreg:$0xd] =	wrdreg s7  }
0x12: {  	s9 =	sadd.s32 $0x3000, s30;
	[dreg:$0xe] =	wrdreg s8  }
0x13: {  	s10 =	sadd.s32 $0x3400, s30;
	[dreg:$0xf] =	wrdreg s9  }
0x14: {  	s11 =	sadd.s32 $0x3800, s30;
	[dreg:$0x10] =	wrdreg s10  }
0x15: {  	s12 =	sadd.s32 $0x3C00, s30;
	[dreg:$0x11] =	wrdreg s11  }
0x16: {  	s13 =	sadd.s32 $0x4000, s30;
	[dreg:$0x12] =	wrdreg s12  }
0x17: {  	s14 =	sadd.s32 $0x4400, s30;
	[dreg:$0x13] =	wrdreg s13  }
0x18: {  	s15 =	sadd.s32 $0x4800, s30;
	[dreg:$0x14] =	wrdreg s14  }
0x19: {  	s16 =	sadd.s32 $0x4C00, s30;
	[dreg:$0x15] =	wrdreg s15  }
0x1a: {  	s18 =	sadd.s32 $0x5000, s30;
	[dreg:$0x16] =	wrdreg s16  }
0x1b: {  	s19 =	sadd.s32 $0x5400, s30;
	[dreg:$0x17] =	wrdreg s18  }
0x1c: {  	s20 =	sadd.s32 $0x5800, s30;
	[dreg:$0x18] =	wrdreg s19  }
0x1d: {  	s21 =	sadd.s32 $0x5C00, s30;
	[dreg:$0x19] =	wrdreg s20  }
0x1e: {  	s5 =	sadd.s32 $0x2000, s30;
	[dreg:$0x1a] =	wrdreg s21  }
0x1f: {  	s22 =	sadd.s32 $0x6000, s30;
	[dreg:$0xb] =	wrdreg s5  }
0x20: {  	s23 =	sadd.s32 $0x6400, s30;
	[dreg:$0x1b] =	wrdreg s22  }
0x21: {  	s24 =	sadd.s32 $0x6800, s30;
	[dreg:$0x1c] =	wrdreg s23  }
0x22: {  	s25 =	sadd.s32 $0x6C00, s30;
	[dreg:$0x1d] =	wrdreg s24  }
0x23: {  	s26 =	sadd.s32 $0x7000, s30;
	[dreg:$0x1e] =	wrdreg s25  }
0x24: {  	s31 =	simm.s32 $0x9;
	s4 =	sadd.s32 $0x7400, s30;
	[dreg:$0x1f] =	wrdreg s26  }
0x25: {  	s29 =	simm.s32 $0xA80;
	s6 =	sadd.s32 $0x7C00, s30;
	[smem:$0x7E9] =	sst s4  }
0x26: {  	s28 =	simm.s32 $0xB00;
	s7 =	simm.s32 $0x100;
	[smem:$0x7EB] =	sst s6  }
0x27: {  	p0 =	por $0x0, $0x0;
	s8 =	simm.s32 $0x180;
	[smem:$0x7EC] =	sst s7  }
0x28: {  	s1 =	ssub.s32 $0x2, s1;
	s10 =	simm.s32 $0x200;
	[smem:$0x7ED] =	sst s8  }
0x29: {  	s3 =	sadd.s32 $0x4C00, s3;
	s11 =	simm.s32 $0x280;
	[smem:$0x7EE] =	sst s10  }
0x2a: {  	s9 =	sshrl.u32 s1, $0x1;
	s12 =	simm.s32 $0x300;
	[smem:$0x7EF] =	sst s11  }
0x2b: {  	s13 =	simm.s32 $0x380;
	s14 =	simm.s32 $0x400;
	[smem:$0x7F0] =	sst s12  }
0x2c: {  	s15 =	simm.s32 $0x480;
	s16 =	simm.s32 $0x500;
	[smem:$0x7F1] =	sst s13  }
0x2d: {  	s18 =	simm.s32 $0x580;
	s19 =	simm.s32 $0x600;
	[smem:$0x7F2] =	sst s14  }
0x2e: {  	s20 =	simm.s32 $0x680;
	s21 =	simm.s32 $0x700;
	[smem:$0x7F3] =	sst s15  }
0x2f: {  	s5 =	sadd.s32 $0x7800, s30;
	s1 =	ssub.s32 s1, s9;
	[smem:$0x7F4] =	sst s16  }
0x30: {  	s10 =	simm.s32 $0x80;
	s8 =	simm.s32 $0x1000;
	[smem:$0x7F5] =	sst s18  }
0x31: {  	s7 =	simm.s32 $0x3000;
	s4 =	simm.s32 $0x7000;
	[smem:$0x7F6] =	sst s19  }
0x32: {  	s13 =	simm.s32 $0x1;
	s6 =	simm.s32 $0x5;
	[smem:$0x7F7] =	sst s20  }
0x33: {  	s14 =	simm.s32 $0x2;
	[smem:$0x7F8] =	sst s21;
	s22 =	simm.s32 $0x780  }
0x34: {  	s9 =	simm.s32 $0x6;
	s23 =	simm.s32 $0x800;
	s15 =	simm.s32 $0x3  }
0x35: {  	s24 =	simm.s32 $0x880;
	s11 =	simm.s32 $0x7;
	s0 =	rddreg [dreg:$0x3]  }
0x36: {  	s25 =	simm.s32 $0x900;
	s16 =	simm.s32 $0x4;
	[smem:$0x7EA] =	sst s5  }
0x37: {  	s26 =	simm.s32 $0x980;
	s1 =	smax.u32 s1, $0x1;
	[smem:$0x7F9] =	sst s22  }
0x38: {  	s12 =	simm.s32 $0x8;
	[smem:$0x7FA] =	sst s23;
	p1 =	sne.s32 s1, $0x1  }
.Ltmp0:
0x39: {  	s21 =	simm.s32 $0xE00;
	[smem:$0x7FB] =	sst s24;
	(pc) =	sbr.rel @!p1 .LBB2_1-.Ltmp0, $4  }
0x3a: {  	s20 =	simm.s32 $0xE80;
	s19 =	simm.s32 $0xF00;
	[smem:$0x7FC] =	sst s25  }
0x3b: {  	s18 =	simm.s32 $0xF80;
	s5 =	simm.s32 $0x5000;
	[smem:$0x7FD] =	sst s26  }
0x3c: {  	s26 =	simm.s32 $0xB80;
	s25 =	simm.s32 $0xC00;
	s24 =	simm.s32 $0xC80  }
0x3d: {  	s23 =	simm.s32 $0xD00;
	s22 =	simm.s32 $0xD80;
	s1 =	sadd.s32 $0xFFFFFFFF, s1  }
0x3e: {  	[tilespmem:s2], [sflag:$0x9] =	stream.linear.gather [hbm4b:s0+s2], $0x1000, $0x38;
	[tilespmem:$0x9000] =	vst v63  }
0x3f: {  	_ =	swait.ge [sflag:s31], $0x1000  }
0x40: {  	[sflag:s31] =	ssyncset.done $0x0  }
0x41: {  	[sflag:s31] =	ssyncadd.s32 $0xFFFFF000  }
0x42: {  	[tilespmem:s8], [sflag:$0x1] =	stream.indirect.gather [hbm4b:s3+s10], $0x40, s2, s10, $0xb8;
	[tilespmem:$0x9000] =	vst v63  }
0x43: {  	s0 =	sld [smem:$0x7EC]  }
0x44: {  	[tilespmem:s7], [sflag:$0x2] =	stream.indirect.gather [hbm4b:s3+s10], $0x40, s10, s10, $0xb8;
	[tilespmem:$0x9000] =	vst v63  }
0x45: {  	s17 =	smov.u32 s1;
	s1 =	sld [smem:$0x7ED]  }
0x46: {  	[tilespmem:s5], [sflag:$0x3] =	stream.indirect.gather [hbm4b:s3+s10], $0x40, s0, s10, $0xb8;
	[tilespmem:$0x9000] =	vst v63  }
0x47: {  	_ = 	snop  }
0x48: {  	[tilespmem:s4], [sflag:$0x4] =	stream.indirect.gather [hbm4b:s3+s10], $0x40, s1, s10, $0xb8;
	[tilespmem:$0x9000] =	vst v63  }
0x49: {  	_ =	swait.ge [sflag:s13], $0x2000  }
0x4a: {  	[sflag:s13] =	ssyncset.done $0x0  }
0x4b: {  	[sflag:s13] =	ssyncadd.s32 $0xFFFFE000  }
0x4c: {  	[hbm4b:s30+s2] =	stream.linear.scatter [tilespmem:s8], [sflag:$0x5], $0x2000, $0x38;
	[tilespmem:$0x9000] =	vst v63  }
0x4d: {  	_ =	swait.ge [sflag:s6], $0x2000  }
0x4e: {  	s1 =	sld [smem:$0x7EE]  }
0x4f: {  	[sflag:s6] =	ssyncset.done $0x0  }
0x50: {  	[sflag:s6] =	ssyncadd.s32 $0xFFFFE000  }
0x51: {  	[tilespmem:s8], [sflag:$0x1] =	stream.indirect.gather [hbm4b:s3+s10], $0x40, s1, s10, $0xb8;
	[tilespmem:$0x9000] =	vst v63  }
0x52: {  	_ =	swait.ge [sflag:s14], $0x2000  }
0x53: {  	[sflag:s14] =	ssyncset.done $0x0  }
0x54: {  	s1 =	rddreg [dreg:$0x4];
	[sflag:s14] =	ssyncadd.s32 $0xFFFFE000  }
0x55: {  	[hbm4b:s1+s2] =	stream.linear.scatter [tilespmem:s7], [sflag:$0x6], $0x2000, $0x38;
	[tilespmem:$0x9000] =	vst v63  }
0x56: {  	_ =	swait.ge [sflag:s9], $0x2000  }
0x57: {  	s1 =	sld [smem:$0x7EF]  }
0x58: {  	[sflag:s9] =	ssyncset.done $0x0  }
0x59: {  	[sflag:s9] =	ssyncadd.s32 $0xFFFFE000  }
0x5a: {  	[tilespmem:s7], [sflag:$0x2] =	stream.indirect.gather [hbm4b:s3+s10], $0x40, s1, s10, $0xb8;
	[tilespmem:$0x9000] =	vst v63  }
0x5b: {  	_ =	swait.ge [sflag:s15], $0x2000  }
0x5c: {  	[sflag:s15] =	ssyncset.done $0x0  }
0x5d: {  	s1 =	rddreg [dreg:$0x5];
	[sflag:s15] =	ssyncadd.s32 $0xFFFFE000  }
0x5e: {  	[hbm4b:s1+s2] =	stream.linear.scatter [tilespmem:s5], [sflag:$0x7], $0x2000, $0x38;
	[tilespmem:$0x9000] =	vst v63  }
0x5f: {  	_ =	swait.ge [sflag:s11], $0x2000  }
0x60: {  	s1 =	sld [smem:$0x7F0]  }
0x61: {  	[sflag:s11] =	ssyncset.done $0x0  }
0x62: {  	[sflag:s11] =	ssyncadd.s32 $0xFFFFE000  }
0x63: {  	[tilespmem:s5], [sflag:$0x3] =	stream.indirect.gather [hbm4b:s3+s10], $0x40, s1, s10, $0xb8;
	[tilespmem:$0x9000] =	vst v63  }
0x64: {  	_ =	swait.ge [sflag:s16], $0x2000  }
0x65: {  	[sflag:s16] =	ssyncset.done $0x0  }
0x66: {  	s1 =	rddreg [dreg:$0x6];
	[sflag:s16] =	ssyncadd.s32 $0xFFFFE000  }
0x67: {  	[hbm4b:s1+s2] =	stream.linear.scatter [tilespmem:s4], [sflag:$0x8], $0x2000, $0x38;
	[tilespmem:$0x9000] =	vst v63  }
0x68: {  	_ =	swait.ge [sflag:s12], $0x2000  }
0x69: {  	s1 =	sld [smem:$0x7F1]  }
0x6a: {  	[sflag:s12] =	ssyncset.done $0x0  }
0x6b: {  	[sflag:s12] =	ssyncadd.s32 $0xFFFFE000  }
0x6c: {  	[tilespmem:s4], [sflag:$0x4] =	stream.indirect.gather [hbm4b:s3+s10], $0x40, s1, s10, $0xb8;
	[tilespmem:$0x9000] =	vst v63  }
0x6d: {  	_ =	swait.ge [sflag:s13], $0x2000  }
0x6e: {  	[sflag:s13] =	ssyncset.done $0x0  }
0x6f: {  	s1 =	rddreg [dreg:$0x7];
	[sflag:s13] =	ssyncadd.s32 $0xFFFFE000  }
0x70: {  	[hbm4b:s1+s2] =	stream.linear.scatter [tilespmem:s8], [sflag:$0x5], $0x2000, $0x38;
	[tilespmem:$0x9000] =	vst v63  }
0x71: {  	_ =	swait.ge [sflag:s6], $0x2000  }
0x72: {  	s1 =	sld [smem:$0x7F2]  }
0x73: {  	[sflag:s6] =	ssyncset.done $0x0  }
0x74: {  	[sflag:s6] =	ssyncadd.s32 $0xFFFFE000  }
0x75: {  	[tilespmem:s8], [sflag:$0x1] =	stream.indirect.gather [hbm4b:s3+s10], $0x40, s1, s10, $0xb8;
	[tilespmem:$0x9000] =	vst v63  }
0x76: {  	_ =	swait.ge [sflag:s14], $0x2000  }
0x77: {  	[sflag:s14] =	ssyncset.done $0x0  }
0x78: {  	s1 =	rddreg [dreg:$0x8];
	[sflag:s14] =	ssyncadd.s32 $0xFFFFE000  }
0x79: {  	[hbm4b:s1+s2] =	stream.linear.scatter [tilespmem:s7], [sflag:$0x6], $0x2000, $0x38;
	[tilespmem:$0x9000] =	vst v63  }
0x7a: {  	_ =	swait.ge [sflag:s9], $0x2000  }
0x7b: {  	s1 =	sld [smem:$0x7F3]  }
0x7c: {  	[sflag:s9] =	ssyncset.done $0x0  }
0x7d: {  	[sflag:s9] =	ssyncadd.s32 $0xFFFFE000  }
0x7e: {  	[tilespmem:s7], [sflag:$0x2] =	stream.indirect.gather [hbm4b:s3+s10], $0x40, s1, s10, $0xb8;
	[tilespmem:$0x9000] =	vst v63  }
0x7f: {  	_ =	swait.ge [sflag:s15], $0x2000  }
0x80: {  	[sflag:s15] =	ssyncset.done $0x0  }
0x81: {  	s1 =	rddreg [dreg:$0x9];
	[sflag:s15] =	ssyncadd.s32 $0xFFFFE000  }
0x82: {  	[hbm4b:s1+s2] =	stream.linear.scatter [tilespmem:s5], [sflag:$0x7], $0x2000, $0x38;
	[tilespmem:$0x9000] =	vst v63  }
0x83: {  	_ =	swait.ge [sflag:s11], $0x2000  }
0x84: {  	s1 =	sld [smem:$0x7F4]  }
0x85: {  	[sflag:s11] =	ssyncset.done $0x0  }
0x86: {  	[sflag:s11] =	ssyncadd.s32 $0xFFFFE000  }
0x87: {  	[tilespmem:s5], [sflag:$0x3] =	stream.indirect.gather [hbm4b:s3+s10], $0x40, s1, s10, $0xb8;
	[tilespmem:$0x9000] =	vst v63  }
0x88: {  	_ =	swait.ge [sflag:s16], $0x2000  }
0x89: {  	[sflag:s16] =	ssyncset.done $0x0  }
0x8a: {  	s1 =	rddreg [dreg:$0xa];
	[sflag:s16] =	ssyncadd.s32 $0xFFFFE000  }
0x8b: {  	[hbm4b:s1+s2] =	stream.linear.scatter [tilespmem:s4], [sflag:$0x8], $0x2000, $0x38;
	[tilespmem:$0x9000] =	vst v63  }
0x8c: {  	_ =	swait.ge [sflag:s12], $0x2000  }
0x8d: {  	s1 =	sld [smem:$0x7F5]  }
0x8e: {  	[sflag:s12] =	ssyncset.done $0x0  }
0x8f: {  	[sflag:s12] =	ssyncadd.s32 $0xFFFFE000  }
0x90: {  	[tilespmem:s4], [sflag:$0x4] =	stream.indirect.gather [hbm4b:s3+s10], $0x40, s1, s10, $0xb8;
	[tilespmem:$0x9000] =	vst v63  }
0x91: {  	_ =	swait.ge [sflag:s13], $0x2000  }
0x92: {  	[sflag:s13] =	ssyncset.done $0x0  }
0x93: {  	s1 =	rddreg [dreg:$0xb];
	[sflag:s13] =	ssyncadd.s32 $0xFFFFE000  }
0x94: {  	[hbm4b:s1+s2] =	stream.linear.scatter [tilespmem:s8], [sflag:$0x5], $0x2000, $0x38;
	[tilespmem:$0x9000] =	vst v63  }
0x95: {  	_ =	swait.ge [sflag:s6], $0x2000  }
0x96: {  	s1 =	sld [smem:$0x7F6]  }
0x97: {  	[sflag:s6] =	ssyncset.done $0x0  }
0x98: {  	[sflag:s6] =	ssyncadd.s32 $0xFFFFE000  }
0x99: {  	[tilespmem:s8], [sflag:$0x1] =	stream.indirect.gather [hbm4b:s3+s10], $0x40, s1, s10, $0xb8;
	[tilespmem:$0x9000] =	vst v63  }
0x9a: {  	_ =	swait.ge [sflag:s14], $0x2000  }
0x9b: {  	[sflag:s14] =	ssyncset.done $0x0  }
0x9c: {  	s1 =	rddreg [dreg:$0xc];
	[sflag:s14] =	ssyncadd.s32 $0xFFFFE000  }
0x9d: {  	[hbm4b:s1+s2] =	stream.linear.scatter [tilespmem:s7], [sflag:$0x6], $0x2000, $0x38;
	[tilespmem:$0x9000] =	vst v63  }
0x9e: {  	_ =	swait.ge [sflag:s9], $0x2000  }
0x9f: {  	s1 =	sld [smem:$0x7F7]  }
0xa0: {  	[sflag:s9] =	ssyncset.done $0x0  }
0xa1: {  	[sflag:s9] =	ssyncadd.s32 $0xFFFFE000  }
0xa2: {  	[tilespmem:s7], [sflag:$0x2] =	stream.indirect.gather [hbm4b:s3+s10], $0x40, s1, s10, $0xb8;
	[tilespmem:$0x9000] =	vst v63  }
0xa3: {  	_ =	swait.ge [sflag:s15], $0x2000  }
0xa4: {  	[sflag:s15] =	ssyncset.done $0x0  }
0xa5: {  	s1 =	rddreg [dreg:$0xd];
	[sflag:s15] =	ssyncadd.s32 $0xFFFFE000  }
0xa6: {  	[hbm4b:s1+s2] =	stream.linear.scatter [tilespmem:s5], [sflag:$0x7], $0x2000, $0x38;
	[tilespmem:$0x9000] =	vst v63  }
0xa7: {  	_ =	swait.ge [sflag:s11], $0x2000  }
0xa8: {  	s1 =	sld [smem:$0x7F8]  }
0xa9: {  	[sflag:s11] =	ssyncset.done $0x0  }
0xaa: {  	[sflag:s11] =	ssyncadd.s32 $0xFFFFE000  }
0xab: {  	[tilespmem:s5], [sflag:$0x3] =	stream.indirect.gather [hbm4b:s3+s10], $0x40, s1, s10, $0xb8;
	[tilespmem:$0x9000] =	vst v63  }
0xac: {  	_ =	swait.ge [sflag:s16], $0x2000  }
0xad: {  	[sflag:s16] =	ssyncset.done $0x0  }
0xae: {  	s1 =	rddreg [dreg:$0xe];
	[sflag:s16] =	ssyncadd.s32 $0xFFFFE000  }
0xaf: {  	[hbm4b:s1+s2] =	stream.linear.scatter [tilespmem:s4], [sflag:$0x8], $0x2000, $0x38;
	[tilespmem:$0x9000] =	vst v63  }
0xb0: {  	_ =	swait.ge [sflag:s12], $0x2000  }
0xb1: {  	s1 =	sld [smem:$0x7F9]  }
0xb2: {  	[sflag:s12] =	ssyncset.done $0x0  }
0xb3: {  	[sflag:s12] =	ssyncadd.s32 $0xFFFFE000  }
0xb4: {  	[tilespmem:s4], [sflag:$0x4] =	stream.indirect.gather [hbm4b:s3+s10], $0x40, s1, s10, $0xb8;
	[tilespmem:$0x9000] =	vst v63  }
0xb5: {  	_ =	swait.ge [sflag:s13], $0x2000  }
0xb6: {  	[sflag:s13] =	ssyncset.done $0x0  }
0xb7: {  	s1 =	rddreg [dreg:$0xf];
	[sflag:s13] =	ssyncadd.s32 $0xFFFFE000  }
0xb8: {  	[hbm4b:s1+s2] =	stream.linear.scatter [tilespmem:s8], [sflag:$0x5], $0x2000, $0x38;
	[tilespmem:$0x9000] =	vst v63  }
0xb9: {  	_ =	swait.ge [sflag:s6], $0x2000  }
0xba: {  	s1 =	sld [smem:$0x7FA]  }
0xbb: {  	[sflag:s6] =	ssyncset.done $0x0  }
0xbc: {  	[sflag:s6] =	ssyncadd.s32 $0xFFFFE000  }
0xbd: {  	[tilespmem:s8], [sflag:$0x1] =	stream.indirect.gather [hbm4b:s3+s10], $0x40, s1, s10, $0xb8;
	[tilespmem:$0x9000] =	vst v63  }
0xbe: {  	_ =	swait.ge [sflag:s14], $0x2000  }
0xbf: {  	[sflag:s14] =	ssyncset.done $0x0  }
0xc0: {  	s1 =	rddreg [dreg:$0x10];
	[sflag:s14] =	ssyncadd.s32 $0xFFFFE000  }
0xc1: {  	[hbm4b:s1+s2] =	stream.linear.scatter [tilespmem:s7], [sflag:$0x6], $0x2000, $0x38;
	[tilespmem:$0x9000] =	vst v63  }
0xc2: {  	_ =	swait.ge [sflag:s9], $0x2000  }
0xc3: {  	s1 =	sld [smem:$0x7FB]  }
0xc4: {  	[sflag:s9] =	ssyncset.done $0x0  }
0xc5: {  	[sflag:s9] =	ssyncadd.s32 $0xFFFFE000  }
0xc6: {  	[tilespmem:s7], [sflag:$0x2] =	stream.indirect.gather [hbm4b:s3+s10], $0x40, s1, s10, $0xb8;
	[tilespmem:$0x9000] =	vst v63  }
0xc7: {  	_ =	swait.ge [sflag:s15], $0x2000  }
0xc8: {  	[sflag:s15] =	ssyncset.done $0x0  }
0xc9: {  	s1 =	rddreg [dreg:$0x11];
	[sflag:s15] =	ssyncadd.s32 $0xFFFFE000  }
0xca: {  	[hbm4b:s1+s2] =	stream.linear.scatter [tilespmem:s5], [sflag:$0x7], $0x2000, $0x38;
	[tilespmem:$0x9000] =	vst v63  }
0xcb: {  	_ =	swait.ge [sflag:s11], $0x2000  }
0xcc: {  	s1 =	sld [smem:$0x7FC]  }
0xcd: {  	[sflag:s11] =	ssyncset.done $0x0  }
0xce: {  	[sflag:s11] =	ssyncadd.s32 $0xFFFFE000  }
0xcf: {  	[tilespmem:s5], [sflag:$0x3] =	stream.indirect.gather [hbm4b:s3+s10], $0x40, s1, s10, $0xb8;
	[tilespmem:$0x9000] =	vst v63  }
0xd0: {  	_ =	swait.ge [sflag:s16], $0x2000  }
0xd1: {  	[sflag:s16] =	ssyncset.done $0x0  }
0xd2: {  	s1 =	rddreg [dreg:$0x12];
	[sflag:s16] =	ssyncadd.s32 $0xFFFFE000  }
0xd3: {  	[hbm4b:s1+s2] =	stream.linear.scatter [tilespmem:s4], [sflag:$0x8], $0x2000, $0x38;
	[tilespmem:$0x9000] =	vst v63  }
0xd4: {  	_ =	swait.ge [sflag:s12], $0x2000  }
0xd5: {  	s1 =	sld [smem:$0x7FD]  }
0xd6: {  	[sflag:s12] =	ssyncset.done $0x0  }
0xd7: {  	[sflag:s12] =	ssyncadd.s32 $0xFFFFE000  }
0xd8: {  	[tilespmem:s4], [sflag:$0x4] =	stream.indirect.gather [hbm4b:s3+s10], $0x40, s1, s10, $0xb8;
	[tilespmem:$0x9000] =	vst v63  }
0xd9: {  	_ =	swait.ge [sflag:s13], $0x2000  }
0xda: {  	[sflag:s13] =	ssyncset.done $0x0  }
0xdb: {  	s1 =	rddreg [dreg:$0x13];
	[sflag:s13] =	ssyncadd.s32 $0xFFFFE000  }
0xdc: {  	[hbm4b:s1+s2] =	stream.linear.scatter [tilespmem:s8], [sflag:$0x5], $0x2000, $0x38;
	[tilespmem:$0x9000] =	vst v63  }
0xdd: {  	_ =	swait.ge [sflag:s6], $0x2000  }
0xde: {  	[sflag:s6] =	ssyncset.done $0x0  }
0xdf: {  	s1 =	simm.s32 $0xA00;
	[sflag:s6] =	ssyncadd.s32 $0xFFFFE000  }
0xe0: {  	[tilespmem:s8], [sflag:$0x1] =	stream.indirect.gather [hbm4b:s3+s10], $0x40, s1, s10, $0xb8;
	[tilespmem:$0x9000] =	vst v63  }
0xe1: {  	_ =	swait.ge [sflag:s14], $0x2000  }
0xe2: {  	[sflag:s14] =	ssyncset.done $0x0  }
0xe3: {  	s1 =	rddreg [dreg:$0x14];
	[sflag:s14] =	ssyncadd.s32 $0xFFFFE000  }
0xe4: {  	[hbm4b:s1+s2] =	stream.linear.scatter [tilespmem:s7], [sflag:$0x6], $0x2000, $0x38;
	[tilespmem:$0x9000] =	vst v63  }
0xe5: {  	_ =	swait.ge [sflag:s9], $0x2000  }
0xe6: {  	[sflag:s9] =	ssyncset.done $0x0  }
0xe7: {  	[sflag:s9] =	ssyncadd.s32 $0xFFFFE000  }
0xe8: {  	[tilespmem:s7], [sflag:$0x2] =	stream.indirect.gather [hbm4b:s3+s10], $0x40, s29, s10, $0xb8;
	[tilespmem:$0x9000] =	vst v63  }
0xe9: {  	_ =	swait.ge [sflag:s15], $0x2000  }
0xea: {  	[sflag:s15] =	ssyncset.done $0x0  }
0xeb: {  	s1 =	rddreg [dreg:$0x15];
	[sflag:s15] =	ssyncadd.s32 $0xFFFFE000  }
0xec: {  	[hbm4b:s1+s2] =	stream.linear.scatter [tilespmem:s5], [sflag:$0x7], $0x2000, $0x38;
	[tilespmem:$0x9000] =	vst v63  }
0xed: {  	_ =	swait.ge [sflag:s11], $0x2000  }
0xee: {  	[sflag:s11] =	ssyncset.done $0x0  }
0xef: {  	[sflag:s11] =	ssyncadd.s32 $0xFFFFE000  }
0xf0: {  	[tilespmem:s5], [sflag:$0x3] =	stream.indirect.gather [hbm4b:s3+s10], $0x40, s28, s10, $0xb8;
	[tilespmem:$0x9000] =	vst v63  }
0xf1: {  	_ =	swait.ge [sflag:s16], $0x2000  }
0xf2: {  	[sflag:s16] =	ssyncset.done $0x0  }
0xf3: {  	s1 =	rddreg [dreg:$0x16];
	[sflag:s16] =	ssyncadd.s32 $0xFFFFE000  }
0xf4: {  	[hbm4b:s1+s2] =	stream.linear.scatter [tilespmem:s4], [sflag:$0x8], $0x2000, $0x38;
	[tilespmem:$0x9000] =	vst v63  }
0xf5: {  	_ =	swait.ge [sflag:s12], $0x2000  }
0xf6: {  	[sflag:s12] =	ssyncset.done $0x0  }
0xf7: {  	[sflag:s12] =	ssyncadd.s32 $0xFFFFE000  }
0xf8: {  	[tilespmem:s4], [sflag:$0x4] =	stream.indirect.gather [hbm4b:s3+s10], $0x40, s26, s10, $0xb8;
	[tilespmem:$0x9000] =	vst v63  }
0xf9: {  	_ =	swait.ge [sflag:s13], $0x2000  }
0xfa: {  	[sflag:s13] =	ssyncset.done $0x0  }
0xfb: {  	s1 =	rddreg [dreg:$0x17];
	[sflag:s13] =	ssyncadd.s32 $0xFFFFE000  }
0xfc: {  	[hbm4b:s1+s2] =	stream.linear.scatter [tilespmem:s8], [sflag:$0x5], $0x2000, $0x38;
	[tilespmem:$0x9000] =	vst v63  }
0xfd: {  	_ =	swait.ge [sflag:s6], $0x2000  }
0xfe: {  	[sflag:s6] =	ssyncset.done $0x0  }
0xff: {  	[sflag:s6] =	ssyncadd.s32 $0xFFFFE000  }
0x100: {  	[tilespmem:s8], [sflag:$0x1] =	stream.indirect.gather [hbm4b:s3+s10], $0x40, s25, s10, $0xb8;
	[tilespmem:$0x9000] =	vst v63  }
0x101: {  	_ =	swait.ge [sflag:s14], $0x2000  }
0x102: {  	[sflag:s14] =	ssyncset.done $0x0  }
0x103: {  	s1 =	rddreg [dreg:$0x18];
	[sflag:s14] =	ssyncadd.s32 $0xFFFFE000  }
0x104: {  	[hbm4b:s1+s2] =	stream.linear.scatter [tilespmem:s7], [sflag:$0x6], $0x2000, $0x38;
	[tilespmem:$0x9000] =	vst v63  }
0x105: {  	_ =	swait.ge [sflag:s9], $0x2000  }
0x106: {  	[sflag:s9] =	ssyncset.done $0x0  }
0x107: {  	[sflag:s9] =	ssyncadd.s32 $0xFFFFE000  }
0x108: {  	[tilespmem:s7], [sflag:$0x2] =	stream.indirect.gather [hbm4b:s3+s10], $0x40, s24, s10, $0xb8;
	[tilespmem:$0x9000] =	vst v63  }
0x109: {  	_ =	swait.ge [sflag:s15], $0x2000  }
0x10a: {  	[sflag:s15] =	ssyncset.done $0x0  }
0x10b: {  	s1 =	rddreg [dreg:$0x19];
	[sflag:s15] =	ssyncadd.s32 $0xFFFFE000  }
0x10c: {  	[hbm4b:s1+s2] =	stream.linear.scatter [tilespmem:s5], [sflag:$0x7], $0x2000, $0x38;
	[tilespmem:$0x9000] =	vst v63  }
0x10d: {  	_ =	swait.ge [sflag:s11], $0x2000  }
0x10e: {  	[sflag:s11] =	ssyncset.done $0x0  }
0x10f: {  	[sflag:s11] =	ssyncadd.s32 $0xFFFFE000  }
0x110: {  	[tilespmem:s5], [sflag:$0x3] =	stream.indirect.gather [hbm4b:s3+s10], $0x40, s23, s10, $0xb8;
	[tilespmem:$0x9000] =	vst v63  }
0x111: {  	_ =	swait.ge [sflag:s16], $0x2000  }
0x112: {  	[sflag:s16] =	ssyncset.done $0x0  }
0x113: {  	s1 =	rddreg [dreg:$0x1a];
	[sflag:s16] =	ssyncadd.s32 $0xFFFFE000  }
0x114: {  	[hbm4b:s1+s2] =	stream.linear.scatter [tilespmem:s4], [sflag:$0x8], $0x2000, $0x38;
	[tilespmem:$0x9000] =	vst v63  }
0x115: {  	_ =	swait.ge [sflag:s12], $0x2000  }
0x116: {  	[sflag:s12] =	ssyncset.done $0x0  }
0x117: {  	[sflag:s12] =	ssyncadd.s32 $0xFFFFE000  }
0x118: {  	[tilespmem:s4], [sflag:$0x4] =	stream.indirect.gather [hbm4b:s3+s10], $0x40, s22, s10, $0xb8;
	[tilespmem:$0x9000] =	vst v63  }
0x119: {  	_ =	swait.ge [sflag:s13], $0x2000  }
0x11a: {  	[sflag:s13] =	ssyncset.done $0x0  }
0x11b: {  	s1 =	rddreg [dreg:$0x1b];
	[sflag:s13] =	ssyncadd.s32 $0xFFFFE000  }
0x11c: {  	[hbm4b:s1+s2] =	stream.linear.scatter [tilespmem:s8], [sflag:$0x5], $0x2000, $0x38;
	[tilespmem:$0x9000] =	vst v63  }
0x11d: {  	_ =	swait.ge [sflag:s6], $0x2000  }
0x11e: {  	[sflag:s6] =	ssyncset.done $0x0  }
0x11f: {  	[sflag:s6] =	ssyncadd.s32 $0xFFFFE000  }
0x120: {  	[tilespmem:s8], [sflag:$0x1] =	stream.indirect.gather [hbm4b:s3+s10], $0x40, s21, s10, $0xb8;
	[tilespmem:$0x9000] =	vst v63  }
0x121: {  	_ =	swait.ge [sflag:s14], $0x2000  }
0x122: {  	[sflag:s14] =	ssyncset.done $0x0  }
0x123: {  	s1 =	rddreg [dreg:$0x1c];
	[sflag:s14] =	ssyncadd.s32 $0xFFFFE000  }
0x124: {  	[hbm4b:s1+s2] =	stream.linear.scatter [tilespmem:s7], [sflag:$0x6], $0x2000, $0x38;
	[tilespmem:$0x9000] =	vst v63  }
0x125: {  	_ =	swait.ge [sflag:s9], $0x2000  }
0x126: {  	[sflag:s9] =	ssyncset.done $0x0  }
0x127: {  	[sflag:s9] =	ssyncadd.s32 $0xFFFFE000  }
0x128: {  	[tilespmem:s7], [sflag:$0x2] =	stream.indirect.gather [hbm4b:s3+s10], $0x40, s20, s10, $0xb8;
	[tilespmem:$0x9000] =	vst v63  }
0x129: {  	_ =	swait.ge [sflag:s15], $0x2000  }
0x12a: {  	[sflag:s15] =	ssyncset.done $0x0  }
0x12b: {  	s1 =	rddreg [dreg:$0x1d];
	[sflag:s15] =	ssyncadd.s32 $0xFFFFE000  }
0x12c: {  	[hbm4b:s1+s2] =	stream.linear.scatter [tilespmem:s5], [sflag:$0x7], $0x2000, $0x38;
	[tilespmem:$0x9000] =	vst v63  }
0x12d: {  	_ =	swait.ge [sflag:s11], $0x2000  }
0x12e: {  	[sflag:s11] =	ssyncset.done $0x0  }
0x12f: {  	[sflag:s11] =	ssyncadd.s32 $0xFFFFE000  }
0x130: {  	[tilespmem:s5], [sflag:$0x3] =	stream.indirect.gather [hbm4b:s3+s10], $0x40, s19, s10, $0xb8;
	[tilespmem:$0x9000] =	vst v63  }
0x131: {  	_ =	swait.ge [sflag:s16], $0x2000  }
0x132: {  	[sflag:s16] =	ssyncset.done $0x0  }
0x133: {  	s1 =	rddreg [dreg:$0x1e];
	[sflag:s16] =	ssyncadd.s32 $0xFFFFE000  }
0x134: {  	[hbm4b:s1+s2] =	stream.linear.scatter [tilespmem:s4], [sflag:$0x8], $0x2000, $0x38;
	[tilespmem:$0x9000] =	vst v63  }
0x135: {  	_ =	swait.ge [sflag:s12], $0x2000  }
0x136: {  	[sflag:s12] =	ssyncset.done $0x0  }
0x137: {  	[sflag:s12] =	ssyncadd.s32 $0xFFFFE000  }
0x138: {  	[tilespmem:s4], [sflag:$0x4] =	stream.indirect.gather [hbm4b:s3+s10], $0x40, s18, s10, $0xb8;
	[tilespmem:$0x9000] =	vst v63  }
0x139: {  	_ =	swait.ge [sflag:s13], $0x2000  }
0x13a: {  	[sflag:s13] =	ssyncset.done $0x0  }
0x13b: {  	s1 =	rddreg [dreg:$0x1f];
	[sflag:s13] =	ssyncadd.s32 $0xFFFFE000  }
0x13c: {  	[hbm4b:s1+s2] =	stream.linear.scatter [tilespmem:s8], [sflag:$0x5], $0x2000, $0x38;
	[tilespmem:$0x9000] =	vst v63  }
0x13d: {  	_ =	swait.ge [sflag:s14], $0x2000  }
0x13e: {  	s1 =	sld [smem:$0x7E9]  }
0x13f: {  	[sflag:s14] =	ssyncset.done $0x0  }
0x140: {  	[sflag:s14] =	ssyncadd.s32 $0xFFFFE000  }
0x141: {  	[hbm4b:s1+s2] =	stream.linear.scatter [tilespmem:s7], [sflag:$0x6], $0x2000, $0x38;
	[tilespmem:$0x9000] =	vst v63  }
0x142: {  	_ =	swait.ge [sflag:s15], $0x2000  }
0x143: {  	s1 =	sld [smem:$0x7EA]  }
0x144: {  	[sflag:s15] =	ssyncset.done $0x0  }
0x145: {  	[sflag:s15] =	ssyncadd.s32 $0xFFFFE000  }
0x146: {  	[hbm4b:s1+s2] =	stream.linear.scatter [tilespmem:s5], [sflag:$0x7], $0x2000, $0x38;
	[tilespmem:$0x9000] =	vst v63  }
0x147: {  	_ =	swait.ge [sflag:s16], $0x2000  }
0x148: {  	s1 =	sld [smem:$0x7EB]  }
0x149: {  	[sflag:s16] =	ssyncset.done $0x0  }
0x14a: {  	[sflag:s16] =	ssyncadd.s32 $0xFFFFE000  }
0x14b: {  	[hbm4b:s1+s2] =	stream.linear.scatter [tilespmem:s4], [sflag:$0x8], $0x2000, $0x38;
	[tilespmem:$0x9000] =	vst v63  }
0x14c: {  	_ =	swait.ge [sflag:s6], $0x2000  }
0x14d: {  	[sflag:s6] =	ssyncset.done $0x0  }
0x14e: {  	[sflag:s6] =	ssyncadd.s32 $0xFFFFE000  }
0x14f: {  	_ =	swait.ge [sflag:s9], $0x2000  }
0x150: {  	[sflag:s9] =	ssyncset.done $0x0  }
0x151: {  	p1 =	sne.s32 s17, $0x1;
	[sflag:s9] =	ssyncadd.s32 $0xFFFFE000  }
.Ltmp1:
0x152: {  	_ =	swait.ge [sflag:s11], $0x2000;
	(pc) =	sbr.rel @!p1 .LBB2_3-.Ltmp1, $4  }
0x153: {  	[sflag:s11] =	ssyncset.done $0x0  }
0x154: {  	[sflag:s11] =	ssyncadd.s32 $0xFFFFE000  }
0x155: {  	p0 =	por $0x1, $0x1;
	_ =	swait.ge [sflag:s12], $0x2000  }
0x156: {  	s1 =	sadd.s32 $0xFFFFFFFF, s17;
	s0 =	rddreg [dreg:$0x3];
	[sflag:s12] =	ssyncset.done $0x0  }
.LBB2_4:
0x157: {  	[sflag:s12] =	ssyncadd.s32 $0xFFFFE000  }
0x158: {  	[tilespmem:s2], [sflag:$0x9] =	stream.linear.gather [hbm4b:s0+s2], $0x1000, $0x38;
	[tilespmem:$0x9000] =	vst v63  }
0x159: {  	_ =	swait.ge [sflag:s31], $0x1000  }
0x15a: {  	[sflag:s31] =	ssyncset.done $0x0  }
0x15b: {  	[sflag:s31] =	ssyncadd.s32 $0xFFFFF000  }
0x15c: {  	[tilespmem:s8], [sflag:$0x1] =	stream.indirect.gather [hbm4b:s3+s10], $0x40, s2, s10, $0xb8;
	[tilespmem:$0x9000] =	vst v63  }
0x15d: {  	s0 =	sld [smem:$0x7EC]  }
0x15e: {  	[tilespmem:s7], [sflag:$0x2] =	stream.indirect.gather [hbm4b:s3+s10], $0x40, s10, s10, $0xb8;
	[tilespmem:$0x9000] =	vst v63  }
0x15f: {  	s17 =	sld [smem:$0x7ED]  }
0x160: {  	[tilespmem:s5], [sflag:$0x3] =	stream.indirect.gather [hbm4b:s3+s10], $0x40, s0, s10, $0xb8;
	[tilespmem:$0x9000] =	vst v63  }
0x161: {  	_ = 	snop  }
0x162: {  	[tilespmem:s4], [sflag:$0x4] =	stream.indirect.gather [hbm4b:s3+s10], $0x40, s17, s10, $0xb8;
	[tilespmem:$0x9000] =	vst v63  }
0x163: {  	_ =	swait.ge [sflag:s13], $0x2000  }
0x164: {  	[sflag:s13] =	ssyncset.done $0x0  }
0x165: {  	[sflag:s13] =	ssyncadd.s32 $0xFFFFE000  }
0x166: {  	[hbm4b:s30+s2] =	stream.linear.scatter [tilespmem:s8], [sflag:$0x5], $0x2000, $0x38;
	[tilespmem:$0x9000] =	vst v63  }
0x167: {  	_ =	swait.ge [sflag:s6], $0x2000  }
0x168: {  	s17 =	sld [smem:$0x7EE]  }
0x169: {  	[sflag:s6] =	ssyncset.done $0x0  }
0x16a: {  	[sflag:s6] =	ssyncadd.s32 $0xFFFFE000  }
0x16b: {  	[tilespmem:s8], [sflag:$0x1] =	stream.indirect.gather [hbm4b:s3+s10], $0x40, s17, s10, $0xb8;
	[tilespmem:$0x9000] =	vst v63  }
0x16c: {  	_ =	swait.ge [sflag:s14], $0x2000  }
0x16d: {  	[sflag:s14] =	ssyncset.done $0x0  }
0x16e: {  	s17 =	rddreg [dreg:$0x4];
	[sflag:s14] =	ssyncadd.s32 $0xFFFFE000  }
0x16f: {  	[hbm4b:s17+s2] =	stream.linear.scatter [tilespmem:s7], [sflag:$0x6], $0x2000, $0x38;
	[tilespmem:$0x9000] =	vst v63  }
0x170: {  	_ =	swait.ge [sflag:s9], $0x2000  }
0x171: {  	s17 =	sld [smem:$0x7EF]  }
0x172: {  	[sflag:s9] =	ssyncset.done $0x0  }
0x173: {  	[sflag:s9] =	ssyncadd.s32 $0xFFFFE000  }
0x174: {  	[tilespmem:s7], [sflag:$0x2] =	stream.indirect.gather [hbm4b:s3+s10], $0x40, s17, s10, $0xb8;
	[tilespmem:$0x9000] =	vst v63  }
0x175: {  	_ =	swait.ge [sflag:s15], $0x2000  }
0x176: {  	[sflag:s15] =	ssyncset.done $0x0  }
0x177: {  	s17 =	rddreg [dreg:$0x5];
	[sflag:s15] =	ssyncadd.s32 $0xFFFFE000  }
0x178: {  	[hbm4b:s17+s2] =	stream.linear.scatter [tilespmem:s5], [sflag:$0x7], $0x2000, $0x38;
	[tilespmem:$0x9000] =	vst v63  }
0x179: {  	_ =	swait.ge [sflag:s11], $0x2000  }
0x17a: {  	s17 =	sld [smem:$0x7F0]  }
0x17b: {  	[sflag:s11] =	ssyncset.done $0x0  }
0x17c: {  	[sflag:s11] =	ssyncadd.s32 $0xFFFFE000  }
0x17d: {  	[tilespmem:s5], [sflag:$0x3] =	stream.indirect.gather [hbm4b:s3+s10], $0x40, s17, s10, $0xb8;
	[tilespmem:$0x9000] =	vst v63  }
0x17e: {  	_ =	swait.ge [sflag:s16], $0x2000  }
0x17f: {  	[sflag:s16] =	ssyncset.done $0x0  }
0x180: {  	s17 =	rddreg [dreg:$0x6];
	[sflag:s16] =	ssyncadd.s32 $0xFFFFE000  }
0x181: {  	[hbm4b:s17+s2] =	stream.linear.scatter [tilespmem:s4], [sflag:$0x8], $0x2000, $0x38;
	[tilespmem:$0x9000] =	vst v63  }
0x182: {  	_ =	swait.ge [sflag:s12], $0x2000  }
0x183: {  	s17 =	sld [smem:$0x7F1]  }
0x184: {  	[sflag:s12] =	ssyncset.done $0x0  }
0x185: {  	[sflag:s12] =	ssyncadd.s32 $0xFFFFE000  }
0x186: {  	[tilespmem:s4], [sflag:$0x4] =	stream.indirect.gather [hbm4b:s3+s10], $0x40, s17, s10, $0xb8;
	[tilespmem:$0x9000] =	vst v63  }
0x187: {  	_ =	swait.ge [sflag:s13], $0x2000  }
0x188: {  	[sflag:s13] =	ssyncset.done $0x0  }
0x189: {  	s17 =	rddreg [dreg:$0x7];
	[sflag:s13] =	ssyncadd.s32 $0xFFFFE000  }
0x18a: {  	[hbm4b:s17+s2] =	stream.linear.scatter [tilespmem:s8], [sflag:$0x5], $0x2000, $0x38;
	[tilespmem:$0x9000] =	vst v63  }
0x18b: {  	_ =	swait.ge [sflag:s6], $0x2000  }
0x18c: {  	s17 =	sld [smem:$0x7F2]  }
0x18d: {  	[sflag:s6] =	ssyncset.done $0x0  }
0x18e: {  	[sflag:s6] =	ssyncadd.s32 $0xFFFFE000  }
0x18f: {  	[tilespmem:s8], [sflag:$0x1] =	stream.indirect.gather [hbm4b:s3+s10], $0x40, s17, s10, $0xb8;
	[tilespmem:$0x9000] =	vst v63  }
0x190: {  	_ =	swait.ge [sflag:s14], $0x2000  }
0x191: {  	[sflag:s14] =	ssyncset.done $0x0  }
0x192: {  	s17 =	rddreg [dreg:$0x8];
	[sflag:s14] =	ssyncadd.s32 $0xFFFFE000  }
0x193: {  	[hbm4b:s17+s2] =	stream.linear.scatter [tilespmem:s7], [sflag:$0x6], $0x2000, $0x38;
	[tilespmem:$0x9000] =	vst v63  }
0x194: {  	_ =	swait.ge [sflag:s9], $0x2000  }
0x195: {  	s17 =	sld [smem:$0x7F3]  }
0x196: {  	[sflag:s9] =	ssyncset.done $0x0  }
0x197: {  	[sflag:s9] =	ssyncadd.s32 $0xFFFFE000  }
0x198: {  	[tilespmem:s7], [sflag:$0x2] =	stream.indirect.gather [hbm4b:s3+s10], $0x40, s17, s10, $0xb8;
	[tilespmem:$0x9000] =	vst v63  }
0x199: {  	_ =	swait.ge [sflag:s15], $0x2000  }
0x19a: {  	[sflag:s15] =	ssyncset.done $0x0  }
0x19b: {  	s17 =	rddreg [dreg:$0x9];
	[sflag:s15] =	ssyncadd.s32 $0xFFFFE000  }
0x19c: {  	[hbm4b:s17+s2] =	stream.linear.scatter [tilespmem:s5], [sflag:$0x7], $0x2000, $0x38;
	[tilespmem:$0x9000] =	vst v63  }
0x19d: {  	_ =	swait.ge [sflag:s11], $0x2000  }
0x19e: {  	s17 =	sld [smem:$0x7F4]  }
0x19f: {  	[sflag:s11] =	ssyncset.done $0x0  }
0x1a0: {  	[sflag:s11] =	ssyncadd.s32 $0xFFFFE000  }
0x1a1: {  	[tilespmem:s5], [sflag:$0x3] =	stream.indirect.gather [hbm4b:s3+s10], $0x40, s17, s10, $0xb8;
	[tilespmem:$0x9000] =	vst v63  }
0x1a2: {  	_ =	swait.ge [sflag:s16], $0x2000  }
0x1a3: {  	[sflag:s16] =	ssyncset.done $0x0  }
0x1a4: {  	s17 =	rddreg [dreg:$0xa];
	[sflag:s16] =	ssyncadd.s32 $0xFFFFE000  }
0x1a5: {  	[hbm4b:s17+s2] =	stream.linear.scatter [tilespmem:s4], [sflag:$0x8], $0x2000, $0x38;
	[tilespmem:$0x9000] =	vst v63  }
0x1a6: {  	_ =	swait.ge [sflag:s12], $0x2000  }
0x1a7: {  	s17 =	sld [smem:$0x7F5]  }
0x1a8: {  	[sflag:s12] =	ssyncset.done $0x0  }
0x1a9: {  	[sflag:s12] =	ssyncadd.s32 $0xFFFFE000  }
0x1aa: {  	[tilespmem:s4], [sflag:$0x4] =	stream.indirect.gather [hbm4b:s3+s10], $0x40, s17, s10, $0xb8;
	[tilespmem:$0x9000] =	vst v63  }
0x1ab: {  	_ =	swait.ge [sflag:s13], $0x2000  }
0x1ac: {  	[sflag:s13] =	ssyncset.done $0x0  }
0x1ad: {  	s17 =	rddreg [dreg:$0xb];
	[sflag:s13] =	ssyncadd.s32 $0xFFFFE000  }
0x1ae: {  	[hbm4b:s17+s2] =	stream.linear.scatter [tilespmem:s8], [sflag:$0x5], $0x2000, $0x38;
	[tilespmem:$0x9000] =	vst v63  }
0x1af: {  	_ =	swait.ge [sflag:s6], $0x2000  }
0x1b0: {  	s17 =	sld [smem:$0x7F6]  }
0x1b1: {  	[sflag:s6] =	ssyncset.done $0x0  }
0x1b2: {  	[sflag:s6] =	ssyncadd.s32 $0xFFFFE000  }
0x1b3: {  	[tilespmem:s8], [sflag:$0x1] =	stream.indirect.gather [hbm4b:s3+s10], $0x40, s17, s10, $0xb8;
	[tilespmem:$0x9000] =	vst v63  }
0x1b4: {  	_ =	swait.ge [sflag:s14], $0x2000  }
0x1b5: {  	[sflag:s14] =	ssyncset.done $0x0  }
0x1b6: {  	s17 =	rddreg [dreg:$0xc];
	[sflag:s14] =	ssyncadd.s32 $0xFFFFE000  }
0x1b7: {  	[hbm4b:s17+s2] =	stream.linear.scatter [tilespmem:s7], [sflag:$0x6], $0x2000, $0x38;
	[tilespmem:$0x9000] =	vst v63  }
0x1b8: {  	_ =	swait.ge [sflag:s9], $0x2000  }
0x1b9: {  	s17 =	sld [smem:$0x7F7]  }
0x1ba: {  	[sflag:s9] =	ssyncset.done $0x0  }
0x1bb: {  	[sflag:s9] =	ssyncadd.s32 $0xFFFFE000  }
0x1bc: {  	[tilespmem:s7], [sflag:$0x2] =	stream.indirect.gather [hbm4b:s3+s10], $0x40, s17, s10, $0xb8;
	[tilespmem:$0x9000] =	vst v63  }
0x1bd: {  	_ =	swait.ge [sflag:s15], $0x2000  }
0x1be: {  	[sflag:s15] =	ssyncset.done $0x0  }
0x1bf: {  	s17 =	rddreg [dreg:$0xd];
	[sflag:s15] =	ssyncadd.s32 $0xFFFFE000  }
0x1c0: {  	[hbm4b:s17+s2] =	stream.linear.scatter [tilespmem:s5], [sflag:$0x7], $0x2000, $0x38;
	[tilespmem:$0x9000] =	vst v63  }
0x1c1: {  	_ =	swait.ge [sflag:s11], $0x2000  }
0x1c2: {  	s17 =	sld [smem:$0x7F8]  }
0x1c3: {  	[sflag:s11] =	ssyncset.done $0x0  }
0x1c4: {  	[sflag:s11] =	ssyncadd.s32 $0xFFFFE000  }
0x1c5: {  	[tilespmem:s5], [sflag:$0x3] =	stream.indirect.gather [hbm4b:s3+s10], $0x40, s17, s10, $0xb8;
	[tilespmem:$0x9000] =	vst v63  }
0x1c6: {  	_ =	swait.ge [sflag:s16], $0x2000  }
0x1c7: {  	[sflag:s16] =	ssyncset.done $0x0  }
0x1c8: {  	s17 =	rddreg [dreg:$0xe];
	[sflag:s16] =	ssyncadd.s32 $0xFFFFE000  }
0x1c9: {  	[hbm4b:s17+s2] =	stream.linear.scatter [tilespmem:s4], [sflag:$0x8], $0x2000, $0x38;
	[tilespmem:$0x9000] =	vst v63  }
0x1ca: {  	_ =	swait.ge [sflag:s12], $0x2000  }
0x1cb: {  	s17 =	sld [smem:$0x7F9]  }
0x1cc: {  	[sflag:s12] =	ssyncset.done $0x0  }
0x1cd: {  	[sflag:s12] =	ssyncadd.s32 $0xFFFFE000  }
0x1ce: {  	[tilespmem:s4], [sflag:$0x4] =	stream.indirect.gather [hbm4b:s3+s10], $0x40, s17, s10, $0xb8;
	[tilespmem:$0x9000] =	vst v63  }
0x1cf: {  	_ =	swait.ge [sflag:s13], $0x2000  }
0x1d0: {  	[sflag:s13] =	ssyncset.done $0x0  }
0x1d1: {  	s17 =	rddreg [dreg:$0xf];
	[sflag:s13] =	ssyncadd.s32 $0xFFFFE000  }
0x1d2: {  	[hbm4b:s17+s2] =	stream.linear.scatter [tilespmem:s8], [sflag:$0x5], $0x2000, $0x38;
	[tilespmem:$0x9000] =	vst v63  }
0x1d3: {  	_ =	swait.ge [sflag:s6], $0x2000  }
0x1d4: {  	s17 =	sld [smem:$0x7FA]  }
0x1d5: {  	[sflag:s6] =	ssyncset.done $0x0  }
0x1d6: {  	[sflag:s6] =	ssyncadd.s32 $0xFFFFE000  }
0x1d7: {  	[tilespmem:s8], [sflag:$0x1] =	stream.indirect.gather [hbm4b:s3+s10], $0x40, s17, s10, $0xb8;
	[tilespmem:$0x9000] =	vst v63  }
0x1d8: {  	_ =	swait.ge [sflag:s14], $0x2000  }
0x1d9: {  	[sflag:s14] =	ssyncset.done $0x0  }
0x1da: {  	s17 =	rddreg [dreg:$0x10];
	[sflag:s14] =	ssyncadd.s32 $0xFFFFE000  }
0x1db: {  	[hbm4b:s17+s2] =	stream.linear.scatter [tilespmem:s7], [sflag:$0x6], $0x2000, $0x38;
	[tilespmem:$0x9000] =	vst v63  }
0x1dc: {  	_ =	swait.ge [sflag:s9], $0x2000  }
0x1dd: {  	s17 =	sld [smem:$0x7FB]  }
0x1de: {  	[sflag:s9] =	ssyncset.done $0x0  }
0x1df: {  	[sflag:s9] =	ssyncadd.s32 $0xFFFFE000  }
0x1e0: {  	[tilespmem:s7], [sflag:$0x2] =	stream.indirect.gather [hbm4b:s3+s10], $0x40, s17, s10, $0xb8;
	[tilespmem:$0x9000] =	vst v63  }
0x1e1: {  	_ =	swait.ge [sflag:s15], $0x2000  }
0x1e2: {  	[sflag:s15] =	ssyncset.done $0x0  }
0x1e3: {  	s17 =	rddreg [dreg:$0x11];
	[sflag:s15] =	ssyncadd.s32 $0xFFFFE000  }
0x1e4: {  	[hbm4b:s17+s2] =	stream.linear.scatter [tilespmem:s5], [sflag:$0x7], $0x2000, $0x38;
	[tilespmem:$0x9000] =	vst v63  }
0x1e5: {  	_ =	swait.ge [sflag:s11], $0x2000  }
0x1e6: {  	s17 =	sld [smem:$0x7FC]  }
0x1e7: {  	[sflag:s11] =	ssyncset.done $0x0  }
0x1e8: {  	[sflag:s11] =	ssyncadd.s32 $0xFFFFE000  }
0x1e9: {  	[tilespmem:s5], [sflag:$0x3] =	stream.indirect.gather [hbm4b:s3+s10], $0x40, s17, s10, $0xb8;
	[tilespmem:$0x9000] =	vst v63  }
0x1ea: {  	_ =	swait.ge [sflag:s16], $0x2000  }
0x1eb: {  	[sflag:s16] =	ssyncset.done $0x0  }
0x1ec: {  	s17 =	rddreg [dreg:$0x12];
	[sflag:s16] =	ssyncadd.s32 $0xFFFFE000  }
0x1ed: {  	[hbm4b:s17+s2] =	stream.linear.scatter [tilespmem:s4], [sflag:$0x8], $0x2000, $0x38;
	[tilespmem:$0x9000] =	vst v63  }
0x1ee: {  	_ =	swait.ge [sflag:s12], $0x2000  }
0x1ef: {  	s17 =	sld [smem:$0x7FD]  }
0x1f0: {  	[sflag:s12] =	ssyncset.done $0x0  }
0x1f1: {  	[sflag:s12] =	ssyncadd.s32 $0xFFFFE000  }
0x1f2: {  	[tilespmem:s4], [sflag:$0x4] =	stream.indirect.gather [hbm4b:s3+s10], $0x40, s17, s10, $0xb8;
	[tilespmem:$0x9000] =	vst v63  }
0x1f3: {  	_ =	swait.ge [sflag:s13], $0x2000  }
0x1f4: {  	[sflag:s13] =	ssyncset.done $0x0  }
0x1f5: {  	s17 =	rddreg [dreg:$0x13];
	[sflag:s13] =	ssyncadd.s32 $0xFFFFE000  }
0x1f6: {  	[hbm4b:s17+s2] =	stream.linear.scatter [tilespmem:s8], [sflag:$0x5], $0x2000, $0x38;
	[tilespmem:$0x9000] =	vst v63  }
0x1f7: {  	_ =	swait.ge [sflag:s6], $0x2000  }
0x1f8: {  	[sflag:s6] =	ssyncset.done $0x0  }
0x1f9: {  	s17 =	simm.s32 $0xA00;
	[sflag:s6] =	ssyncadd.s32 $0xFFFFE000  }
0x1fa: {  	[tilespmem:s8], [sflag:$0x1] =	stream.indirect.gather [hbm4b:s3+s10], $0x40, s17, s10, $0xb8;
	[tilespmem:$0x9000] =	vst v63  }
0x1fb: {  	_ =	swait.ge [sflag:s14], $0x2000  }
0x1fc: {  	[sflag:s14] =	ssyncset.done $0x0  }
0x1fd: {  	s17 =	rddreg [dreg:$0x14];
	[sflag:s14] =	ssyncadd.s32 $0xFFFFE000  }
0x1fe: {  	[hbm4b:s17+s2] =	stream.linear.scatter [tilespmem:s7], [sflag:$0x6], $0x2000, $0x38;
	[tilespmem:$0x9000] =	vst v63  }
0x1ff: {  	_ =	swait.ge [sflag:s9], $0x2000  }
0x200: {  	[sflag:s9] =	ssyncset.done $0x0  }
0x201: {  	[sflag:s9] =	ssyncadd.s32 $0xFFFFE000  }
0x202: {  	[tilespmem:s7], [sflag:$0x2] =	stream.indirect.gather [hbm4b:s3+s10], $0x40, s29, s10, $0xb8;
	[tilespmem:$0x9000] =	vst v63  }
0x203: {  	_ =	swait.ge [sflag:s15], $0x2000  }
0x204: {  	[sflag:s15] =	ssyncset.done $0x0  }
0x205: {  	s17 =	rddreg [dreg:$0x15];
	[sflag:s15] =	ssyncadd.s32 $0xFFFFE000  }
0x206: {  	[hbm4b:s17+s2] =	stream.linear.scatter [tilespmem:s5], [sflag:$0x7], $0x2000, $0x38;
	[tilespmem:$0x9000] =	vst v63  }
0x207: {  	_ =	swait.ge [sflag:s11], $0x2000  }
0x208: {  	[sflag:s11] =	ssyncset.done $0x0  }
0x209: {  	[sflag:s11] =	ssyncadd.s32 $0xFFFFE000  }
0x20a: {  	[tilespmem:s5], [sflag:$0x3] =	stream.indirect.gather [hbm4b:s3+s10], $0x40, s28, s10, $0xb8;
	[tilespmem:$0x9000] =	vst v63  }
0x20b: {  	_ =	swait.ge [sflag:s16], $0x2000  }
0x20c: {  	[sflag:s16] =	ssyncset.done $0x0  }
0x20d: {  	s17 =	rddreg [dreg:$0x16];
	[sflag:s16] =	ssyncadd.s32 $0xFFFFE000  }
0x20e: {  	[hbm4b:s17+s2] =	stream.linear.scatter [tilespmem:s4], [sflag:$0x8], $0x2000, $0x38;
	[tilespmem:$0x9000] =	vst v63  }
0x20f: {  	_ =	swait.ge [sflag:s12], $0x2000  }
0x210: {  	[sflag:s12] =	ssyncset.done $0x0  }
0x211: {  	[sflag:s12] =	ssyncadd.s32 $0xFFFFE000  }
0x212: {  	[tilespmem:s4], [sflag:$0x4] =	stream.indirect.gather [hbm4b:s3+s10], $0x40, s26, s10, $0xb8;
	[tilespmem:$0x9000] =	vst v63  }
0x213: {  	_ =	swait.ge [sflag:s13], $0x2000  }
0x214: {  	[sflag:s13] =	ssyncset.done $0x0  }
0x215: {  	s17 =	rddreg [dreg:$0x17];
	[sflag:s13] =	ssyncadd.s32 $0xFFFFE000  }
0x216: {  	[hbm4b:s17+s2] =	stream.linear.scatter [tilespmem:s8], [sflag:$0x5], $0x2000, $0x38;
	[tilespmem:$0x9000] =	vst v63  }
0x217: {  	_ =	swait.ge [sflag:s6], $0x2000  }
0x218: {  	[sflag:s6] =	ssyncset.done $0x0  }
0x219: {  	[sflag:s6] =	ssyncadd.s32 $0xFFFFE000  }
0x21a: {  	[tilespmem:s8], [sflag:$0x1] =	stream.indirect.gather [hbm4b:s3+s10], $0x40, s25, s10, $0xb8;
	[tilespmem:$0x9000] =	vst v63  }
0x21b: {  	_ =	swait.ge [sflag:s14], $0x2000  }
0x21c: {  	[sflag:s14] =	ssyncset.done $0x0  }
0x21d: {  	s17 =	rddreg [dreg:$0x18];
	[sflag:s14] =	ssyncadd.s32 $0xFFFFE000  }
0x21e: {  	[hbm4b:s17+s2] =	stream.linear.scatter [tilespmem:s7], [sflag:$0x6], $0x2000, $0x38;
	[tilespmem:$0x9000] =	vst v63  }
0x21f: {  	_ =	swait.ge [sflag:s9], $0x2000  }
0x220: {  	[sflag:s9] =	ssyncset.done $0x0  }
0x221: {  	[sflag:s9] =	ssyncadd.s32 $0xFFFFE000  }
0x222: {  	[tilespmem:s7], [sflag:$0x2] =	stream.indirect.gather [hbm4b:s3+s10], $0x40, s24, s10, $0xb8;
	[tilespmem:$0x9000] =	vst v63  }
0x223: {  	_ =	swait.ge [sflag:s15], $0x2000  }
0x224: {  	[sflag:s15] =	ssyncset.done $0x0  }
0x225: {  	s17 =	rddreg [dreg:$0x19];
	[sflag:s15] =	ssyncadd.s32 $0xFFFFE000  }
0x226: {  	[hbm4b:s17+s2] =	stream.linear.scatter [tilespmem:s5], [sflag:$0x7], $0x2000, $0x38;
	[tilespmem:$0x9000] =	vst v63  }
0x227: {  	_ =	swait.ge [sflag:s11], $0x2000  }
0x228: {  	[sflag:s11] =	ssyncset.done $0x0  }
0x229: {  	[sflag:s11] =	ssyncadd.s32 $0xFFFFE000  }
0x22a: {  	[tilespmem:s5], [sflag:$0x3] =	stream.indirect.gather [hbm4b:s3+s10], $0x40, s23, s10, $0xb8;
	[tilespmem:$0x9000] =	vst v63  }
0x22b: {  	_ =	swait.ge [sflag:s16], $0x2000  }
0x22c: {  	[sflag:s16] =	ssyncset.done $0x0  }
0x22d: {  	s17 =	rddreg [dreg:$0x1a];
	[sflag:s16] =	ssyncadd.s32 $0xFFFFE000  }
0x22e: {  	[hbm4b:s17+s2] =	stream.linear.scatter [tilespmem:s4], [sflag:$0x8], $0x2000, $0x38;
	[tilespmem:$0x9000] =	vst v63  }
0x22f: {  	_ =	swait.ge [sflag:s12], $0x2000  }
0x230: {  	[sflag:s12] =	ssyncset.done $0x0  }
0x231: {  	[sflag:s12] =	ssyncadd.s32 $0xFFFFE000  }
0x232: {  	[tilespmem:s4], [sflag:$0x4] =	stream.indirect.gather [hbm4b:s3+s10], $0x40, s22, s10, $0xb8;
	[tilespmem:$0x9000] =	vst v63  }
0x233: {  	_ =	swait.ge [sflag:s13], $0x2000  }
0x234: {  	[sflag:s13] =	ssyncset.done $0x0  }
0x235: {  	s17 =	rddreg [dreg:$0x1b];
	[sflag:s13] =	ssyncadd.s32 $0xFFFFE000  }
0x236: {  	[hbm4b:s17+s2] =	stream.linear.scatter [tilespmem:s8], [sflag:$0x5], $0x2000, $0x38;
	[tilespmem:$0x9000] =	vst v63  }
0x237: {  	_ =	swait.ge [sflag:s6], $0x2000  }
0x238: {  	[sflag:s6] =	ssyncset.done $0x0  }
0x239: {  	[sflag:s6] =	ssyncadd.s32 $0xFFFFE000  }
0x23a: {  	[tilespmem:s8], [sflag:$0x1] =	stream.indirect.gather [hbm4b:s3+s10], $0x40, s21, s10, $0xb8;
	[tilespmem:$0x9000] =	vst v63  }
0x23b: {  	_ =	swait.ge [sflag:s14], $0x2000  }
0x23c: {  	[sflag:s14] =	ssyncset.done $0x0  }
0x23d: {  	s17 =	rddreg [dreg:$0x1c];
	[sflag:s14] =	ssyncadd.s32 $0xFFFFE000  }
0x23e: {  	[hbm4b:s17+s2] =	stream.linear.scatter [tilespmem:s7], [sflag:$0x6], $0x2000, $0x38;
	[tilespmem:$0x9000] =	vst v63  }
0x23f: {  	_ =	swait.ge [sflag:s9], $0x2000  }
0x240: {  	[sflag:s9] =	ssyncset.done $0x0  }
0x241: {  	[sflag:s9] =	ssyncadd.s32 $0xFFFFE000  }
0x242: {  	[tilespmem:s7], [sflag:$0x2] =	stream.indirect.gather [hbm4b:s3+s10], $0x40, s20, s10, $0xb8;
	[tilespmem:$0x9000] =	vst v63  }
0x243: {  	_ =	swait.ge [sflag:s15], $0x2000  }
0x244: {  	[sflag:s15] =	ssyncset.done $0x0  }
0x245: {  	s17 =	rddreg [dreg:$0x1d];
	[sflag:s15] =	ssyncadd.s32 $0xFFFFE000  }
0x246: {  	[hbm4b:s17+s2] =	stream.linear.scatter [tilespmem:s5], [sflag:$0x7], $0x2000, $0x38;
	[tilespmem:$0x9000] =	vst v63  }
0x247: {  	_ =	swait.ge [sflag:s11], $0x2000  }
0x248: {  	[sflag:s11] =	ssyncset.done $0x0  }
0x249: {  	[sflag:s11] =	ssyncadd.s32 $0xFFFFE000  }
0x24a: {  	[tilespmem:s5], [sflag:$0x3] =	stream.indirect.gather [hbm4b:s3+s10], $0x40, s19, s10, $0xb8;
	[tilespmem:$0x9000] =	vst v63  }
0x24b: {  	_ =	swait.ge [sflag:s16], $0x2000  }
0x24c: {  	[sflag:s16] =	ssyncset.done $0x0  }
0x24d: {  	s17 =	rddreg [dreg:$0x1e];
	[sflag:s16] =	ssyncadd.s32 $0xFFFFE000  }
0x24e: {  	[hbm4b:s17+s2] =	stream.linear.scatter [tilespmem:s4], [sflag:$0x8], $0x2000, $0x38;
	[tilespmem:$0x9000] =	vst v63  }
0x24f: {  	_ =	swait.ge [sflag:s12], $0x2000  }
0x250: {  	[sflag:s12] =	ssyncset.done $0x0  }
0x251: {  	[sflag:s12] =	ssyncadd.s32 $0xFFFFE000  }
0x252: {  	[tilespmem:s4], [sflag:$0x4] =	stream.indirect.gather [hbm4b:s3+s10], $0x40, s18, s10, $0xb8;
	[tilespmem:$0x9000] =	vst v63  }
0x253: {  	_ =	swait.ge [sflag:s13], $0x2000  }
0x254: {  	[sflag:s13] =	ssyncset.done $0x0  }
0x255: {  	s17 =	rddreg [dreg:$0x1f];
	[sflag:s13] =	ssyncadd.s32 $0xFFFFE000  }
0x256: {  	[hbm4b:s17+s2] =	stream.linear.scatter [tilespmem:s8], [sflag:$0x5], $0x2000, $0x38;
	[tilespmem:$0x9000] =	vst v63  }
0x257: {  	_ =	swait.ge [sflag:s14], $0x2000  }
0x258: {  	s17 =	sld [smem:$0x7E9]  }
0x259: {  	[sflag:s14] =	ssyncset.done $0x0  }
0x25a: {  	[sflag:s14] =	ssyncadd.s32 $0xFFFFE000  }
0x25b: {  	[hbm4b:s17+s2] =	stream.linear.scatter [tilespmem:s7], [sflag:$0x6], $0x2000, $0x38;
	[tilespmem:$0x9000] =	vst v63  }
0x25c: {  	_ =	swait.ge [sflag:s15], $0x2000  }
0x25d: {  	s17 =	sld [smem:$0x7EA]  }
0x25e: {  	[sflag:s15] =	ssyncset.done $0x0  }
0x25f: {  	[sflag:s15] =	ssyncadd.s32 $0xFFFFE000  }
0x260: {  	[hbm4b:s17+s2] =	stream.linear.scatter [tilespmem:s5], [sflag:$0x7], $0x2000, $0x38;
	[tilespmem:$0x9000] =	vst v63  }
0x261: {  	_ =	swait.ge [sflag:s16], $0x2000  }
0x262: {  	s17 =	sld [smem:$0x7EB]  }
0x263: {  	[sflag:s16] =	ssyncset.done $0x0  }
0x264: {  	[sflag:s16] =	ssyncadd.s32 $0xFFFFE000  }
0x265: {  	[hbm4b:s17+s2] =	stream.linear.scatter [tilespmem:s4], [sflag:$0x8], $0x2000, $0x38;
	[tilespmem:$0x9000] =	vst v63  }
0x266: {  	_ =	swait.ge [sflag:s6], $0x2000  }
0x267: {  	[sflag:s6] =	ssyncset.done $0x0  }
0x268: {  	[sflag:s6] =	ssyncadd.s32 $0xFFFFE000  }
0x269: {  	_ =	swait.ge [sflag:s9], $0x2000  }
0x26a: {  	[sflag:s9] =	ssyncset.done $0x0  }
0x26b: {  	p1 =	sne.s32 s1, $0x1;
	[sflag:s9] =	ssyncadd.s32 $0xFFFFE000  }
.Ltmp2:
0x26c: {  	_ =	swait.ge [sflag:s11], $0x2000;
	(pc) =	sbr.rel @p1 .LBB2_4-.Ltmp2, $4  }
0x26d: {  	[sflag:s11] =	ssyncset.done $0x0  }
0x26e: {  	[sflag:s11] =	ssyncadd.s32 $0xFFFFE000  }
0x26f: {  	_ =	swait.ge [sflag:s12], $0x2000  }
0x270: {  	s1 =	sadd.s32 $0xFFFFFFFF, s1;
	s0 =	rddreg [dreg:$0x3];
	[sflag:s12] =	ssyncset.done $0x0  }
0x271: {  	s18 =	simm.s32 $0xA00;
	s29 =	simm.s32 $0xA80;
	s28 =	simm.s32 $0xB00  }
0x272: {  	s26 =	simm.s32 $0xB80;
	s25 =	simm.s32 $0xC00;
	s24 =	simm.s32 $0xC80  }
0x273: {  	s23 =	simm.s32 $0xD00;
	s22 =	simm.s32 $0xD80;
	s21 =	simm.s32 $0xE00  }
0x274: {  	s20 =	simm.s32 $0xE80;
	s19 =	simm.s32 $0xF00;
	s17 =	stileid.u32  }
.LBB2_6:
0x275: {  	[sflag:s12] =	ssyncadd.s32 @p0 $0xFFFFE000  }
0x276: {  	[tilespmem:s2], [sflag:$0x9] =	stream.linear.gather [hbm4b:s0+s2], $0x1000, $0x38;
	[tilespmem:$0x9000] =	vst v63  }
0x277: {  	_ =	swait.ge [sflag:s31], $0x1000  }
0x278: {  	[sflag:s31] =	ssyncset.done $0x0  }
0x279: {  	[sflag:s31] =	ssyncadd.s32 $0xFFFFF000  }
0x27a: {  	[tilespmem:s8], [sflag:$0x1] =	stream.indirect.gather [hbm4b:s3+s10], $0x40, s2, s10, $0xb8;
	[tilespmem:$0x9000] =	vst v63  }
0x27b: {  	s31 =	sld [smem:$0x7EC]  }
0x27c: {  	[tilespmem:s7], [sflag:$0x2] =	stream.indirect.gather [hbm4b:s3+s10], $0x40, s10, s10, $0xb8;
	[tilespmem:$0x9000] =	vst v63  }
0x27d: {  	s1 =	sld [smem:$0x7ED]  }
0x27e: {  	[tilespmem:s5], [sflag:$0x3] =	stream.indirect.gather [hbm4b:s3+s10], $0x40, s31, s10, $0xb8;
	[tilespmem:$0x9000] =	vst v63  }
0x27f: {  	_ = 	snop  }
0x280: {  	[tilespmem:s4], [sflag:$0x4] =	stream.indirect.gather [hbm4b:s3+s10], $0x40, s1, s10, $0xb8;
	[tilespmem:$0x9000] =	vst v63  }
0x281: {  	_ =	swait.ge [sflag:s13], $0x2000  }
0x282: {  	[sflag:s13] =	ssyncset.done $0x0  }
0x283: {  	[sflag:s13] =	ssyncadd.s32 $0xFFFFE000  }
0x284: {  	[hbm4b:s30+s2] =	stream.linear.scatter [tilespmem:s8], [sflag:$0x5], $0x2000, $0x38;
	[tilespmem:$0x9000] =	vst v63  }
0x285: {  	_ =	swait.ge [sflag:s6], $0x2000  }
0x286: {  	s30 =	sld [smem:$0x7EE]  }
0x287: {  	[sflag:s6] =	ssyncset.done $0x0  }
0x288: {  	[sflag:s6] =	ssyncadd.s32 $0xFFFFE000  }
0x289: {  	[tilespmem:s8], [sflag:$0x1] =	stream.indirect.gather [hbm4b:s3+s10], $0x40, s30, s10, $0xb8;
	[tilespmem:$0x9000] =	vst v63  }
0x28a: {  	_ =	swait.ge [sflag:s14], $0x2000  }
0x28b: {  	[sflag:s14] =	ssyncset.done $0x0  }
0x28c: {  	s31 =	rddreg [dreg:$0x4];
	[sflag:s14] =	ssyncadd.s32 $0xFFFFE000  }
0x28d: {  	[hbm4b:s31+s2] =	stream.linear.scatter [tilespmem:s7], [sflag:$0x6], $0x2000, $0x38;
	[tilespmem:$0x9000] =	vst v63  }
0x28e: {  	_ =	swait.ge [sflag:s9], $0x2000  }
0x28f: {  	s1 =	sld [smem:$0x7EF]  }
0x290: {  	[sflag:s9] =	ssyncset.done $0x0  }
0x291: {  	[sflag:s9] =	ssyncadd.s32 $0xFFFFE000  }
0x292: {  	[tilespmem:s7], [sflag:$0x2] =	stream.indirect.gather [hbm4b:s3+s10], $0x40, s1, s10, $0xb8;
	[tilespmem:$0x9000] =	vst v63  }
0x293: {  	_ =	swait.ge [sflag:s15], $0x2000  }
0x294: {  	[sflag:s15] =	ssyncset.done $0x0  }
0x295: {  	s30 =	rddreg [dreg:$0x5];
	[sflag:s15] =	ssyncadd.s32 $0xFFFFE000  }
0x296: {  	[hbm4b:s30+s2] =	stream.linear.scatter [tilespmem:s5], [sflag:$0x7], $0x2000, $0x38;
	[tilespmem:$0x9000] =	vst v63  }
0x297: {  	_ =	swait.ge [sflag:s11], $0x2000  }
0x298: {  	s31 =	sld [smem:$0x7F0]  }
0x299: {  	[sflag:s11] =	ssyncset.done $0x0  }
0x29a: {  	[sflag:s11] =	ssyncadd.s32 $0xFFFFE000  }
0x29b: {  	[tilespmem:s5], [sflag:$0x3] =	stream.indirect.gather [hbm4b:s3+s10], $0x40, s31, s10, $0xb8;
	[tilespmem:$0x9000] =	vst v63  }
0x29c: {  	_ =	swait.ge [sflag:s16], $0x2000  }
0x29d: {  	[sflag:s16] =	ssyncset.done $0x0  }
0x29e: {  	s1 =	rddreg [dreg:$0x6];
	[sflag:s16] =	ssyncadd.s32 $0xFFFFE000  }
0x29f: {  	[hbm4b:s1+s2] =	stream.linear.scatter [tilespmem:s4], [sflag:$0x8], $0x2000, $0x38;
	[tilespmem:$0x9000] =	vst v63  }
0x2a0: {  	_ =	swait.ge [sflag:s12], $0x2000  }
0x2a1: {  	s30 =	sld [smem:$0x7F1]  }
0x2a2: {  	[sflag:s12] =	ssyncset.done $0x0  }
0x2a3: {  	[sflag:s12] =	ssyncadd.s32 $0xFFFFE000  }
0x2a4: {  	[tilespmem:s4], [sflag:$0x4] =	stream.indirect.gather [hbm4b:s3+s10], $0x40, s30, s10, $0xb8;
	[tilespmem:$0x9000] =	vst v63  }
0x2a5: {  	_ =	swait.ge [sflag:s13], $0x2000  }
0x2a6: {  	[sflag:s13] =	ssyncset.done $0x0  }
0x2a7: {  	s31 =	rddreg [dreg:$0x7];
	[sflag:s13] =	ssyncadd.s32 $0xFFFFE000  }
0x2a8: {  	[hbm4b:s31+s2] =	stream.linear.scatter [tilespmem:s8], [sflag:$0x5], $0x2000, $0x38;
	[tilespmem:$0x9000] =	vst v63  }
0x2a9: {  	_ =	swait.ge [sflag:s6], $0x2000  }
0x2aa: {  	s1 =	sld [smem:$0x7F2]  }
0x2ab: {  	[sflag:s6] =	ssyncset.done $0x0  }
0x2ac: {  	[sflag:s6] =	ssyncadd.s32 $0xFFFFE000  }
0x2ad: {  	[tilespmem:s8], [sflag:$0x1] =	stream.indirect.gather [hbm4b:s3+s10], $0x40, s1, s10, $0xb8;
	[tilespmem:$0x9000] =	vst v63  }
0x2ae: {  	_ =	swait.ge [sflag:s14], $0x2000  }
0x2af: {  	[sflag:s14] =	ssyncset.done $0x0  }
0x2b0: {  	s30 =	rddreg [dreg:$0x8];
	[sflag:s14] =	ssyncadd.s32 $0xFFFFE000  }
0x2b1: {  	[hbm4b:s30+s2] =	stream.linear.scatter [tilespmem:s7], [sflag:$0x6], $0x2000, $0x38;
	[tilespmem:$0x9000] =	vst v63  }
0x2b2: {  	_ =	swait.ge [sflag:s9], $0x2000  }
0x2b3: {  	s31 =	sld [smem:$0x7F3]  }
0x2b4: {  	[sflag:s9] =	ssyncset.done $0x0  }
0x2b5: {  	[sflag:s9] =	ssyncadd.s32 $0xFFFFE000  }
0x2b6: {  	[tilespmem:s7], [sflag:$0x2] =	stream.indirect.gather [hbm4b:s3+s10], $0x40, s31, s10, $0xb8;
	[tilespmem:$0x9000] =	vst v63  }
0x2b7: {  	_ =	swait.ge [sflag:s15], $0x2000  }
0x2b8: {  	[sflag:s15] =	ssyncset.done $0x0  }
0x2b9: {  	s1 =	rddreg [dreg:$0x9];
	[sflag:s15] =	ssyncadd.s32 $0xFFFFE000  }
0x2ba: {  	[hbm4b:s1+s2] =	stream.linear.scatter [tilespmem:s5], [sflag:$0x7], $0x2000, $0x38;
	[tilespmem:$0x9000] =	vst v63  }
0x2bb: {  	_ =	swait.ge [sflag:s11], $0x2000  }
0x2bc: {  	s30 =	sld [smem:$0x7F4]  }
0x2bd: {  	[sflag:s11] =	ssyncset.done $0x0  }
0x2be: {  	[sflag:s11] =	ssyncadd.s32 $0xFFFFE000  }
0x2bf: {  	[tilespmem:s5], [sflag:$0x3] =	stream.indirect.gather [hbm4b:s3+s10], $0x40, s30, s10, $0xb8;
	[tilespmem:$0x9000] =	vst v63  }
0x2c0: {  	_ =	swait.ge [sflag:s16], $0x2000  }
0x2c1: {  	[sflag:s16] =	ssyncset.done $0x0  }
0x2c2: {  	s31 =	rddreg [dreg:$0xa];
	[sflag:s16] =	ssyncadd.s32 $0xFFFFE000  }
0x2c3: {  	[hbm4b:s31+s2] =	stream.linear.scatter [tilespmem:s4], [sflag:$0x8], $0x2000, $0x38;
	[tilespmem:$0x9000] =	vst v63  }
0x2c4: {  	_ =	swait.ge [sflag:s12], $0x2000  }
0x2c5: {  	s1 =	sld [smem:$0x7F5]  }
0x2c6: {  	[sflag:s12] =	ssyncset.done $0x0  }
0x2c7: {  	[sflag:s12] =	ssyncadd.s32 $0xFFFFE000  }
0x2c8: {  	[tilespmem:s4], [sflag:$0x4] =	stream.indirect.gather [hbm4b:s3+s10], $0x40, s1, s10, $0xb8;
	[tilespmem:$0x9000] =	vst v63  }
0x2c9: {  	_ =	swait.ge [sflag:s13], $0x2000  }
0x2ca: {  	[sflag:s13] =	ssyncset.done $0x0  }
0x2cb: {  	s30 =	rddreg [dreg:$0xb];
	[sflag:s13] =	ssyncadd.s32 $0xFFFFE000  }
0x2cc: {  	[hbm4b:s30+s2] =	stream.linear.scatter [tilespmem:s8], [sflag:$0x5], $0x2000, $0x38;
	[tilespmem:$0x9000] =	vst v63  }
0x2cd: {  	_ =	swait.ge [sflag:s6], $0x2000  }
0x2ce: {  	s31 =	sld [smem:$0x7F6]  }
0x2cf: {  	[sflag:s6] =	ssyncset.done $0x0  }
0x2d0: {  	[sflag:s6] =	ssyncadd.s32 $0xFFFFE000  }
0x2d1: {  	[tilespmem:s8], [sflag:$0x1] =	stream.indirect.gather [hbm4b:s3+s10], $0x40, s31, s10, $0xb8;
	[tilespmem:$0x9000] =	vst v63  }
0x2d2: {  	_ =	swait.ge [sflag:s14], $0x2000  }
0x2d3: {  	[sflag:s14] =	ssyncset.done $0x0  }
0x2d4: {  	s1 =	rddreg [dreg:$0xc];
	[sflag:s14] =	ssyncadd.s32 $0xFFFFE000  }
0x2d5: {  	[hbm4b:s1+s2] =	stream.linear.scatter [tilespmem:s7], [sflag:$0x6], $0x2000, $0x38;
	[tilespmem:$0x9000] =	vst v63  }
0x2d6: {  	_ =	swait.ge [sflag:s9], $0x2000  }
0x2d7: {  	s30 =	sld [smem:$0x7F7]  }
0x2d8: {  	[sflag:s9] =	ssyncset.done $0x0  }
0x2d9: {  	[sflag:s9] =	ssyncadd.s32 $0xFFFFE000  }
0x2da: {  	[tilespmem:s7], [sflag:$0x2] =	stream.indirect.gather [hbm4b:s3+s10], $0x40, s30, s10, $0xb8;
	[tilespmem:$0x9000] =	vst v63  }
0x2db: {  	_ =	swait.ge [sflag:s15], $0x2000  }
0x2dc: {  	[sflag:s15] =	ssyncset.done $0x0  }
0x2dd: {  	s31 =	rddreg [dreg:$0xd];
	[sflag:s15] =	ssyncadd.s32 $0xFFFFE000  }
0x2de: {  	[hbm4b:s31+s2] =	stream.linear.scatter [tilespmem:s5], [sflag:$0x7], $0x2000, $0x38;
	[tilespmem:$0x9000] =	vst v63  }
0x2df: {  	_ =	swait.ge [sflag:s11], $0x2000  }
0x2e0: {  	s1 =	sld [smem:$0x7F8]  }
0x2e1: {  	[sflag:s11] =	ssyncset.done $0x0  }
0x2e2: {  	[sflag:s11] =	ssyncadd.s32 $0xFFFFE000  }
0x2e3: {  	[tilespmem:s5], [sflag:$0x3] =	stream.indirect.gather [hbm4b:s3+s10], $0x40, s1, s10, $0xb8;
	[tilespmem:$0x9000] =	vst v63  }
0x2e4: {  	_ =	swait.ge [sflag:s16], $0x2000  }
0x2e5: {  	[sflag:s16] =	ssyncset.done $0x0  }
0x2e6: {  	s30 =	rddreg [dreg:$0xe];
	[sflag:s16] =	ssyncadd.s32 $0xFFFFE000  }
0x2e7: {  	[hbm4b:s30+s2] =	stream.linear.scatter [tilespmem:s4], [sflag:$0x8], $0x2000, $0x38;
	[tilespmem:$0x9000] =	vst v63  }
0x2e8: {  	_ =	swait.ge [sflag:s12], $0x2000  }
0x2e9: {  	s31 =	sld [smem:$0x7F9]  }
0x2ea: {  	[sflag:s12] =	ssyncset.done $0x0  }
0x2eb: {  	[sflag:s12] =	ssyncadd.s32 $0xFFFFE000  }
0x2ec: {  	[tilespmem:s4], [sflag:$0x4] =	stream.indirect.gather [hbm4b:s3+s10], $0x40, s31, s10, $0xb8;
	[tilespmem:$0x9000] =	vst v63  }
0x2ed: {  	_ =	swait.ge [sflag:s13], $0x2000  }
0x2ee: {  	[sflag:s13] =	ssyncset.done $0x0  }
0x2ef: {  	s1 =	rddreg [dreg:$0xf];
	[sflag:s13] =	ssyncadd.s32 $0xFFFFE000  }
0x2f0: {  	[hbm4b:s1+s2] =	stream.linear.scatter [tilespmem:s8], [sflag:$0x5], $0x2000, $0x38;
	[tilespmem:$0x9000] =	vst v63  }
0x2f1: {  	_ =	swait.ge [sflag:s6], $0x2000  }
0x2f2: {  	s30 =	sld [smem:$0x7FA]  }
0x2f3: {  	[sflag:s6] =	ssyncset.done $0x0  }
0x2f4: {  	[sflag:s6] =	ssyncadd.s32 $0xFFFFE000  }
0x2f5: {  	[tilespmem:s8], [sflag:$0x1] =	stream.indirect.gather [hbm4b:s3+s10], $0x40, s30, s10, $0xb8;
	[tilespmem:$0x9000] =	vst v63  }
0x2f6: {  	_ =	swait.ge [sflag:s14], $0x2000  }
0x2f7: {  	[sflag:s14] =	ssyncset.done $0x0  }
0x2f8: {  	s31 =	rddreg [dreg:$0x10];
	[sflag:s14] =	ssyncadd.s32 $0xFFFFE000  }
0x2f9: {  	[hbm4b:s31+s2] =	stream.linear.scatter [tilespmem:s7], [sflag:$0x6], $0x2000, $0x38;
	[tilespmem:$0x9000] =	vst v63  }
0x2fa: {  	_ =	swait.ge [sflag:s9], $0x2000  }
0x2fb: {  	s1 =	sld [smem:$0x7FB]  }
0x2fc: {  	[sflag:s9] =	ssyncset.done $0x0  }
0x2fd: {  	[sflag:s9] =	ssyncadd.s32 $0xFFFFE000  }
0x2fe: {  	[tilespmem:s7], [sflag:$0x2] =	stream.indirect.gather [hbm4b:s3+s10], $0x40, s1, s10, $0xb8;
	[tilespmem:$0x9000] =	vst v63  }
0x2ff: {  	_ =	swait.ge [sflag:s15], $0x2000  }
0x300: {  	[sflag:s15] =	ssyncset.done $0x0  }
0x301: {  	s30 =	rddreg [dreg:$0x11];
	[sflag:s15] =	ssyncadd.s32 $0xFFFFE000  }
0x302: {  	[hbm4b:s30+s2] =	stream.linear.scatter [tilespmem:s5], [sflag:$0x7], $0x2000, $0x38;
	[tilespmem:$0x9000] =	vst v63  }
0x303: {  	_ =	swait.ge [sflag:s11], $0x2000  }
0x304: {  	s31 =	sld [smem:$0x7FC]  }
0x305: {  	[sflag:s11] =	ssyncset.done $0x0  }
0x306: {  	[sflag:s11] =	ssyncadd.s32 $0xFFFFE000  }
0x307: {  	[tilespmem:s5], [sflag:$0x3] =	stream.indirect.gather [hbm4b:s3+s10], $0x40, s31, s10, $0xb8;
	[tilespmem:$0x9000] =	vst v63  }
0x308: {  	_ =	swait.ge [sflag:s16], $0x2000  }
0x309: {  	[sflag:s16] =	ssyncset.done $0x0  }
0x30a: {  	s1 =	rddreg [dreg:$0x12];
	[sflag:s16] =	ssyncadd.s32 $0xFFFFE000  }
0x30b: {  	[hbm4b:s1+s2] =	stream.linear.scatter [tilespmem:s4], [sflag:$0x8], $0x2000, $0x38;
	[tilespmem:$0x9000] =	vst v63  }
0x30c: {  	_ =	swait.ge [sflag:s12], $0x2000  }
0x30d: {  	s30 =	sld [smem:$0x7FD]  }
0x30e: {  	[sflag:s12] =	ssyncset.done $0x0  }
0x30f: {  	[sflag:s12] =	ssyncadd.s32 $0xFFFFE000  }
0x310: {  	[tilespmem:s4], [sflag:$0x4] =	stream.indirect.gather [hbm4b:s3+s10], $0x40, s30, s10, $0xb8;
	[tilespmem:$0x9000] =	vst v63  }
0x311: {  	_ =	swait.ge [sflag:s13], $0x2000  }
0x312: {  	[sflag:s13] =	ssyncset.done $0x0  }
0x313: {  	s31 =	rddreg [dreg:$0x13];
	[sflag:s13] =	ssyncadd.s32 $0xFFFFE000  }
0x314: {  	[hbm4b:s31+s2] =	stream.linear.scatter [tilespmem:s8], [sflag:$0x5], $0x2000, $0x38;
	[tilespmem:$0x9000] =	vst v63  }
0x315: {  	_ =	swait.ge [sflag:s6], $0x2000  }
0x316: {  	[sflag:s6] =	ssyncset.done $0x0  }
0x317: {  	[sflag:s6] =	ssyncadd.s32 $0xFFFFE000  }
0x318: {  	[tilespmem:s8], [sflag:$0x1] =	stream.indirect.gather [hbm4b:s3+s10], $0x40, s18, s10, $0xb8;
	[tilespmem:$0x9000] =	vst v63  }
0x319: {  	_ =	swait.ge [sflag:s14], $0x2000  }
0x31a: {  	[sflag:s14] =	ssyncset.done $0x0  }
0x31b: {  	s1 =	rddreg [dreg:$0x14];
	[sflag:s14] =	ssyncadd.s32 $0xFFFFE000  }
0x31c: {  	[hbm4b:s1+s2] =	stream.linear.scatter [tilespmem:s7], [sflag:$0x6], $0x2000, $0x38;
	[tilespmem:$0x9000] =	vst v63  }
0x31d: {  	_ =	swait.ge [sflag:s9], $0x2000  }
0x31e: {  	[sflag:s9] =	ssyncset.done $0x0  }
0x31f: {  	[sflag:s9] =	ssyncadd.s32 $0xFFFFE000  }
0x320: {  	[tilespmem:s7], [sflag:$0x2] =	stream.indirect.gather [hbm4b:s3+s10], $0x40, s29, s10, $0xb8;
	[tilespmem:$0x9000] =	vst v63  }
0x321: {  	_ =	swait.ge [sflag:s15], $0x2000  }
0x322: {  	[sflag:s15] =	ssyncset.done $0x0  }
0x323: {  	s18 =	rddreg [dreg:$0x15];
	[sflag:s15] =	ssyncadd.s32 $0xFFFFE000  }
0x324: {  	[hbm4b:s18+s2] =	stream.linear.scatter [tilespmem:s5], [sflag:$0x7], $0x2000, $0x38;
	[tilespmem:$0x9000] =	vst v63  }
0x325: {  	_ =	swait.ge [sflag:s11], $0x2000  }
0x326: {  	[sflag:s11] =	ssyncset.done $0x0  }
0x327: {  	[sflag:s11] =	ssyncadd.s32 $0xFFFFE000  }
0x328: {  	[tilespmem:s5], [sflag:$0x3] =	stream.indirect.gather [hbm4b:s3+s10], $0x40, s28, s10, $0xb8;
	[tilespmem:$0x9000] =	vst v63  }
0x329: {  	_ =	swait.ge [sflag:s16], $0x2000  }
0x32a: {  	[sflag:s16] =	ssyncset.done $0x0  }
0x32b: {  	s29 =	rddreg [dreg:$0x16];
	[sflag:s16] =	ssyncadd.s32 $0xFFFFE000  }
0x32c: {  	[hbm4b:s29+s2] =	stream.linear.scatter [tilespmem:s4], [sflag:$0x8], $0x2000, $0x38;
	[tilespmem:$0x9000] =	vst v63  }
0x32d: {  	_ =	swait.ge [sflag:s12], $0x2000  }
0x32e: {  	[sflag:s12] =	ssyncset.done $0x0  }
0x32f: {  	[sflag:s12] =	ssyncadd.s32 $0xFFFFE000  }
0x330: {  	[tilespmem:s4], [sflag:$0x4] =	stream.indirect.gather [hbm4b:s3+s10], $0x40, s26, s10, $0xb8;
	[tilespmem:$0x9000] =	vst v63  }
0x331: {  	_ =	swait.ge [sflag:s13], $0x2000  }
0x332: {  	[sflag:s13] =	ssyncset.done $0x0  }
0x333: {  	s30 =	rddreg [dreg:$0x17];
	[sflag:s13] =	ssyncadd.s32 $0xFFFFE000  }
0x334: {  	[hbm4b:s30+s2] =	stream.linear.scatter [tilespmem:s8], [sflag:$0x5], $0x2000, $0x38;
	[tilespmem:$0x9000] =	vst v63  }
0x335: {  	_ =	swait.ge [sflag:s6], $0x2000  }
0x336: {  	[sflag:s6] =	ssyncset.done $0x0  }
0x337: {  	[sflag:s6] =	ssyncadd.s32 $0xFFFFE000  }
0x338: {  	[tilespmem:s8], [sflag:$0x1] =	stream.indirect.gather [hbm4b:s3+s10], $0x40, s25, s10, $0xb8;
	[tilespmem:$0x9000] =	vst v63  }
0x339: {  	_ =	swait.ge [sflag:s14], $0x2000  }
0x33a: {  	[sflag:s14] =	ssyncset.done $0x0  }
0x33b: {  	s31 =	rddreg [dreg:$0x18];
	[sflag:s14] =	ssyncadd.s32 $0xFFFFE000  }
0x33c: {  	[hbm4b:s31+s2] =	stream.linear.scatter [tilespmem:s7], [sflag:$0x6], $0x2000, $0x38;
	[tilespmem:$0x9000] =	vst v63  }
0x33d: {  	_ =	swait.ge [sflag:s9], $0x2000  }
0x33e: {  	[sflag:s9] =	ssyncset.done $0x0  }
0x33f: {  	[sflag:s9] =	ssyncadd.s32 $0xFFFFE000  }
0x340: {  	[tilespmem:s7], [sflag:$0x2] =	stream.indirect.gather [hbm4b:s3+s10], $0x40, s24, s10, $0xb8;
	[tilespmem:$0x9000] =	vst v63  }
0x341: {  	_ =	swait.ge [sflag:s15], $0x2000  }
0x342: {  	[sflag:s15] =	ssyncset.done $0x0  }
0x343: {  	s1 =	rddreg [dreg:$0x19];
	[sflag:s15] =	ssyncadd.s32 $0xFFFFE000  }
0x344: {  	[hbm4b:s1+s2] =	stream.linear.scatter [tilespmem:s5], [sflag:$0x7], $0x2000, $0x38;
	[tilespmem:$0x9000] =	vst v63  }
0x345: {  	_ =	swait.ge [sflag:s11], $0x2000  }
0x346: {  	[sflag:s11] =	ssyncset.done $0x0  }
0x347: {  	[sflag:s11] =	ssyncadd.s32 $0xFFFFE000  }
0x348: {  	[tilespmem:s5], [sflag:$0x3] =	stream.indirect.gather [hbm4b:s3+s10], $0x40, s23, s10, $0xb8;
	[tilespmem:$0x9000] =	vst v63  }
0x349: {  	_ =	swait.ge [sflag:s16], $0x2000  }
0x34a: {  	[sflag:s16] =	ssyncset.done $0x0  }
0x34b: {  	s18 =	rddreg [dreg:$0x1a];
	[sflag:s16] =	ssyncadd.s32 $0xFFFFE000  }
0x34c: {  	[hbm4b:s18+s2] =	stream.linear.scatter [tilespmem:s4], [sflag:$0x8], $0x2000, $0x38;
	[tilespmem:$0x9000] =	vst v63  }
0x34d: {  	_ =	swait.ge [sflag:s12], $0x2000  }
0x34e: {  	[sflag:s12] =	ssyncset.done $0x0  }
0x34f: {  	[sflag:s12] =	ssyncadd.s32 $0xFFFFE000  }
0x350: {  	[tilespmem:s4], [sflag:$0x4] =	stream.indirect.gather [hbm4b:s3+s10], $0x40, s22, s10, $0xb8;
	[tilespmem:$0x9000] =	vst v63  }
0x351: {  	_ =	swait.ge [sflag:s13], $0x2000  }
0x352: {  	[sflag:s13] =	ssyncset.done $0x0  }
0x353: {  	s22 =	rddreg [dreg:$0x1b];
	[sflag:s13] =	ssyncadd.s32 $0xFFFFE000  }
0x354: {  	[hbm4b:s22+s2] =	stream.linear.scatter [tilespmem:s8], [sflag:$0x5], $0x2000, $0x38;
	[tilespmem:$0x9000] =	vst v63  }
0x355: {  	_ =	swait.ge [sflag:s6], $0x2000  }
0x356: {  	[sflag:s6] =	ssyncset.done $0x0  }
0x357: {  	[sflag:s6] =	ssyncadd.s32 $0xFFFFE000  }
0x358: {  	[tilespmem:s8], [sflag:$0x1] =	stream.indirect.gather [hbm4b:s3+s10], $0x40, s21, s10, $0xb8;
	[tilespmem:$0x9000] =	vst v63  }
0x359: {  	_ =	swait.ge [sflag:s14], $0x2000  }
0x35a: {  	[sflag:s14] =	ssyncset.done $0x0  }
0x35b: {  	s23 =	rddreg [dreg:$0x1c];
	[sflag:s14] =	ssyncadd.s32 $0xFFFFE000  }
0x35c: {  	[hbm4b:s23+s2] =	stream.linear.scatter [tilespmem:s7], [sflag:$0x6], $0x2000, $0x38;
	[tilespmem:$0x9000] =	vst v63  }
0x35d: {  	_ =	swait.ge [sflag:s9], $0x2000  }
0x35e: {  	[sflag:s9] =	ssyncset.done $0x0  }
0x35f: {  	[sflag:s9] =	ssyncadd.s32 $0xFFFFE000  }
0x360: {  	[tilespmem:s7], [sflag:$0x2] =	stream.indirect.gather [hbm4b:s3+s10], $0x40, s20, s10, $0xb8;
	[tilespmem:$0x9000] =	vst v63  }
0x361: {  	_ =	swait.ge [sflag:s15], $0x2000  }
0x362: {  	[sflag:s15] =	ssyncset.done $0x0  }
0x363: {  	s24 =	rddreg [dreg:$0x1d];
	[sflag:s15] =	ssyncadd.s32 $0xFFFFE000  }
0x364: {  	[hbm4b:s24+s2] =	stream.linear.scatter [tilespmem:s5], [sflag:$0x7], $0x2000, $0x38;
	[tilespmem:$0x9000] =	vst v63  }
0x365: {  	_ =	swait.ge [sflag:s11], $0x2000  }
0x366: {  	[sflag:s11] =	ssyncset.done $0x0  }
0x367: {  	[sflag:s11] =	ssyncadd.s32 $0xFFFFE000  }
0x368: {  	[tilespmem:s5], [sflag:$0x3] =	stream.indirect.gather [hbm4b:s3+s10], $0x40, s19, s10, $0xb8;
	[tilespmem:$0x9000] =	vst v63  }
0x369: {  	_ =	swait.ge [sflag:s16], $0x2000  }
0x36a: {  	[sflag:s16] =	ssyncset.done $0x0  }
0x36b: {  	s25 =	rddreg [dreg:$0x1e];
	[sflag:s16] =	ssyncadd.s32 $0xFFFFE000  }
0x36c: {  	[hbm4b:s25+s2] =	stream.linear.scatter [tilespmem:s4], [sflag:$0x8], $0x2000, $0x38;
	[tilespmem:$0x9000] =	vst v63  }
0x36d: {  	_ =	swait.ge [sflag:s12], $0x2000  }
0x36e: {  	[sflag:s12] =	ssyncset.done $0x0  }
0x36f: {  	s26 =	simm.s32 $0xF80;
	[sflag:s12] =	ssyncadd.s32 $0xFFFFE000  }
0x370: {  	[tilespmem:s4], [sflag:$0x4] =	stream.indirect.gather [hbm4b:s3+s10], $0x40, s26, s10, $0xb8;
	[tilespmem:$0x9000] =	vst v63  }
0x371: {  	_ =	swait.ge [sflag:s13], $0x2000  }
0x372: {  	[sflag:s13] =	ssyncset.done $0x0  }
0x373: {  	s28 =	rddreg [dreg:$0x1f];
	[sflag:s13] =	ssyncadd.s32 $0xFFFFE000  }
0x374: {  	[hbm4b:s28+s2] =	stream.linear.scatter [tilespmem:s8], [sflag:$0x5], $0x2000, $0x38;
	[tilespmem:$0x9000] =	vst v63  }
0x375: {  	_ =	swait.ge [sflag:s14], $0x2000  }
0x376: {  	s29 =	sld [smem:$0x7E9]  }
0x377: {  	[sflag:s14] =	ssyncset.done $0x0  }
0x378: {  	[sflag:s14] =	ssyncadd.s32 $0xFFFFE000  }
0x379: {  	[hbm4b:s29+s2] =	stream.linear.scatter [tilespmem:s7], [sflag:$0x6], $0x2000, $0x38;
	[tilespmem:$0x9000] =	vst v63  }
0x37a: {  	_ =	swait.ge [sflag:s15], $0x2000  }
0x37b: {  	s30 =	sld [smem:$0x7EA]  }
0x37c: {  	[sflag:s15] =	ssyncset.done $0x0  }
0x37d: {  	[sflag:s15] =	ssyncadd.s32 $0xFFFFE000  }
0x37e: {  	[hbm4b:s30+s2] =	stream.linear.scatter [tilespmem:s5], [sflag:$0x7], $0x2000, $0x38;
	[tilespmem:$0x9000] =	vst v63  }
0x37f: {  	_ =	swait.ge [sflag:s16], $0x2000  }
0x380: {  	s31 =	sld [smem:$0x7EB]  }
0x381: {  	[sflag:s16] =	ssyncset.done $0x0  }
0x382: {  	[sflag:s16] =	ssyncadd.s32 $0xFFFFE000  }
0x383: {  	[hbm4b:s31+s2] =	stream.linear.scatter [tilespmem:s4], [sflag:$0x8], $0x2000, $0x38;
	[tilespmem:$0x9000] =	vst v63  }
0x384: {  	_ =	swait.ge [sflag:s6], $0x2000  }
0x385: {  	[sflag:s6] =	ssyncset.done $0x0  }
0x386: {  	[sflag:s6] =	ssyncadd.s32 $0xFFFFE000  }
0x387: {  	_ =	swait.ge [sflag:s9], $0x2000  }
0x388: {  	[sflag:s9] =	ssyncset.done $0x0  }
0x389: {  	[sflag:s9] =	ssyncadd.s32 $0xFFFFE000  }
0x38a: {  	_ =	swait.ge [sflag:s11], $0x2000  }
0x38b: {  	[sflag:s11] =	ssyncset.done $0x0  }
0x38c: {  	[sflag:s11] =	ssyncadd.s32 $0xFFFFE000  }
0x38d: {  	_ =	swait.ge [sflag:s12], $0x2000  }
0x38e: {  	[sflag:s12] =	ssyncset.done $0x0  }
0x38f: {  	[sflag:s12] =	ssyncadd.s32 $0xFFFFE000  }
0x390: {  	_ =	sfence.sel $0x180000  }
0x391: {  	[bflag:$0x0] =	sbarrier.arrive $0xFFFF  }
0x392: {  	_ =	strace $0x90000047  }
0x393: {  	[bflag:$0x2] =	sbarrier.arrive $0xFFFF  }
0x394: {  	p0 =	sne.s32 s17, $0x0;
	s0 =	rddreg [dreg:$0x2]  }
0x395: {  	s0 =	sadd.s32 @!p0 $0x100000, s0  }
0x396: {  	[sflag:s0] =	ssyncadd.tile.s32 @!p0 $0x1;
	_ =	shalt  }
.LBB2_1:
.Ltmp3:
0x397: {  	(pc) =	sbr.rel .LBB2_6-.Ltmp3, $4  }
0x398: {  	s18 =	simm.s32 $0xA00;
	s29 =	simm.s32 $0xA80  }
0x399: {  	s28 =	simm.s32 $0xB00;
	s26 =	simm.s32 $0xB80;
	s25 =	simm.s32 $0xC00  }
0x39a: {  	s24 =	simm.s32 $0xC80;
	s23 =	simm.s32 $0xD00;
	s22 =	simm.s32 $0xD80  }
0x39b: {  	s21 =	simm.s32 $0xE00;
	s20 =	simm.s32 $0xE80;
	s19 =	simm.s32 $0xF00  }
.LBB2_3:
.Ltmp4:
0x39c: {  	(pc) =	sbr.rel .LBB2_6-.Ltmp4, $4  }
0x39d: {  	s18 =	simm.s32 $0xA00;
	s29 =	simm.s32 $0xA80;
	s28 =	simm.s32 $0xB00  }
0x39e: {  	s26 =	simm.s32 $0xB80;
	s25 =	simm.s32 $0xC00;
	s24 =	simm.s32 $0xC80  }
0x39f: {  	s23 =	simm.s32 $0xD00;
	s22 =	simm.s32 $0xD80;
	s21 =	simm.s32 $0xE00  }
0x3a0: {  	s20 =	simm.s32 $0xE80;
	s19 =	simm.s32 $0xF00;
	s17 =	stileid.u32  }
.Lfunc_end2:
_tile_overlayer_lowered:
.L_overlay_start_2:
0x3a1: {  	(tag) =	ssettag $0x2  }
0x3a2: {  	s0 =	rddreg [dreg:$0x0];
	s2 =	stileid.u32  }
0x3a3: {  	s1 =	rddreg [dreg:$0x1];
	p0 =	sne.s32 s2, $0x0  }
0x3a4: {  	s3 =	rddreg [dreg:$0x2];
	[bflag:$0x3] =	sbarrier.arrive $0xFFFF;
	s2 =	simm.s32 @!p0 $0x1C09  }
0x3a5: {  	[timem:s3], [sflag:s2] =	dma.local @!p0 [hbm:s0], s1  }
0x3a6: {  	s0 =	simm.s32 @!p0 $0x9  }
0x3a7: {  	_ =	swait.ge @!p0 [sflag:s0], s1  }
0x3a8: {  	s1 =	ssub.s32 @!p0 $0x0, s1;
	[sflag:s0] =	ssyncset.done @!p0 $0x0  }
0x3a9: {  	[sflag:s0] =	ssyncadd.s32 @!p0 s1  }
0x3aa: {  	[bflag:$0x3] =	sbarrier.arrive $0xFFFF  }
0x3ab: {  	_ =	shalt  }

// kernel: sparse-core-data-format-call.cloned.1.call-start
scs
called_computation_lowered:
.L_overlay_start_0:
0x0: {  	s2 =	sld [smem:$0x3FD9]  }
0x1: {  	s3 =	sld [smem:$0x3FFE];
	_ =	sdelay $0x1  }
0x2: {  	s1 =	srdreg.scid  }
0x3: {  	s0 =	sand.u32 $0x1, s1  }
0x4: {  	s18 =	sshll.u32 s0, $0xA;
	s2 =	sadd.s32 s3, s2  }
0x5: {  	s2 =	sadd.s32 s2, s18  }
0x6: {  	[smem:$0x3FC5] =	sst s2  }
0x7: {  	_ = 	snop  }
0x8: {  	s2 =	sld [smem:$0x3FD0];
	(tm) =	ssettm $0x1  }
0x9: {  	s19 =	sld [smem:$0x3FFB];
	_ =	sdelay $0x3  }
0xa: {  	_ =	strace s19  }
0xb: {  	s3 =	sld [smem:$0x3FFC];
	_ =	sdelay $0x3  }
0xc: {  	_ =	strace s3  }
0xd: {  	s3 =	sld [smem:$0x3FFD];
	_ =	sdelay $0x3  }
0xe: {  	_ =	strace s3  }
0xf: {  	_ =	strace $0x8FFFFFFF  }
0x10: {  	s20 =	sld [smem:$0x3FDB];
	_ =	sdelay $0x1  }
0x11: {  	s4 =	simm.s32 $_scs_section_size  }
0x12: {  	s5 =	simm.s32 $_size__tile_overlayer_lowered;
	s6 =	simm.s32 $_tile_overlayer_lowered  }
0x13: {  	s23 =	simm.s32 $0x1BFF;
	s22 =	sshll.u32 s6, $0x1;
	s3 =	sadd.s32 s4, s20  }
0x14: {  	s7 =	simm.s32 $0x0;
	s21 =	sshll.u32 s5, $0x1;
	s5 =	sadd.s32 s22, s3  }
0x15: {  	[timem:s7], [sflag:s23] =	dma.local [hbm:s5], s21  }
0x16: {  	_ =	swait.ge [sflag:s23], s21  }
0x17: {  	s4 =	ssub.s32 $0x0, s21;
	[sflag:s23] =	ssyncset.done $0x0  }
0x18: {  	[sflag:s23] =	ssyncadd.s32 s4;
	_ =	sdelay $0x1  }
0x19: {  	s24 =	simm.s32 $0x1B8B  }
0x1a: {  	_ =	swait.ge [sflag:s24], $0x1  }
0x1b: {  	[sflag:s24] =	ssyncset.done $0x0  }
0x1c: {  	s26 =	simm.s32 $0x1B8E;
	s25 =	sld [smem:$0x3FFE];
	[sflag:s24] =	ssyncadd.s32 $0xFFFFFFFF  }
0x1d: {  	s27 =	simm.s32 $execute0_lowered;
	[smem:$0x3FD2] =	sst s26  }
0x1e: {  	s5 =	sshll.u32 s27, $0x1;
	_ =	strace $0x80000049;
	[dreg:$0x1] =	wrdreg $0xFFFFFFFF  }
0x1f: {  	s28 =	simm.s32 $_size_execute0_lowered;
	s3 =	sadd.s32 s3, s5;
	[dreg:$0x0] =	wrdreg $0x0  }
0x20: {  	s5 =	sshll.u32 s28, $0x1;
	[dreg:$0x2] =	wrdreg s3  }
0x21: {  	[dreg:$0x3] =	wrdreg s5  }
0x22: {  	[dreg:$0x4] =	wrdreg $0xC0  }
0x23: {  	_ =	task [dreg:s7], $0x5FFFF  }
0x24: {  	[dreg:$0x1] =	wrdreg $0xFFFFFFFF  }
0x25: {  	[dreg:$0x0] =	wrdreg $0x60  }
0x26: {  	[dreg:$0x2] =	wrdreg s25  }
0x27: {  	[dreg:$0x3] =	wrdreg s2  }
0x28: {  	[dreg:$0x4] =	wrdreg $0x9  }
0x29: {  	_ =	task.clear_ibuf [dreg:s7], $0x5FFFF;
	_ =	strace $0x90000049  }
0x2a: {  	s29 =	simm.s32 $0x9;
	_ =	strace $0x8000004B  }
0x2b: {  	_ =	swait.ge [sflag:s29], $0x1  }
0x2c: {  	[sflag:s29] =	ssyncadd.s32 $0xFFFFFFFF  }
0x2d: {  	_ =	strace $0x9000004B  }
0x2e: {  	_ =	sfence  }
0x2f: {  	s30 =	sld [smem:$0x0];
	_ =	sdelay $0x2  }
0x30: {  	s31 =	sshll.u32 s1, $0xD;
	s1 =	sshrl.u32 s1, $0x2  }
0x31: {  	s3 =	sand.u32 $0x4000, s31;
	s1 =	sadd.s32 s1, s30  }
0x32: {  	s0 =	sor.u32 s3, s0;
	s1 =	sshll.u32 s1, $0x11  }
0x33: {  	s0 =	sor.u32 s1, s0  }
0x34: {  	s0 =	sadd.s32 $0x8F2B, s0  }
0x35: {  	[sflag:s0] =	ssyncadd.remote.s32 $0x1  }
0x36: {  	_ =	sfence.sel $0xFFFF  }
0x37: {  	[dreg:$0x0] =	wrdreg $0xFFFFFFFF;
	(pc) =	sbr.abs _section_cstart, $3  }
0x38: {  	[dreg:$0x1] =	wrdreg $0xFFFFFFFF  }
0x39: {  	_ =	task.clear_ibuf [dreg:s7], $0x2FFFF;
	_ =	strace $0x9FFFFFFF  }
0x3a: {  	(tm) =	ssettm $0x7FFFFFFF  }
0x3b: {  	_ =	shalt  }
tec
execute0_lowered:
.L_overlay_start_1:
0x0: {  	(tag) =	ssettag $0x1  }
0x1: {  	s0 =	stileid.u32  }
0x2: {  	s1 =	srdreg.scid;
	s5 =	rddreg [dreg:$0x0];
	s31 =	simm.s32 $0x2  }
0x3: {  	s14 =	simm.s32 $0x0;
	s2 =	sshll.u32 s0, $0x6;
	s1 =	sshll.u32 s1, $0xA  }
0x4: {  	s9 =	simm.s32 $0x8000;
	s15 =	simm.s32 $0x0;
	s1 =	sor.u32 s2, s1  }
0x5: {  	s16 =	simm.s32 $0x0;
	s10 =	simm.s32 $0x0;
	s1 =	sand.u32 $0x780, s1  }
0x6: {  	s13 =	simm.s32 $0x0;
	s2 =	sand.u32 $0x1, s0;
	s3 =	ssub.s32 $0x1000, s1  }
0x7: {  	s5 =	sadd.s32 $0xC00, s5;
	s4 =	ssub.s32 $0x2, s2;
	s6 =	sand.u32 $0x780, s3  }
0x8: {  	s7 =	sshrl.u32 s4, $0x1;
	p0 =	sne.s32 s6, $0x0;
	s6 =	simm.s32 $0x1  }
0x9: {  	s8 =	sand.u32 $0x1, s4;
	s3 =	sshrl.u32 s3, $0xB;
	s6 =	simm.s32 @!p0 $0x0  }
.Ltmp0:
0xa: {  	s7 =	sadd.s32 s8, s7;
	s6 =	sadd.s32 s6, s3;
	(pc) =	sbr.rel .LBB1_1-.Ltmp0, $4  }
0xb: {  	s12 =	smov.u32 s2;
	s4 =	rddreg [dreg:$0x1];
	s7 =	smul.u32 s6, s7  }
0xc: {  	s3 =	rddreg [dreg:$0x2];
	_ =	strace $0x8000004A;
	s6 =	simm.s32 $0x1  }
0xd: {  	s11 =	smov.u32 s1;
	[sflag:s6] =	ssyncpa.u1 $0x0;
	s7 =	sshll.u32 s7, $0x4  }
0xe: {  	p0 =	por $0x0, $0x0;
	[sflag:s31] =	ssyncpa.u1 $0x0;
	s8 =	sor.u32 $0x1, s7  }
.LBB1_4:
0xf: {  	s19 =	sshll.u32 s15, $0x3  }
0x10: {  	s20 =	sand.u32 $0x78, s15;
	s16 =	sshll.u32 s16, $0x13;
	s30 =	sand.u32 $0x7E00, s15  }
0x11: {  	s14 =	sshll.u32 s14, $0xF;
	s19 =	sand.u32 $0xC00, s19;
	s16 =	sadd.s32 s4, s16  }
0x12: {  	[tilespmem:s18+$0x810 ss:$0x81] =	vst.msk $0xffff, v2;
	s31 =	sand.u32 $0x7, s15;
	s19 =	sor.u32 s20, s19;
	s16 =	sadd.s32 s30, s16  }
0x13: {  	[tilespmem:s18+$0x1020 ss:$0x81] =	vst.msk $0xffff, v0;
	s15 =	sshll.u32 s31, $0x12;
	s19 =	sshrl.u32 s19, $0x3;
	s14 =	sadd.s32 s14, s16  }
0x14: {  	[tilespmem:s18+$0x0 ss:$0x81] =	vst.msk $0xffff, v1;
	s15 =	sor.u32 $0x400, s15;
	s14 =	sadd.s32 s19, s14  }
0x15: {  	[hbm4b:s14+s15] =	stream.strided.scatter [tilespmem:s17], [sflag:$0x2], $0x2000, s9, s15, $0x20;
	[tilespmem:$0x8080] =	vst v63  }
.LBB1_5:
0x16: {  	s17 =	sadd.s32 $0x1, s10  }
0x17: {  	s14 =	sadd.s32 $0x800, s11;
	s18 =	smov.u32 s11;
	p2 =	sgt.s32 s17, $0xF  }
0x18: {  	s18 =	smov.u32 @p2 s14  }
0x19: {  	s20 =	smov.u32 s12;
	s14 =	sadd.s32 $0x2, s12;
	p3 =	sgt.s32 s18, $0xFFF  }
0x1a: {  	s20 =	smov.u32 @p3 s14  }
0x1b: {  	s17 =	simm.s32 @p2 $0x0;
	p2 =	sgt.s32 s20, $0x1  }
0x1c: {  	p1 =	slt.u32 s13, $0x2;
	s20 =	smov.u32 @p2 s2;
	p2 =	sne.s32 s13, s8  }
.Ltmp1:
0x1d: {  	s19 =	simm.s32 @!p1 $0x2;
	(pc) =	sbr.rel @!p2 .LBB1_6-.Ltmp1, $4  }
0x1e: {  	s15 =	smov.u32 s11;
	s16 =	smov.u32 s12;
	_ =	swait.ge @!p1 [sflag:s19], $0x2000  }
0x1f: {  	p0 =	por !p0, !p0;
	[sflag:s19] =	ssyncset.done @!p1 $0x0;
	s18 =	smov.u32 @p3 s1  }
0x20: {  	s14 =	smov.u32 s10;
	[sflag:s19] =	ssyncadd.s32 @!p1 $0xFFFFE000;
	s10 =	smov.u32 s17  }
0x21: {  	s11 =	smov.u32 s18;
	s13 =	sadd.s32 $0x1, s13;
	s12 =	smov.u32 s20  }
.LBB1_1:
0x22: {  	p1 =	sge.u32 s13, s7;
	s31 =	sadd.s32 $0xFFFFFFFF, s13  }
0x23: {  	s17 =	sxor.u32 @!p1 $0xFFFFFFFF, s13;
	s18 =	sshll.u32 @!p1 s12, $0x14;
	s19 =	sshll.u32 @!p1 s11, $0x8  }
0x24: {  	s20 =	sshll.u32 @!p1 s10, $0x4;
	s17 =	sshll.u32 @!p1 s17, $0xD;
	s18 =	sadd.s32 @!p1 s5, s18  }
0x25: {  	s20 =	sand.u32 @!p1 $0xF0, s20;
	s17 =	sand.u32 @!p1 $0x2000, s17;
	s18 =	sadd.s32 @!p1 s19, s18  }
0x26: {  	s19 =	simm.s32 @!p1 $0x40;
	s18 =	sadd.s32 @!p1 s20, s18;
	s20 =	simm.s32 @!p1 $0x800  }
0x27: {  	[tilespmem:s17], [sflag:$0x1] =	stream.strided.gather @!p1 [hbm4b:s18+s19], $0x2000, s20, s19, $0x38;
	[tilespmem:$0x8080] =	vst v63  }
0x28: {  	p1 =	sge.u32 s31, s7  }
.Ltmp2:
0x29: {  	_ = 	snop;
	(pc) =	sbr.rel @p1 .LBB1_5-.Ltmp2, $1  }
0x2a: {  	_ =	sdelay $0x3  }
0x2b: {  	s17 =	simm.s32 $0x1  }
0x2c: {  	_ =	swait.ge [sflag:s6], $0x2000;
	s17 =	simm.s32 @!p0 $0x0  }
0x2d: {  	[sflag:s6] =	ssyncset.done $0x0;
	s18 =	sshll.u32 s17, $0xD  }
0x2e: {  	[sflag:s6] =	ssyncadd.s32 $0xFFFFE000;
	s21 =	sor.u32 $0x20, s18  }
0x2f: {  	s17 =	smul.u32 $0x8100, s17;
	v3 =	vld [tilespmem:s21+$0x10]  }
0x30: {  	s30 =	sand.u32 $0x1, s13;
	v2 =	vld [tilespmem:s21+$0xFFFFFFF0]  }
0x31: {  	s18 =	smul.u32 $0x8100, s30;
	s17 =	sshrl.u32 s17, $0x2;
	v0 =	vld [tilespmem:s21+$0x0]  }
0x32: {  	v1 =	vld [tilespmem:s21+$0xFFFFFFE0];
	s19 =	sor.u32 $0x4000, s17  }
0x33: {  	s31 =	sshrl.u32 s18, $0x2;
	s18 =	sadd.s32 $0x0, s19  }
0x34: {  	s20 =	simm.s32 $0x4;
	s21 =	sadd.s32 $0x40, s21;
	s17 =	sor.u32 $0x4000, s31;
	[tilespmem:s18+$0x1830 ss:$0x81] =	vst.msk $0xffff, v3  }
.LBB1_3:
0x35: {  	v3 =	vld [tilespmem:s21+$0x10];
	p1 =	sne.s32 s20, $0x1FC;
	[tilespmem:s18+$0x810 ss:$0x81] =	vst.msk $0xffff, v2;
	s22 =	smov.u32 s20;
	s20 =	sadd.s32 $0x4, s20  }
.Ltmp3:
0x36: {  	v2 =	vld [tilespmem:s21+$0xFFFFFFF0];
	[tilespmem:s18+$0x1020 ss:$0x81] =	vst.msk $0xffff, v0;
	(pc) =	sbr.rel @p1 .LBB1_3-.Ltmp3, $4  }
0x37: {  	v0 =	vld [tilespmem:s21+$0x0];
	[tilespmem:s18+$0x0 ss:$0x81] =	vst.msk $0xffff, v1  }
0x38: {  	s18 =	sshra.s32 s22, $0x2;
	v1 =	vld [tilespmem:s21+$0xFFFFFFE0]  }
0x39: {  	s18 =	sadd.s32 s18, s19  }
0x3a: {  	s21 =	sadd.s32 $0x40, s21;
	[tilespmem:s18+$0x1830 ss:$0x81] =	vst.msk $0xffff, v3  }
.Ltmp4:
0x3b: {  	_ = 	snop;
	(pc) =	sbr.rel .LBB1_4-.Ltmp4, $1  }
0x3c: {  	_ =	sdelay $0x3  }
.LBB1_6:
0x3d: {  	_ =	sfence.sel $0x180000  }
0x3e: {  	s1 =	simm.s32 $0x1;
	[bflag:$0x0] =	sbarrier.arrive $0xFFFF  }
0x3f: {  	s31 =	simm.s32 $0x2;
	[sflag:s1] =	ssyncpa.u1 $0x1  }
0x40: {  	[sflag:s31] =	ssyncpa.u1 $0x1  }
0x41: {  	p0 =	sne.s32 s0, $0x0;
	_ =	strace $0x9000004A  }
0x42: {  	s0 =	sadd.s32 @!p0 $0x100000, s3;
	[bflag:$0x2] =	sbarrier.arrive $0xFFFF  }
0x43: {  	[sflag:s0] =	ssyncadd.tile.s32 @!p0 $0x1;
	_ =	shalt  }
.Lfunc_end1:
_tile_overlayer_lowered:
.L_overlay_start_2:
0x44: {  	(tag) =	ssettag $0x2  }
0x45: {  	s0 =	rddreg [dreg:$0x0];
	s2 =	stileid.u32  }
0x46: {  	s1 =	rddreg [dreg:$0x1];
	p0 =	sne.s32 s2, $0x0  }
0x47: {  	s3 =	rddreg [dreg:$0x2];
	[bflag:$0x3] =	sbarrier.arrive $0xFFFF;
	s2 =	simm.s32 @!p0 $0x1C01  }
0x48: {  	[timem:s3], [sflag:s2] =	dma.local @!p0 [hbm:s0], s1  }
0x49: {  	s0 =	simm.s32 @!p0 $0x1  }
0x4a: {  	_ =	swait.ge @!p0 [sflag:s0], s1  }
0x4b: {  	s1 =	ssub.s32 @!p0 $0x0, s1;
	[sflag:s0] =	ssyncset.done @!p0 $0x0  }
0x4c: {  	[sflag:s0] =	ssyncadd.s32 @!p0 s1  }
0x4d: {  	[bflag:$0x3] =	sbarrier.arrive $0xFFFF  }
0x4e: {  	_ =	shalt  }

</sc_bundles>
